<compile_context>
chip_gen: v7x
topology: tpu7x:2x2x1
jax: 0.10.2.dev20260603
libtpu: 0.0.44.dev20260713+nightly
codegen_flags: <defaults>
</compile_context>

<pallas_src>
import functools

import jax
import jax.numpy as jnp
from jax import lax
from jax.experimental import pallas as pl
from jax.experimental.pallas import tpu as pltpu
from jax.experimental.pallas import tpu_sc as plsc

N = 10000
E = 320000
D = 128
H = 128
K = 5000
NPAD = 10240
NC = 2
NS = 16
LANES = 16
NW = NC * NS
CB = 128
EPW = 10240
NCH = EPW // CB
RPT = NPAD // NS
ZROWS = 128
INT_MIN = -(2 ** 31)



NPH = 2
NCHP = NCH // NPH


def _seg128_body(ei_hbm, tab_hbm, out_hbm, srcv, dstv,
                 b0, b1, acc, gsem0, gsem1):
    c = lax.axis_index("c")
    s = lax.axis_index("s")
    wid = c * NS + s

    zero = jnp.zeros((LANES,), jnp.float32)

    def zfill(i, _):
        r = i // (H // LANES)
        col = (i % (H // LANES)) * LANES
        b0[r, pl.ds(col, LANES)] = zero
        return 0

    lax.fori_loop(0, ZROWS * (H // LANES), zfill, 0)

    def zcp(i, _):
        pltpu.sync_copy(b0, acc.at[pl.ds(s * RPT + i * ZROWS, ZROWS), :])
        return 0

    lax.fori_loop(0, RPT // ZROWS, zcp, 0)
    plsc.subcore_barrier()

    for ph in range(NPH):
        pltpu.sync_copy(ei_hbm.at[0, wid, pl.ds(ph * NCHP, NCHP)], srcv)
        pltpu.sync_copy(ei_hbm.at[1, wid, pl.ds(ph * NCHP, NCHP)], dstv)
        pltpu.async_copy(tab_hbm.at[srcv.at[0]], b0, gsem0)
        pltpu.async_copy(tab_hbm.at[srcv.at[1]], b1, gsem1)

        def blk(i, _):
            for t, (bw, sem) in enumerate(((b0, gsem0), (b1, gsem1))):
                j = i * 2 + t
                pltpu.make_async_copy(tab_hbm.at[srcv.at[0]], bw, sem).wait()
                pltpu.sync_copy(bw, acc.at[dstv.at[j]], add=True)

                @pl.when(j + 2 < NCHP)
                def _():
                    pltpu.async_copy(tab_hbm.at[srcv.at[j + 2]], bw, sem)
            return 0

        lax.fori_loop(0, NCHP // 2, blk, 0)
    plsc.subcore_barrier()
    pltpu.sync_copy(acc.at[pl.ds(s * RPT, RPT), :],
                    out_hbm.at[c, pl.ds(s * RPT, RPT), :])


def _seg128(ei4, tab):
    mesh = plsc.VectorSubcoreMesh(core_axis_name="c", subcore_axis_name="s")
    return pl.kernel(
        _seg128_body,
        out_type=jax.ShapeDtypeStruct((NC, NPAD, H), jnp.float32),
        mesh=mesh,
        scratch_types=[
            pltpu.VMEM((NCHP, CB), jnp.int32),
            pltpu.VMEM((NCHP, CB), jnp.int32),
            pltpu.VMEM((CB, H), jnp.float32),
            pltpu.VMEM((CB, H), jnp.float32),
            pltpu.VMEM_SHARED((NPAD, H), jnp.float32),
            pltpu.SemaphoreType.DMA,
            pltpu.SemaphoreType.DMA,
        ],
    )(ei4, tab)


NR = 8


def _seg1_body(ei_hbm, tab_hbm, out_hbm, srcv, dstv,
               bufs, zb, acc, gsems, ssems, *, gather):
    c = lax.axis_index("c")
    s = lax.axis_index("s")
    wid = c * NS + s
    if gather:
        pltpu.sync_copy(ei_hbm.at[0, wid], srcv)
    pltpu.sync_copy(ei_hbm.at[1, wid], dstv)

    zero = jnp.zeros((LANES,), jnp.float32)
    one = jnp.ones((LANES,), jnp.float32)

    def vfill(i, _):
        zb[pl.ds(i * LANES, LANES)] = zero
        return 0

    lax.fori_loop(0, RPT // LANES, vfill, 0)
    if not gather:
        for b in bufs:
            for i in range(CB // LANES):
                b[pl.ds(i * LANES, LANES)] = one
    pltpu.sync_copy(zb, acc.at[pl.ds(s * RPT, RPT)])
    plsc.subcore_barrier()

    if gather:
        for t in range(NR // 2):
            pltpu.async_copy(tab_hbm.at[srcv.at[t]], bufs[t], gsems[t])

    def blk(i, _):
        for t in range(NR):
            j = i * NR + t
            bw = bufs[t]
            if gather:
                pltpu.make_async_copy(tab_hbm.at[srcv.at[0]], bw,
                                      gsems[t]).wait()
            else:
                @pl.when(j >= NR)
                def _():
                    pltpu.make_async_copy(bw, acc.at[dstv.at[0]],
                                          ssems[t]).wait()
            pltpu.async_copy(bw, acc.at[dstv.at[j]], ssems[t], add=True)
            if gather:
                t2 = (t + NR // 2) % NR
                bn = bufs[t2]

                @pl.when(j >= NR // 2)
                def _():
                    pltpu.make_async_copy(bn, acc.at[dstv.at[0]],
                                          ssems[t2]).wait()

                @pl.when(j + NR // 2 < NCH)
                def _():
                    pltpu.async_copy(tab_hbm.at[srcv.at[j + NR // 2]], bn,
                                     gsems[t2])
        return 0

    lax.fori_loop(0, NCH // NR, blk, 0)
    drain = range(NR // 2, NR) if gather else range(NR)
    for t in drain:
        pltpu.make_async_copy(bufs[t], acc.at[dstv.at[0]], ssems[t]).wait()
    plsc.subcore_barrier()
    pltpu.sync_copy(acc.at[pl.ds(s * RPT, RPT)], out_hbm.at[c, pl.ds(s * RPT, RPT)])


def _seg1(ei4, tab, gather):
    mesh = plsc.VectorSubcoreMesh(core_axis_name="c", subcore_axis_name="s")
    return pl.kernel(
        functools.partial(_seg1_body, gather=gather),
        out_type=jax.ShapeDtypeStruct((NC, NPAD), jnp.float32),
        mesh=mesh,
        scratch_types=[
            pltpu.VMEM((NCH, CB), jnp.int32),
            pltpu.VMEM((NCH, CB), jnp.int32),
            [pltpu.VMEM((CB,), jnp.float32)] * NR,
            pltpu.VMEM((RPT,), jnp.float32),
            pltpu.VMEM_SHARED((NPAD,), jnp.float32),
            [pltpu.SemaphoreType.DMA] * NR,
            [pltpu.SemaphoreType.DMA] * NR,
        ],
    )(ei4, tab)



def _leaky(x):
    return jnp.where(x >= 0, x, 0.01 * x)


def _dotd(a, b):
    return jnp.dot(a.astype(jnp.bfloat16), b.astype(jnp.bfloat16),
                   preferred_element_type=jnp.float32)


def _pre_body(x_ref, wn_ref, bn_ref, wc_ref, dis_ref, g_ref):
    h = _dotd(x_ref[...], wn_ref[...]) + bn_ref[...]
    t = _dotd(h, wc_ref[...])
    g_ref[pl.ds(0, N), :] = dis_ref[pl.ds(0, N), :] * t
    g_ref[pl.ds(N, NPAD - N), :] = jnp.zeros((NPAD - N, H), jnp.float32)


def _layer_body(acc_ref, g_ref, dis_ref, bc_ref, gam_ref, bet_ref,
                *rest, last):
    if last:
        (h_out,) = rest
    else:
        w_ref, g_out = rest
    t = dis_ref[...] * (acc_ref[0] + acc_ref[1] + g_ref[...]) + bc_ref[...]
    rid = lax.broadcasted_iota(jnp.int32, (NPAD, 1), 0)
    mask = rid < N
    tm = jnp.where(mask, t, 0.0)
    mu = jnp.sum(tm, axis=0, keepdims=True) / N
    dv = jnp.where(mask, t - mu, 0.0)
    var = jnp.sum(dv * dv, axis=0, keepdims=True) / N
    hn = gam_ref[...] * (t - mu) / jnp.sqrt(var + 1e-5) + bet_ref[...]
    h = _leaky(hn)
    if last:
        h_out[...] = h
    else:
        g_out[...] = dis_ref[...] * _dotd(h, w_ref[...])


def _score_body(acc3_ref, h_ref, wrel_ref, wroot_ref, brel_ref, sp_out):
    agg = acc3_ref[0] + acc3_ref[1]
    sp_out[...] = (_dotd(agg, wrel_ref[...]) + brel_ref[...]
                   + _dotd(h_ref[...], wroot_ref[...]))


NRW = NPAD // H


def _final_body(w_ref, h_ref, w1_ref, b1_ref, w2_ref, b2_ref,
                out_ref, selw_scr):
    w = w_ref[...]
    rid = (lax.broadcasted_iota(jnp.int32, (NRW, H), 0) * H
           + lax.broadcasted_iota(jnp.int32, (NRW, H), 1))
    valid = rid < N

    b = lax.bitcast_convert_type(w, jnp.int32)
    key = jnp.where(b >= 0, b, (~b) ^ INT_MIN)
    key = jnp.where(valid, key, INT_MIN)

    def bit_step(i, curm):
        bit = 31 - i
        candm = curm | (jnp.int32(1) << bit)
        candk = candm ^ INT_MIN
        cnt = jnp.sum((key >= candk).astype(jnp.int32))
        return jnp.where(cnt >= K, candm, curm)

    taum = lax.fori_loop(0, 32, bit_step, jnp.int32(0))
    tauk = taum ^ INT_MIN

    gt = key > tauk
    eq = key == tauk
    c_gt = jnp.sum(gt.astype(jnp.int32))
    j_need = K - c_gt

    def cut_step(i, lohi):
        lo, hi = lohi
        mid = (lo + hi) // 2
        cnt = jnp.sum((eq & (rid <= mid)).astype(jnp.int32))
        good = cnt >= j_need
        return (jnp.where(good, lo, mid + 1), jnp.where(good, mid, hi))

    lo, hi = lax.fori_loop(0, 14, cut_step,
                           (jnp.int32(0), jnp.int32(NPAD - 1)))
    sel = gt | (eq & (rid <= hi))
    selw_scr[...] = jnp.where(sel, w, 0.0)

    def mmstep(r, accv):
        row = selw_scr[pl.ds(r, 1), :]
        blk = h_ref[pl.ds(r * H, H), :]
        return accv + jnp.dot(row, blk, preferred_element_type=jnp.float32,
                              precision=lax.Precision.HIGHEST)

    xg = lax.fori_loop(0, NRW, mmstep, jnp.zeros((1, H), jnp.float32))
    z = _leaky(_dotd(xg, w1_ref[...]) + b1_ref[...])
    out_ref[...] = _dotd(z, w2_ref[...]) + b2_ref[...]


def _tc_call(body, out_shapes, *args, scratch_shapes=()):
    return pl.pallas_call(
        body,
        out_shape=out_shapes,
        scratch_shapes=list(scratch_shapes),
    )(*args)



def kernel(x, edge_attr, edge_index, batch, W_node, b_node, W_edge, b_edge,
           Wc, bc, gamma, beta, Wrel, brel, Wroot, W1, b1, W2, b2):
    pad = NW * EPW - E
    padidx = N + (jnp.arange(pad, dtype=jnp.int32) % (NPAD - N))
    ei4 = jnp.concatenate(
        [edge_index, jnp.broadcast_to(padidx, (2, pad))], axis=1,
    ).reshape(2, NW, NCH, CB)

    deg2 = _seg1(ei4, jnp.zeros((NPAD,), jnp.float32), gather=False)
    dis_col = (1.0 / jnp.sqrt(1.0 + deg2[0] + deg2[1]))[:, None]

    g = _tc_call(_pre_body, jax.ShapeDtypeStruct((NPAD, H), jnp.float32),
                 x, W_node, b_node.reshape(1, H), Wc[0], dis_col)

    h3 = None
    for i in range(3):
        acc = _seg128(ei4, g)
        last = i == 2
        body = functools.partial(_layer_body, last=last)
        args = [acc, g, dis_col, bc[i].reshape(1, H), gamma[i].reshape(1, H),
                beta[i].reshape(1, H)]
        out_shapes = [jax.ShapeDtypeStruct((NPAD, H), jnp.float32)]
        if last:
            (h3,) = _tc_call(body, out_shapes, *args)
        else:
            (g,) = _tc_call(body, out_shapes, *args, Wc[i + 1])

    acc3 = _seg128(ei4, h3)
    spre_col = _tc_call(_score_body,
                        jax.ShapeDtypeStruct((NPAD, 1), jnp.float32),
                        acc3, h3, Wrel, Wroot, brel.reshape(1, 1))
    scr = (jnp.tanh(spre_col) + 0.0).reshape(NPAD // H, H)

    out = _tc_call(_final_body, jax.ShapeDtypeStruct((1, 1), jnp.float32),
                   scr, h3, W1, b1.reshape(1, H // 2), W2, b2.reshape(1, 1),
                   scratch_shapes=[pltpu.VMEM((NPAD // H, H), jnp.float32)])
    return out

# --- scband reference (transcript-rebuilt; emitter-appended) ---
"""Pipeline reference for scband-sagpool-model-25366076850811 (READ-ONLY COPY).

The authoritative reference and input builder live on the scoring server;
editing this copy changes nothing except your own understanding.
"""

import jax, jax.numpy as jnp
import numpy as np

N = 10000
E = 320000
D = 128
DE = 16
H = 128
L = 3
K = 5000  # ceil(0.5 * N)


def setup_inputs(seed: int = 0) -> dict:
    key = jax.random.key(seed)
    ks = jax.random.split(key, 16)
    x = jax.random.normal(ks[0], (N, D), dtype=jnp.float32)
    edge_index = jax.random.randint(ks[1], (2, E), 0, N, dtype=jnp.int32)
    edge_attr = jax.random.normal(ks[2], (E, DE), dtype=jnp.float32)
    batch = jnp.zeros((N,), dtype=jnp.int32)
    W_node = jax.random.normal(ks[3], (D, H), dtype=jnp.float32) * 0.05
    b_node = jnp.zeros((H,), dtype=jnp.float32)
    W_edge = jax.random.normal(ks[4], (DE, H), dtype=jnp.float32) * 0.05
    b_edge = jnp.zeros((H,), dtype=jnp.float32)
    Wc = jax.random.normal(ks[5], (L, H, H), dtype=jnp.float32) * 0.05
    bc = jnp.zeros((L, H), dtype=jnp.float32)
    gamma = jnp.ones((L, H), dtype=jnp.float32)
    beta = jnp.zeros((L, H), dtype=jnp.float32)
    Wrel = jax.random.normal(ks[6], (H, 1), dtype=jnp.float32) * 0.05
    brel = jnp.zeros((1,), dtype=jnp.float32)
    Wroot = jax.random.normal(ks[7], (H, 1), dtype=jnp.float32) * 0.05
    W1 = jax.random.normal(ks[8], (H, H // 2), dtype=jnp.float32) * 0.05
    b1 = jnp.zeros((H // 2,), dtype=jnp.float32)
    W2 = jax.random.normal(ks[9], (H // 2, 1), dtype=jnp.float32) * 0.05
    b2 = jnp.zeros((1,), dtype=jnp.float32)
    return {"x": x, "edge_attr": edge_attr, "edge_index": edge_index, "batch": batch,
            "W_node": W_node, "b_node": b_node, "W_edge": W_edge, "b_edge": b_edge,
            "Wc": Wc, "bc": bc, "gamma": gamma, "beta": beta,
            "Wrel": Wrel, "brel": brel, "Wroot": Wroot,
            "W1": W1, "b1": b1, "W2": W2, "b2": b2}


def _gcn_conv(h, src, dst, W, b):
    # PyG GCNConv: x@W, add self loops, symmetric norm, scatter-add, + bias
    h = h @ W
    loop = jnp.arange(N, dtype=src.dtype)
    s = jnp.concatenate([src, loop])
    d = jnp.concatenate([dst, loop])
    deg = jax.ops.segment_sum(jnp.ones(s.shape[0], h.dtype), d, num_segments=N)
    dis = jnp.where(deg > 0, 1.0 / jnp.sqrt(deg), 0.0)
    norm = dis[s] * dis[d]
    out = jax.ops.segment_sum(h[s] * norm[:, None], d, num_segments=N)
    return out + b


def _bn(h, g, bta):
    # BatchNorm over nodes (training-style batch statistics; deterministic)
    mu = jnp.mean(h, axis=0)
    var = jnp.var(h, axis=0)
    return g * (h - mu) / jnp.sqrt(var + 1e-5) + bta


def reference(x, edge_attr, edge_index, batch, W_node, b_node, W_edge, b_edge,
              Wc, bc, gamma, beta, Wrel, brel, Wroot, W1, b1, W2, b2):
    src = edge_index[0]
    dst = edge_index[1]
    # edge_emb computed as in torch forward (result unused by GCNConv, faithful)
    ea = jax.nn.leaky_relu(edge_attr @ W_edge + b_edge)
    h = x @ W_node + b_node
    for i in range(L):
        h = _gcn_conv(h, src, dst, Wc[i], bc[i])
        h = _bn(h, gamma[i], beta[i])
        h = jax.nn.leaky_relu(h)
        # dropout: identity in eval mode
    # SAGPooling: score GNN = GraphConv(H, 1): lin_rel(sum_agg) + lin_root(x)
    agg = jax.ops.segment_sum(h[src], dst, num_segments=N)
    score = (agg @ Wrel + brel + h @ Wroot).reshape(-1)
    score = jnp.tanh(score)
    vals, perm = jax.lax.top_k(score, K)
    hp = h[perm] * vals[:, None]
    bp = batch[perm]
    # global_add_pool (batch is all zeros -> single graph)
    xg = jax.ops.segment_sum(hp, bp, num_segments=1)
    out = jax.nn.leaky_relu(xg @ W1 + b1)
    out = out @ W2 + b2
    return out

if __name__ == "__main__":
    import jax
    _d = setup_inputs()
    print(jax.jit(kernel)(*tuple(_d.values())))

</pallas_src>

<mosaic_0001>
#map = affine_map<(d0, d1) -> (0, 0, 0, 0)>
#map1 = affine_map<(d0, d1) -> (0, 0)>
#map2 = affine_map<(d0, d1) -> (0, 0, 0)>
module attributes {stable_mosaic.version = 14 : i64} {
  func.func @_seg128_body(%arg0: i32, %arg1: i32, %arg2: memref<2x32x80x128xi32, #tpu.memory_space<hbm>>, %arg3: memref<10240x128xf32, #tpu.memory_space<hbm>>, %arg4: memref<2x10240x128xf32, #tpu.memory_space<hbm>>, %arg5: memref<40x128xi32, #tpu.memory_space<vmem>>, %arg6: memref<40x128xi32, #tpu.memory_space<vmem>>, %arg7: memref<128x128xf32, #tpu.memory_space<vmem>>, %arg8: memref<128x128xf32, #tpu.memory_space<vmem>>, %arg9: memref<10240x128xf32, #tpu.memory_space<vmem_shared>>, %arg10: memref<!tpu.dma_semaphore, #tpu.memory_space<semaphore_mem>>, %arg11: memref<!tpu.dma_semaphore, #tpu.memory_space<semaphore_mem>>) attributes {dimension_semantics = [#tpu.dimension_semantics<core_parallel>, #tpu.dimension_semantics<subcore_parallel>], iteration_bounds = array<i64: 2, 16>, scalar_prefetch = 0 : i64, scratch_operands = 7 : i64, tpu.core_type = #tpu.core_type<sc_vector_subcore>, window_params = [{transform_indices = #map}, {transform_indices = #map1}, {transform_indices = #map2}]} {
    %mul3A = arith.constant 16 : i32
    %mul3A_0 = arith.muli %arg0, %mul3A : i32
    %add3A = arith.addi %mul3A_0, %arg1 : i32
    %broadcast_in_dim3A = arith.constant 0.000000e+00 : f32
    %broadcast_in_dim3A_1 = vector.broadcast %broadcast_in_dim3A : f32 to vector<16xf32>
    %scan3A = arith.constant 0 : i32
    %scan3A_2 = arith.constant 0 : i32
    %scan3A_3 = arith.constant 1024 : i32
    %scan3A_4 = arith.addi %scan3A_2, %scan3A_3 : i32
    %scan3A_5 = arith.constant 1 : i32
    %scan3A_6 = scf.for %scan3A_64 = %scan3A_2 to %scan3A_4 step %scan3A_5 iter_args(%scan3A_65 = %scan3A) -> (i32)  : i32 {
      %jit3A = arith.constant 8 : i32
      %div3A = arith.divsi %scan3A_64, %jit3A : i32
      %sign3A = arith.constant 0 : i32
      %sign3A_66 = arith.cmpi sgt, %scan3A_64, %sign3A : i32
      %sign3A_67 = arith.extui %sign3A_66 : i1 to i32
      %sign3A_68 = arith.constant 0 : i32
      %sign3A_69 = arith.cmpi slt, %scan3A_64, %sign3A_68 : i32
      %sign3A_70 = arith.extui %sign3A_69 : i1 to i32
      %sign3A_71 = arith.subi %sign3A_67, %sign3A_70 : i32
      %sign3A_72 = arith.constant 0 : i32
      %sign3A_73 = arith.cmpi sgt, %jit3A, %sign3A_72 : i32
      %sign3A_74 = arith.extui %sign3A_73 : i1 to i32
      %sign3A_75 = arith.constant 0 : i32
      %sign3A_76 = arith.cmpi slt, %jit3A, %sign3A_75 : i32
      %sign3A_77 = arith.extui %sign3A_76 : i1 to i32
      %sign3A_78 = arith.subi %sign3A_74, %sign3A_77 : i32
      %ne3A = arith.cmpi ne, %sign3A_71, %sign3A_78 : i32
      %rem3A = arith.remsi %scan3A_64, %jit3A : i32
      %ne3A_79 = arith.constant 0 : i32
      %ne3A_80 = arith.cmpi ne, %rem3A, %ne3A_79 : i32
      %and3A = arith.andi %ne3A, %ne3A_80 : i1
      %sub3A = arith.constant 1 : i32
      %sub3A_81 = arith.subi %div3A, %sub3A : i32
      %select_n3A = arith.select %and3A, %sub3A_81, %div3A : i32
      %jit3A_82 = arith.constant 8 : i32
      %eq3A = arith.constant 0 : i32
      %eq3A_83 = arith.cmpi eq, %jit3A_82, %eq3A : i32
      %jit3A_84 = arith.constant 1 : i32
      %select_n3A_85 = arith.select %eq3A_83, %jit3A_84, %jit3A_82 : i32
      %rem3A_86 = arith.remsi %scan3A_64, %select_n3A_85 : i32
      %ne3A_87 = arith.constant 0 : i32
      %ne3A_88 = arith.cmpi ne, %rem3A_86, %ne3A_87 : i32
      %lt3A = arith.constant 0 : i32
      %lt3A_89 = arith.cmpi slt, %rem3A_86, %lt3A : i32
      %lt3A_90 = arith.constant 0 : i32
      %lt3A_91 = arith.cmpi slt, %select_n3A_85, %lt3A_90 : i32
      %ne3A_92 = arith.xori %lt3A_89, %lt3A_91 : i1
      %and3A_93 = arith.andi %ne3A_92, %ne3A_88 : i1
      %add3A_94 = arith.addi %rem3A_86, %select_n3A_85 : i32
      %select_n3A_95 = arith.select %and3A_93, %add3A_94, %rem3A_86 : i32
      %mul3A_96 = arith.constant 16 : i32
      %mul3A_97 = arith.muli %select_n3A_95, %mul3A_96 : i32
      %swap3A = arith.index_cast %select_n3A : i32 to index
      %swap3A_98 = arith.index_cast %mul3A_97 : i32 to index
      %swap3A_99 = tpu.vector_load %arg7[%swap3A, %swap3A_98] {strides = array<i32>} : memref<128x128xf32, #tpu.memory_space<vmem>>, vector<1x16xf32>,
      %swap3A_100 = vector.shape_cast %swap3A_99 : vector<1x16xf32> to vector<16xf32>
      %swap3A_101 = vector.shape_cast %broadcast_in_dim3A_1 : vector<16xf32> to vector<1x16xf32>
      tpu.vector_store %arg7[%swap3A, %swap3A_98], %swap3A_101 {strides = array<i32>} : memref<128x128xf32, #tpu.memory_space<vmem>>, vector<1x16xf32>,
      %scan3A_102 = arith.constant 0 : i32
      scf.yield %scan3A_102 : i32
    }
    %scan3A_7 = arith.constant 1024 : i32
    %scan3A_8 = arith.constant 0 : i32
    %scan3A_9 = arith.constant 0 : i32
    %scan3A_10 = arith.constant 5 : i32
    %scan3A_11 = arith.addi %scan3A_9, %scan3A_10 : i32
    %scan3A_12 = arith.constant 1 : i32
    %scan3A_13 = scf.for %scan3A_64 = %scan3A_9 to %scan3A_11 step %scan3A_12 iter_args(%scan3A_65 = %scan3A_8) -> (i32)  : i32 {
      %mul3A_66 = arith.constant 640 : i32
      %mul3A_67 = arith.muli %arg1, %mul3A_66 : i32
      %mul3A_68 = arith.constant 128 : i32
      %mul3A_69 = arith.muli %scan3A_64, %mul3A_68 : i32
      %add3A_70 = arith.addi %mul3A_67, %mul3A_69 : i32
      "tpu.region"() ({
        %run_scoped3A_72 = tpu.sem_alloc : memref<!tpu.dma_semaphore, #tpu.memory_space<semaphore_mem>>
        %dma_start3A_73 = arith.constant 0 : i32
        %dma_start3A_74 = tpu.memref_slice %arg9[%add3A_70, %dma_start3A_73] : memref<10240x128xf32, #tpu.memory_space<vmem_shared>> -> memref<128x128xf32, #tpu.memory_space<vmem_shared>>
        %dma_start3A_75 = arith.constant 0 : i32
        %dma_start3A_76 = tpu.memref_slice %arg9[%add3A_70, %dma_start3A_75] : memref<10240x128xf32, #tpu.memory_space<vmem_shared>> -> memref<128x128xf32, #tpu.memory_space<vmem_shared>>
        tpu.enqueue_dma source(%arg7 : memref<128x128xf32, #tpu.memory_space<vmem>>) target(%dma_start3A_76 : memref<128x128xf32, #tpu.memory_space<vmem_shared>>) target_semaphore(%run_scoped3A_72 : memref<!tpu.dma_semaphore, #tpu.memory_space<semaphore_mem>>)
        %dma_wait3A = arith.constant 0 : i32
        %dma_wait3A_77 = tpu.memref_slice %arg9[%add3A_70, %dma_wait3A] : memref<10240x128xf32, #tpu.memory_space<vmem_shared>> -> memref<128x128xf32, #tpu.memory_space<vmem_shared>>
        %dma_wait3A_78 = arith.constant 0 : i32
        %dma_wait3A_79 = tpu.memref_slice %arg9[%add3A_70, %dma_wait3A_78] : memref<10240x128xf32, #tpu.memory_space<vmem_shared>> -> memref<128x128xf32, #tpu.memory_space<vmem_shared>>
        tpu.wait_dma2 semaphore(%run_scoped3A_72 : memref<!tpu.dma_semaphore, #tpu.memory_space<semaphore_mem>>) src(%arg7 : memref<128x128xf32, #tpu.memory_space<vmem>>) dst(%dma_wait3A_79 : memref<128x128xf32, #tpu.memory_space<vmem_shared>>)
        tpu.yield
      }) : () -> ()
      %scan3A_71 = arith.constant 0 : i32
      scf.yield %scan3A_71 : i32
    }
    %scan3A_14 = arith.constant 5 : i32
    %barrier3A = arith.constant 0 : index
    tpu.barrier barrier_id(%barrier3A)
    %run_scoped3A = arith.constant 0 : i32
    "tpu.region"() ({
      %run_scoped3A_64 = tpu.sem_alloc : memref<!tpu.dma_semaphore, #tpu.memory_space<semaphore_mem>>
      %dma_start3A_65 = arith.constant 0 : i32
      %dma_start3A_66 = arith.constant 0 : i32
      %dma_start3A_67 = tpu.memref_slice %arg2[%run_scoped3A, %add3A, %dma_start3A_65, %dma_start3A_66] : memref<2x32x80x128xi32, #tpu.memory_space<hbm>> -> memref<1x1x40x128xi32, #tpu.memory_space<hbm>>
      %dma_start3A_68 = tpu.memref_squeeze %dma_start3A_67 : memref<1x1x40x128xi32, #tpu.memory_space<hbm>> -> memref<40x128xi32, #tpu.memory_space<hbm>>
      %dma_start3A_69 = arith.constant 0 : i32
      %dma_start3A_70 = arith.constant 0 : i32
      %dma_start3A_71 = tpu.memref_slice %arg2[%run_scoped3A, %add3A, %dma_start3A_69, %dma_start3A_70] : memref<2x32x80x128xi32, #tpu.memory_space<hbm>> -> memref<1x1x40x128xi32, #tpu.memory_space<hbm>>
      %dma_start3A_72 = tpu.memref_squeeze %dma_start3A_71 : memref<1x1x40x128xi32, #tpu.memory_space<hbm>> -> memref<40x128xi32, #tpu.memory_space<hbm>>
      tpu.enqueue_dma source(%dma_start3A_72 : memref<40x128xi32, #tpu.memory_space<hbm>>) target(%arg5 : memref<40x128xi32, #tpu.memory_space<vmem>>) target_semaphore(%run_scoped3A_64 : memref<!tpu.dma_semaphore, #tpu.memory_space<semaphore_mem>>)
      %dma_wait3A = arith.constant 0 : i32
      %dma_wait3A_73 = arith.constant 0 : i32
      %dma_wait3A_74 = tpu.memref_slice %arg2[%run_scoped3A, %add3A, %dma_wait3A, %dma_wait3A_73] : memref<2x32x80x128xi32, #tpu.memory_space<hbm>> -> memref<1x1x40x128xi32, #tpu.memory_space<hbm>>
      %dma_wait3A_75 = tpu.memref_squeeze %dma_wait3A_74 : memref<1x1x40x128xi32, #tpu.memory_space<hbm>> -> memref<40x128xi32, #tpu.memory_space<hbm>>
      %dma_wait3A_76 = arith.constant 0 : i32
      %dma_wait3A_77 = arith.constant 0 : i32
      %dma_wait3A_78 = tpu.memref_slice %arg2[%run_scoped3A, %add3A, %dma_wait3A_76, %dma_wait3A_77] : memref<2x32x80x128xi32, #tpu.memory_space<hbm>> -> memref<1x1x40x128xi32, #tpu.memory_space<hbm>>
      %dma_wait3A_79 = tpu.memref_squeeze %dma_wait3A_78 : memref<1x1x40x128xi32, #tpu.memory_space<hbm>> -> memref<40x128xi32, #tpu.memory_space<hbm>>
      tpu.wait_dma2 semaphore(%run_scoped3A_64 : memref<!tpu.dma_semaphore, #tpu.memory_space<semaphore_mem>>) src(%dma_wait3A_79 : memref<40x128xi32, #tpu.memory_space<hbm>>) dst(%arg5 : memref<40x128xi32, #tpu.memory_space<vmem>>)
      tpu.yield
    }) : () -> ()
    %run_scoped3A_15 = arith.constant 1 : i32
    "tpu.region"() ({
      %run_scoped3A_64 = tpu.sem_alloc : memref<!tpu.dma_semaphore, #tpu.memory_space<semaphore_mem>>
      %dma_start3A_65 = arith.constant 0 : i32
      %dma_start3A_66 = arith.constant 0 : i32
      %dma_start3A_67 = tpu.memref_slice %arg2[%run_scoped3A_15, %add3A, %dma_start3A_65, %dma_start3A_66] : memref<2x32x80x128xi32, #tpu.memory_space<hbm>> -> memref<1x1x40x128xi32, #tpu.memory_space<hbm>>
      %dma_start3A_68 = tpu.memref_squeeze %dma_start3A_67 : memref<1x1x40x128xi32, #tpu.memory_space<hbm>> -> memref<40x128xi32, #tpu.memory_space<hbm>>
      %dma_start3A_69 = arith.constant 0 : i32
      %dma_start3A_70 = arith.constant 0 : i32
      %dma_start3A_71 = tpu.memref_slice %arg2[%run_scoped3A_15, %add3A, %dma_start3A_69, %dma_start3A_70] : memref<2x32x80x128xi32, #tpu.memory_space<hbm>> -> memref<1x1x40x128xi32, #tpu.memory_space<hbm>>
      %dma_start3A_72 = tpu.memref_squeeze %dma_start3A_71 : memref<1x1x40x128xi32, #tpu.memory_space<hbm>> -> memref<40x128xi32, #tpu.memory_space<hbm>>
      tpu.enqueue_dma source(%dma_start3A_72 : memref<40x128xi32, #tpu.memory_space<hbm>>) target(%arg6 : memref<40x128xi32, #tpu.memory_space<vmem>>) target_semaphore(%run_scoped3A_64 : memref<!tpu.dma_semaphore, #tpu.memory_space<semaphore_mem>>)
      %dma_wait3A = arith.constant 0 : i32
      %dma_wait3A_73 = arith.constant 0 : i32
      %dma_wait3A_74 = tpu.memref_slice %arg2[%run_scoped3A_15, %add3A, %dma_wait3A, %dma_wait3A_73] : memref<2x32x80x128xi32, #tpu.memory_space<hbm>> -> memref<1x1x40x128xi32, #tpu.memory_space<hbm>>
      %dma_wait3A_75 = tpu.memref_squeeze %dma_wait3A_74 : memref<1x1x40x128xi32, #tpu.memory_space<hbm>> -> memref<40x128xi32, #tpu.memory_space<hbm>>
      %dma_wait3A_76 = arith.constant 0 : i32
      %dma_wait3A_77 = arith.constant 0 : i32
      %dma_wait3A_78 = tpu.memref_slice %arg2[%run_scoped3A_15, %add3A, %dma_wait3A_76, %dma_wait3A_77] : memref<2x32x80x128xi32, #tpu.memory_space<hbm>> -> memref<1x1x40x128xi32, #tpu.memory_space<hbm>>
      %dma_wait3A_79 = tpu.memref_squeeze %dma_wait3A_78 : memref<1x1x40x128xi32, #tpu.memory_space<hbm>> -> memref<40x128xi32, #tpu.memory_space<hbm>>
      tpu.wait_dma2 semaphore(%run_scoped3A_64 : memref<!tpu.dma_semaphore, #tpu.memory_space<semaphore_mem>>) src(%dma_wait3A_79 : memref<40x128xi32, #tpu.memory_space<hbm>>) dst(%arg6 : memref<40x128xi32, #tpu.memory_space<vmem>>)
      tpu.yield
    }) : () -> ()
    %dma_start3A = arith.constant 0 : i32
    %dma_start3A_16 = arith.constant 0 : i32
    %dma_start3A_17 = tpu.memref_slice %arg5[%dma_start3A, %dma_start3A_16] : memref<40x128xi32, #tpu.memory_space<vmem>> -> memref<1x128xi32, #tpu.memory_space<vmem>>
    %dma_start3A_18 = tpu.memref_squeeze %dma_start3A_17 : memref<1x128xi32, #tpu.memory_space<vmem>> -> memref<128xi32, #tpu.memory_space<vmem>>
    %dma_start3A_19 = arith.constant 0 : i32
    %dma_start3A_20 = arith.constant 0 : i32
    %dma_start3A_21 = tpu.memref_slice %arg3[%dma_start3A_19, %dma_start3A_20] : memref<10240x128xf32, #tpu.memory_space<hbm>> -> memref<10240x128xf32, #tpu.memory_space<hbm>>
    tpu.enqueue_indirect_dma source(%dma_start3A_21 : memref<10240x128xf32, #tpu.memory_space<hbm>>) target(%arg7 : memref<128x128xf32, #tpu.memory_space<vmem>>) offsets(%dma_start3A_18 : memref<128xi32, #tpu.memory_space<vmem>>) semaphore(%arg10 : memref<!tpu.dma_semaphore, #tpu.memory_space<semaphore_mem>>)
    %dma_start3A_22 = arith.constant 1 : i32
    %dma_start3A_23 = arith.constant 0 : i32
    %dma_start3A_24 = tpu.memref_slice %arg5[%dma_start3A_22, %dma_start3A_23] : memref<40x128xi32, #tpu.memory_space<vmem>> -> memref<1x128xi32, #tpu.memory_space<vmem>>
    %dma_start3A_25 = tpu.memref_squeeze %dma_start3A_24 : memref<1x128xi32, #tpu.memory_space<vmem>> -> memref<128xi32, #tpu.memory_space<vmem>>
    %dma_start3A_26 = arith.constant 0 : i32
    %dma_start3A_27 = arith.constant 0 : i32
    %dma_start3A_28 = tpu.memref_slice %arg3[%dma_start3A_26, %dma_start3A_27] : memref<10240x128xf32, #tpu.memory_space<hbm>> -> memref<10240x128xf32, #tpu.memory_space<hbm>>
    tpu.enqueue_indirect_dma source(%dma_start3A_28 : memref<10240x128xf32, #tpu.memory_space<hbm>>) target(%arg8 : memref<128x128xf32, #tpu.memory_space<vmem>>) offsets(%dma_start3A_25 : memref<128xi32, #tpu.memory_space<vmem>>) semaphore(%arg11 : memref<!tpu.dma_semaphore, #tpu.memory_space<semaphore_mem>>)
    %scan3A_29 = arith.constant 0 : i32
    %scan3A_30 = arith.constant 0 : i32
    %scan3A_31 = arith.constant 20 : i32
    %scan3A_32 = arith.addi %scan3A_30, %scan3A_31 : i32
    %scan3A_33 = arith.constant 1 : i32
    %scan3A_34 = scf.for %scan3A_64 = %scan3A_30 to %scan3A_32 step %scan3A_33 iter_args(%scan3A_65 = %scan3A_29) -> (i32)  : i32 {
      %mul3A_66 = arith.constant 2 : i32
      %mul3A_67 = arith.muli %scan3A_64, %mul3A_66 : i32
      %add3A_68 = arith.constant 0 : i32
      %add3A_69 = arith.addi %mul3A_67, %add3A_68 : i32
      %dma_wait3A = arith.constant 0 : i32
      %dma_wait3A_70 = arith.constant 0 : i32
      %dma_wait3A_71 = tpu.memref_slice %arg5[%dma_wait3A, %dma_wait3A_70] : memref<40x128xi32, #tpu.memory_space<vmem>> -> memref<1x128xi32, #tpu.memory_space<vmem>>
      %dma_wait3A_72 = tpu.memref_squeeze %dma_wait3A_71 : memref<1x128xi32, #tpu.memory_space<vmem>> -> memref<128xi32, #tpu.memory_space<vmem>>
      %dma_wait3A_73 = arith.constant 0 : i32
      %dma_wait3A_74 = arith.constant 0 : i32
      %dma_wait3A_75 = tpu.memref_slice %arg3[%dma_wait3A_73, %dma_wait3A_74] : memref<10240x128xf32, #tpu.memory_space<hbm>> -> memref<10240x128xf32, #tpu.memory_space<hbm>>
      tpu.wait_indirect_dma semaphore(%arg10 : memref<!tpu.dma_semaphore, #tpu.memory_space<semaphore_mem>>) src(%dma_wait3A_75 : memref<10240x128xf32, #tpu.memory_space<hbm>>) dst(%arg7 : memref<128x128xf32, #tpu.memory_space<vmem>>)
      "tpu.region"() ({
        %run_scoped3A_99 = tpu.sem_alloc : memref<!tpu.dma_semaphore, #tpu.memory_space<semaphore_mem>>
        %dma_start3A_100 = arith.constant 0 : i32
        %dma_start3A_101 = tpu.memref_slice %arg6[%add3A_69, %dma_start3A_100] : memref<40x128xi32, #tpu.memory_space<vmem>> -> memref<1x128xi32, #tpu.memory_space<vmem>>
        %dma_start3A_102 = tpu.memref_squeeze %dma_start3A_101 : memref<1x128xi32, #tpu.memory_space<vmem>> -> memref<128xi32, #tpu.memory_space<vmem>>
        %dma_start3A_103 = arith.constant 0 : i32
        %dma_start3A_104 = arith.constant 0 : i32
        %dma_start3A_105 = tpu.memref_slice %arg9[%dma_start3A_103, %dma_start3A_104] : memref<10240x128xf32, #tpu.memory_space<vmem_shared>> -> memref<10240x128xf32, #tpu.memory_space<vmem_shared>>
        tpu.enqueue_indirect_dma source(%arg7 : memref<128x128xf32, #tpu.memory_space<vmem>>) target(%dma_start3A_105 : memref<10240x128xf32, #tpu.memory_space<vmem_shared>>) offsets(%dma_start3A_102 : memref<128xi32, #tpu.memory_space<vmem>>) semaphore(%run_scoped3A_99 : memref<!tpu.dma_semaphore, #tpu.memory_space<semaphore_mem>>) {add = true}
        %dma_wait3A_106 = arith.constant 0 : i32
        %dma_wait3A_107 = tpu.memref_slice %arg6[%add3A_69, %dma_wait3A_106] : memref<40x128xi32, #tpu.memory_space<vmem>> -> memref<1x128xi32, #tpu.memory_space<vmem>>
        %dma_wait3A_108 = tpu.memref_squeeze %dma_wait3A_107 : memref<1x128xi32, #tpu.memory_space<vmem>> -> memref<128xi32, #tpu.memory_space<vmem>>
        %dma_wait3A_109 = arith.constant 0 : i32
        %dma_wait3A_110 = arith.constant 0 : i32
        %dma_wait3A_111 = tpu.memref_slice %arg9[%dma_wait3A_109, %dma_wait3A_110] : memref<10240x128xf32, #tpu.memory_space<vmem_shared>> -> memref<10240x128xf32, #tpu.memory_space<vmem_shared>>
        tpu.wait_indirect_dma semaphore(%run_scoped3A_99 : memref<!tpu.dma_semaphore, #tpu.memory_space<semaphore_mem>>) src(%arg7 : memref<128x128xf32, #tpu.memory_space<vmem>>) dst(%dma_wait3A_111 : memref<10240x128xf32, #tpu.memory_space<vmem_shared>>)
        tpu.yield
      }) : () -> ()
      %add3A_76 = arith.constant 2 : i32
      %add3A_77 = arith.addi %add3A_69, %add3A_76 : i32
      %lt3A = arith.constant 40 : i32
      %lt3A_78 = arith.cmpi slt, %add3A_77, %lt3A : i32
      %convert_element_type3A = arith.extui %lt3A_78 : i1 to i32
      %cond3A = arith.constant 0 : i32
      %cond3A_79 = arith.cmpi ne, %convert_element_type3A, %cond3A : i32
      scf.if %cond3A_79 {
        %add3A_99 = arith.constant 2 : i32
        %add3A_100 = arith.addi %add3A_69, %add3A_99 : i32
        %dma_start3A_101 = arith.constant 0 : i32
        %dma_start3A_102 = tpu.memref_slice %arg5[%add3A_100, %dma_start3A_101] : memref<40x128xi32, #tpu.memory_space<vmem>> -> memref<1x128xi32, #tpu.memory_space<vmem>>
        %dma_start3A_103 = tpu.memref_squeeze %dma_start3A_102 : memref<1x128xi32, #tpu.memory_space<vmem>> -> memref<128xi32, #tpu.memory_space<vmem>>
        %dma_start3A_104 = arith.constant 0 : i32
        %dma_start3A_105 = arith.constant 0 : i32
        %dma_start3A_106 = tpu.memref_slice %arg3[%dma_start3A_104, %dma_start3A_105] : memref<10240x128xf32, #tpu.memory_space<hbm>> -> memref<10240x128xf32, #tpu.memory_space<hbm>>
        tpu.enqueue_indirect_dma source(%dma_start3A_106 : memref<10240x128xf32, #tpu.memory_space<hbm>>) target(%arg7 : memref<128x128xf32, #tpu.memory_space<vmem>>) offsets(%dma_start3A_103 : memref<128xi32, #tpu.memory_space<vmem>>) semaphore(%arg10 : memref<!tpu.dma_semaphore, #tpu.memory_space<semaphore_mem>>)
      } else {
      }
      %mul3A_80 = arith.constant 2 : i32
      %mul3A_81 = arith.muli %scan3A_64, %mul3A_80 : i32
      %add3A_82 = arith.constant 1 : i32
      %add3A_83 = arith.addi %mul3A_81, %add3A_82 : i32
      %dma_wait3A_84 = arith.constant 0 : i32
      %dma_wait3A_85 = arith.constant 0 : i32
      %dma_wait3A_86 = tpu.memref_slice %arg5[%dma_wait3A_84, %dma_wait3A_85] : memref<40x128xi32, #tpu.memory_space<vmem>> -> memref<1x128xi32, #tpu.memory_space<vmem>>
      %dma_wait3A_87 = tpu.memref_squeeze %dma_wait3A_86 : memref<1x128xi32, #tpu.memory_space<vmem>> -> memref<128xi32, #tpu.memory_space<vmem>>
      %dma_wait3A_88 = arith.constant 0 : i32
      %dma_wait3A_89 = arith.constant 0 : i32
      %dma_wait3A_90 = tpu.memref_slice %arg3[%dma_wait3A_88, %dma_wait3A_89] : memref<10240x128xf32, #tpu.memory_space<hbm>> -> memref<10240x128xf32, #tpu.memory_space<hbm>>
      tpu.wait_indirect_dma semaphore(%arg11 : memref<!tpu.dma_semaphore, #tpu.memory_space<semaphore_mem>>) src(%dma_wait3A_90 : memref<10240x128xf32, #tpu.memory_space<hbm>>) dst(%arg8 : memref<128x128xf32, #tpu.memory_space<vmem>>)
      "tpu.region"() ({
        %run_scoped3A_99 = tpu.sem_alloc : memref<!tpu.dma_semaphore, #tpu.memory_space<semaphore_mem>>
        %dma_start3A_100 = arith.constant 0 : i32
        %dma_start3A_101 = tpu.memref_slice %arg6[%add3A_83, %dma_start3A_100] : memref<40x128xi32, #tpu.memory_space<vmem>> -> memref<1x128xi32, #tpu.memory_space<vmem>>
        %dma_start3A_102 = tpu.memref_squeeze %dma_start3A_101 : memref<1x128xi32, #tpu.memory_space<vmem>> -> memref<128xi32, #tpu.memory_space<vmem>>
        %dma_start3A_103 = arith.constant 0 : i32
        %dma_start3A_104 = arith.constant 0 : i32
        %dma_start3A_105 = tpu.memref_slice %arg9[%dma_start3A_103, %dma_start3A_104] : memref<10240x128xf32, #tpu.memory_space<vmem_shared>> -> memref<10240x128xf32, #tpu.memory_space<vmem_shared>>
        tpu.enqueue_indirect_dma source(%arg8 : memref<128x128xf32, #tpu.memory_space<vmem>>) target(%dma_start3A_105 : memref<10240x128xf32, #tpu.memory_space<vmem_shared>>) offsets(%dma_start3A_102 : memref<128xi32, #tpu.memory_space<vmem>>) semaphore(%run_scoped3A_99 : memref<!tpu.dma_semaphore, #tpu.memory_space<semaphore_mem>>) {add = true}
        %dma_wait3A_106 = arith.constant 0 : i32
        %dma_wait3A_107 = tpu.memref_slice %arg6[%add3A_83, %dma_wait3A_106] : memref<40x128xi32, #tpu.memory_space<vmem>> -> memref<1x128xi32, #tpu.memory_space<vmem>>
        %dma_wait3A_108 = tpu.memref_squeeze %dma_wait3A_107 : memref<1x128xi32, #tpu.memory_space<vmem>> -> memref<128xi32, #tpu.memory_space<vmem>>
        %dma_wait3A_109 = arith.constant 0 : i32
        %dma_wait3A_110 = arith.constant 0 : i32
        %dma_wait3A_111 = tpu.memref_slice %arg9[%dma_wait3A_109, %dma_wait3A_110] : memref<10240x128xf32, #tpu.memory_space<vmem_shared>> -> memref<10240x128xf32, #tpu.memory_space<vmem_shared>>
        tpu.wait_indirect_dma semaphore(%run_scoped3A_99 : memref<!tpu.dma_semaphore, #tpu.memory_space<semaphore_mem>>) src(%arg8 : memref<128x128xf32, #tpu.memory_space<vmem>>) dst(%dma_wait3A_111 : memref<10240x128xf32, #tpu.memory_space<vmem_shared>>)
        tpu.yield
      }) : () -> ()
      %add3A_91 = arith.constant 2 : i32
      %add3A_92 = arith.addi %add3A_83, %add3A_91 : i32
      %lt3A_93 = arith.constant 40 : i32
      %lt3A_94 = arith.cmpi slt, %add3A_92, %lt3A_93 : i32
      %convert_element_type3A_95 = arith.extui %lt3A_94 : i1 to i32
      %cond3A_96 = arith.constant 0 : i32
      %cond3A_97 = arith.cmpi ne, %convert_element_type3A_95, %cond3A_96 : i32
      scf.if %cond3A_97 {
        %add3A_99 = arith.constant 2 : i32
        %add3A_100 = arith.addi %add3A_83, %add3A_99 : i32
        %dma_start3A_101 = arith.constant 0 : i32
        %dma_start3A_102 = tpu.memref_slice %arg5[%add3A_100, %dma_start3A_101] : memref<40x128xi32, #tpu.memory_space<vmem>> -> memref<1x128xi32, #tpu.memory_space<vmem>>
        %dma_start3A_103 = tpu.memref_squeeze %dma_start3A_102 : memref<1x128xi32, #tpu.memory_space<vmem>> -> memref<128xi32, #tpu.memory_space<vmem>>
        %dma_start3A_104 = arith.constant 0 : i32
        %dma_start3A_105 = arith.constant 0 : i32
        %dma_start3A_106 = tpu.memref_slice %arg3[%dma_start3A_104, %dma_start3A_105] : memref<10240x128xf32, #tpu.memory_space<hbm>> -> memref<10240x128xf32, #tpu.memory_space<hbm>>
        tpu.enqueue_indirect_dma source(%dma_start3A_106 : memref<10240x128xf32, #tpu.memory_space<hbm>>) target(%arg8 : memref<128x128xf32, #tpu.memory_space<vmem>>) offsets(%dma_start3A_103 : memref<128xi32, #tpu.memory_space<vmem>>) semaphore(%arg11 : memref<!tpu.dma_semaphore, #tpu.memory_space<semaphore_mem>>)
      } else {
      }
      %scan3A_98 = arith.constant 0 : i32
      scf.yield %scan3A_98 : i32
    }
    %scan3A_35 = arith.constant 20 : i32
    %run_scoped3A_36 = arith.constant 0 : i32
    "tpu.region"() ({
      %run_scoped3A_64 = tpu.sem_alloc : memref<!tpu.dma_semaphore, #tpu.memory_space<semaphore_mem>>
      %dma_start3A_65 = arith.constant 40 : i32
      %dma_start3A_66 = arith.constant 0 : i32
      %dma_start3A_67 = tpu.memref_slice %arg2[%run_scoped3A_36, %add3A, %dma_start3A_65, %dma_start3A_66] : memref<2x32x80x128xi32, #tpu.memory_space<hbm>> -> memref<1x1x40x128xi32, #tpu.memory_space<hbm>>
      %dma_start3A_68 = tpu.memref_squeeze %dma_start3A_67 : memref<1x1x40x128xi32, #tpu.memory_space<hbm>> -> memref<40x128xi32, #tpu.memory_space<hbm>>
      %dma_start3A_69 = arith.constant 40 : i32
      %dma_start3A_70 = arith.constant 0 : i32
      %dma_start3A_71 = tpu.memref_slice %arg2[%run_scoped3A_36, %add3A, %dma_start3A_69, %dma_start3A_70] : memref<2x32x80x128xi32, #tpu.memory_space<hbm>> -> memref<1x1x40x128xi32, #tpu.memory_space<hbm>>
      %dma_start3A_72 = tpu.memref_squeeze %dma_start3A_71 : memref<1x1x40x128xi32, #tpu.memory_space<hbm>> -> memref<40x128xi32, #tpu.memory_space<hbm>>
      tpu.enqueue_dma source(%dma_start3A_72 : memref<40x128xi32, #tpu.memory_space<hbm>>) target(%arg5 : memref<40x128xi32, #tpu.memory_space<vmem>>) target_semaphore(%run_scoped3A_64 : memref<!tpu.dma_semaphore, #tpu.memory_space<semaphore_mem>>)
      %dma_wait3A = arith.constant 40 : i32
      %dma_wait3A_73 = arith.constant 0 : i32
      %dma_wait3A_74 = tpu.memref_slice %arg2[%run_scoped3A_36, %add3A, %dma_wait3A, %dma_wait3A_73] : memref<2x32x80x128xi32, #tpu.memory_space<hbm>> -> memref<1x1x40x128xi32, #tpu.memory_space<hbm>>
      %dma_wait3A_75 = tpu.memref_squeeze %dma_wait3A_74 : memref<1x1x40x128xi32, #tpu.memory_space<hbm>> -> memref<40x128xi32, #tpu.memory_space<hbm>>
      %dma_wait3A_76 = arith.constant 40 : i32
      %dma_wait3A_77 = arith.constant 0 : i32
      %dma_wait3A_78 = tpu.memref_slice %arg2[%run_scoped3A_36, %add3A, %dma_wait3A_76, %dma_wait3A_77] : memref<2x32x80x128xi32, #tpu.memory_space<hbm>> -> memref<1x1x40x128xi32, #tpu.memory_space<hbm>>
      %dma_wait3A_79 = tpu.memref_squeeze %dma_wait3A_78 : memref<1x1x40x128xi32, #tpu.memory_space<hbm>> -> memref<40x128xi32, #tpu.memory_space<hbm>>
      tpu.wait_dma2 semaphore(%run_scoped3A_64 : memref<!tpu.dma_semaphore, #tpu.memory_space<semaphore_mem>>) src(%dma_wait3A_79 : memref<40x128xi32, #tpu.memory_space<hbm>>) dst(%arg5 : memref<40x128xi32, #tpu.memory_space<vmem>>)
      tpu.yield
    }) : () -> ()
    %run_scoped3A_37 = arith.constant 1 : i32
    "tpu.region"() ({
      %run_scoped3A_64 = tpu.sem_alloc : memref<!tpu.dma_semaphore, #tpu.memory_space<semaphore_mem>>
      %dma_start3A_65 = arith.constant 40 : i32
      %dma_start3A_66 = arith.constant 0 : i32
      %dma_start3A_67 = tpu.memref_slice %arg2[%run_scoped3A_37, %add3A, %dma_start3A_65, %dma_start3A_66] : memref<2x32x80x128xi32, #tpu.memory_space<hbm>> -> memref<1x1x40x128xi32, #tpu.memory_space<hbm>>
      %dma_start3A_68 = tpu.memref_squeeze %dma_start3A_67 : memref<1x1x40x128xi32, #tpu.memory_space<hbm>> -> memref<40x128xi32, #tpu.memory_space<hbm>>
      %dma_start3A_69 = arith.constant 40 : i32
      %dma_start3A_70 = arith.constant 0 : i32
      %dma_start3A_71 = tpu.memref_slice %arg2[%run_scoped3A_37, %add3A, %dma_start3A_69, %dma_start3A_70] : memref<2x32x80x128xi32, #tpu.memory_space<hbm>> -> memref<1x1x40x128xi32, #tpu.memory_space<hbm>>
      %dma_start3A_72 = tpu.memref_squeeze %dma_start3A_71 : memref<1x1x40x128xi32, #tpu.memory_space<hbm>> -> memref<40x128xi32, #tpu.memory_space<hbm>>
      tpu.enqueue_dma source(%dma_start3A_72 : memref<40x128xi32, #tpu.memory_space<hbm>>) target(%arg6 : memref<40x128xi32, #tpu.memory_space<vmem>>) target_semaphore(%run_scoped3A_64 : memref<!tpu.dma_semaphore, #tpu.memory_space<semaphore_mem>>)
      %dma_wait3A = arith.constant 40 : i32
      %dma_wait3A_73 = arith.constant 0 : i32
      %dma_wait3A_74 = tpu.memref_slice %arg2[%run_scoped3A_37, %add3A, %dma_wait3A, %dma_wait3A_73] : memref<2x32x80x128xi32, #tpu.memory_space<hbm>> -> memref<1x1x40x128xi32, #tpu.memory_space<hbm>>
      %dma_wait3A_75 = tpu.memref_squeeze %dma_wait3A_74 : memref<1x1x40x128xi32, #tpu.memory_space<hbm>> -> memref<40x128xi32, #tpu.memory_space<hbm>>
      %dma_wait3A_76 = arith.constant 40 : i32
      %dma_wait3A_77 = arith.constant 0 : i32
      %dma_wait3A_78 = tpu.memref_slice %arg2[%run_scoped3A_37, %add3A, %dma_wait3A_76, %dma_wait3A_77] : memref<2x32x80x128xi32, #tpu.memory_space<hbm>> -> memref<1x1x40x128xi32, #tpu.memory_space<hbm>>
      %dma_wait3A_79 = tpu.memref_squeeze %dma_wait3A_78 : memref<1x1x40x128xi32, #tpu.memory_space<hbm>> -> memref<40x128xi32, #tpu.memory_space<hbm>>
      tpu.wait_dma2 semaphore(%run_scoped3A_64 : memref<!tpu.dma_semaphore, #tpu.memory_space<semaphore_mem>>) src(%dma_wait3A_79 : memref<40x128xi32, #tpu.memory_space<hbm>>) dst(%arg6 : memref<40x128xi32, #tpu.memory_space<vmem>>)
      tpu.yield
    }) : () -> ()
    %dma_start3A_38 = arith.constant 0 : i32
    %dma_start3A_39 = arith.constant 0 : i32
    %dma_start3A_40 = tpu.memref_slice %arg5[%dma_start3A_38, %dma_start3A_39] : memref<40x128xi32, #tpu.memory_space<vmem>> -> memref<1x128xi32, #tpu.memory_space<vmem>>
    %dma_start3A_41 = tpu.memref_squeeze %dma_start3A_40 : memref<1x128xi32, #tpu.memory_space<vmem>> -> memref<128xi32, #tpu.memory_space<vmem>>
    %dma_start3A_42 = arith.constant 0 : i32
    %dma_start3A_43 = arith.constant 0 : i32
    %dma_start3A_44 = tpu.memref_slice %arg3[%dma_start3A_42, %dma_start3A_43] : memref<10240x128xf32, #tpu.memory_space<hbm>> -> memref<10240x128xf32, #tpu.memory_space<hbm>>
    tpu.enqueue_indirect_dma source(%dma_start3A_44 : memref<10240x128xf32, #tpu.memory_space<hbm>>) target(%arg7 : memref<128x128xf32, #tpu.memory_space<vmem>>) offsets(%dma_start3A_41 : memref<128xi32, #tpu.memory_space<vmem>>) semaphore(%arg10 : memref<!tpu.dma_semaphore, #tpu.memory_space<semaphore_mem>>)
    %dma_start3A_45 = arith.constant 1 : i32
    %dma_start3A_46 = arith.constant 0 : i32
    %dma_start3A_47 = tpu.memref_slice %arg5[%dma_start3A_45, %dma_start3A_46] : memref<40x128xi32, #tpu.memory_space<vmem>> -> memref<1x128xi32, #tpu.memory_space<vmem>>
    %dma_start3A_48 = tpu.memref_squeeze %dma_start3A_47 : memref<1x128xi32, #tpu.memory_space<vmem>> -> memref<128xi32, #tpu.memory_space<vmem>>
    %dma_start3A_49 = arith.constant 0 : i32
    %dma_start3A_50 = arith.constant 0 : i32
    %dma_start3A_51 = tpu.memref_slice %arg3[%dma_start3A_49, %dma_start3A_50] : memref<10240x128xf32, #tpu.memory_space<hbm>> -> memref<10240x128xf32, #tpu.memory_space<hbm>>
    tpu.enqueue_indirect_dma source(%dma_start3A_51 : memref<10240x128xf32, #tpu.memory_space<hbm>>) target(%arg8 : memref<128x128xf32, #tpu.memory_space<vmem>>) offsets(%dma_start3A_48 : memref<128xi32, #tpu.memory_space<vmem>>) semaphore(%arg11 : memref<!tpu.dma_semaphore, #tpu.memory_space<semaphore_mem>>)
    %scan3A_52 = arith.constant 0 : i32
    %scan3A_53 = arith.constant 0 : i32
    %scan3A_54 = arith.constant 20 : i32
    %scan3A_55 = arith.addi %scan3A_53, %scan3A_54 : i32
    %scan3A_56 = arith.constant 1 : i32
    %scan3A_57 = scf.for %scan3A_64 = %scan3A_53 to %scan3A_55 step %scan3A_56 iter_args(%scan3A_65 = %scan3A_52) -> (i32)  : i32 {
      %mul3A_66 = arith.constant 2 : i32
      %mul3A_67 = arith.muli %scan3A_64, %mul3A_66 : i32
      %add3A_68 = arith.constant 0 : i32
      %add3A_69 = arith.addi %mul3A_67, %add3A_68 : i32
      %dma_wait3A = arith.constant 0 : i32
      %dma_wait3A_70 = arith.constant 0 : i32
      %dma_wait3A_71 = tpu.memref_slice %arg5[%dma_wait3A, %dma_wait3A_70] : memref<40x128xi32, #tpu.memory_space<vmem>> -> memref<1x128xi32, #tpu.memory_space<vmem>>
      %dma_wait3A_72 = tpu.memref_squeeze %dma_wait3A_71 : memref<1x128xi32, #tpu.memory_space<vmem>> -> memref<128xi32, #tpu.memory_space<vmem>>
      %dma_wait3A_73 = arith.constant 0 : i32
      %dma_wait3A_74 = arith.constant 0 : i32
      %dma_wait3A_75 = tpu.memref_slice %arg3[%dma_wait3A_73, %dma_wait3A_74] : memref<10240x128xf32, #tpu.memory_space<hbm>> -> memref<10240x128xf32, #tpu.memory_space<hbm>>
      tpu.wait_indirect_dma semaphore(%arg10 : memref<!tpu.dma_semaphore, #tpu.memory_space<semaphore_mem>>) src(%dma_wait3A_75 : memref<10240x128xf32, #tpu.memory_space<hbm>>) dst(%arg7 : memref<128x128xf32, #tpu.memory_space<vmem>>)
      "tpu.region"() ({
        %run_scoped3A_99 = tpu.sem_alloc : memref<!tpu.dma_semaphore, #tpu.memory_space<semaphore_mem>>
        %dma_start3A_100 = arith.constant 0 : i32
        %dma_start3A_101 = tpu.memref_slice %arg6[%add3A_69, %dma_start3A_100] : memref<40x128xi32, #tpu.memory_space<vmem>> -> memref<1x128xi32, #tpu.memory_space<vmem>>
        %dma_start3A_102 = tpu.memref_squeeze %dma_start3A_101 : memref<1x128xi32, #tpu.memory_space<vmem>> -> memref<128xi32, #tpu.memory_space<vmem>>
        %dma_start3A_103 = arith.constant 0 : i32
        %dma_start3A_104 = arith.constant 0 : i32
        %dma_start3A_105 = tpu.memref_slice %arg9[%dma_start3A_103, %dma_start3A_104] : memref<10240x128xf32, #tpu.memory_space<vmem_shared>> -> memref<10240x128xf32, #tpu.memory_space<vmem_shared>>
        tpu.enqueue_indirect_dma source(%arg7 : memref<128x128xf32, #tpu.memory_space<vmem>>) target(%dma_start3A_105 : memref<10240x128xf32, #tpu.memory_space<vmem_shared>>) offsets(%dma_start3A_102 : memref<128xi32, #tpu.memory_space<vmem>>) semaphore(%run_scoped3A_99 : memref<!tpu.dma_semaphore, #tpu.memory_space<semaphore_mem>>) {add = true}
        %dma_wait3A_106 = arith.constant 0 : i32
        %dma_wait3A_107 = tpu.memref_slice %arg6[%add3A_69, %dma_wait3A_106] : memref<40x128xi32, #tpu.memory_space<vmem>> -> memref<1x128xi32, #tpu.memory_space<vmem>>
        %dma_wait3A_108 = tpu.memref_squeeze %dma_wait3A_107 : memref<1x128xi32, #tpu.memory_space<vmem>> -> memref<128xi32, #tpu.memory_space<vmem>>
        %dma_wait3A_109 = arith.constant 0 : i32
        %dma_wait3A_110 = arith.constant 0 : i32
        %dma_wait3A_111 = tpu.memref_slice %arg9[%dma_wait3A_109, %dma_wait3A_110] : memref<10240x128xf32, #tpu.memory_space<vmem_shared>> -> memref<10240x128xf32, #tpu.memory_space<vmem_shared>>
        tpu.wait_indirect_dma semaphore(%run_scoped3A_99 : memref<!tpu.dma_semaphore, #tpu.memory_space<semaphore_mem>>) src(%arg7 : memref<128x128xf32, #tpu.memory_space<vmem>>) dst(%dma_wait3A_111 : memref<10240x128xf32, #tpu.memory_space<vmem_shared>>)
        tpu.yield
      }) : () -> ()
      %add3A_76 = arith.constant 2 : i32
      %add3A_77 = arith.addi %add3A_69, %add3A_76 : i32
      %lt3A = arith.constant 40 : i32
      %lt3A_78 = arith.cmpi slt, %add3A_77, %lt3A : i32
      %convert_element_type3A = arith.extui %lt3A_78 : i1 to i32
      %cond3A = arith.constant 0 : i32
      %cond3A_79 = arith.cmpi ne, %convert_element_type3A, %cond3A : i32
      scf.if %cond3A_79 {
        %add3A_99 = arith.constant 2 : i32
        %add3A_100 = arith.addi %add3A_69, %add3A_99 : i32
        %dma_start3A_101 = arith.constant 0 : i32
        %dma_start3A_102 = tpu.memref_slice %arg5[%add3A_100, %dma_start3A_101] : memref<40x128xi32, #tpu.memory_space<vmem>> -> memref<1x128xi32, #tpu.memory_space<vmem>>
        %dma_start3A_103 = tpu.memref_squeeze %dma_start3A_102 : memref<1x128xi32, #tpu.memory_space<vmem>> -> memref<128xi32, #tpu.memory_space<vmem>>
        %dma_start3A_104 = arith.constant 0 : i32
        %dma_start3A_105 = arith.constant 0 : i32
        %dma_start3A_106 = tpu.memref_slice %arg3[%dma_start3A_104, %dma_start3A_105] : memref<10240x128xf32, #tpu.memory_space<hbm>> -> memref<10240x128xf32, #tpu.memory_space<hbm>>
        tpu.enqueue_indirect_dma source(%dma_start3A_106 : memref<10240x128xf32, #tpu.memory_space<hbm>>) target(%arg7 : memref<128x128xf32, #tpu.memory_space<vmem>>) offsets(%dma_start3A_103 : memref<128xi32, #tpu.memory_space<vmem>>) semaphore(%arg10 : memref<!tpu.dma_semaphore, #tpu.memory_space<semaphore_mem>>)
      } else {
      }
      %mul3A_80 = arith.constant 2 : i32
      %mul3A_81 = arith.muli %scan3A_64, %mul3A_80 : i32
      %add3A_82 = arith.constant 1 : i32
      %add3A_83 = arith.addi %mul3A_81, %add3A_82 : i32
      %dma_wait3A_84 = arith.constant 0 : i32
      %dma_wait3A_85 = arith.constant 0 : i32
      %dma_wait3A_86 = tpu.memref_slice %arg5[%dma_wait3A_84, %dma_wait3A_85] : memref<40x128xi32, #tpu.memory_space<vmem>> -> memref<1x128xi32, #tpu.memory_space<vmem>>
      %dma_wait3A_87 = tpu.memref_squeeze %dma_wait3A_86 : memref<1x128xi32, #tpu.memory_space<vmem>> -> memref<128xi32, #tpu.memory_space<vmem>>
      %dma_wait3A_88 = arith.constant 0 : i32
      %dma_wait3A_89 = arith.constant 0 : i32
      %dma_wait3A_90 = tpu.memref_slice %arg3[%dma_wait3A_88, %dma_wait3A_89] : memref<10240x128xf32, #tpu.memory_space<hbm>> -> memref<10240x128xf32, #tpu.memory_space<hbm>>
      tpu.wait_indirect_dma semaphore(%arg11 : memref<!tpu.dma_semaphore, #tpu.memory_space<semaphore_mem>>) src(%dma_wait3A_90 : memref<10240x128xf32, #tpu.memory_space<hbm>>) dst(%arg8 : memref<128x128xf32, #tpu.memory_space<vmem>>)
      "tpu.region"() ({
        %run_scoped3A_99 = tpu.sem_alloc : memref<!tpu.dma_semaphore, #tpu.memory_space<semaphore_mem>>
        %dma_start3A_100 = arith.constant 0 : i32
        %dma_start3A_101 = tpu.memref_slice %arg6[%add3A_83, %dma_start3A_100] : memref<40x128xi32, #tpu.memory_space<vmem>> -> memref<1x128xi32, #tpu.memory_space<vmem>>
        %dma_start3A_102 = tpu.memref_squeeze %dma_start3A_101 : memref<1x128xi32, #tpu.memory_space<vmem>> -> memref<128xi32, #tpu.memory_space<vmem>>
        %dma_start3A_103 = arith.constant 0 : i32
        %dma_start3A_104 = arith.constant 0 : i32
        %dma_start3A_105 = tpu.memref_slice %arg9[%dma_start3A_103, %dma_start3A_104] : memref<10240x128xf32, #tpu.memory_space<vmem_shared>> -> memref<10240x128xf32, #tpu.memory_space<vmem_shared>>
        tpu.enqueue_indirect_dma source(%arg8 : memref<128x128xf32, #tpu.memory_space<vmem>>) target(%dma_start3A_105 : memref<10240x128xf32, #tpu.memory_space<vmem_shared>>) offsets(%dma_start3A_102 : memref<128xi32, #tpu.memory_space<vmem>>) semaphore(%run_scoped3A_99 : memref<!tpu.dma_semaphore, #tpu.memory_space<semaphore_mem>>) {add = true}
        %dma_wait3A_106 = arith.constant 0 : i32
        %dma_wait3A_107 = tpu.memref_slice %arg6[%add3A_83, %dma_wait3A_106] : memref<40x128xi32, #tpu.memory_space<vmem>> -> memref<1x128xi32, #tpu.memory_space<vmem>>
        %dma_wait3A_108 = tpu.memref_squeeze %dma_wait3A_107 : memref<1x128xi32, #tpu.memory_space<vmem>> -> memref<128xi32, #tpu.memory_space<vmem>>
        %dma_wait3A_109 = arith.constant 0 : i32
        %dma_wait3A_110 = arith.constant 0 : i32
        %dma_wait3A_111 = tpu.memref_slice %arg9[%dma_wait3A_109, %dma_wait3A_110] : memref<10240x128xf32, #tpu.memory_space<vmem_shared>> -> memref<10240x128xf32, #tpu.memory_space<vmem_shared>>
        tpu.wait_indirect_dma semaphore(%run_scoped3A_99 : memref<!tpu.dma_semaphore, #tpu.memory_space<semaphore_mem>>) src(%arg8 : memref<128x128xf32, #tpu.memory_space<vmem>>) dst(%dma_wait3A_111 : memref<10240x128xf32, #tpu.memory_space<vmem_shared>>)
        tpu.yield
      }) : () -> ()
      %add3A_91 = arith.constant 2 : i32
      %add3A_92 = arith.addi %add3A_83, %add3A_91 : i32
      %lt3A_93 = arith.constant 40 : i32
      %lt3A_94 = arith.cmpi slt, %add3A_92, %lt3A_93 : i32
      %convert_element_type3A_95 = arith.extui %lt3A_94 : i1 to i32
      %cond3A_96 = arith.constant 0 : i32
      %cond3A_97 = arith.cmpi ne, %convert_element_type3A_95, %cond3A_96 : i32
      scf.if %cond3A_97 {
        %add3A_99 = arith.constant 2 : i32
        %add3A_100 = arith.addi %add3A_83, %add3A_99 : i32
        %dma_start3A_101 = arith.constant 0 : i32
        %dma_start3A_102 = tpu.memref_slice %arg5[%add3A_100, %dma_start3A_101] : memref<40x128xi32, #tpu.memory_space<vmem>> -> memref<1x128xi32, #tpu.memory_space<vmem>>
        %dma_start3A_103 = tpu.memref_squeeze %dma_start3A_102 : memref<1x128xi32, #tpu.memory_space<vmem>> -> memref<128xi32, #tpu.memory_space<vmem>>
        %dma_start3A_104 = arith.constant 0 : i32
        %dma_start3A_105 = arith.constant 0 : i32
        %dma_start3A_106 = tpu.memref_slice %arg3[%dma_start3A_104, %dma_start3A_105] : memref<10240x128xf32, #tpu.memory_space<hbm>> -> memref<10240x128xf32, #tpu.memory_space<hbm>>
        tpu.enqueue_indirect_dma source(%dma_start3A_106 : memref<10240x128xf32, #tpu.memory_space<hbm>>) target(%arg8 : memref<128x128xf32, #tpu.memory_space<vmem>>) offsets(%dma_start3A_103 : memref<128xi32, #tpu.memory_space<vmem>>) semaphore(%arg11 : memref<!tpu.dma_semaphore, #tpu.memory_space<semaphore_mem>>)
      } else {
      }
      %scan3A_98 = arith.constant 0 : i32
      scf.yield %scan3A_98 : i32
    }
    %scan3A_58 = arith.constant 20 : i32
    %barrier3A_59 = arith.constant 0 : index
    tpu.barrier barrier_id(%barrier3A_59)
    %mul3A_60 = arith.constant 640 : i32
    %mul3A_61 = arith.muli %arg1, %mul3A_60 : i32
    %mul3A_62 = arith.constant 640 : i32
    %mul3A_63 = arith.muli %arg1, %mul3A_62 : i32
    "tpu.region"() ({
      %run_scoped3A_64 = tpu.sem_alloc : memref<!tpu.dma_semaphore, #tpu.memory_space<semaphore_mem>>
      %dma_start3A_65 = arith.constant 0 : i32
      %dma_start3A_66 = tpu.memref_slice %arg4[%arg0, %mul3A_63, %dma_start3A_65] : memref<2x10240x128xf32, #tpu.memory_space<hbm>> -> memref<1x640x128xf32, #tpu.memory_space<hbm>>
      %dma_start3A_67 = tpu.memref_squeeze %dma_start3A_66 : memref<1x640x128xf32, #tpu.memory_space<hbm>> -> memref<640x128xf32, #tpu.memory_space<hbm>>
      %dma_start3A_68 = arith.constant 0 : i32
      %dma_start3A_69 = tpu.memref_slice %arg9[%mul3A_61, %dma_start3A_68] : memref<10240x128xf32, #tpu.memory_space<vmem_shared>> -> memref<640x128xf32, #tpu.memory_space<vmem_shared>>
      tpu.enqueue_dma source(%dma_start3A_69 : memref<640x128xf32, #tpu.memory_space<vmem_shared>>) target(%dma_start3A_67 : memref<640x128xf32, #tpu.memory_space<hbm>>) target_semaphore(%run_scoped3A_64 : memref<!tpu.dma_semaphore, #tpu.memory_space<semaphore_mem>>)
      %dma_wait3A = arith.constant 0 : i32
      %dma_wait3A_70 = tpu.memref_slice %arg4[%arg0, %mul3A_63, %dma_wait3A] : memref<2x10240x128xf32, #tpu.memory_space<hbm>> -> memref<1x640x128xf32, #tpu.memory_space<hbm>>
      %dma_wait3A_71 = tpu.memref_squeeze %dma_wait3A_70 : memref<1x640x128xf32, #tpu.memory_space<hbm>> -> memref<640x128xf32, #tpu.memory_space<hbm>>
      %dma_wait3A_72 = arith.constant 0 : i32
      %dma_wait3A_73 = tpu.memref_slice %arg9[%mul3A_61, %dma_wait3A_72] : memref<10240x128xf32, #tpu.memory_space<vmem_shared>> -> memref<640x128xf32, #tpu.memory_space<vmem_shared>>
      tpu.wait_dma2 semaphore(%run_scoped3A_64 : memref<!tpu.dma_semaphore, #tpu.memory_space<semaphore_mem>>) src(%dma_wait3A_73 : memref<640x128xf32, #tpu.memory_space<vmem_shared>>) dst(%dma_wait3A_71 : memref<640x128xf32, #tpu.memory_space<hbm>>)
      tpu.yield
    }) : () -> ()
    return
  }
}

#map = affine_map<(d0, d1) -> (0, 0, 0, 0)>
#map1 = affine_map<(d0, d1) -> (0)>
#map2 = affine_map<(d0, d1) -> (0, 0)>
module attributes {stable_mosaic.version = 14 : i64} {
  func.func @_seg1_body(%arg0: i32, %arg1: i32, %arg2: memref<2x32x80x128xi32, #tpu.memory_space<hbm>>, %arg3: memref<10240xf32, #tpu.memory_space<hbm>>, %arg4: memref<2x10240xf32, #tpu.memory_space<hbm>>, %arg5: memref<80x128xi32, #tpu.memory_space<vmem>>, %arg6: memref<80x128xi32, #tpu.memory_space<vmem>>, %arg7: memref<128xf32, #tpu.memory_space<vmem>>, %arg8: memref<128xf32, #tpu.memory_space<vmem>>, %arg9: memref<128xf32, #tpu.memory_space<vmem>>, %arg10: memref<128xf32, #tpu.memory_space<vmem>>, %arg11: memref<128xf32, #tpu.memory_space<vmem>>, %arg12: memref<128xf32, #tpu.memory_space<vmem>>, %arg13: memref<128xf32, #tpu.memory_space<vmem>>, %arg14: memref<128xf32, #tpu.memory_space<vmem>>, %arg15: memref<640xf32, #tpu.memory_space<vmem>>, %arg16: memref<10240xf32, #tpu.memory_space<vmem_shared>>, %arg17: memref<!tpu.dma_semaphore, #tpu.memory_space<semaphore_mem>>, %arg18: memref<!tpu.dma_semaphore, #tpu.memory_space<semaphore_mem>>, %arg19: memref<!tpu.dma_semaphore, #tpu.memory_space<semaphore_mem>>, %arg20: memref<!tpu.dma_semaphore, #tpu.memory_space<semaphore_mem>>, %arg21: memref<!tpu.dma_semaphore, #tpu.memory_space<semaphore_mem>>, %arg22: memref<!tpu.dma_semaphore, #tpu.memory_space<semaphore_mem>>, %arg23: memref<!tpu.dma_semaphore, #tpu.memory_space<semaphore_mem>>, %arg24: memref<!tpu.dma_semaphore, #tpu.memory_space<semaphore_mem>>, %arg25: memref<!tpu.dma_semaphore, #tpu.memory_space<semaphore_mem>>, %arg26: memref<!tpu.dma_semaphore, #tpu.memory_space<semaphore_mem>>, %arg27: memref<!tpu.dma_semaphore, #tpu.memory_space<semaphore_mem>>, %arg28: memref<!tpu.dma_semaphore, #tpu.memory_space<semaphore_mem>>, %arg29: memref<!tpu.dma_semaphore, #tpu.memory_space<semaphore_mem>>, %arg30: memref<!tpu.dma_semaphore, #tpu.memory_space<semaphore_mem>>, %arg31: memref<!tpu.dma_semaphore, #tpu.memory_space<semaphore_mem>>, %arg32: memref<!tpu.dma_semaphore, #tpu.memory_space<semaphore_mem>>) attributes {dimension_semantics = [#tpu.dimension_semantics<core_parallel>, #tpu.dimension_semantics<subcore_parallel>], iteration_bounds = array<i64: 2, 16>, scalar_prefetch = 0 : i64, scratch_operands = 28 : i64, tpu.core_type = #tpu.core_type<sc_vector_subcore>, window_params = [{transform_indices = #map}, {transform_indices = #map1}, {transform_indices = #map2}]} {
    %mul3A = arith.constant 16 : i32
    %mul3A_0 = arith.muli %arg0, %mul3A : i32
    %add3A = arith.addi %mul3A_0, %arg1 : i32
    %run_scoped3A = arith.constant 1 : i32
    "tpu.region"() ({
      %run_scoped3A_326 = tpu.sem_alloc : memref<!tpu.dma_semaphore, #tpu.memory_space<semaphore_mem>>
      %dma_start3A = arith.constant 0 : i32
      %dma_start3A_327 = arith.constant 0 : i32
      %dma_start3A_328 = tpu.memref_slice %arg2[%run_scoped3A, %add3A, %dma_start3A, %dma_start3A_327] : memref<2x32x80x128xi32, #tpu.memory_space<hbm>> -> memref<1x1x80x128xi32, #tpu.memory_space<hbm>>
      %dma_start3A_329 = tpu.memref_squeeze %dma_start3A_328 : memref<1x1x80x128xi32, #tpu.memory_space<hbm>> -> memref<80x128xi32, #tpu.memory_space<hbm>>
      %dma_start3A_330 = arith.constant 0 : i32
      %dma_start3A_331 = arith.constant 0 : i32
      %dma_start3A_332 = tpu.memref_slice %arg2[%run_scoped3A, %add3A, %dma_start3A_330, %dma_start3A_331] : memref<2x32x80x128xi32, #tpu.memory_space<hbm>> -> memref<1x1x80x128xi32, #tpu.memory_space<hbm>>
      %dma_start3A_333 = tpu.memref_squeeze %dma_start3A_332 : memref<1x1x80x128xi32, #tpu.memory_space<hbm>> -> memref<80x128xi32, #tpu.memory_space<hbm>>
      tpu.enqueue_dma source(%dma_start3A_333 : memref<80x128xi32, #tpu.memory_space<hbm>>) target(%arg6 : memref<80x128xi32, #tpu.memory_space<vmem>>) target_semaphore(%run_scoped3A_326 : memref<!tpu.dma_semaphore, #tpu.memory_space<semaphore_mem>>)
      %dma_wait3A_334 = arith.constant 0 : i32
      %dma_wait3A_335 = arith.constant 0 : i32
      %dma_wait3A_336 = tpu.memref_slice %arg2[%run_scoped3A, %add3A, %dma_wait3A_334, %dma_wait3A_335] : memref<2x32x80x128xi32, #tpu.memory_space<hbm>> -> memref<1x1x80x128xi32, #tpu.memory_space<hbm>>
      %dma_wait3A_337 = tpu.memref_squeeze %dma_wait3A_336 : memref<1x1x80x128xi32, #tpu.memory_space<hbm>> -> memref<80x128xi32, #tpu.memory_space<hbm>>
      %dma_wait3A_338 = arith.constant 0 : i32
      %dma_wait3A_339 = arith.constant 0 : i32
      %dma_wait3A_340 = tpu.memref_slice %arg2[%run_scoped3A, %add3A, %dma_wait3A_338, %dma_wait3A_339] : memref<2x32x80x128xi32, #tpu.memory_space<hbm>> -> memref<1x1x80x128xi32, #tpu.memory_space<hbm>>
      %dma_wait3A_341 = tpu.memref_squeeze %dma_wait3A_340 : memref<1x1x80x128xi32, #tpu.memory_space<hbm>> -> memref<80x128xi32, #tpu.memory_space<hbm>>
      tpu.wait_dma2 semaphore(%run_scoped3A_326 : memref<!tpu.dma_semaphore, #tpu.memory_space<semaphore_mem>>) src(%dma_wait3A_341 : memref<80x128xi32, #tpu.memory_space<hbm>>) dst(%arg6 : memref<80x128xi32, #tpu.memory_space<vmem>>)
      tpu.yield
    }) : () -> ()
    %broadcast_in_dim3A = arith.constant 0.000000e+00 : f32
    %broadcast_in_dim3A_1 = vector.broadcast %broadcast_in_dim3A : f32 to vector<16xf32>
    %broadcast_in_dim3A_2 = arith.constant 1.000000e+00 : f32
    %broadcast_in_dim3A_3 = vector.broadcast %broadcast_in_dim3A_2 : f32 to vector<16xf32>
    %scan3A = arith.constant 0 : i32
    %scan3A_4 = arith.constant 0 : i32
    %scan3A_5 = arith.constant 40 : i32
    %scan3A_6 = arith.addi %scan3A_4, %scan3A_5 : i32
    %scan3A_7 = arith.constant 1 : i32
    %scan3A_8 = scf.for %scan3A_326 = %scan3A_4 to %scan3A_6 step %scan3A_7 iter_args(%scan3A_327 = %scan3A) -> (i32)  : i32 {
      %mul3A_328 = arith.constant 16 : i32
      %mul3A_329 = arith.muli %scan3A_326, %mul3A_328 : i32
      %swap3A_330 = arith.index_cast %mul3A_329 : i32 to index
      %swap3A_331 = tpu.vector_load %arg15[%swap3A_330] {strides = array<i32>} : memref<640xf32, #tpu.memory_space<vmem>>, vector<16xf32>,
      %swap3A_332 = vector.shape_cast %swap3A_331 : vector<16xf32> to vector<16xf32>
      %swap3A_333 = vector.shape_cast %broadcast_in_dim3A_1 : vector<16xf32> to vector<16xf32>
      tpu.vector_store %arg15[%swap3A_330], %swap3A_333 {strides = array<i32>} : memref<640xf32, #tpu.memory_space<vmem>>, vector<16xf32>,
      %scan3A_334 = arith.constant 0 : i32
      scf.yield %scan3A_334 : i32
    }
    %scan3A_9 = arith.constant 40 : i32
    %swap3A = arith.constant 0 : index
    %swap3A_10 = tpu.vector_load %arg7[%swap3A] {strides = array<i32>} : memref<128xf32, #tpu.memory_space<vmem>>, vector<16xf32>,
    %swap3A_11 = vector.shape_cast %swap3A_10 : vector<16xf32> to vector<16xf32>
    %swap3A_12 = vector.shape_cast %broadcast_in_dim3A_3 : vector<16xf32> to vector<16xf32>
    tpu.vector_store %arg7[%swap3A], %swap3A_12 {strides = array<i32>} : memref<128xf32, #tpu.memory_space<vmem>>, vector<16xf32>,
    %swap3A_13 = arith.constant 16 : index
    %swap3A_14 = tpu.vector_load %arg7[%swap3A_13] {strides = array<i32>} : memref<128xf32, #tpu.memory_space<vmem>>, vector<16xf32>,
    %swap3A_15 = vector.shape_cast %swap3A_14 : vector<16xf32> to vector<16xf32>
    %swap3A_16 = vector.shape_cast %broadcast_in_dim3A_3 : vector<16xf32> to vector<16xf32>
    tpu.vector_store %arg7[%swap3A_13], %swap3A_16 {strides = array<i32>} : memref<128xf32, #tpu.memory_space<vmem>>, vector<16xf32>,
    %swap3A_17 = arith.constant 32 : index
    %swap3A_18 = tpu.vector_load %arg7[%swap3A_17] {strides = array<i32>} : memref<128xf32, #tpu.memory_space<vmem>>, vector<16xf32>,
    %swap3A_19 = vector.shape_cast %swap3A_18 : vector<16xf32> to vector<16xf32>
    %swap3A_20 = vector.shape_cast %broadcast_in_dim3A_3 : vector<16xf32> to vector<16xf32>
    tpu.vector_store %arg7[%swap3A_17], %swap3A_20 {strides = array<i32>} : memref<128xf32, #tpu.memory_space<vmem>>, vector<16xf32>,
    %swap3A_21 = arith.constant 48 : index
    %swap3A_22 = tpu.vector_load %arg7[%swap3A_21] {strides = array<i32>} : memref<128xf32, #tpu.memory_space<vmem>>, vector<16xf32>,
    %swap3A_23 = vector.shape_cast %swap3A_22 : vector<16xf32> to vector<16xf32>
    %swap3A_24 = vector.shape_cast %broadcast_in_dim3A_3 : vector<16xf32> to vector<16xf32>
    tpu.vector_store %arg7[%swap3A_21], %swap3A_24 {strides = array<i32>} : memref<128xf32, #tpu.memory_space<vmem>>, vector<16xf32>,
    %swap3A_25 = arith.constant 64 : index
    %swap3A_26 = tpu.vector_load %arg7[%swap3A_25] {strides = array<i32>} : memref<128xf32, #tpu.memory_space<vmem>>, vector<16xf32>,
    %swap3A_27 = vector.shape_cast %swap3A_26 : vector<16xf32> to vector<16xf32>
    %swap3A_28 = vector.shape_cast %broadcast_in_dim3A_3 : vector<16xf32> to vector<16xf32>
    tpu.vector_store %arg7[%swap3A_25], %swap3A_28 {strides = array<i32>} : memref<128xf32, #tpu.memory_space<vmem>>, vector<16xf32>,
    %swap3A_29 = arith.constant 80 : index
    %swap3A_30 = tpu.vector_load %arg7[%swap3A_29] {strides = array<i32>} : memref<128xf32, #tpu.memory_space<vmem>>, vector<16xf32>,
    %swap3A_31 = vector.shape_cast %swap3A_30 : vector<16xf32> to vector<16xf32>
    %swap3A_32 = vector.shape_cast %broadcast_in_dim3A_3 : vector<16xf32> to vector<16xf32>
    tpu.vector_store %arg7[%swap3A_29], %swap3A_32 {strides = array<i32>} : memref<128xf32, #tpu.memory_space<vmem>>, vector<16xf32>,
    %swap3A_33 = arith.constant 96 : index
    %swap3A_34 = tpu.vector_load %arg7[%swap3A_33] {strides = array<i32>} : memref<128xf32, #tpu.memory_space<vmem>>, vector<16xf32>,
    %swap3A_35 = vector.shape_cast %swap3A_34 : vector<16xf32> to vector<16xf32>
    %swap3A_36 = vector.shape_cast %broadcast_in_dim3A_3 : vector<16xf32> to vector<16xf32>
    tpu.vector_store %arg7[%swap3A_33], %swap3A_36 {strides = array<i32>} : memref<128xf32, #tpu.memory_space<vmem>>, vector<16xf32>,
    %swap3A_37 = arith.constant 112 : index
    %swap3A_38 = tpu.vector_load %arg7[%swap3A_37] {strides = array<i32>} : memref<128xf32, #tpu.memory_space<vmem>>, vector<16xf32>,
    %swap3A_39 = vector.shape_cast %swap3A_38 : vector<16xf32> to vector<16xf32>
    %swap3A_40 = vector.shape_cast %broadcast_in_dim3A_3 : vector<16xf32> to vector<16xf32>
    tpu.vector_store %arg7[%swap3A_37], %swap3A_40 {strides = array<i32>} : memref<128xf32, #tpu.memory_space<vmem>>, vector<16xf32>,
    %swap3A_41 = arith.constant 0 : index
    %swap3A_42 = tpu.vector_load %arg8[%swap3A_41] {strides = array<i32>} : memref<128xf32, #tpu.memory_space<vmem>>, vector<16xf32>,
    %swap3A_43 = vector.shape_cast %swap3A_42 : vector<16xf32> to vector<16xf32>
    %swap3A_44 = vector.shape_cast %broadcast_in_dim3A_3 : vector<16xf32> to vector<16xf32>
    tpu.vector_store %arg8[%swap3A_41], %swap3A_44 {strides = array<i32>} : memref<128xf32, #tpu.memory_space<vmem>>, vector<16xf32>,
    %swap3A_45 = arith.constant 16 : index
    %swap3A_46 = tpu.vector_load %arg8[%swap3A_45] {strides = array<i32>} : memref<128xf32, #tpu.memory_space<vmem>>, vector<16xf32>,
    %swap3A_47 = vector.shape_cast %swap3A_46 : vector<16xf32> to vector<16xf32>
    %swap3A_48 = vector.shape_cast %broadcast_in_dim3A_3 : vector<16xf32> to vector<16xf32>
    tpu.vector_store %arg8[%swap3A_45], %swap3A_48 {strides = array<i32>} : memref<128xf32, #tpu.memory_space<vmem>>, vector<16xf32>,
    %swap3A_49 = arith.constant 32 : index
    %swap3A_50 = tpu.vector_load %arg8[%swap3A_49] {strides = array<i32>} : memref<128xf32, #tpu.memory_space<vmem>>, vector<16xf32>,
    %swap3A_51 = vector.shape_cast %swap3A_50 : vector<16xf32> to vector<16xf32>
    %swap3A_52 = vector.shape_cast %broadcast_in_dim3A_3 : vector<16xf32> to vector<16xf32>
    tpu.vector_store %arg8[%swap3A_49], %swap3A_52 {strides = array<i32>} : memref<128xf32, #tpu.memory_space<vmem>>, vector<16xf32>,
    %swap3A_53 = arith.constant 48 : index
    %swap3A_54 = tpu.vector_load %arg8[%swap3A_53] {strides = array<i32>} : memref<128xf32, #tpu.memory_space<vmem>>, vector<16xf32>,
    %swap3A_55 = vector.shape_cast %swap3A_54 : vector<16xf32> to vector<16xf32>
    %swap3A_56 = vector.shape_cast %broadcast_in_dim3A_3 : vector<16xf32> to vector<16xf32>
    tpu.vector_store %arg8[%swap3A_53], %swap3A_56 {strides = array<i32>} : memref<128xf32, #tpu.memory_space<vmem>>, vector<16xf32>,
    %swap3A_57 = arith.constant 64 : index
    %swap3A_58 = tpu.vector_load %arg8[%swap3A_57] {strides = array<i32>} : memref<128xf32, #tpu.memory_space<vmem>>, vector<16xf32>,
    %swap3A_59 = vector.shape_cast %swap3A_58 : vector<16xf32> to vector<16xf32>
    %swap3A_60 = vector.shape_cast %broadcast_in_dim3A_3 : vector<16xf32> to vector<16xf32>
    tpu.vector_store %arg8[%swap3A_57], %swap3A_60 {strides = array<i32>} : memref<128xf32, #tpu.memory_space<vmem>>, vector<16xf32>,
    %swap3A_61 = arith.constant 80 : index
    %swap3A_62 = tpu.vector_load %arg8[%swap3A_61] {strides = array<i32>} : memref<128xf32, #tpu.memory_space<vmem>>, vector<16xf32>,
    %swap3A_63 = vector.shape_cast %swap3A_62 : vector<16xf32> to vector<16xf32>
    %swap3A_64 = vector.shape_cast %broadcast_in_dim3A_3 : vector<16xf32> to vector<16xf32>
    tpu.vector_store %arg8[%swap3A_61], %swap3A_64 {strides = array<i32>} : memref<128xf32, #tpu.memory_space<vmem>>, vector<16xf32>,
    %swap3A_65 = arith.constant 96 : index
    %swap3A_66 = tpu.vector_load %arg8[%swap3A_65] {strides = array<i32>} : memref<128xf32, #tpu.memory_space<vmem>>, vector<16xf32>,
    %swap3A_67 = vector.shape_cast %swap3A_66 : vector<16xf32> to vector<16xf32>
    %swap3A_68 = vector.shape_cast %broadcast_in_dim3A_3 : vector<16xf32> to vector<16xf32>
    tpu.vector_store %arg8[%swap3A_65], %swap3A_68 {strides = array<i32>} : memref<128xf32, #tpu.memory_space<vmem>>, vector<16xf32>,
    %swap3A_69 = arith.constant 112 : index
    %swap3A_70 = tpu.vector_load %arg8[%swap3A_69] {strides = array<i32>} : memref<128xf32, #tpu.memory_space<vmem>>, vector<16xf32>,
    %swap3A_71 = vector.shape_cast %swap3A_70 : vector<16xf32> to vector<16xf32>
    %swap3A_72 = vector.shape_cast %broadcast_in_dim3A_3 : vector<16xf32> to vector<16xf32>
    tpu.vector_store %arg8[%swap3A_69], %swap3A_72 {strides = array<i32>} : memref<128xf32, #tpu.memory_space<vmem>>, vector<16xf32>,
    %swap3A_73 = arith.constant 0 : index
    %swap3A_74 = tpu.vector_load %arg9[%swap3A_73] {strides = array<i32>} : memref<128xf32, #tpu.memory_space<vmem>>, vector<16xf32>,
    %swap3A_75 = vector.shape_cast %swap3A_74 : vector<16xf32> to vector<16xf32>
    %swap3A_76 = vector.shape_cast %broadcast_in_dim3A_3 : vector<16xf32> to vector<16xf32>
    tpu.vector_store %arg9[%swap3A_73], %swap3A_76 {strides = array<i32>} : memref<128xf32, #tpu.memory_space<vmem>>, vector<16xf32>,
    %swap3A_77 = arith.constant 16 : index
    %swap3A_78 = tpu.vector_load %arg9[%swap3A_77] {strides = array<i32>} : memref<128xf32, #tpu.memory_space<vmem>>, vector<16xf32>,
    %swap3A_79 = vector.shape_cast %swap3A_78 : vector<16xf32> to vector<16xf32>
    %swap3A_80 = vector.shape_cast %broadcast_in_dim3A_3 : vector<16xf32> to vector<16xf32>
    tpu.vector_store %arg9[%swap3A_77], %swap3A_80 {strides = array<i32>} : memref<128xf32, #tpu.memory_space<vmem>>, vector<16xf32>,
    %swap3A_81 = arith.constant 32 : index
    %swap3A_82 = tpu.vector_load %arg9[%swap3A_81] {strides = array<i32>} : memref<128xf32, #tpu.memory_space<vmem>>, vector<16xf32>,
    %swap3A_83 = vector.shape_cast %swap3A_82 : vector<16xf32> to vector<16xf32>
    %swap3A_84 = vector.shape_cast %broadcast_in_dim3A_3 : vector<16xf32> to vector<16xf32>
    tpu.vector_store %arg9[%swap3A_81], %swap3A_84 {strides = array<i32>} : memref<128xf32, #tpu.memory_space<vmem>>, vector<16xf32>,
    %swap3A_85 = arith.constant 48 : index
    %swap3A_86 = tpu.vector_load %arg9[%swap3A_85] {strides = array<i32>} : memref<128xf32, #tpu.memory_space<vmem>>, vector<16xf32>,
    %swap3A_87 = vector.shape_cast %swap3A_86 : vector<16xf32> to vector<16xf32>
    %swap3A_88 = vector.shape_cast %broadcast_in_dim3A_3 : vector<16xf32> to vector<16xf32>
    tpu.vector_store %arg9[%swap3A_85], %swap3A_88 {strides = array<i32>} : memref<128xf32, #tpu.memory_space<vmem>>, vector<16xf32>,
    %swap3A_89 = arith.constant 64 : index
    %swap3A_90 = tpu.vector_load %arg9[%swap3A_89] {strides = array<i32>} : memref<128xf32, #tpu.memory_space<vmem>>, vector<16xf32>,
    %swap3A_91 = vector.shape_cast %swap3A_90 : vector<16xf32> to vector<16xf32>
    %swap3A_92 = vector.shape_cast %broadcast_in_dim3A_3 : vector<16xf32> to vector<16xf32>
    tpu.vector_store %arg9[%swap3A_89], %swap3A_92 {strides = array<i32>} : memref<128xf32, #tpu.memory_space<vmem>>, vector<16xf32>,
    %swap3A_93 = arith.constant 80 : index
    %swap3A_94 = tpu.vector_load %arg9[%swap3A_93] {strides = array<i32>} : memref<128xf32, #tpu.memory_space<vmem>>, vector<16xf32>,
    %swap3A_95 = vector.shape_cast %swap3A_94 : vector<16xf32> to vector<16xf32>
    %swap3A_96 = vector.shape_cast %broadcast_in_dim3A_3 : vector<16xf32> to vector<16xf32>
    tpu.vector_store %arg9[%swap3A_93], %swap3A_96 {strides = array<i32>} : memref<128xf32, #tpu.memory_space<vmem>>, vector<16xf32>,
    %swap3A_97 = arith.constant 96 : index
    %swap3A_98 = tpu.vector_load %arg9[%swap3A_97] {strides = array<i32>} : memref<128xf32, #tpu.memory_space<vmem>>, vector<16xf32>,
    %swap3A_99 = vector.shape_cast %swap3A_98 : vector<16xf32> to vector<16xf32>
    %swap3A_100 = vector.shape_cast %broadcast_in_dim3A_3 : vector<16xf32> to vector<16xf32>
    tpu.vector_store %arg9[%swap3A_97], %swap3A_100 {strides = array<i32>} : memref<128xf32, #tpu.memory_space<vmem>>, vector<16xf32>,
    %swap3A_101 = arith.constant 112 : index
    %swap3A_102 = tpu.vector_load %arg9[%swap3A_101] {strides = array<i32>} : memref<128xf32, #tpu.memory_space<vmem>>, vector<16xf32>,
    %swap3A_103 = vector.shape_cast %swap3A_102 : vector<16xf32> to vector<16xf32>
    %swap3A_104 = vector.shape_cast %broadcast_in_dim3A_3 : vector<16xf32> to vector<16xf32>
    tpu.vector_store %arg9[%swap3A_101], %swap3A_104 {strides = array<i32>} : memref<128xf32, #tpu.memory_space<vmem>>, vector<16xf32>,
    %swap3A_105 = arith.constant 0 : index
    %swap3A_106 = tpu.vector_load %arg10[%swap3A_105] {strides = array<i32>} : memref<128xf32, #tpu.memory_space<vmem>>, vector<16xf32>,
    %swap3A_107 = vector.shape_cast %swap3A_106 : vector<16xf32> to vector<16xf32>
    %swap3A_108 = vector.shape_cast %broadcast_in_dim3A_3 : vector<16xf32> to vector<16xf32>
    tpu.vector_store %arg10[%swap3A_105], %swap3A_108 {strides = array<i32>} : memref<128xf32, #tpu.memory_space<vmem>>, vector<16xf32>,
    %swap3A_109 = arith.constant 16 : index
    %swap3A_110 = tpu.vector_load %arg10[%swap3A_109] {strides = array<i32>} : memref<128xf32, #tpu.memory_space<vmem>>, vector<16xf32>,
    %swap3A_111 = vector.shape_cast %swap3A_110 : vector<16xf32> to vector<16xf32>
    %swap3A_112 = vector.shape_cast %broadcast_in_dim3A_3 : vector<16xf32> to vector<16xf32>
    tpu.vector_store %arg10[%swap3A_109], %swap3A_112 {strides = array<i32>} : memref<128xf32, #tpu.memory_space<vmem>>, vector<16xf32>,
    %swap3A_113 = arith.constant 32 : index
    %swap3A_114 = tpu.vector_load %arg10[%swap3A_113] {strides = array<i32>} : memref<128xf32, #tpu.memory_space<vmem>>, vector<16xf32>,
    %swap3A_115 = vector.shape_cast %swap3A_114 : vector<16xf32> to vector<16xf32>
    %swap3A_116 = vector.shape_cast %broadcast_in_dim3A_3 : vector<16xf32> to vector<16xf32>
    tpu.vector_store %arg10[%swap3A_113], %swap3A_116 {strides = array<i32>} : memref<128xf32, #tpu.memory_space<vmem>>, vector<16xf32>,
    %swap3A_117 = arith.constant 48 : index
    %swap3A_118 = tpu.vector_load %arg10[%swap3A_117] {strides = array<i32>} : memref<128xf32, #tpu.memory_space<vmem>>, vector<16xf32>,
    %swap3A_119 = vector.shape_cast %swap3A_118 : vector<16xf32> to vector<16xf32>
    %swap3A_120 = vector.shape_cast %broadcast_in_dim3A_3 : vector<16xf32> to vector<16xf32>
    tpu.vector_store %arg10[%swap3A_117], %swap3A_120 {strides = array<i32>} : memref<128xf32, #tpu.memory_space<vmem>>, vector<16xf32>,
    %swap3A_121 = arith.constant 64 : index
    %swap3A_122 = tpu.vector_load %arg10[%swap3A_121] {strides = array<i32>} : memref<128xf32, #tpu.memory_space<vmem>>, vector<16xf32>,
    %swap3A_123 = vector.shape_cast %swap3A_122 : vector<16xf32> to vector<16xf32>
    %swap3A_124 = vector.shape_cast %broadcast_in_dim3A_3 : vector<16xf32> to vector<16xf32>
    tpu.vector_store %arg10[%swap3A_121], %swap3A_124 {strides = array<i32>} : memref<128xf32, #tpu.memory_space<vmem>>, vector<16xf32>,
    %swap3A_125 = arith.constant 80 : index
    %swap3A_126 = tpu.vector_load %arg10[%swap3A_125] {strides = array<i32>} : memref<128xf32, #tpu.memory_space<vmem>>, vector<16xf32>,
    %swap3A_127 = vector.shape_cast %swap3A_126 : vector<16xf32> to vector<16xf32>
    %swap3A_128 = vector.shape_cast %broadcast_in_dim3A_3 : vector<16xf32> to vector<16xf32>
    tpu.vector_store %arg10[%swap3A_125], %swap3A_128 {strides = array<i32>} : memref<128xf32, #tpu.memory_space<vmem>>, vector<16xf32>,
    %swap3A_129 = arith.constant 96 : index
    %swap3A_130 = tpu.vector_load %arg10[%swap3A_129] {strides = array<i32>} : memref<128xf32, #tpu.memory_space<vmem>>, vector<16xf32>,
    %swap3A_131 = vector.shape_cast %swap3A_130 : vector<16xf32> to vector<16xf32>
    %swap3A_132 = vector.shape_cast %broadcast_in_dim3A_3 : vector<16xf32> to vector<16xf32>
    tpu.vector_store %arg10[%swap3A_129], %swap3A_132 {strides = array<i32>} : memref<128xf32, #tpu.memory_space<vmem>>, vector<16xf32>,
    %swap3A_133 = arith.constant 112 : index
    %swap3A_134 = tpu.vector_load %arg10[%swap3A_133] {strides = array<i32>} : memref<128xf32, #tpu.memory_space<vmem>>, vector<16xf32>,
    %swap3A_135 = vector.shape_cast %swap3A_134 : vector<16xf32> to vector<16xf32>
    %swap3A_136 = vector.shape_cast %broadcast_in_dim3A_3 : vector<16xf32> to vector<16xf32>
    tpu.vector_store %arg10[%swap3A_133], %swap3A_136 {strides = array<i32>} : memref<128xf32, #tpu.memory_space<vmem>>, vector<16xf32>,
    %swap3A_137 = arith.constant 0 : index
    %swap3A_138 = tpu.vector_load %arg11[%swap3A_137] {strides = array<i32>} : memref<128xf32, #tpu.memory_space<vmem>>, vector<16xf32>,
    %swap3A_139 = vector.shape_cast %swap3A_138 : vector<16xf32> to vector<16xf32>
    %swap3A_140 = vector.shape_cast %broadcast_in_dim3A_3 : vector<16xf32> to vector<16xf32>
    tpu.vector_store %arg11[%swap3A_137], %swap3A_140 {strides = array<i32>} : memref<128xf32, #tpu.memory_space<vmem>>, vector<16xf32>,
    %swap3A_141 = arith.constant 16 : index
    %swap3A_142 = tpu.vector_load %arg11[%swap3A_141] {strides = array<i32>} : memref<128xf32, #tpu.memory_space<vmem>>, vector<16xf32>,
    %swap3A_143 = vector.shape_cast %swap3A_142 : vector<16xf32> to vector<16xf32>
    %swap3A_144 = vector.shape_cast %broadcast_in_dim3A_3 : vector<16xf32> to vector<16xf32>
    tpu.vector_store %arg11[%swap3A_141], %swap3A_144 {strides = array<i32>} : memref<128xf32, #tpu.memory_space<vmem>>, vector<16xf32>,
    %swap3A_145 = arith.constant 32 : index
    %swap3A_146 = tpu.vector_load %arg11[%swap3A_145] {strides = array<i32>} : memref<128xf32, #tpu.memory_space<vmem>>, vector<16xf32>,
    %swap3A_147 = vector.shape_cast %swap3A_146 : vector<16xf32> to vector<16xf32>
    %swap3A_148 = vector.shape_cast %broadcast_in_dim3A_3 : vector<16xf32> to vector<16xf32>
    tpu.vector_store %arg11[%swap3A_145], %swap3A_148 {strides = array<i32>} : memref<128xf32, #tpu.memory_space<vmem>>, vector<16xf32>,
    %swap3A_149 = arith.constant 48 : index
    %swap3A_150 = tpu.vector_load %arg11[%swap3A_149] {strides = array<i32>} : memref<128xf32, #tpu.memory_space<vmem>>, vector<16xf32>,
    %swap3A_151 = vector.shape_cast %swap3A_150 : vector<16xf32> to vector<16xf32>
    %swap3A_152 = vector.shape_cast %broadcast_in_dim3A_3 : vector<16xf32> to vector<16xf32>
    tpu.vector_store %arg11[%swap3A_149], %swap3A_152 {strides = array<i32>} : memref<128xf32, #tpu.memory_space<vmem>>, vector<16xf32>,
    %swap3A_153 = arith.constant 64 : index
    %swap3A_154 = tpu.vector_load %arg11[%swap3A_153] {strides = array<i32>} : memref<128xf32, #tpu.memory_space<vmem>>, vector<16xf32>,
    %swap3A_155 = vector.shape_cast %swap3A_154 : vector<16xf32> to vector<16xf32>
    %swap3A_156 = vector.shape_cast %broadcast_in_dim3A_3 : vector<16xf32> to vector<16xf32>
    tpu.vector_store %arg11[%swap3A_153], %swap3A_156 {strides = array<i32>} : memref<128xf32, #tpu.memory_space<vmem>>, vector<16xf32>,
    %swap3A_157 = arith.constant 80 : index
    %swap3A_158 = tpu.vector_load %arg11[%swap3A_157] {strides = array<i32>} : memref<128xf32, #tpu.memory_space<vmem>>, vector<16xf32>,
    %swap3A_159 = vector.shape_cast %swap3A_158 : vector<16xf32> to vector<16xf32>
    %swap3A_160 = vector.shape_cast %broadcast_in_dim3A_3 : vector<16xf32> to vector<16xf32>
    tpu.vector_store %arg11[%swap3A_157], %swap3A_160 {strides = array<i32>} : memref<128xf32, #tpu.memory_space<vmem>>, vector<16xf32>,
    %swap3A_161 = arith.constant 96 : index
    %swap3A_162 = tpu.vector_load %arg11[%swap3A_161] {strides = array<i32>} : memref<128xf32, #tpu.memory_space<vmem>>, vector<16xf32>,
    %swap3A_163 = vector.shape_cast %swap3A_162 : vector<16xf32> to vector<16xf32>
    %swap3A_164 = vector.shape_cast %broadcast_in_dim3A_3 : vector<16xf32> to vector<16xf32>
    tpu.vector_store %arg11[%swap3A_161], %swap3A_164 {strides = array<i32>} : memref<128xf32, #tpu.memory_space<vmem>>, vector<16xf32>,
    %swap3A_165 = arith.constant 112 : index
    %swap3A_166 = tpu.vector_load %arg11[%swap3A_165] {strides = array<i32>} : memref<128xf32, #tpu.memory_space<vmem>>, vector<16xf32>,
    %swap3A_167 = vector.shape_cast %swap3A_166 : vector<16xf32> to vector<16xf32>
    %swap3A_168 = vector.shape_cast %broadcast_in_dim3A_3 : vector<16xf32> to vector<16xf32>
    tpu.vector_store %arg11[%swap3A_165], %swap3A_168 {strides = array<i32>} : memref<128xf32, #tpu.memory_space<vmem>>, vector<16xf32>,
    %swap3A_169 = arith.constant 0 : index
    %swap3A_170 = tpu.vector_load %arg12[%swap3A_169] {strides = array<i32>} : memref<128xf32, #tpu.memory_space<vmem>>, vector<16xf32>,
    %swap3A_171 = vector.shape_cast %swap3A_170 : vector<16xf32> to vector<16xf32>
    %swap3A_172 = vector.shape_cast %broadcast_in_dim3A_3 : vector<16xf32> to vector<16xf32>
    tpu.vector_store %arg12[%swap3A_169], %swap3A_172 {strides = array<i32>} : memref<128xf32, #tpu.memory_space<vmem>>, vector<16xf32>,
    %swap3A_173 = arith.constant 16 : index
    %swap3A_174 = tpu.vector_load %arg12[%swap3A_173] {strides = array<i32>} : memref<128xf32, #tpu.memory_space<vmem>>, vector<16xf32>,
    %swap3A_175 = vector.shape_cast %swap3A_174 : vector<16xf32> to vector<16xf32>
    %swap3A_176 = vector.shape_cast %broadcast_in_dim3A_3 : vector<16xf32> to vector<16xf32>
    tpu.vector_store %arg12[%swap3A_173], %swap3A_176 {strides = array<i32>} : memref<128xf32, #tpu.memory_space<vmem>>, vector<16xf32>,
    %swap3A_177 = arith.constant 32 : index
    %swap3A_178 = tpu.vector_load %arg12[%swap3A_177] {strides = array<i32>} : memref<128xf32, #tpu.memory_space<vmem>>, vector<16xf32>,
    %swap3A_179 = vector.shape_cast %swap3A_178 : vector<16xf32> to vector<16xf32>
    %swap3A_180 = vector.shape_cast %broadcast_in_dim3A_3 : vector<16xf32> to vector<16xf32>
    tpu.vector_store %arg12[%swap3A_177], %swap3A_180 {strides = array<i32>} : memref<128xf32, #tpu.memory_space<vmem>>, vector<16xf32>,
    %swap3A_181 = arith.constant 48 : index
    %swap3A_182 = tpu.vector_load %arg12[%swap3A_181] {strides = array<i32>} : memref<128xf32, #tpu.memory_space<vmem>>, vector<16xf32>,
    %swap3A_183 = vector.shape_cast %swap3A_182 : vector<16xf32> to vector<16xf32>
    %swap3A_184 = vector.shape_cast %broadcast_in_dim3A_3 : vector<16xf32> to vector<16xf32>
    tpu.vector_store %arg12[%swap3A_181], %swap3A_184 {strides = array<i32>} : memref<128xf32, #tpu.memory_space<vmem>>, vector<16xf32>,
    %swap3A_185 = arith.constant 64 : index
    %swap3A_186 = tpu.vector_load %arg12[%swap3A_185] {strides = array<i32>} : memref<128xf32, #tpu.memory_space<vmem>>, vector<16xf32>,
    %swap3A_187 = vector.shape_cast %swap3A_186 : vector<16xf32> to vector<16xf32>
    %swap3A_188 = vector.shape_cast %broadcast_in_dim3A_3 : vector<16xf32> to vector<16xf32>
    tpu.vector_store %arg12[%swap3A_185], %swap3A_188 {strides = array<i32>} : memref<128xf32, #tpu.memory_space<vmem>>, vector<16xf32>,
    %swap3A_189 = arith.constant 80 : index
    %swap3A_190 = tpu.vector_load %arg12[%swap3A_189] {strides = array<i32>} : memref<128xf32, #tpu.memory_space<vmem>>, vector<16xf32>,
    %swap3A_191 = vector.shape_cast %swap3A_190 : vector<16xf32> to vector<16xf32>
    %swap3A_192 = vector.shape_cast %broadcast_in_dim3A_3 : vector<16xf32> to vector<16xf32>
    tpu.vector_store %arg12[%swap3A_189], %swap3A_192 {strides = array<i32>} : memref<128xf32, #tpu.memory_space<vmem>>, vector<16xf32>,
    %swap3A_193 = arith.constant 96 : index
    %swap3A_194 = tpu.vector_load %arg12[%swap3A_193] {strides = array<i32>} : memref<128xf32, #tpu.memory_space<vmem>>, vector<16xf32>,
    %swap3A_195 = vector.shape_cast %swap3A_194 : vector<16xf32> to vector<16xf32>
    %swap3A_196 = vector.shape_cast %broadcast_in_dim3A_3 : vector<16xf32> to vector<16xf32>
    tpu.vector_store %arg12[%swap3A_193], %swap3A_196 {strides = array<i32>} : memref<128xf32, #tpu.memory_space<vmem>>, vector<16xf32>,
    %swap3A_197 = arith.constant 112 : index
    %swap3A_198 = tpu.vector_load %arg12[%swap3A_197] {strides = array<i32>} : memref<128xf32, #tpu.memory_space<vmem>>, vector<16xf32>,
    %swap3A_199 = vector.shape_cast %swap3A_198 : vector<16xf32> to vector<16xf32>
    %swap3A_200 = vector.shape_cast %broadcast_in_dim3A_3 : vector<16xf32> to vector<16xf32>
    tpu.vector_store %arg12[%swap3A_197], %swap3A_200 {strides = array<i32>} : memref<128xf32, #tpu.memory_space<vmem>>, vector<16xf32>,
    %swap3A_201 = arith.constant 0 : index
    %swap3A_202 = tpu.vector_load %arg13[%swap3A_201] {strides = array<i32>} : memref<128xf32, #tpu.memory_space<vmem>>, vector<16xf32>,
    %swap3A_203 = vector.shape_cast %swap3A_202 : vector<16xf32> to vector<16xf32>
    %swap3A_204 = vector.shape_cast %broadcast_in_dim3A_3 : vector<16xf32> to vector<16xf32>
    tpu.vector_store %arg13[%swap3A_201], %swap3A_204 {strides = array<i32>} : memref<128xf32, #tpu.memory_space<vmem>>, vector<16xf32>,
    %swap3A_205 = arith.constant 16 : index
    %swap3A_206 = tpu.vector_load %arg13[%swap3A_205] {strides = array<i32>} : memref<128xf32, #tpu.memory_space<vmem>>, vector<16xf32>,
    %swap3A_207 = vector.shape_cast %swap3A_206 : vector<16xf32> to vector<16xf32>
    %swap3A_208 = vector.shape_cast %broadcast_in_dim3A_3 : vector<16xf32> to vector<16xf32>
    tpu.vector_store %arg13[%swap3A_205], %swap3A_208 {strides = array<i32>} : memref<128xf32, #tpu.memory_space<vmem>>, vector<16xf32>,
    %swap3A_209 = arith.constant 32 : index
    %swap3A_210 = tpu.vector_load %arg13[%swap3A_209] {strides = array<i32>} : memref<128xf32, #tpu.memory_space<vmem>>, vector<16xf32>,
    %swap3A_211 = vector.shape_cast %swap3A_210 : vector<16xf32> to vector<16xf32>
    %swap3A_212 = vector.shape_cast %broadcast_in_dim3A_3 : vector<16xf32> to vector<16xf32>
    tpu.vector_store %arg13[%swap3A_209], %swap3A_212 {strides = array<i32>} : memref<128xf32, #tpu.memory_space<vmem>>, vector<16xf32>,
    %swap3A_213 = arith.constant 48 : index
    %swap3A_214 = tpu.vector_load %arg13[%swap3A_213] {strides = array<i32>} : memref<128xf32, #tpu.memory_space<vmem>>, vector<16xf32>,
    %swap3A_215 = vector.shape_cast %swap3A_214 : vector<16xf32> to vector<16xf32>
    %swap3A_216 = vector.shape_cast %broadcast_in_dim3A_3 : vector<16xf32> to vector<16xf32>
    tpu.vector_store %arg13[%swap3A_213], %swap3A_216 {strides = array<i32>} : memref<128xf32, #tpu.memory_space<vmem>>, vector<16xf32>,
    %swap3A_217 = arith.constant 64 : index
    %swap3A_218 = tpu.vector_load %arg13[%swap3A_217] {strides = array<i32>} : memref<128xf32, #tpu.memory_space<vmem>>, vector<16xf32>,
    %swap3A_219 = vector.shape_cast %swap3A_218 : vector<16xf32> to vector<16xf32>
    %swap3A_220 = vector.shape_cast %broadcast_in_dim3A_3 : vector<16xf32> to vector<16xf32>
    tpu.vector_store %arg13[%swap3A_217], %swap3A_220 {strides = array<i32>} : memref<128xf32, #tpu.memory_space<vmem>>, vector<16xf32>,
    %swap3A_221 = arith.constant 80 : index
    %swap3A_222 = tpu.vector_load %arg13[%swap3A_221] {strides = array<i32>} : memref<128xf32, #tpu.memory_space<vmem>>, vector<16xf32>,
    %swap3A_223 = vector.shape_cast %swap3A_222 : vector<16xf32> to vector<16xf32>
    %swap3A_224 = vector.shape_cast %broadcast_in_dim3A_3 : vector<16xf32> to vector<16xf32>
    tpu.vector_store %arg13[%swap3A_221], %swap3A_224 {strides = array<i32>} : memref<128xf32, #tpu.memory_space<vmem>>, vector<16xf32>,
    %swap3A_225 = arith.constant 96 : index
    %swap3A_226 = tpu.vector_load %arg13[%swap3A_225] {strides = array<i32>} : memref<128xf32, #tpu.memory_space<vmem>>, vector<16xf32>,
    %swap3A_227 = vector.shape_cast %swap3A_226 : vector<16xf32> to vector<16xf32>
    %swap3A_228 = vector.shape_cast %broadcast_in_dim3A_3 : vector<16xf32> to vector<16xf32>
    tpu.vector_store %arg13[%swap3A_225], %swap3A_228 {strides = array<i32>} : memref<128xf32, #tpu.memory_space<vmem>>, vector<16xf32>,
    %swap3A_229 = arith.constant 112 : index
    %swap3A_230 = tpu.vector_load %arg13[%swap3A_229] {strides = array<i32>} : memref<128xf32, #tpu.memory_space<vmem>>, vector<16xf32>,
    %swap3A_231 = vector.shape_cast %swap3A_230 : vector<16xf32> to vector<16xf32>
    %swap3A_232 = vector.shape_cast %broadcast_in_dim3A_3 : vector<16xf32> to vector<16xf32>
    tpu.vector_store %arg13[%swap3A_229], %swap3A_232 {strides = array<i32>} : memref<128xf32, #tpu.memory_space<vmem>>, vector<16xf32>,
    %swap3A_233 = arith.constant 0 : index
    %swap3A_234 = tpu.vector_load %arg14[%swap3A_233] {strides = array<i32>} : memref<128xf32, #tpu.memory_space<vmem>>, vector<16xf32>,
    %swap3A_235 = vector.shape_cast %swap3A_234 : vector<16xf32> to vector<16xf32>
    %swap3A_236 = vector.shape_cast %broadcast_in_dim3A_3 : vector<16xf32> to vector<16xf32>
    tpu.vector_store %arg14[%swap3A_233], %swap3A_236 {strides = array<i32>} : memref<128xf32, #tpu.memory_space<vmem>>, vector<16xf32>,
    %swap3A_237 = arith.constant 16 : index
    %swap3A_238 = tpu.vector_load %arg14[%swap3A_237] {strides = array<i32>} : memref<128xf32, #tpu.memory_space<vmem>>, vector<16xf32>,
    %swap3A_239 = vector.shape_cast %swap3A_238 : vector<16xf32> to vector<16xf32>
    %swap3A_240 = vector.shape_cast %broadcast_in_dim3A_3 : vector<16xf32> to vector<16xf32>
    tpu.vector_store %arg14[%swap3A_237], %swap3A_240 {strides = array<i32>} : memref<128xf32, #tpu.memory_space<vmem>>, vector<16xf32>,
    %swap3A_241 = arith.constant 32 : index
    %swap3A_242 = tpu.vector_load %arg14[%swap3A_241] {strides = array<i32>} : memref<128xf32, #tpu.memory_space<vmem>>, vector<16xf32>,
    %swap3A_243 = vector.shape_cast %swap3A_242 : vector<16xf32> to vector<16xf32>
    %swap3A_244 = vector.shape_cast %broadcast_in_dim3A_3 : vector<16xf32> to vector<16xf32>
    tpu.vector_store %arg14[%swap3A_241], %swap3A_244 {strides = array<i32>} : memref<128xf32, #tpu.memory_space<vmem>>, vector<16xf32>,
    %swap3A_245 = arith.constant 48 : index
    %swap3A_246 = tpu.vector_load %arg14[%swap3A_245] {strides = array<i32>} : memref<128xf32, #tpu.memory_space<vmem>>, vector<16xf32>,
    %swap3A_247 = vector.shape_cast %swap3A_246 : vector<16xf32> to vector<16xf32>
    %swap3A_248 = vector.shape_cast %broadcast_in_dim3A_3 : vector<16xf32> to vector<16xf32>
    tpu.vector_store %arg14[%swap3A_245], %swap3A_248 {strides = array<i32>} : memref<128xf32, #tpu.memory_space<vmem>>, vector<16xf32>,
    %swap3A_249 = arith.constant 64 : index
    %swap3A_250 = tpu.vector_load %arg14[%swap3A_249] {strides = array<i32>} : memref<128xf32, #tpu.memory_space<vmem>>, vector<16xf32>,
    %swap3A_251 = vector.shape_cast %swap3A_250 : vector<16xf32> to vector<16xf32>
    %swap3A_252 = vector.shape_cast %broadcast_in_dim3A_3 : vector<16xf32> to vector<16xf32>
    tpu.vector_store %arg14[%swap3A_249], %swap3A_252 {strides = array<i32>} : memref<128xf32, #tpu.memory_space<vmem>>, vector<16xf32>,
    %swap3A_253 = arith.constant 80 : index
    %swap3A_254 = tpu.vector_load %arg14[%swap3A_253] {strides = array<i32>} : memref<128xf32, #tpu.memory_space<vmem>>, vector<16xf32>,
    %swap3A_255 = vector.shape_cast %swap3A_254 : vector<16xf32> to vector<16xf32>
    %swap3A_256 = vector.shape_cast %broadcast_in_dim3A_3 : vector<16xf32> to vector<16xf32>
    tpu.vector_store %arg14[%swap3A_253], %swap3A_256 {strides = array<i32>} : memref<128xf32, #tpu.memory_space<vmem>>, vector<16xf32>,
    %swap3A_257 = arith.constant 96 : index
    %swap3A_258 = tpu.vector_load %arg14[%swap3A_257] {strides = array<i32>} : memref<128xf32, #tpu.memory_space<vmem>>, vector<16xf32>,
    %swap3A_259 = vector.shape_cast %swap3A_258 : vector<16xf32> to vector<16xf32>
    %swap3A_260 = vector.shape_cast %broadcast_in_dim3A_3 : vector<16xf32> to vector<16xf32>
    tpu.vector_store %arg14[%swap3A_257], %swap3A_260 {strides = array<i32>} : memref<128xf32, #tpu.memory_space<vmem>>, vector<16xf32>,
    %swap3A_261 = arith.constant 112 : index
    %swap3A_262 = tpu.vector_load %arg14[%swap3A_261] {strides = array<i32>} : memref<128xf32, #tpu.memory_space<vmem>>, vector<16xf32>,
    %swap3A_263 = vector.shape_cast %swap3A_262 : vector<16xf32> to vector<16xf32>
    %swap3A_264 = vector.shape_cast %broadcast_in_dim3A_3 : vector<16xf32> to vector<16xf32>
    tpu.vector_store %arg14[%swap3A_261], %swap3A_264 {strides = array<i32>} : memref<128xf32, #tpu.memory_space<vmem>>, vector<16xf32>,
    %mul3A_265 = arith.constant 640 : i32
    %mul3A_266 = arith.muli %arg1, %mul3A_265 : i32
    "tpu.region"() ({
      %run_scoped3A_326 = tpu.sem_alloc : memref<!tpu.dma_semaphore, #tpu.memory_space<semaphore_mem>>
      %dma_start3A = tpu.memref_slice %arg16[%mul3A_266] : memref<10240xf32, #tpu.memory_space<vmem_shared>> -> memref<640xf32, #tpu.memory_space<vmem_shared>>
      %dma_start3A_327 = tpu.memref_slice %arg16[%mul3A_266] : memref<10240xf32, #tpu.memory_space<vmem_shared>> -> memref<640xf32, #tpu.memory_space<vmem_shared>>
      tpu.enqueue_dma source(%arg15 : memref<640xf32, #tpu.memory_space<vmem>>) target(%dma_start3A_327 : memref<640xf32, #tpu.memory_space<vmem_shared>>) target_semaphore(%run_scoped3A_326 : memref<!tpu.dma_semaphore, #tpu.memory_space<semaphore_mem>>)
      %dma_wait3A_328 = tpu.memref_slice %arg16[%mul3A_266] : memref<10240xf32, #tpu.memory_space<vmem_shared>> -> memref<640xf32, #tpu.memory_space<vmem_shared>>
      %dma_wait3A_329 = tpu.memref_slice %arg16[%mul3A_266] : memref<10240xf32, #tpu.memory_space<vmem_shared>> -> memref<640xf32, #tpu.memory_space<vmem_shared>>
      tpu.wait_dma2 semaphore(%run_scoped3A_326 : memref<!tpu.dma_semaphore, #tpu.memory_space<semaphore_mem>>) src(%arg15 : memref<640xf32, #tpu.memory_space<vmem>>) dst(%dma_wait3A_329 : memref<640xf32, #tpu.memory_space<vmem_shared>>)
      tpu.yield
    }) : () -> ()
    %barrier3A = arith.constant 0 : index
    tpu.barrier barrier_id(%barrier3A)
    %scan3A_267 = arith.constant 0 : i32
    %scan3A_268 = arith.constant 0 : i32
    %scan3A_269 = arith.constant 10 : i32
    %scan3A_270 = arith.addi %scan3A_268, %scan3A_269 : i32
    %scan3A_271 = arith.constant 1 : i32
    %scan3A_272 = scf.for %scan3A_326 = %scan3A_268 to %scan3A_270 step %scan3A_271 iter_args(%scan3A_327 = %scan3A_267) -> (i32)  : i32 {
      %mul3A_328 = arith.constant 8 : i32
      %mul3A_329 = arith.muli %scan3A_326, %mul3A_328 : i32
      %add3A_330 = arith.constant 0 : i32
      %add3A_331 = arith.addi %mul3A_329, %add3A_330 : i32
      %ge3A = arith.constant 8 : i32
      %ge3A_332 = arith.cmpi sge, %add3A_331, %ge3A : i32
      %convert_element_type3A = arith.extui %ge3A_332 : i1 to i32
      %cond3A = arith.constant 0 : i32
      %cond3A_333 = arith.cmpi ne, %convert_element_type3A, %cond3A : i32
      scf.if %cond3A_333 {
        %dma_wait3A_437 = arith.constant 0 : i32
        %dma_wait3A_438 = arith.constant 0 : i32
        %dma_wait3A_439 = tpu.memref_slice %arg6[%dma_wait3A_437, %dma_wait3A_438] : memref<80x128xi32, #tpu.memory_space<vmem>> -> memref<1x128xi32, #tpu.memory_space<vmem>>
        %dma_wait3A_440 = tpu.memref_squeeze %dma_wait3A_439 : memref<1x128xi32, #tpu.memory_space<vmem>> -> memref<128xi32, #tpu.memory_space<vmem>>
        %dma_wait3A_441 = arith.constant 0 : i32
        %dma_wait3A_442 = tpu.memref_slice %arg16[%dma_wait3A_441] : memref<10240xf32, #tpu.memory_space<vmem_shared>> -> memref<10240xf32, #tpu.memory_space<vmem_shared>>
        tpu.wait_indirect_dma semaphore(%arg25 : memref<!tpu.dma_semaphore, #tpu.memory_space<semaphore_mem>>) src(%arg7 : memref<128xf32, #tpu.memory_space<vmem>>) dst(%dma_wait3A_442 : memref<10240xf32, #tpu.memory_space<vmem_shared>>)
      } else {
      }
      %dma_start3A = arith.constant 0 : i32
      %dma_start3A_334 = tpu.memref_slice %arg6[%add3A_331, %dma_start3A] : memref<80x128xi32, #tpu.memory_space<vmem>> -> memref<1x128xi32, #tpu.memory_space<vmem>>
      %dma_start3A_335 = tpu.memref_squeeze %dma_start3A_334 : memref<1x128xi32, #tpu.memory_space<vmem>> -> memref<128xi32, #tpu.memory_space<vmem>>
      %dma_start3A_336 = arith.constant 0 : i32
      %dma_start3A_337 = tpu.memref_slice %arg16[%dma_start3A_336] : memref<10240xf32, #tpu.memory_space<vmem_shared>> -> memref<10240xf32, #tpu.memory_space<vmem_shared>>
      tpu.enqueue_indirect_dma source(%arg7 : memref<128xf32, #tpu.memory_space<vmem>>) target(%dma_start3A_337 : memref<10240xf32, #tpu.memory_space<vmem_shared>>) offsets(%dma_start3A_335 : memref<128xi32, #tpu.memory_space<vmem>>) semaphore(%arg25 : memref<!tpu.dma_semaphore, #tpu.memory_space<semaphore_mem>>) {add = true}
      %mul3A_338 = arith.constant 8 : i32
      %mul3A_339 = arith.muli %scan3A_326, %mul3A_338 : i32
      %add3A_340 = arith.constant 1 : i32
      %add3A_341 = arith.addi %mul3A_339, %add3A_340 : i32
      %ge3A_342 = arith.constant 8 : i32
      %ge3A_343 = arith.cmpi sge, %add3A_341, %ge3A_342 : i32
      %convert_element_type3A_344 = arith.extui %ge3A_343 : i1 to i32
      %cond3A_345 = arith.constant 0 : i32
      %cond3A_346 = arith.cmpi ne, %convert_element_type3A_344, %cond3A_345 : i32
      scf.if %cond3A_346 {
        %dma_wait3A_437 = arith.constant 0 : i32
        %dma_wait3A_438 = arith.constant 0 : i32
        %dma_wait3A_439 = tpu.memref_slice %arg6[%dma_wait3A_437, %dma_wait3A_438] : memref<80x128xi32, #tpu.memory_space<vmem>> -> memref<1x128xi32, #tpu.memory_space<vmem>>
        %dma_wait3A_440 = tpu.memref_squeeze %dma_wait3A_439 : memref<1x128xi32, #tpu.memory_space<vmem>> -> memref<128xi32, #tpu.memory_space<vmem>>
        %dma_wait3A_441 = arith.constant 0 : i32
        %dma_wait3A_442 = tpu.memref_slice %arg16[%dma_wait3A_441] : memref<10240xf32, #tpu.memory_space<vmem_shared>> -> memref<10240xf32, #tpu.memory_space<vmem_shared>>
        tpu.wait_indirect_dma semaphore(%arg26 : memref<!tpu.dma_semaphore, #tpu.memory_space<semaphore_mem>>) src(%arg8 : memref<128xf32, #tpu.memory_space<vmem>>) dst(%dma_wait3A_442 : memref<10240xf32, #tpu.memory_space<vmem_shared>>)
      } else {
      }
      %dma_start3A_347 = arith.constant 0 : i32
      %dma_start3A_348 = tpu.memref_slice %arg6[%add3A_341, %dma_start3A_347] : memref<80x128xi32, #tpu.memory_space<vmem>> -> memref<1x128xi32, #tpu.memory_space<vmem>>
      %dma_start3A_349 = tpu.memref_squeeze %dma_start3A_348 : memref<1x128xi32, #tpu.memory_space<vmem>> -> memref<128xi32, #tpu.memory_space<vmem>>
      %dma_start3A_350 = arith.constant 0 : i32
      %dma_start3A_351 = tpu.memref_slice %arg16[%dma_start3A_350] : memref<10240xf32, #tpu.memory_space<vmem_shared>> -> memref<10240xf32, #tpu.memory_space<vmem_shared>>
      tpu.enqueue_indirect_dma source(%arg8 : memref<128xf32, #tpu.memory_space<vmem>>) target(%dma_start3A_351 : memref<10240xf32, #tpu.memory_space<vmem_shared>>) offsets(%dma_start3A_349 : memref<128xi32, #tpu.memory_space<vmem>>) semaphore(%arg26 : memref<!tpu.dma_semaphore, #tpu.memory_space<semaphore_mem>>) {add = true}
      %mul3A_352 = arith.constant 8 : i32
      %mul3A_353 = arith.muli %scan3A_326, %mul3A_352 : i32
      %add3A_354 = arith.constant 2 : i32
      %add3A_355 = arith.addi %mul3A_353, %add3A_354 : i32
      %ge3A_356 = arith.constant 8 : i32
      %ge3A_357 = arith.cmpi sge, %add3A_355, %ge3A_356 : i32
      %convert_element_type3A_358 = arith.extui %ge3A_357 : i1 to i32
      %cond3A_359 = arith.constant 0 : i32
      %cond3A_360 = arith.cmpi ne, %convert_element_type3A_358, %cond3A_359 : i32
      scf.if %cond3A_360 {
        %dma_wait3A_437 = arith.constant 0 : i32
        %dma_wait3A_438 = arith.constant 0 : i32
        %dma_wait3A_439 = tpu.memref_slice %arg6[%dma_wait3A_437, %dma_wait3A_438] : memref<80x128xi32, #tpu.memory_space<vmem>> -> memref<1x128xi32, #tpu.memory_space<vmem>>
        %dma_wait3A_440 = tpu.memref_squeeze %dma_wait3A_439 : memref<1x128xi32, #tpu.memory_space<vmem>> -> memref<128xi32, #tpu.memory_space<vmem>>
        %dma_wait3A_441 = arith.constant 0 : i32
        %dma_wait3A_442 = tpu.memref_slice %arg16[%dma_wait3A_441] : memref<10240xf32, #tpu.memory_space<vmem_shared>> -> memref<10240xf32, #tpu.memory_space<vmem_shared>>
        tpu.wait_indirect_dma semaphore(%arg27 : memref<!tpu.dma_semaphore, #tpu.memory_space<semaphore_mem>>) src(%arg9 : memref<128xf32, #tpu.memory_space<vmem>>) dst(%dma_wait3A_442 : memref<10240xf32, #tpu.memory_space<vmem_shared>>)
      } else {
      }
      %dma_start3A_361 = arith.constant 0 : i32
      %dma_start3A_362 = tpu.memref_slice %arg6[%add3A_355, %dma_start3A_361] : memref<80x128xi32, #tpu.memory_space<vmem>> -> memref<1x128xi32, #tpu.memory_space<vmem>>
      %dma_start3A_363 = tpu.memref_squeeze %dma_start3A_362 : memref<1x128xi32, #tpu.memory_space<vmem>> -> memref<128xi32, #tpu.memory_space<vmem>>
      %dma_start3A_364 = arith.constant 0 : i32
      %dma_start3A_365 = tpu.memref_slice %arg16[%dma_start3A_364] : memref<10240xf32, #tpu.memory_space<vmem_shared>> -> memref<10240xf32, #tpu.memory_space<vmem_shared>>
      tpu.enqueue_indirect_dma source(%arg9 : memref<128xf32, #tpu.memory_space<vmem>>) target(%dma_start3A_365 : memref<10240xf32, #tpu.memory_space<vmem_shared>>) offsets(%dma_start3A_363 : memref<128xi32, #tpu.memory_space<vmem>>) semaphore(%arg27 : memref<!tpu.dma_semaphore, #tpu.memory_space<semaphore_mem>>) {add = true}
      %mul3A_366 = arith.constant 8 : i32
      %mul3A_367 = arith.muli %scan3A_326, %mul3A_366 : i32
      %add3A_368 = arith.constant 3 : i32
      %add3A_369 = arith.addi %mul3A_367, %add3A_368 : i32
      %ge3A_370 = arith.constant 8 : i32
      %ge3A_371 = arith.cmpi sge, %add3A_369, %ge3A_370 : i32
      %convert_element_type3A_372 = arith.extui %ge3A_371 : i1 to i32
      %cond3A_373 = arith.constant 0 : i32
      %cond3A_374 = arith.cmpi ne, %convert_element_type3A_372, %cond3A_373 : i32
      scf.if %cond3A_374 {
        %dma_wait3A_437 = arith.constant 0 : i32
        %dma_wait3A_438 = arith.constant 0 : i32
        %dma_wait3A_439 = tpu.memref_slice %arg6[%dma_wait3A_437, %dma_wait3A_438] : memref<80x128xi32, #tpu.memory_space<vmem>> -> memref<1x128xi32, #tpu.memory_space<vmem>>
        %dma_wait3A_440 = tpu.memref_squeeze %dma_wait3A_439 : memref<1x128xi32, #tpu.memory_space<vmem>> -> memref<128xi32, #tpu.memory_space<vmem>>
        %dma_wait3A_441 = arith.constant 0 : i32
        %dma_wait3A_442 = tpu.memref_slice %arg16[%dma_wait3A_441] : memref<10240xf32, #tpu.memory_space<vmem_shared>> -> memref<10240xf32, #tpu.memory_space<vmem_shared>>
        tpu.wait_indirect_dma semaphore(%arg28 : memref<!tpu.dma_semaphore, #tpu.memory_space<semaphore_mem>>) src(%arg10 : memref<128xf32, #tpu.memory_space<vmem>>) dst(%dma_wait3A_442 : memref<10240xf32, #tpu.memory_space<vmem_shared>>)
      } else {
      }
      %dma_start3A_375 = arith.constant 0 : i32
      %dma_start3A_376 = tpu.memref_slice %arg6[%add3A_369, %dma_start3A_375] : memref<80x128xi32, #tpu.memory_space<vmem>> -> memref<1x128xi32, #tpu.memory_space<vmem>>
      %dma_start3A_377 = tpu.memref_squeeze %dma_start3A_376 : memref<1x128xi32, #tpu.memory_space<vmem>> -> memref<128xi32, #tpu.memory_space<vmem>>
      %dma_start3A_378 = arith.constant 0 : i32
      %dma_start3A_379 = tpu.memref_slice %arg16[%dma_start3A_378] : memref<10240xf32, #tpu.memory_space<vmem_shared>> -> memref<10240xf32, #tpu.memory_space<vmem_shared>>
      tpu.enqueue_indirect_dma source(%arg10 : memref<128xf32, #tpu.memory_space<vmem>>) target(%dma_start3A_379 : memref<10240xf32, #tpu.memory_space<vmem_shared>>) offsets(%dma_start3A_377 : memref<128xi32, #tpu.memory_space<vmem>>) semaphore(%arg28 : memref<!tpu.dma_semaphore, #tpu.memory_space<semaphore_mem>>) {add = true}
      %mul3A_380 = arith.constant 8 : i32
      %mul3A_381 = arith.muli %scan3A_326, %mul3A_380 : i32
      %add3A_382 = arith.constant 4 : i32
      %add3A_383 = arith.addi %mul3A_381, %add3A_382 : i32
      %ge3A_384 = arith.constant 8 : i32
      %ge3A_385 = arith.cmpi sge, %add3A_383, %ge3A_384 : i32
      %convert_element_type3A_386 = arith.extui %ge3A_385 : i1 to i32
      %cond3A_387 = arith.constant 0 : i32
      %cond3A_388 = arith.cmpi ne, %convert_element_type3A_386, %cond3A_387 : i32
      scf.if %cond3A_388 {
        %dma_wait3A_437 = arith.constant 0 : i32
        %dma_wait3A_438 = arith.constant 0 : i32
        %dma_wait3A_439 = tpu.memref_slice %arg6[%dma_wait3A_437, %dma_wait3A_438] : memref<80x128xi32, #tpu.memory_space<vmem>> -> memref<1x128xi32, #tpu.memory_space<vmem>>
        %dma_wait3A_440 = tpu.memref_squeeze %dma_wait3A_439 : memref<1x128xi32, #tpu.memory_space<vmem>> -> memref<128xi32, #tpu.memory_space<vmem>>
        %dma_wait3A_441 = arith.constant 0 : i32
        %dma_wait3A_442 = tpu.memref_slice %arg16[%dma_wait3A_441] : memref<10240xf32, #tpu.memory_space<vmem_shared>> -> memref<10240xf32, #tpu.memory_space<vmem_shared>>
        tpu.wait_indirect_dma semaphore(%arg29 : memref<!tpu.dma_semaphore, #tpu.memory_space<semaphore_mem>>) src(%arg11 : memref<128xf32, #tpu.memory_space<vmem>>) dst(%dma_wait3A_442 : memref<10240xf32, #tpu.memory_space<vmem_shared>>)
      } else {
      }
      %dma_start3A_389 = arith.constant 0 : i32
      %dma_start3A_390 = tpu.memref_slice %arg6[%add3A_383, %dma_start3A_389] : memref<80x128xi32, #tpu.memory_space<vmem>> -> memref<1x128xi32, #tpu.memory_space<vmem>>
      %dma_start3A_391 = tpu.memref_squeeze %dma_start3A_390 : memref<1x128xi32, #tpu.memory_space<vmem>> -> memref<128xi32, #tpu.memory_space<vmem>>
      %dma_start3A_392 = arith.constant 0 : i32
      %dma_start3A_393 = tpu.memref_slice %arg16[%dma_start3A_392] : memref<10240xf32, #tpu.memory_space<vmem_shared>> -> memref<10240xf32, #tpu.memory_space<vmem_shared>>
      tpu.enqueue_indirect_dma source(%arg11 : memref<128xf32, #tpu.memory_space<vmem>>) target(%dma_start3A_393 : memref<10240xf32, #tpu.memory_space<vmem_shared>>) offsets(%dma_start3A_391 : memref<128xi32, #tpu.memory_space<vmem>>) semaphore(%arg29 : memref<!tpu.dma_semaphore, #tpu.memory_space<semaphore_mem>>) {add = true}
      %mul3A_394 = arith.constant 8 : i32
      %mul3A_395 = arith.muli %scan3A_326, %mul3A_394 : i32
      %add3A_396 = arith.constant 5 : i32
      %add3A_397 = arith.addi %mul3A_395, %add3A_396 : i32
      %ge3A_398 = arith.constant 8 : i32
      %ge3A_399 = arith.cmpi sge, %add3A_397, %ge3A_398 : i32
      %convert_element_type3A_400 = arith.extui %ge3A_399 : i1 to i32
      %cond3A_401 = arith.constant 0 : i32
      %cond3A_402 = arith.cmpi ne, %convert_element_type3A_400, %cond3A_401 : i32
      scf.if %cond3A_402 {
        %dma_wait3A_437 = arith.constant 0 : i32
        %dma_wait3A_438 = arith.constant 0 : i32
        %dma_wait3A_439 = tpu.memref_slice %arg6[%dma_wait3A_437, %dma_wait3A_438] : memref<80x128xi32, #tpu.memory_space<vmem>> -> memref<1x128xi32, #tpu.memory_space<vmem>>
        %dma_wait3A_440 = tpu.memref_squeeze %dma_wait3A_439 : memref<1x128xi32, #tpu.memory_space<vmem>> -> memref<128xi32, #tpu.memory_space<vmem>>
        %dma_wait3A_441 = arith.constant 0 : i32
        %dma_wait3A_442 = tpu.memref_slice %arg16[%dma_wait3A_441] : memref<10240xf32, #tpu.memory_space<vmem_shared>> -> memref<10240xf32, #tpu.memory_space<vmem_shared>>
        tpu.wait_indirect_dma semaphore(%arg30 : memref<!tpu.dma_semaphore, #tpu.memory_space<semaphore_mem>>) src(%arg12 : memref<128xf32, #tpu.memory_space<vmem>>) dst(%dma_wait3A_442 : memref<10240xf32, #tpu.memory_space<vmem_shared>>)
      } else {
      }
      %dma_start3A_403 = arith.constant 0 : i32
      %dma_start3A_404 = tpu.memref_slice %arg6[%add3A_397, %dma_start3A_403] : memref<80x128xi32, #tpu.memory_space<vmem>> -> memref<1x128xi32, #tpu.memory_space<vmem>>
      %dma_start3A_405 = tpu.memref_squeeze %dma_start3A_404 : memref<1x128xi32, #tpu.memory_space<vmem>> -> memref<128xi32, #tpu.memory_space<vmem>>
      %dma_start3A_406 = arith.constant 0 : i32
      %dma_start3A_407 = tpu.memref_slice %arg16[%dma_start3A_406] : memref<10240xf32, #tpu.memory_space<vmem_shared>> -> memref<10240xf32, #tpu.memory_space<vmem_shared>>
      tpu.enqueue_indirect_dma source(%arg12 : memref<128xf32, #tpu.memory_space<vmem>>) target(%dma_start3A_407 : memref<10240xf32, #tpu.memory_space<vmem_shared>>) offsets(%dma_start3A_405 : memref<128xi32, #tpu.memory_space<vmem>>) semaphore(%arg30 : memref<!tpu.dma_semaphore, #tpu.memory_space<semaphore_mem>>) {add = true}
      %mul3A_408 = arith.constant 8 : i32
      %mul3A_409 = arith.muli %scan3A_326, %mul3A_408 : i32
      %add3A_410 = arith.constant 6 : i32
      %add3A_411 = arith.addi %mul3A_409, %add3A_410 : i32
      %ge3A_412 = arith.constant 8 : i32
      %ge3A_413 = arith.cmpi sge, %add3A_411, %ge3A_412 : i32
      %convert_element_type3A_414 = arith.extui %ge3A_413 : i1 to i32
      %cond3A_415 = arith.constant 0 : i32
      %cond3A_416 = arith.cmpi ne, %convert_element_type3A_414, %cond3A_415 : i32
      scf.if %cond3A_416 {
        %dma_wait3A_437 = arith.constant 0 : i32
        %dma_wait3A_438 = arith.constant 0 : i32
        %dma_wait3A_439 = tpu.memref_slice %arg6[%dma_wait3A_437, %dma_wait3A_438] : memref<80x128xi32, #tpu.memory_space<vmem>> -> memref<1x128xi32, #tpu.memory_space<vmem>>
        %dma_wait3A_440 = tpu.memref_squeeze %dma_wait3A_439 : memref<1x128xi32, #tpu.memory_space<vmem>> -> memref<128xi32, #tpu.memory_space<vmem>>
        %dma_wait3A_441 = arith.constant 0 : i32
        %dma_wait3A_442 = tpu.memref_slice %arg16[%dma_wait3A_441] : memref<10240xf32, #tpu.memory_space<vmem_shared>> -> memref<10240xf32, #tpu.memory_space<vmem_shared>>
        tpu.wait_indirect_dma semaphore(%arg31 : memref<!tpu.dma_semaphore, #tpu.memory_space<semaphore_mem>>) src(%arg13 : memref<128xf32, #tpu.memory_space<vmem>>) dst(%dma_wait3A_442 : memref<10240xf32, #tpu.memory_space<vmem_shared>>)
      } else {
      }
      %dma_start3A_417 = arith.constant 0 : i32
      %dma_start3A_418 = tpu.memref_slice %arg6[%add3A_411, %dma_start3A_417] : memref<80x128xi32, #tpu.memory_space<vmem>> -> memref<1x128xi32, #tpu.memory_space<vmem>>
      %dma_start3A_419 = tpu.memref_squeeze %dma_start3A_418 : memref<1x128xi32, #tpu.memory_space<vmem>> -> memref<128xi32, #tpu.memory_space<vmem>>
      %dma_start3A_420 = arith.constant 0 : i32
      %dma_start3A_421 = tpu.memref_slice %arg16[%dma_start3A_420] : memref<10240xf32, #tpu.memory_space<vmem_shared>> -> memref<10240xf32, #tpu.memory_space<vmem_shared>>
      tpu.enqueue_indirect_dma source(%arg13 : memref<128xf32, #tpu.memory_space<vmem>>) target(%dma_start3A_421 : memref<10240xf32, #tpu.memory_space<vmem_shared>>) offsets(%dma_start3A_419 : memref<128xi32, #tpu.memory_space<vmem>>) semaphore(%arg31 : memref<!tpu.dma_semaphore, #tpu.memory_space<semaphore_mem>>) {add = true}
      %mul3A_422 = arith.constant 8 : i32
      %mul3A_423 = arith.muli %scan3A_326, %mul3A_422 : i32
      %add3A_424 = arith.constant 7 : i32
      %add3A_425 = arith.addi %mul3A_423, %add3A_424 : i32
      %ge3A_426 = arith.constant 8 : i32
      %ge3A_427 = arith.cmpi sge, %add3A_425, %ge3A_426 : i32
      %convert_element_type3A_428 = arith.extui %ge3A_427 : i1 to i32
      %cond3A_429 = arith.constant 0 : i32
      %cond3A_430 = arith.cmpi ne, %convert_element_type3A_428, %cond3A_429 : i32
      scf.if %cond3A_430 {
        %dma_wait3A_437 = arith.constant 0 : i32
        %dma_wait3A_438 = arith.constant 0 : i32
        %dma_wait3A_439 = tpu.memref_slice %arg6[%dma_wait3A_437, %dma_wait3A_438] : memref<80x128xi32, #tpu.memory_space<vmem>> -> memref<1x128xi32, #tpu.memory_space<vmem>>
        %dma_wait3A_440 = tpu.memref_squeeze %dma_wait3A_439 : memref<1x128xi32, #tpu.memory_space<vmem>> -> memref<128xi32, #tpu.memory_space<vmem>>
        %dma_wait3A_441 = arith.constant 0 : i32
        %dma_wait3A_442 = tpu.memref_slice %arg16[%dma_wait3A_441] : memref<10240xf32, #tpu.memory_space<vmem_shared>> -> memref<10240xf32, #tpu.memory_space<vmem_shared>>
        tpu.wait_indirect_dma semaphore(%arg32 : memref<!tpu.dma_semaphore, #tpu.memory_space<semaphore_mem>>) src(%arg14 : memref<128xf32, #tpu.memory_space<vmem>>) dst(%dma_wait3A_442 : memref<10240xf32, #tpu.memory_space<vmem_shared>>)
      } else {
      }
      %dma_start3A_431 = arith.constant 0 : i32
      %dma_start3A_432 = tpu.memref_slice %arg6[%add3A_425, %dma_start3A_431] : memref<80x128xi32, #tpu.memory_space<vmem>> -> memref<1x128xi32, #tpu.memory_space<vmem>>
      %dma_start3A_433 = tpu.memref_squeeze %dma_start3A_432 : memref<1x128xi32, #tpu.memory_space<vmem>> -> memref<128xi32, #tpu.memory_space<vmem>>
      %dma_start3A_434 = arith.constant 0 : i32
      %dma_start3A_435 = tpu.memref_slice %arg16[%dma_start3A_434] : memref<10240xf32, #tpu.memory_space<vmem_shared>> -> memref<10240xf32, #tpu.memory_space<vmem_shared>>
      tpu.enqueue_indirect_dma source(%arg14 : memref<128xf32, #tpu.memory_space<vmem>>) target(%dma_start3A_435 : memref<10240xf32, #tpu.memory_space<vmem_shared>>) offsets(%dma_start3A_433 : memref<128xi32, #tpu.memory_space<vmem>>) semaphore(%arg32 : memref<!tpu.dma_semaphore, #tpu.memory_space<semaphore_mem>>) {add = true}
      %scan3A_436 = arith.constant 0 : i32
      scf.yield %scan3A_436 : i32
    }
    %scan3A_273 = arith.constant 10 : i32
    %dma_wait3A = arith.constant 0 : i32
    %dma_wait3A_274 = arith.constant 0 : i32
    %dma_wait3A_275 = tpu.memref_slice %arg6[%dma_wait3A, %dma_wait3A_274] : memref<80x128xi32, #tpu.memory_space<vmem>> -> memref<1x128xi32, #tpu.memory_space<vmem>>
    %dma_wait3A_276 = tpu.memref_squeeze %dma_wait3A_275 : memref<1x128xi32, #tpu.memory_space<vmem>> -> memref<128xi32, #tpu.memory_space<vmem>>
    %dma_wait3A_277 = arith.constant 0 : i32
    %dma_wait3A_278 = tpu.memref_slice %arg16[%dma_wait3A_277] : memref<10240xf32, #tpu.memory_space<vmem_shared>> -> memref<10240xf32, #tpu.memory_space<vmem_shared>>
    tpu.wait_indirect_dma semaphore(%arg25 : memref<!tpu.dma_semaphore, #tpu.memory_space<semaphore_mem>>) src(%arg7 : memref<128xf32, #tpu.memory_space<vmem>>) dst(%dma_wait3A_278 : memref<10240xf32, #tpu.memory_space<vmem_shared>>)
    %dma_wait3A_279 = arith.constant 0 : i32
    %dma_wait3A_280 = arith.constant 0 : i32
    %dma_wait3A_281 = tpu.memref_slice %arg6[%dma_wait3A_279, %dma_wait3A_280] : memref<80x128xi32, #tpu.memory_space<vmem>> -> memref<1x128xi32, #tpu.memory_space<vmem>>
    %dma_wait3A_282 = tpu.memref_squeeze %dma_wait3A_281 : memref<1x128xi32, #tpu.memory_space<vmem>> -> memref<128xi32, #tpu.memory_space<vmem>>
    %dma_wait3A_283 = arith.constant 0 : i32
    %dma_wait3A_284 = tpu.memref_slice %arg16[%dma_wait3A_283] : memref<10240xf32, #tpu.memory_space<vmem_shared>> -> memref<10240xf32, #tpu.memory_space<vmem_shared>>
    tpu.wait_indirect_dma semaphore(%arg26 : memref<!tpu.dma_semaphore, #tpu.memory_space<semaphore_mem>>) src(%arg8 : memref<128xf32, #tpu.memory_space<vmem>>) dst(%dma_wait3A_284 : memref<10240xf32, #tpu.memory_space<vmem_shared>>)
    %dma_wait3A_285 = arith.constant 0 : i32
    %dma_wait3A_286 = arith.constant 0 : i32
    %dma_wait3A_287 = tpu.memref_slice %arg6[%dma_wait3A_285, %dma_wait3A_286] : memref<80x128xi32, #tpu.memory_space<vmem>> -> memref<1x128xi32, #tpu.memory_space<vmem>>
    %dma_wait3A_288 = tpu.memref_squeeze %dma_wait3A_287 : memref<1x128xi32, #tpu.memory_space<vmem>> -> memref<128xi32, #tpu.memory_space<vmem>>
    %dma_wait3A_289 = arith.constant 0 : i32
    %dma_wait3A_290 = tpu.memref_slice %arg16[%dma_wait3A_289] : memref<10240xf32, #tpu.memory_space<vmem_shared>> -> memref<10240xf32, #tpu.memory_space<vmem_shared>>
    tpu.wait_indirect_dma semaphore(%arg27 : memref<!tpu.dma_semaphore, #tpu.memory_space<semaphore_mem>>) src(%arg9 : memref<128xf32, #tpu.memory_space<vmem>>) dst(%dma_wait3A_290 : memref<10240xf32, #tpu.memory_space<vmem_shared>>)
    %dma_wait3A_291 = arith.constant 0 : i32
    %dma_wait3A_292 = arith.constant 0 : i32
    %dma_wait3A_293 = tpu.memref_slice %arg6[%dma_wait3A_291, %dma_wait3A_292] : memref<80x128xi32, #tpu.memory_space<vmem>> -> memref<1x128xi32, #tpu.memory_space<vmem>>
    %dma_wait3A_294 = tpu.memref_squeeze %dma_wait3A_293 : memref<1x128xi32, #tpu.memory_space<vmem>> -> memref<128xi32, #tpu.memory_space<vmem>>
    %dma_wait3A_295 = arith.constant 0 : i32
    %dma_wait3A_296 = tpu.memref_slice %arg16[%dma_wait3A_295] : memref<10240xf32, #tpu.memory_space<vmem_shared>> -> memref<10240xf32, #tpu.memory_space<vmem_shared>>
    tpu.wait_indirect_dma semaphore(%arg28 : memref<!tpu.dma_semaphore, #tpu.memory_space<semaphore_mem>>) src(%arg10 : memref<128xf32, #tpu.memory_space<vmem>>) dst(%dma_wait3A_296 : memref<10240xf32, #tpu.memory_space<vmem_shared>>)
    %dma_wait3A_297 = arith.constant 0 : i32
    %dma_wait3A_298 = arith.constant 0 : i32
    %dma_wait3A_299 = tpu.memref_slice %arg6[%dma_wait3A_297, %dma_wait3A_298] : memref<80x128xi32, #tpu.memory_space<vmem>> -> memref<1x128xi32, #tpu.memory_space<vmem>>
    %dma_wait3A_300 = tpu.memref_squeeze %dma_wait3A_299 : memref<1x128xi32, #tpu.memory_space<vmem>> -> memref<128xi32, #tpu.memory_space<vmem>>
    %dma_wait3A_301 = arith.constant 0 : i32
    %dma_wait3A_302 = tpu.memref_slice %arg16[%dma_wait3A_301] : memref<10240xf32, #tpu.memory_space<vmem_shared>> -> memref<10240xf32, #tpu.memory_space<vmem_shared>>
    tpu.wait_indirect_dma semaphore(%arg29 : memref<!tpu.dma_semaphore, #tpu.memory_space<semaphore_mem>>) src(%arg11 : memref<128xf32, #tpu.memory_space<vmem>>) dst(%dma_wait3A_302 : memref<10240xf32, #tpu.memory_space<vmem_shared>>)
    %dma_wait3A_303 = arith.constant 0 : i32
    %dma_wait3A_304 = arith.constant 0 : i32
    %dma_wait3A_305 = tpu.memref_slice %arg6[%dma_wait3A_303, %dma_wait3A_304] : memref<80x128xi32, #tpu.memory_space<vmem>> -> memref<1x128xi32, #tpu.memory_space<vmem>>
    %dma_wait3A_306 = tpu.memref_squeeze %dma_wait3A_305 : memref<1x128xi32, #tpu.memory_space<vmem>> -> memref<128xi32, #tpu.memory_space<vmem>>
    %dma_wait3A_307 = arith.constant 0 : i32
    %dma_wait3A_308 = tpu.memref_slice %arg16[%dma_wait3A_307] : memref<10240xf32, #tpu.memory_space<vmem_shared>> -> memref<10240xf32, #tpu.memory_space<vmem_shared>>
    tpu.wait_indirect_dma semaphore(%arg30 : memref<!tpu.dma_semaphore, #tpu.memory_space<semaphore_mem>>) src(%arg12 : memref<128xf32, #tpu.memory_space<vmem>>) dst(%dma_wait3A_308 : memref<10240xf32, #tpu.memory_space<vmem_shared>>)
    %dma_wait3A_309 = arith.constant 0 : i32
    %dma_wait3A_310 = arith.constant 0 : i32
    %dma_wait3A_311 = tpu.memref_slice %arg6[%dma_wait3A_309, %dma_wait3A_310] : memref<80x128xi32, #tpu.memory_space<vmem>> -> memref<1x128xi32, #tpu.memory_space<vmem>>
    %dma_wait3A_312 = tpu.memref_squeeze %dma_wait3A_311 : memref<1x128xi32, #tpu.memory_space<vmem>> -> memref<128xi32, #tpu.memory_space<vmem>>
    %dma_wait3A_313 = arith.constant 0 : i32
    %dma_wait3A_314 = tpu.memref_slice %arg16[%dma_wait3A_313] : memref<10240xf32, #tpu.memory_space<vmem_shared>> -> memref<10240xf32, #tpu.memory_space<vmem_shared>>
    tpu.wait_indirect_dma semaphore(%arg31 : memref<!tpu.dma_semaphore, #tpu.memory_space<semaphore_mem>>) src(%arg13 : memref<128xf32, #tpu.memory_space<vmem>>) dst(%dma_wait3A_314 : memref<10240xf32, #tpu.memory_space<vmem_shared>>)
    %dma_wait3A_315 = arith.constant 0 : i32
    %dma_wait3A_316 = arith.constant 0 : i32
    %dma_wait3A_317 = tpu.memref_slice %arg6[%dma_wait3A_315, %dma_wait3A_316] : memref<80x128xi32, #tpu.memory_space<vmem>> -> memref<1x128xi32, #tpu.memory_space<vmem>>
    %dma_wait3A_318 = tpu.memref_squeeze %dma_wait3A_317 : memref<1x128xi32, #tpu.memory_space<vmem>> -> memref<128xi32, #tpu.memory_space<vmem>>
    %dma_wait3A_319 = arith.constant 0 : i32
    %dma_wait3A_320 = tpu.memref_slice %arg16[%dma_wait3A_319] : memref<10240xf32, #tpu.memory_space<vmem_shared>> -> memref<10240xf32, #tpu.memory_space<vmem_shared>>
    tpu.wait_indirect_dma semaphore(%arg32 : memref<!tpu.dma_semaphore, #tpu.memory_space<semaphore_mem>>) src(%arg14 : memref<128xf32, #tpu.memory_space<vmem>>) dst(%dma_wait3A_320 : memref<10240xf32, #tpu.memory_space<vmem_shared>>)
    %barrier3A_321 = arith.constant 0 : index
    tpu.barrier barrier_id(%barrier3A_321)
    %mul3A_322 = arith.constant 640 : i32
    %mul3A_323 = arith.muli %arg1, %mul3A_322 : i32
    %mul3A_324 = arith.constant 640 : i32
    %mul3A_325 = arith.muli %arg1, %mul3A_324 : i32
    "tpu.region"() ({
      %run_scoped3A_326 = tpu.sem_alloc : memref<!tpu.dma_semaphore, #tpu.memory_space<semaphore_mem>>
      %dma_start3A = tpu.memref_slice %arg4[%arg0, %mul3A_325] : memref<2x10240xf32, #tpu.memory_space<hbm>> -> memref<1x640xf32, #tpu.memory_space<hbm>>
      %dma_start3A_327 = tpu.memref_squeeze %dma_start3A : memref<1x640xf32, #tpu.memory_space<hbm>> -> memref<640xf32, #tpu.memory_space<hbm>>
      %dma_start3A_328 = tpu.memref_slice %arg16[%mul3A_323] : memref<10240xf32, #tpu.memory_space<vmem_shared>> -> memref<640xf32, #tpu.memory_space<vmem_shared>>
      tpu.enqueue_dma source(%dma_start3A_328 : memref<640xf32, #tpu.memory_space<vmem_shared>>) target(%dma_start3A_327 : memref<640xf32, #tpu.memory_space<hbm>>) target_semaphore(%run_scoped3A_326 : memref<!tpu.dma_semaphore, #tpu.memory_space<semaphore_mem>>)
      %dma_wait3A_329 = tpu.memref_slice %arg4[%arg0, %mul3A_325] : memref<2x10240xf32, #tpu.memory_space<hbm>> -> memref<1x640xf32, #tpu.memory_space<hbm>>
      %dma_wait3A_330 = tpu.memref_squeeze %dma_wait3A_329 : memref<1x640xf32, #tpu.memory_space<hbm>> -> memref<640xf32, #tpu.memory_space<hbm>>
      %dma_wait3A_331 = tpu.memref_slice %arg16[%mul3A_323] : memref<10240xf32, #tpu.memory_space<vmem_shared>> -> memref<640xf32, #tpu.memory_space<vmem_shared>>
      tpu.wait_dma2 semaphore(%run_scoped3A_326 : memref<!tpu.dma_semaphore, #tpu.memory_space<semaphore_mem>>) src(%dma_wait3A_331 : memref<640xf32, #tpu.memory_space<vmem_shared>>) dst(%dma_wait3A_330 : memref<640xf32, #tpu.memory_space<hbm>>)
      tpu.yield
    }) : () -> ()
    return
  }
}

#map = affine_map<(d0, d1) -> (0, 0, 0, 0)>
#map1 = affine_map<(d0, d1) -> (0, 0)>
#map2 = affine_map<(d0, d1) -> (0, 0, 0)>
module attributes {stable_mosaic.version = 14 : i64} {
  func.func @_seg128_body(%arg0: i32, %arg1: i32, %arg2: memref<2x32x80x128xi32, #tpu.memory_space<hbm>>, %arg3: memref<10240x128xf32, #tpu.memory_space<hbm>>, %arg4: memref<2x10240x128xf32, #tpu.memory_space<hbm>>, %arg5: memref<40x128xi32, #tpu.memory_space<vmem>>, %arg6: memref<40x128xi32, #tpu.memory_space<vmem>>, %arg7: memref<128x128xf32, #tpu.memory_space<vmem>>, %arg8: memref<128x128xf32, #tpu.memory_space<vmem>>, %arg9: memref<10240x128xf32, #tpu.memory_space<vmem_shared>>, %arg10: memref<!tpu.dma_semaphore, #tpu.memory_space<semaphore_mem>>, %arg11: memref<!tpu.dma_semaphore, #tpu.memory_space<semaphore_mem>>) attributes {dimension_semantics = [#tpu.dimension_semantics<core_parallel>, #tpu.dimension_semantics<subcore_parallel>], iteration_bounds = array<i64: 2, 16>, scalar_prefetch = 0 : i64, scratch_operands = 7 : i64, tpu.core_type = #tpu.core_type<sc_vector_subcore>, window_params = [{transform_indices = #map}, {transform_indices = #map1}, {transform_indices = #map2}]} {
    %mul3A = arith.constant 16 : i32
    %mul3A_0 = arith.muli %arg0, %mul3A : i32
    %add3A = arith.addi %mul3A_0, %arg1 : i32
    %broadcast_in_dim3A = arith.constant 0.000000e+00 : f32
    %broadcast_in_dim3A_1 = vector.broadcast %broadcast_in_dim3A : f32 to vector<16xf32>
    %scan3A = arith.constant 0 : i32
    %scan3A_2 = arith.constant 0 : i32
    %scan3A_3 = arith.constant 1024 : i32
    %scan3A_4 = arith.addi %scan3A_2, %scan3A_3 : i32
    %scan3A_5 = arith.constant 1 : i32
    %scan3A_6 = scf.for %scan3A_64 = %scan3A_2 to %scan3A_4 step %scan3A_5 iter_args(%scan3A_65 = %scan3A) -> (i32)  : i32 {
      %jit3A = arith.constant 8 : i32
      %div3A = arith.divsi %scan3A_64, %jit3A : i32
      %sign3A = arith.constant 0 : i32
      %sign3A_66 = arith.cmpi sgt, %scan3A_64, %sign3A : i32
      %sign3A_67 = arith.extui %sign3A_66 : i1 to i32
      %sign3A_68 = arith.constant 0 : i32
      %sign3A_69 = arith.cmpi slt, %scan3A_64, %sign3A_68 : i32
      %sign3A_70 = arith.extui %sign3A_69 : i1 to i32
      %sign3A_71 = arith.subi %sign3A_67, %sign3A_70 : i32
      %sign3A_72 = arith.constant 0 : i32
      %sign3A_73 = arith.cmpi sgt, %jit3A, %sign3A_72 : i32
      %sign3A_74 = arith.extui %sign3A_73 : i1 to i32
      %sign3A_75 = arith.constant 0 : i32
      %sign3A_76 = arith.cmpi slt, %jit3A, %sign3A_75 : i32
      %sign3A_77 = arith.extui %sign3A_76 : i1 to i32
      %sign3A_78 = arith.subi %sign3A_74, %sign3A_77 : i32
      %ne3A = arith.cmpi ne, %sign3A_71, %sign3A_78 : i32
      %rem3A = arith.remsi %scan3A_64, %jit3A : i32
      %ne3A_79 = arith.constant 0 : i32
      %ne3A_80 = arith.cmpi ne, %rem3A, %ne3A_79 : i32
      %and3A = arith.andi %ne3A, %ne3A_80 : i1
      %sub3A = arith.constant 1 : i32
      %sub3A_81 = arith.subi %div3A, %sub3A : i32
      %select_n3A = arith.select %and3A, %sub3A_81, %div3A : i32
      %jit3A_82 = arith.constant 8 : i32
      %eq3A = arith.constant 0 : i32
      %eq3A_83 = arith.cmpi eq, %jit3A_82, %eq3A : i32
      %jit3A_84 = arith.constant 1 : i32
      %select_n3A_85 = arith.select %eq3A_83, %jit3A_84, %jit3A_82 : i32
      %rem3A_86 = arith.remsi %scan3A_64, %select_n3A_85 : i32
      %ne3A_87 = arith.constant 0 : i32
      %ne3A_88 = arith.cmpi ne, %rem3A_86, %ne3A_87 : i32
      %lt3A = arith.constant 0 : i32
      %lt3A_89 = arith.cmpi slt, %rem3A_86, %lt3A : i32
      %lt3A_90 = arith.constant 0 : i32
      %lt3A_91 = arith.cmpi slt, %select_n3A_85, %lt3A_90 : i32
      %ne3A_92 = arith.xori %lt3A_89, %lt3A_91 : i1
      %and3A_93 = arith.andi %ne3A_92, %ne3A_88 : i1
      %add3A_94 = arith.addi %rem3A_86, %select_n3A_85 : i32
      %select_n3A_95 = arith.select %and3A_93, %add3A_94, %rem3A_86 : i32
      %mul3A_96 = arith.constant 16 : i32
      %mul3A_97 = arith.muli %select_n3A_95, %mul3A_96 : i32
      %swap3A = arith.index_cast %select_n3A : i32 to index
      %swap3A_98 = arith.index_cast %mul3A_97 : i32 to index
      %swap3A_99 = tpu.vector_load %arg7[%swap3A, %swap3A_98] {strides = array<i32>} : memref<128x128xf32, #tpu.memory_space<vmem>>, vector<1x16xf32>,
      %swap3A_100 = vector.shape_cast %swap3A_99 : vector<1x16xf32> to vector<16xf32>
      %swap3A_101 = vector.shape_cast %broadcast_in_dim3A_1 : vector<16xf32> to vector<1x16xf32>
      tpu.vector_store %arg7[%swap3A, %swap3A_98], %swap3A_101 {strides = array<i32>} : memref<128x128xf32, #tpu.memory_space<vmem>>, vector<1x16xf32>,
      %scan3A_102 = arith.constant 0 : i32
      scf.yield %scan3A_102 : i32
    }
    %scan3A_7 = arith.constant 1024 : i32
    %scan3A_8 = arith.constant 0 : i32
    %scan3A_9 = arith.constant 0 : i32
    %scan3A_10 = arith.constant 5 : i32
    %scan3A_11 = arith.addi %scan3A_9, %scan3A_10 : i32
    %scan3A_12 = arith.constant 1 : i32
    %scan3A_13 = scf.for %scan3A_64 = %scan3A_9 to %scan3A_11 step %scan3A_12 iter_args(%scan3A_65 = %scan3A_8) -> (i32)  : i32 {
      %mul3A_66 = arith.constant 640 : i32
      %mul3A_67 = arith.muli %arg1, %mul3A_66 : i32
      %mul3A_68 = arith.constant 128 : i32
      %mul3A_69 = arith.muli %scan3A_64, %mul3A_68 : i32
      %add3A_70 = arith.addi %mul3A_67, %mul3A_69 : i32
      "tpu.region"() ({
        %run_scoped3A_72 = tpu.sem_alloc : memref<!tpu.dma_semaphore, #tpu.memory_space<semaphore_mem>>
        %dma_start3A_73 = arith.constant 0 : i32
        %dma_start3A_74 = tpu.memref_slice %arg9[%add3A_70, %dma_start3A_73] : memref<10240x128xf32, #tpu.memory_space<vmem_shared>> -> memref<128x128xf32, #tpu.memory_space<vmem_shared>>
        %dma_start3A_75 = arith.constant 0 : i32
        %dma_start3A_76 = tpu.memref_slice %arg9[%add3A_70, %dma_start3A_75] : memref<10240x128xf32, #tpu.memory_space<vmem_shared>> -> memref<128x128xf32, #tpu.memory_space<vmem_shared>>
        tpu.enqueue_dma source(%arg7 : memref<128x128xf32, #tpu.memory_space<vmem>>) target(%dma_start3A_76 : memref<128x128xf32, #tpu.memory_space<vmem_shared>>) target_semaphore(%run_scoped3A_72 : memref<!tpu.dma_semaphore, #tpu.memory_space<semaphore_mem>>)
        %dma_wait3A = arith.constant 0 : i32
        %dma_wait3A_77 = tpu.memref_slice %arg9[%add3A_70, %dma_wait3A] : memref<10240x128xf32, #tpu.memory_space<vmem_shared>> -> memref<128x128xf32, #tpu.memory_space<vmem_shared>>
        %dma_wait3A_78 = arith.constant 0 : i32
        %dma_wait3A_79 = tpu.memref_slice %arg9[%add3A_70, %dma_wait3A_78] : memref<10240x128xf32, #tpu.memory_space<vmem_shared>> -> memref<128x128xf32, #tpu.memory_space<vmem_shared>>
        tpu.wait_dma2 semaphore(%run_scoped3A_72 : memref<!tpu.dma_semaphore, #tpu.memory_space<semaphore_mem>>) src(%arg7 : memref<128x128xf32, #tpu.memory_space<vmem>>) dst(%dma_wait3A_79 : memref<128x128xf32, #tpu.memory_space<vmem_shared>>)
        tpu.yield
      }) : () -> ()
      %scan3A_71 = arith.constant 0 : i32
      scf.yield %scan3A_71 : i32
    }
    %scan3A_14 = arith.constant 5 : i32
    %barrier3A = arith.constant 0 : index
    tpu.barrier barrier_id(%barrier3A)
    %run_scoped3A = arith.constant 0 : i32
    "tpu.region"() ({
      %run_scoped3A_64 = tpu.sem_alloc : memref<!tpu.dma_semaphore, #tpu.memory_space<semaphore_mem>>
      %dma_start3A_65 = arith.constant 0 : i32
      %dma_start3A_66 = arith.constant 0 : i32
      %dma_start3A_67 = tpu.memref_slice %arg2[%run_scoped3A, %add3A, %dma_start3A_65, %dma_start3A_66] : memref<2x32x80x128xi32, #tpu.memory_space<hbm>> -> memref<1x1x40x128xi32, #tpu.memory_space<hbm>>
      %dma_start3A_68 = tpu.memref_squeeze %dma_start3A_67 : memref<1x1x40x128xi32, #tpu.memory_space<hbm>> -> memref<40x128xi32, #tpu.memory_space<hbm>>
      %dma_start3A_69 = arith.constant 0 : i32
      %dma_start3A_70 = arith.constant 0 : i32
      %dma_start3A_71 = tpu.memref_slice %arg2[%run_scoped3A, %add3A, %dma_start3A_69, %dma_start3A_70] : memref<2x32x80x128xi32, #tpu.memory_space<hbm>> -> memref<1x1x40x128xi32, #tpu.memory_space<hbm>>
      %dma_start3A_72 = tpu.memref_squeeze %dma_start3A_71 : memref<1x1x40x128xi32, #tpu.memory_space<hbm>> -> memref<40x128xi32, #tpu.memory_space<hbm>>
      tpu.enqueue_dma source(%dma_start3A_72 : memref<40x128xi32, #tpu.memory_space<hbm>>) target(%arg5 : memref<40x128xi32, #tpu.memory_space<vmem>>) target_semaphore(%run_scoped3A_64 : memref<!tpu.dma_semaphore, #tpu.memory_space<semaphore_mem>>)
      %dma_wait3A = arith.constant 0 : i32
      %dma_wait3A_73 = arith.constant 0 : i32
      %dma_wait3A_74 = tpu.memref_slice %arg2[%run_scoped3A, %add3A, %dma_wait3A, %dma_wait3A_73] : memref<2x32x80x128xi32, #tpu.memory_space<hbm>> -> memref<1x1x40x128xi32, #tpu.memory_space<hbm>>
      %dma_wait3A_75 = tpu.memref_squeeze %dma_wait3A_74 : memref<1x1x40x128xi32, #tpu.memory_space<hbm>> -> memref<40x128xi32, #tpu.memory_space<hbm>>
      %dma_wait3A_76 = arith.constant 0 : i32
      %dma_wait3A_77 = arith.constant 0 : i32
      %dma_wait3A_78 = tpu.memref_slice %arg2[%run_scoped3A, %add3A, %dma_wait3A_76, %dma_wait3A_77] : memref<2x32x80x128xi32, #tpu.memory_space<hbm>> -> memref<1x1x40x128xi32, #tpu.memory_space<hbm>>
      %dma_wait3A_79 = tpu.memref_squeeze %dma_wait3A_78 : memref<1x1x40x128xi32, #tpu.memory_space<hbm>> -> memref<40x128xi32, #tpu.memory_space<hbm>>
      tpu.wait_dma2 semaphore(%run_scoped3A_64 : memref<!tpu.dma_semaphore, #tpu.memory_space<semaphore_mem>>) src(%dma_wait3A_79 : memref<40x128xi32, #tpu.memory_space<hbm>>) dst(%arg5 : memref<40x128xi32, #tpu.memory_space<vmem>>)
      tpu.yield
    }) : () -> ()
    %run_scoped3A_15 = arith.constant 1 : i32
    "tpu.region"() ({
      %run_scoped3A_64 = tpu.sem_alloc : memref<!tpu.dma_semaphore, #tpu.memory_space<semaphore_mem>>
      %dma_start3A_65 = arith.constant 0 : i32
      %dma_start3A_66 = arith.constant 0 : i32
      %dma_start3A_67 = tpu.memref_slice %arg2[%run_scoped3A_15, %add3A, %dma_start3A_65, %dma_start3A_66] : memref<2x32x80x128xi32, #tpu.memory_space<hbm>> -> memref<1x1x40x128xi32, #tpu.memory_space<hbm>>
      %dma_start3A_68 = tpu.memref_squeeze %dma_start3A_67 : memref<1x1x40x128xi32, #tpu.memory_space<hbm>> -> memref<40x128xi32, #tpu.memory_space<hbm>>
      %dma_start3A_69 = arith.constant 0 : i32
      %dma_start3A_70 = arith.constant 0 : i32
      %dma_start3A_71 = tpu.memref_slice %arg2[%run_scoped3A_15, %add3A, %dma_start3A_69, %dma_start3A_70] : memref<2x32x80x128xi32, #tpu.memory_space<hbm>> -> memref<1x1x40x128xi32, #tpu.memory_space<hbm>>
      %dma_start3A_72 = tpu.memref_squeeze %dma_start3A_71 : memref<1x1x40x128xi32, #tpu.memory_space<hbm>> -> memref<40x128xi32, #tpu.memory_space<hbm>>
      tpu.enqueue_dma source(%dma_start3A_72 : memref<40x128xi32, #tpu.memory_space<hbm>>) target(%arg6 : memref<40x128xi32, #tpu.memory_space<vmem>>) target_semaphore(%run_scoped3A_64 : memref<!tpu.dma_semaphore, #tpu.memory_space<semaphore_mem>>)
      %dma_wait3A = arith.constant 0 : i32
      %dma_wait3A_73 = arith.constant 0 : i32
      %dma_wait3A_74 = tpu.memref_slice %arg2[%run_scoped3A_15, %add3A, %dma_wait3A, %dma_wait3A_73] : memref<2x32x80x128xi32, #tpu.memory_space<hbm>> -> memref<1x1x40x128xi32, #tpu.memory_space<hbm>>
      %dma_wait3A_75 = tpu.memref_squeeze %dma_wait3A_74 : memref<1x1x40x128xi32, #tpu.memory_space<hbm>> -> memref<40x128xi32, #tpu.memory_space<hbm>>
      %dma_wait3A_76 = arith.constant 0 : i32
      %dma_wait3A_77 = arith.constant 0 : i32
      %dma_wait3A_78 = tpu.memref_slice %arg2[%run_scoped3A_15, %add3A, %dma_wait3A_76, %dma_wait3A_77] : memref<2x32x80x128xi32, #tpu.memory_space<hbm>> -> memref<1x1x40x128xi32, #tpu.memory_space<hbm>>
      %dma_wait3A_79 = tpu.memref_squeeze %dma_wait3A_78 : memref<1x1x40x128xi32, #tpu.memory_space<hbm>> -> memref<40x128xi32, #tpu.memory_space<hbm>>
      tpu.wait_dma2 semaphore(%run_scoped3A_64 : memref<!tpu.dma_semaphore, #tpu.memory_space<semaphore_mem>>) src(%dma_wait3A_79 : memref<40x128xi32, #tpu.memory_space<hbm>>) dst(%arg6 : memref<40x128xi32, #tpu.memory_space<vmem>>)
      tpu.yield
    }) : () -> ()
    %dma_start3A = arith.constant 0 : i32
    %dma_start3A_16 = arith.constant 0 : i32
    %dma_start3A_17 = tpu.memref_slice %arg5[%dma_start3A, %dma_start3A_16] : memref<40x128xi32, #tpu.memory_space<vmem>> -> memref<1x128xi32, #tpu.memory_space<vmem>>
    %dma_start3A_18 = tpu.memref_squeeze %dma_start3A_17 : memref<1x128xi32, #tpu.memory_space<vmem>> -> memref<128xi32, #tpu.memory_space<vmem>>
    %dma_start3A_19 = arith.constant 0 : i32
    %dma_start3A_20 = arith.constant 0 : i32
    %dma_start3A_21 = tpu.memref_slice %arg3[%dma_start3A_19, %dma_start3A_20] : memref<10240x128xf32, #tpu.memory_space<hbm>> -> memref<10240x128xf32, #tpu.memory_space<hbm>>
    tpu.enqueue_indirect_dma source(%dma_start3A_21 : memref<10240x128xf32, #tpu.memory_space<hbm>>) target(%arg7 : memref<128x128xf32, #tpu.memory_space<vmem>>) offsets(%dma_start3A_18 : memref<128xi32, #tpu.memory_space<vmem>>) semaphore(%arg10 : memref<!tpu.dma_semaphore, #tpu.memory_space<semaphore_mem>>)
    %dma_start3A_22 = arith.constant 1 : i32
    %dma_start3A_23 = arith.constant 0 : i32
    %dma_start3A_24 = tpu.memref_slice %arg5[%dma_start3A_22, %dma_start3A_23] : memref<40x128xi32, #tpu.memory_space<vmem>> -> memref<1x128xi32, #tpu.memory_space<vmem>>
    %dma_start3A_25 = tpu.memref_squeeze %dma_start3A_24 : memref<1x128xi32, #tpu.memory_space<vmem>> -> memref<128xi32, #tpu.memory_space<vmem>>
    %dma_start3A_26 = arith.constant 0 : i32
    %dma_start3A_27 = arith.constant 0 : i32
    %dma_start3A_28 = tpu.memref_slice %arg3[%dma_start3A_26, %dma_start3A_27] : memref<10240x128xf32, #tpu.memory_space<hbm>> -> memref<10240x128xf32, #tpu.memory_space<hbm>>
    tpu.enqueue_indirect_dma source(%dma_start3A_28 : memref<10240x128xf32, #tpu.memory_space<hbm>>) target(%arg8 : memref<128x128xf32, #tpu.memory_space<vmem>>) offsets(%dma_start3A_25 : memref<128xi32, #tpu.memory_space<vmem>>) semaphore(%arg11 : memref<!tpu.dma_semaphore, #tpu.memory_space<semaphore_mem>>)
    %scan3A_29 = arith.constant 0 : i32
    %scan3A_30 = arith.constant 0 : i32
    %scan3A_31 = arith.constant 20 : i32
    %scan3A_32 = arith.addi %scan3A_30, %scan3A_31 : i32
    %scan3A_33 = arith.constant 1 : i32
    %scan3A_34 = scf.for %scan3A_64 = %scan3A_30 to %scan3A_32 step %scan3A_33 iter_args(%scan3A_65 = %scan3A_29) -> (i32)  : i32 {
      %mul3A_66 = arith.constant 2 : i32
      %mul3A_67 = arith.muli %scan3A_64, %mul3A_66 : i32
      %add3A_68 = arith.constant 0 : i32
      %add3A_69 = arith.addi %mul3A_67, %add3A_68 : i32
      %dma_wait3A = arith.constant 0 : i32
      %dma_wait3A_70 = arith.constant 0 : i32
      %dma_wait3A_71 = tpu.memref_slice %arg5[%dma_wait3A, %dma_wait3A_70] : memref<40x128xi32, #tpu.memory_space<vmem>> -> memref<1x128xi32, #tpu.memory_space<vmem>>
      %dma_wait3A_72 = tpu.memref_squeeze %dma_wait3A_71 : memref<1x128xi32, #tpu.memory_space<vmem>> -> memref<128xi32, #tpu.memory_space<vmem>>
      %dma_wait3A_73 = arith.constant 0 : i32
      %dma_wait3A_74 = arith.constant 0 : i32
      %dma_wait3A_75 = tpu.memref_slice %arg3[%dma_wait3A_73, %dma_wait3A_74] : memref<10240x128xf32, #tpu.memory_space<hbm>> -> memref<10240x128xf32, #tpu.memory_space<hbm>>
      tpu.wait_indirect_dma semaphore(%arg10 : memref<!tpu.dma_semaphore, #tpu.memory_space<semaphore_mem>>) src(%dma_wait3A_75 : memref<10240x128xf32, #tpu.memory_space<hbm>>) dst(%arg7 : memref<128x128xf32, #tpu.memory_space<vmem>>)
      "tpu.region"() ({
        %run_scoped3A_99 = tpu.sem_alloc : memref<!tpu.dma_semaphore, #tpu.memory_space<semaphore_mem>>
        %dma_start3A_100 = arith.constant 0 : i32
        %dma_start3A_101 = tpu.memref_slice %arg6[%add3A_69, %dma_start3A_100] : memref<40x128xi32, #tpu.memory_space<vmem>> -> memref<1x128xi32, #tpu.memory_space<vmem>>
        %dma_start3A_102 = tpu.memref_squeeze %dma_start3A_101 : memref<1x128xi32, #tpu.memory_space<vmem>> -> memref<128xi32, #tpu.memory_space<vmem>>
        %dma_start3A_103 = arith.constant 0 : i32
        %dma_start3A_104 = arith.constant 0 : i32
        %dma_start3A_105 = tpu.memref_slice %arg9[%dma_start3A_103, %dma_start3A_104] : memref<10240x128xf32, #tpu.memory_space<vmem_shared>> -> memref<10240x128xf32, #tpu.memory_space<vmem_shared>>
        tpu.enqueue_indirect_dma source(%arg7 : memref<128x128xf32, #tpu.memory_space<vmem>>) target(%dma_start3A_105 : memref<10240x128xf32, #tpu.memory_space<vmem_shared>>) offsets(%dma_start3A_102 : memref<128xi32, #tpu.memory_space<vmem>>) semaphore(%run_scoped3A_99 : memref<!tpu.dma_semaphore, #tpu.memory_space<semaphore_mem>>) {add = true}
        %dma_wait3A_106 = arith.constant 0 : i32
        %dma_wait3A_107 = tpu.memref_slice %arg6[%add3A_69, %dma_wait3A_106] : memref<40x128xi32, #tpu.memory_space<vmem>> -> memref<1x128xi32, #tpu.memory_space<vmem>>
        %dma_wait3A_108 = tpu.memref_squeeze %dma_wait3A_107 : memref<1x128xi32, #tpu.memory_space<vmem>> -> memref<128xi32, #tpu.memory_space<vmem>>
        %dma_wait3A_109 = arith.constant 0 : i32
        %dma_wait3A_110 = arith.constant 0 : i32
        %dma_wait3A_111 = tpu.memref_slice %arg9[%dma_wait3A_109, %dma_wait3A_110] : memref<10240x128xf32, #tpu.memory_space<vmem_shared>> -> memref<10240x128xf32, #tpu.memory_space<vmem_shared>>
        tpu.wait_indirect_dma semaphore(%run_scoped3A_99 : memref<!tpu.dma_semaphore, #tpu.memory_space<semaphore_mem>>) src(%arg7 : memref<128x128xf32, #tpu.memory_space<vmem>>) dst(%dma_wait3A_111 : memref<10240x128xf32, #tpu.memory_space<vmem_shared>>)
        tpu.yield
      }) : () -> ()
      %add3A_76 = arith.constant 2 : i32
      %add3A_77 = arith.addi %add3A_69, %add3A_76 : i32
      %lt3A = arith.constant 40 : i32
      %lt3A_78 = arith.cmpi slt, %add3A_77, %lt3A : i32
      %convert_element_type3A = arith.extui %lt3A_78 : i1 to i32
      %cond3A = arith.constant 0 : i32
      %cond3A_79 = arith.cmpi ne, %convert_element_type3A, %cond3A : i32
      scf.if %cond3A_79 {
        %add3A_99 = arith.constant 2 : i32
        %add3A_100 = arith.addi %add3A_69, %add3A_99 : i32
        %dma_start3A_101 = arith.constant 0 : i32
        %dma_start3A_102 = tpu.memref_slice %arg5[%add3A_100, %dma_start3A_101] : memref<40x128xi32, #tpu.memory_space<vmem>> -> memref<1x128xi32, #tpu.memory_space<vmem>>
        %dma_start3A_103 = tpu.memref_squeeze %dma_start3A_102 : memref<1x128xi32, #tpu.memory_space<vmem>> -> memref<128xi32, #tpu.memory_space<vmem>>
        %dma_start3A_104 = arith.constant 0 : i32
        %dma_start3A_105 = arith.constant 0 : i32
        %dma_start3A_106 = tpu.memref_slice %arg3[%dma_start3A_104, %dma_start3A_105] : memref<10240x128xf32, #tpu.memory_space<hbm>> -> memref<10240x128xf32, #tpu.memory_space<hbm>>
        tpu.enqueue_indirect_dma source(%dma_start3A_106 : memref<10240x128xf32, #tpu.memory_space<hbm>>) target(%arg7 : memref<128x128xf32, #tpu.memory_space<vmem>>) offsets(%dma_start3A_103 : memref<128xi32, #tpu.memory_space<vmem>>) semaphore(%arg10 : memref<!tpu.dma_semaphore, #tpu.memory_space<semaphore_mem>>)
      } else {
      }
      %mul3A_80 = arith.constant 2 : i32
      %mul3A_81 = arith.muli %scan3A_64, %mul3A_80 : i32
      %add3A_82 = arith.constant 1 : i32
      %add3A_83 = arith.addi %mul3A_81, %add3A_82 : i32
      %dma_wait3A_84 = arith.constant 0 : i32
      %dma_wait3A_85 = arith.constant 0 : i32
      %dma_wait3A_86 = tpu.memref_slice %arg5[%dma_wait3A_84, %dma_wait3A_85] : memref<40x128xi32, #tpu.memory_space<vmem>> -> memref<1x128xi32, #tpu.memory_space<vmem>>
      %dma_wait3A_87 = tpu.memref_squeeze %dma_wait3A_86 : memref<1x128xi32, #tpu.memory_space<vmem>> -> memref<128xi32, #tpu.memory_space<vmem>>
      %dma_wait3A_88 = arith.constant 0 : i32
      %dma_wait3A_89 = arith.constant 0 : i32
      %dma_wait3A_90 = tpu.memref_slice %arg3[%dma_wait3A_88, %dma_wait3A_89] : memref<10240x128xf32, #tpu.memory_space<hbm>> -> memref<10240x128xf32, #tpu.memory_space<hbm>>
      tpu.wait_indirect_dma semaphore(%arg11 : memref<!tpu.dma_semaphore, #tpu.memory_space<semaphore_mem>>) src(%dma_wait3A_90 : memref<10240x128xf32, #tpu.memory_space<hbm>>) dst(%arg8 : memref<128x128xf32, #tpu.memory_space<vmem>>)
      "tpu.region"() ({
        %run_scoped3A_99 = tpu.sem_alloc : memref<!tpu.dma_semaphore, #tpu.memory_space<semaphore_mem>>
        %dma_start3A_100 = arith.constant 0 : i32
        %dma_start3A_101 = tpu.memref_slice %arg6[%add3A_83, %dma_start3A_100] : memref<40x128xi32, #tpu.memory_space<vmem>> -> memref<1x128xi32, #tpu.memory_space<vmem>>
        %dma_start3A_102 = tpu.memref_squeeze %dma_start3A_101 : memref<1x128xi32, #tpu.memory_space<vmem>> -> memref<128xi32, #tpu.memory_space<vmem>>
        %dma_start3A_103 = arith.constant 0 : i32
        %dma_start3A_104 = arith.constant 0 : i32
        %dma_start3A_105 = tpu.memref_slice %arg9[%dma_start3A_103, %dma_start3A_104] : memref<10240x128xf32, #tpu.memory_space<vmem_shared>> -> memref<10240x128xf32, #tpu.memory_space<vmem_shared>>
        tpu.enqueue_indirect_dma source(%arg8 : memref<128x128xf32, #tpu.memory_space<vmem>>) target(%dma_start3A_105 : memref<10240x128xf32, #tpu.memory_space<vmem_shared>>) offsets(%dma_start3A_102 : memref<128xi32, #tpu.memory_space<vmem>>) semaphore(%run_scoped3A_99 : memref<!tpu.dma_semaphore, #tpu.memory_space<semaphore_mem>>) {add = true}
        %dma_wait3A_106 = arith.constant 0 : i32
        %dma_wait3A_107 = tpu.memref_slice %arg6[%add3A_83, %dma_wait3A_106] : memref<40x128xi32, #tpu.memory_space<vmem>> -> memref<1x128xi32, #tpu.memory_space<vmem>>
        %dma_wait3A_108 = tpu.memref_squeeze %dma_wait3A_107 : memref<1x128xi32, #tpu.memory_space<vmem>> -> memref<128xi32, #tpu.memory_space<vmem>>
        %dma_wait3A_109 = arith.constant 0 : i32
        %dma_wait3A_110 = arith.constant 0 : i32
        %dma_wait3A_111 = tpu.memref_slice %arg9[%dma_wait3A_109, %dma_wait3A_110] : memref<10240x128xf32, #tpu.memory_space<vmem_shared>> -> memref<10240x128xf32, #tpu.memory_space<vmem_shared>>
        tpu.wait_indirect_dma semaphore(%run_scoped3A_99 : memref<!tpu.dma_semaphore, #tpu.memory_space<semaphore_mem>>) src(%arg8 : memref<128x128xf32, #tpu.memory_space<vmem>>) dst(%dma_wait3A_111 : memref<10240x128xf32, #tpu.memory_space<vmem_shared>>)
        tpu.yield
      }) : () -> ()
      %add3A_91 = arith.constant 2 : i32
      %add3A_92 = arith.addi %add3A_83, %add3A_91 : i32
      %lt3A_93 = arith.constant 40 : i32
      %lt3A_94 = arith.cmpi slt, %add3A_92, %lt3A_93 : i32
      %convert_element_type3A_95 = arith.extui %lt3A_94 : i1 to i32
      %cond3A_96 = arith.constant 0 : i32
      %cond3A_97 = arith.cmpi ne, %convert_element_type3A_95, %cond3A_96 : i32
      scf.if %cond3A_97 {
        %add3A_99 = arith.constant 2 : i32
        %add3A_100 = arith.addi %add3A_83, %add3A_99 : i32
        %dma_start3A_101 = arith.constant 0 : i32
        %dma_start3A_102 = tpu.memref_slice %arg5[%add3A_100, %dma_start3A_101] : memref<40x128xi32, #tpu.memory_space<vmem>> -> memref<1x128xi32, #tpu.memory_space<vmem>>
        %dma_start3A_103 = tpu.memref_squeeze %dma_start3A_102 : memref<1x128xi32, #tpu.memory_space<vmem>> -> memref<128xi32, #tpu.memory_space<vmem>>
        %dma_start3A_104 = arith.constant 0 : i32
        %dma_start3A_105 = arith.constant 0 : i32
        %dma_start3A_106 = tpu.memref_slice %arg3[%dma_start3A_104, %dma_start3A_105] : memref<10240x128xf32, #tpu.memory_space<hbm>> -> memref<10240x128xf32, #tpu.memory_space<hbm>>
        tpu.enqueue_indirect_dma source(%dma_start3A_106 : memref<10240x128xf32, #tpu.memory_space<hbm>>) target(%arg8 : memref<128x128xf32, #tpu.memory_space<vmem>>) offsets(%dma_start3A_103 : memref<128xi32, #tpu.memory_space<vmem>>) semaphore(%arg11 : memref<!tpu.dma_semaphore, #tpu.memory_space<semaphore_mem>>)
      } else {
      }
      %scan3A_98 = arith.constant 0 : i32
      scf.yield %scan3A_98 : i32
    }
    %scan3A_35 = arith.constant 20 : i32
    %run_scoped3A_36 = arith.constant 0 : i32
    "tpu.region"() ({
      %run_scoped3A_64 = tpu.sem_alloc : memref<!tpu.dma_semaphore, #tpu.memory_space<semaphore_mem>>
      %dma_start3A_65 = arith.constant 40 : i32
      %dma_start3A_66 = arith.constant 0 : i32
      %dma_start3A_67 = tpu.memref_slice %arg2[%run_scoped3A_36, %add3A, %dma_start3A_65, %dma_start3A_66] : memref<2x32x80x128xi32, #tpu.memory_space<hbm>> -> memref<1x1x40x128xi32, #tpu.memory_space<hbm>>
      %dma_start3A_68 = tpu.memref_squeeze %dma_start3A_67 : memref<1x1x40x128xi32, #tpu.memory_space<hbm>> -> memref<40x128xi32, #tpu.memory_space<hbm>>
      %dma_start3A_69 = arith.constant 40 : i32
      %dma_start3A_70 = arith.constant 0 : i32
      %dma_start3A_71 = tpu.memref_slice %arg2[%run_scoped3A_36, %add3A, %dma_start3A_69, %dma_start3A_70] : memref<2x32x80x128xi32, #tpu.memory_space<hbm>> -> memref<1x1x40x128xi32, #tpu.memory_space<hbm>>
      %dma_start3A_72 = tpu.memref_squeeze %dma_start3A_71 : memref<1x1x40x128xi32, #tpu.memory_space<hbm>> -> memref<40x128xi32, #tpu.memory_space<hbm>>
      tpu.enqueue_dma source(%dma_start3A_72 : memref<40x128xi32, #tpu.memory_space<hbm>>) target(%arg5 : memref<40x128xi32, #tpu.memory_space<vmem>>) target_semaphore(%run_scoped3A_64 : memref<!tpu.dma_semaphore, #tpu.memory_space<semaphore_mem>>)
      %dma_wait3A = arith.constant 40 : i32
      %dma_wait3A_73 = arith.constant 0 : i32
      %dma_wait3A_74 = tpu.memref_slice %arg2[%run_scoped3A_36, %add3A, %dma_wait3A, %dma_wait3A_73] : memref<2x32x80x128xi32, #tpu.memory_space<hbm>> -> memref<1x1x40x128xi32, #tpu.memory_space<hbm>>
      %dma_wait3A_75 = tpu.memref_squeeze %dma_wait3A_74 : memref<1x1x40x128xi32, #tpu.memory_space<hbm>> -> memref<40x128xi32, #tpu.memory_space<hbm>>
      %dma_wait3A_76 = arith.constant 40 : i32
      %dma_wait3A_77 = arith.constant 0 : i32
      %dma_wait3A_78 = tpu.memref_slice %arg2[%run_scoped3A_36, %add3A, %dma_wait3A_76, %dma_wait3A_77] : memref<2x32x80x128xi32, #tpu.memory_space<hbm>> -> memref<1x1x40x128xi32, #tpu.memory_space<hbm>>
      %dma_wait3A_79 = tpu.memref_squeeze %dma_wait3A_78 : memref<1x1x40x128xi32, #tpu.memory_space<hbm>> -> memref<40x128xi32, #tpu.memory_space<hbm>>
      tpu.wait_dma2 semaphore(%run_scoped3A_64 : memref<!tpu.dma_semaphore, #tpu.memory_space<semaphore_mem>>) src(%dma_wait3A_79 : memref<40x128xi32, #tpu.memory_space<hbm>>) dst(%arg5 : memref<40x128xi32, #tpu.memory_space<vmem>>)
      tpu.yield
    }) : () -> ()
    %run_scoped3A_37 = arith.constant 1 : i32
    "tpu.region"() ({
      %run_scoped3A_64 = tpu.sem_alloc : memref<!tpu.dma_semaphore, #tpu.memory_space<semaphore_mem>>
      %dma_start3A_65 = arith.constant 40 : i32
      %dma_start3A_66 = arith.constant 0 : i32
      %dma_start3A_67 = tpu.memref_slice %arg2[%run_scoped3A_37, %add3A, %dma_start3A_65, %dma_start3A_66] : memref<2x32x80x128xi32, #tpu.memory_space<hbm>> -> memref<1x1x40x128xi32, #tpu.memory_space<hbm>>
      %dma_start3A_68 = tpu.memref_squeeze %dma_start3A_67 : memref<1x1x40x128xi32, #tpu.memory_space<hbm>> -> memref<40x128xi32, #tpu.memory_space<hbm>>
      %dma_start3A_69 = arith.constant 40 : i32
      %dma_start3A_70 = arith.constant 0 : i32
      %dma_start3A_71 = tpu.memref_slice %arg2[%run_scoped3A_37, %add3A, %dma_start3A_69, %dma_start3A_70] : memref<2x32x80x128xi32, #tpu.memory_space<hbm>> -> memref<1x1x40x128xi32, #tpu.memory_space<hbm>>
      %dma_start3A_72 = tpu.memref_squeeze %dma_start3A_71 : memref<1x1x40x128xi32, #tpu.memory_space<hbm>> -> memref<40x128xi32, #tpu.memory_space<hbm>>
      tpu.enqueue_dma source(%dma_start3A_72 : memref<40x128xi32, #tpu.memory_space<hbm>>) target(%arg6 : memref<40x128xi32, #tpu.memory_space<vmem>>) target_semaphore(%run_scoped3A_64 : memref<!tpu.dma_semaphore, #tpu.memory_space<semaphore_mem>>)
      %dma_wait3A = arith.constant 40 : i32
      %dma_wait3A_73 = arith.constant 0 : i32
      %dma_wait3A_74 = tpu.memref_slice %arg2[%run_scoped3A_37, %add3A, %dma_wait3A, %dma_wait3A_73] : memref<2x32x80x128xi32, #tpu.memory_space<hbm>> -> memref<1x1x40x128xi32, #tpu.memory_space<hbm>>
      %dma_wait3A_75 = tpu.memref_squeeze %dma_wait3A_74 : memref<1x1x40x128xi32, #tpu.memory_space<hbm>> -> memref<40x128xi32, #tpu.memory_space<hbm>>
      %dma_wait3A_76 = arith.constant 40 : i32
      %dma_wait3A_77 = arith.constant 0 : i32
      %dma_wait3A_78 = tpu.memref_slice %arg2[%run_scoped3A_37, %add3A, %dma_wait3A_76, %dma_wait3A_77] : memref<2x32x80x128xi32, #tpu.memory_space<hbm>> -> memref<1x1x40x128xi32, #tpu.memory_space<hbm>>
      %dma_wait3A_79 = tpu.memref_squeeze %dma_wait3A_78 : memref<1x1x40x128xi32, #tpu.memory_space<hbm>> -> memref<40x128xi32, #tpu.memory_space<hbm>>
      tpu.wait_dma2 semaphore(%run_scoped3A_64 : memref<!tpu.dma_semaphore, #tpu.memory_space<semaphore_mem>>) src(%dma_wait3A_79 : memref<40x128xi32, #tpu.memory_space<hbm>>) dst(%arg6 : memref<40x128xi32, #tpu.memory_space<vmem>>)
      tpu.yield
    }) : () -> ()
    %dma_start3A_38 = arith.constant 0 : i32
    %dma_start3A_39 = arith.constant 0 : i32
    %dma_start3A_40 = tpu.memref_slice %arg5[%dma_start3A_38, %dma_start3A_39] : memref<40x128xi32, #tpu.memory_space<vmem>> -> memref<1x128xi32, #tpu.memory_space<vmem>>
    %dma_start3A_41 = tpu.memref_squeeze %dma_start3A_40 : memref<1x128xi32, #tpu.memory_space<vmem>> -> memref<128xi32, #tpu.memory_space<vmem>>
    %dma_start3A_42 = arith.constant 0 : i32
    %dma_start3A_43 = arith.constant 0 : i32
    %dma_start3A_44 = tpu.memref_slice %arg3[%dma_start3A_42, %dma_start3A_43] : memref<10240x128xf32, #tpu.memory_space<hbm>> -> memref<10240x128xf32, #tpu.memory_space<hbm>>
    tpu.enqueue_indirect_dma source(%dma_start3A_44 : memref<10240x128xf32, #tpu.memory_space<hbm>>) target(%arg7 : memref<128x128xf32, #tpu.memory_space<vmem>>) offsets(%dma_start3A_41 : memref<128xi32, #tpu.memory_space<vmem>>) semaphore(%arg10 : memref<!tpu.dma_semaphore, #tpu.memory_space<semaphore_mem>>)
    %dma_start3A_45 = arith.constant 1 : i32
    %dma_start3A_46 = arith.constant 0 : i32
    %dma_start3A_47 = tpu.memref_slice %arg5[%dma_start3A_45, %dma_start3A_46] : memref<40x128xi32, #tpu.memory_space<vmem>> -> memref<1x128xi32, #tpu.memory_space<vmem>>
    %dma_start3A_48 = tpu.memref_squeeze %dma_start3A_47 : memref<1x128xi32, #tpu.memory_space<vmem>> -> memref<128xi32, #tpu.memory_space<vmem>>
    %dma_start3A_49 = arith.constant 0 : i32
    %dma_start3A_50 = arith.constant 0 : i32
    %dma_start3A_51 = tpu.memref_slice %arg3[%dma_start3A_49, %dma_start3A_50] : memref<10240x128xf32, #tpu.memory_space<hbm>> -> memref<10240x128xf32, #tpu.memory_space<hbm>>
    tpu.enqueue_indirect_dma source(%dma_start3A_51 : memref<10240x128xf32, #tpu.memory_space<hbm>>) target(%arg8 : memref<128x128xf32, #tpu.memory_space<vmem>>) offsets(%dma_start3A_48 : memref<128xi32, #tpu.memory_space<vmem>>) semaphore(%arg11 : memref<!tpu.dma_semaphore, #tpu.memory_space<semaphore_mem>>)
    %scan3A_52 = arith.constant 0 : i32
    %scan3A_53 = arith.constant 0 : i32
    %scan3A_54 = arith.constant 20 : i32
    %scan3A_55 = arith.addi %scan3A_53, %scan3A_54 : i32
    %scan3A_56 = arith.constant 1 : i32
    %scan3A_57 = scf.for %scan3A_64 = %scan3A_53 to %scan3A_55 step %scan3A_56 iter_args(%scan3A_65 = %scan3A_52) -> (i32)  : i32 {
      %mul3A_66 = arith.constant 2 : i32
      %mul3A_67 = arith.muli %scan3A_64, %mul3A_66 : i32
      %add3A_68 = arith.constant 0 : i32
      %add3A_69 = arith.addi %mul3A_67, %add3A_68 : i32
      %dma_wait3A = arith.constant 0 : i32
      %dma_wait3A_70 = arith.constant 0 : i32
      %dma_wait3A_71 = tpu.memref_slice %arg5[%dma_wait3A, %dma_wait3A_70] : memref<40x128xi32, #tpu.memory_space<vmem>> -> memref<1x128xi32, #tpu.memory_space<vmem>>
      %dma_wait3A_72 = tpu.memref_squeeze %dma_wait3A_71 : memref<1x128xi32, #tpu.memory_space<vmem>> -> memref<128xi32, #tpu.memory_space<vmem>>
      %dma_wait3A_73 = arith.constant 0 : i32
      %dma_wait3A_74 = arith.constant 0 : i32
      %dma_wait3A_75 = tpu.memref_slice %arg3[%dma_wait3A_73, %dma_wait3A_74] : memref<10240x128xf32, #tpu.memory_space<hbm>> -> memref<10240x128xf32, #tpu.memory_space<hbm>>
      tpu.wait_indirect_dma semaphore(%arg10 : memref<!tpu.dma_semaphore, #tpu.memory_space<semaphore_mem>>) src(%dma_wait3A_75 : memref<10240x128xf32, #tpu.memory_space<hbm>>) dst(%arg7 : memref<128x128xf32, #tpu.memory_space<vmem>>)
      "tpu.region"() ({
        %run_scoped3A_99 = tpu.sem_alloc : memref<!tpu.dma_semaphore, #tpu.memory_space<semaphore_mem>>
        %dma_start3A_100 = arith.constant 0 : i32
        %dma_start3A_101 = tpu.memref_slice %arg6[%add3A_69, %dma_start3A_100] : memref<40x128xi32, #tpu.memory_space<vmem>> -> memref<1x128xi32, #tpu.memory_space<vmem>>
        %dma_start3A_102 = tpu.memref_squeeze %dma_start3A_101 : memref<1x128xi32, #tpu.memory_space<vmem>> -> memref<128xi32, #tpu.memory_space<vmem>>
        %dma_start3A_103 = arith.constant 0 : i32
        %dma_start3A_104 = arith.constant 0 : i32
        %dma_start3A_105 = tpu.memref_slice %arg9[%dma_start3A_103, %dma_start3A_104] : memref<10240x128xf32, #tpu.memory_space<vmem_shared>> -> memref<10240x128xf32, #tpu.memory_space<vmem_shared>>
        tpu.enqueue_indirect_dma source(%arg7 : memref<128x128xf32, #tpu.memory_space<vmem>>) target(%dma_start3A_105 : memref<10240x128xf32, #tpu.memory_space<vmem_shared>>) offsets(%dma_start3A_102 : memref<128xi32, #tpu.memory_space<vmem>>) semaphore(%run_scoped3A_99 : memref<!tpu.dma_semaphore, #tpu.memory_space<semaphore_mem>>) {add = true}
        %dma_wait3A_106 = arith.constant 0 : i32
        %dma_wait3A_107 = tpu.memref_slice %arg6[%add3A_69, %dma_wait3A_106] : memref<40x128xi32, #tpu.memory_space<vmem>> -> memref<1x128xi32, #tpu.memory_space<vmem>>
        %dma_wait3A_108 = tpu.memref_squeeze %dma_wait3A_107 : memref<1x128xi32, #tpu.memory_space<vmem>> -> memref<128xi32, #tpu.memory_space<vmem>>
        %dma_wait3A_109 = arith.constant 0 : i32
        %dma_wait3A_110 = arith.constant 0 : i32
        %dma_wait3A_111 = tpu.memref_slice %arg9[%dma_wait3A_109, %dma_wait3A_110] : memref<10240x128xf32, #tpu.memory_space<vmem_shared>> -> memref<10240x128xf32, #tpu.memory_space<vmem_shared>>
        tpu.wait_indirect_dma semaphore(%run_scoped3A_99 : memref<!tpu.dma_semaphore, #tpu.memory_space<semaphore_mem>>) src(%arg7 : memref<128x128xf32, #tpu.memory_space<vmem>>) dst(%dma_wait3A_111 : memref<10240x128xf32, #tpu.memory_space<vmem_shared>>)
        tpu.yield
      }) : () -> ()
      %add3A_76 = arith.constant 2 : i32
      %add3A_77 = arith.addi %add3A_69, %add3A_76 : i32
      %lt3A = arith.constant 40 : i32
      %lt3A_78 = arith.cmpi slt, %add3A_77, %lt3A : i32
      %convert_element_type3A = arith.extui %lt3A_78 : i1 to i32
      %cond3A = arith.constant 0 : i32
      %cond3A_79 = arith.cmpi ne, %convert_element_type3A, %cond3A : i32
      scf.if %cond3A_79 {
        %add3A_99 = arith.constant 2 : i32
        %add3A_100 = arith.addi %add3A_69, %add3A_99 : i32
        %dma_start3A_101 = arith.constant 0 : i32
        %dma_start3A_102 = tpu.memref_slice %arg5[%add3A_100, %dma_start3A_101] : memref<40x128xi32, #tpu.memory_space<vmem>> -> memref<1x128xi32, #tpu.memory_space<vmem>>
        %dma_start3A_103 = tpu.memref_squeeze %dma_start3A_102 : memref<1x128xi32, #tpu.memory_space<vmem>> -> memref<128xi32, #tpu.memory_space<vmem>>
        %dma_start3A_104 = arith.constant 0 : i32
        %dma_start3A_105 = arith.constant 0 : i32
        %dma_start3A_106 = tpu.memref_slice %arg3[%dma_start3A_104, %dma_start3A_105] : memref<10240x128xf32, #tpu.memory_space<hbm>> -> memref<10240x128xf32, #tpu.memory_space<hbm>>
        tpu.enqueue_indirect_dma source(%dma_start3A_106 : memref<10240x128xf32, #tpu.memory_space<hbm>>) target(%arg7 : memref<128x128xf32, #tpu.memory_space<vmem>>) offsets(%dma_start3A_103 : memref<128xi32, #tpu.memory_space<vmem>>) semaphore(%arg10 : memref<!tpu.dma_semaphore, #tpu.memory_space<semaphore_mem>>)
      } else {
      }
      %mul3A_80 = arith.constant 2 : i32
      %mul3A_81 = arith.muli %scan3A_64, %mul3A_80 : i32
      %add3A_82 = arith.constant 1 : i32
      %add3A_83 = arith.addi %mul3A_81, %add3A_82 : i32
      %dma_wait3A_84 = arith.constant 0 : i32
      %dma_wait3A_85 = arith.constant 0 : i32
      %dma_wait3A_86 = tpu.memref_slice %arg5[%dma_wait3A_84, %dma_wait3A_85] : memref<40x128xi32, #tpu.memory_space<vmem>> -> memref<1x128xi32, #tpu.memory_space<vmem>>
      %dma_wait3A_87 = tpu.memref_squeeze %dma_wait3A_86 : memref<1x128xi32, #tpu.memory_space<vmem>> -> memref<128xi32, #tpu.memory_space<vmem>>
      %dma_wait3A_88 = arith.constant 0 : i32
      %dma_wait3A_89 = arith.constant 0 : i32
      %dma_wait3A_90 = tpu.memref_slice %arg3[%dma_wait3A_88, %dma_wait3A_89] : memref<10240x128xf32, #tpu.memory_space<hbm>> -> memref<10240x128xf32, #tpu.memory_space<hbm>>
      tpu.wait_indirect_dma semaphore(%arg11 : memref<!tpu.dma_semaphore, #tpu.memory_space<semaphore_mem>>) src(%dma_wait3A_90 : memref<10240x128xf32, #tpu.memory_space<hbm>>) dst(%arg8 : memref<128x128xf32, #tpu.memory_space<vmem>>)
      "tpu.region"() ({
        %run_scoped3A_99 = tpu.sem_alloc : memref<!tpu.dma_semaphore, #tpu.memory_space<semaphore_mem>>
        %dma_start3A_100 = arith.constant 0 : i32
        %dma_start3A_101 = tpu.memref_slice %arg6[%add3A_83, %dma_start3A_100] : memref<40x128xi32, #tpu.memory_space<vmem>> -> memref<1x128xi32, #tpu.memory_space<vmem>>
        %dma_start3A_102 = tpu.memref_squeeze %dma_start3A_101 : memref<1x128xi32, #tpu.memory_space<vmem>> -> memref<128xi32, #tpu.memory_space<vmem>>
        %dma_start3A_103 = arith.constant 0 : i32
        %dma_start3A_104 = arith.constant 0 : i32
        %dma_start3A_105 = tpu.memref_slice %arg9[%dma_start3A_103, %dma_start3A_104] : memref<10240x128xf32, #tpu.memory_space<vmem_shared>> -> memref<10240x128xf32, #tpu.memory_space<vmem_shared>>
        tpu.enqueue_indirect_dma source(%arg8 : memref<128x128xf32, #tpu.memory_space<vmem>>) target(%dma_start3A_105 : memref<10240x128xf32, #tpu.memory_space<vmem_shared>>) offsets(%dma_start3A_102 : memref<128xi32, #tpu.memory_space<vmem>>) semaphore(%run_scoped3A_99 : memref<!tpu.dma_semaphore, #tpu.memory_space<semaphore_mem>>) {add = true}
        %dma_wait3A_106 = arith.constant 0 : i32
        %dma_wait3A_107 = tpu.memref_slice %arg6[%add3A_83, %dma_wait3A_106] : memref<40x128xi32, #tpu.memory_space<vmem>> -> memref<1x128xi32, #tpu.memory_space<vmem>>
        %dma_wait3A_108 = tpu.memref_squeeze %dma_wait3A_107 : memref<1x128xi32, #tpu.memory_space<vmem>> -> memref<128xi32, #tpu.memory_space<vmem>>
        %dma_wait3A_109 = arith.constant 0 : i32
        %dma_wait3A_110 = arith.constant 0 : i32
        %dma_wait3A_111 = tpu.memref_slice %arg9[%dma_wait3A_109, %dma_wait3A_110] : memref<10240x128xf32, #tpu.memory_space<vmem_shared>> -> memref<10240x128xf32, #tpu.memory_space<vmem_shared>>
        tpu.wait_indirect_dma semaphore(%run_scoped3A_99 : memref<!tpu.dma_semaphore, #tpu.memory_space<semaphore_mem>>) src(%arg8 : memref<128x128xf32, #tpu.memory_space<vmem>>) dst(%dma_wait3A_111 : memref<10240x128xf32, #tpu.memory_space<vmem_shared>>)
        tpu.yield
      }) : () -> ()
      %add3A_91 = arith.constant 2 : i32
      %add3A_92 = arith.addi %add3A_83, %add3A_91 : i32
      %lt3A_93 = arith.constant 40 : i32
      %lt3A_94 = arith.cmpi slt, %add3A_92, %lt3A_93 : i32
      %convert_element_type3A_95 = arith.extui %lt3A_94 : i1 to i32
      %cond3A_96 = arith.constant 0 : i32
      %cond3A_97 = arith.cmpi ne, %convert_element_type3A_95, %cond3A_96 : i32
      scf.if %cond3A_97 {
        %add3A_99 = arith.constant 2 : i32
        %add3A_100 = arith.addi %add3A_83, %add3A_99 : i32
        %dma_start3A_101 = arith.constant 0 : i32
        %dma_start3A_102 = tpu.memref_slice %arg5[%add3A_100, %dma_start3A_101] : memref<40x128xi32, #tpu.memory_space<vmem>> -> memref<1x128xi32, #tpu.memory_space<vmem>>
        %dma_start3A_103 = tpu.memref_squeeze %dma_start3A_102 : memref<1x128xi32, #tpu.memory_space<vmem>> -> memref<128xi32, #tpu.memory_space<vmem>>
        %dma_start3A_104 = arith.constant 0 : i32
        %dma_start3A_105 = arith.constant 0 : i32
        %dma_start3A_106 = tpu.memref_slice %arg3[%dma_start3A_104, %dma_start3A_105] : memref<10240x128xf32, #tpu.memory_space<hbm>> -> memref<10240x128xf32, #tpu.memory_space<hbm>>
        tpu.enqueue_indirect_dma source(%dma_start3A_106 : memref<10240x128xf32, #tpu.memory_space<hbm>>) target(%arg8 : memref<128x128xf32, #tpu.memory_space<vmem>>) offsets(%dma_start3A_103 : memref<128xi32, #tpu.memory_space<vmem>>) semaphore(%arg11 : memref<!tpu.dma_semaphore, #tpu.memory_space<semaphore_mem>>)
      } else {
      }
      %scan3A_98 = arith.constant 0 : i32
      scf.yield %scan3A_98 : i32
    }
    %scan3A_58 = arith.constant 20 : i32
    %barrier3A_59 = arith.constant 0 : index
    tpu.barrier barrier_id(%barrier3A_59)
    %mul3A_60 = arith.constant 640 : i32
    %mul3A_61 = arith.muli %arg1, %mul3A_60 : i32
    %mul3A_62 = arith.constant 640 : i32
    %mul3A_63 = arith.muli %arg1, %mul3A_62 : i32
    "tpu.region"() ({
      %run_scoped3A_64 = tpu.sem_alloc : memref<!tpu.dma_semaphore, #tpu.memory_space<semaphore_mem>>
      %dma_start3A_65 = arith.constant 0 : i32
      %dma_start3A_66 = tpu.memref_slice %arg4[%arg0, %mul3A_63, %dma_start3A_65] : memref<2x10240x128xf32, #tpu.memory_space<hbm>> -> memref<1x640x128xf32, #tpu.memory_space<hbm>>
      %dma_start3A_67 = tpu.memref_squeeze %dma_start3A_66 : memref<1x640x128xf32, #tpu.memory_space<hbm>> -> memref<640x128xf32, #tpu.memory_space<hbm>>
      %dma_start3A_68 = arith.constant 0 : i32
      %dma_start3A_69 = tpu.memref_slice %arg9[%mul3A_61, %dma_start3A_68] : memref<10240x128xf32, #tpu.memory_space<vmem_shared>> -> memref<640x128xf32, #tpu.memory_space<vmem_shared>>
      tpu.enqueue_dma source(%dma_start3A_69 : memref<640x128xf32, #tpu.memory_space<vmem_shared>>) target(%dma_start3A_67 : memref<640x128xf32, #tpu.memory_space<hbm>>) target_semaphore(%run_scoped3A_64 : memref<!tpu.dma_semaphore, #tpu.memory_space<semaphore_mem>>)
      %dma_wait3A = arith.constant 0 : i32
      %dma_wait3A_70 = tpu.memref_slice %arg4[%arg0, %mul3A_63, %dma_wait3A] : memref<2x10240x128xf32, #tpu.memory_space<hbm>> -> memref<1x640x128xf32, #tpu.memory_space<hbm>>
      %dma_wait3A_71 = tpu.memref_squeeze %dma_wait3A_70 : memref<1x640x128xf32, #tpu.memory_space<hbm>> -> memref<640x128xf32, #tpu.memory_space<hbm>>
      %dma_wait3A_72 = arith.constant 0 : i32
      %dma_wait3A_73 = tpu.memref_slice %arg9[%mul3A_61, %dma_wait3A_72] : memref<10240x128xf32, #tpu.memory_space<vmem_shared>> -> memref<640x128xf32, #tpu.memory_space<vmem_shared>>
      tpu.wait_dma2 semaphore(%run_scoped3A_64 : memref<!tpu.dma_semaphore, #tpu.memory_space<semaphore_mem>>) src(%dma_wait3A_73 : memref<640x128xf32, #tpu.memory_space<vmem_shared>>) dst(%dma_wait3A_71 : memref<640x128xf32, #tpu.memory_space<hbm>>)
      tpu.yield
    }) : () -> ()
    return
  }
}

#map = affine_map<(d0, d1) -> (0, 0, 0, 0)>
#map1 = affine_map<(d0, d1) -> (0, 0)>
#map2 = affine_map<(d0, d1) -> (0, 0, 0)>
module attributes {stable_mosaic.version = 14 : i64} {
  func.func @_seg128_body(%arg0: i32, %arg1: i32, %arg2: memref<2x32x80x128xi32, #tpu.memory_space<hbm>>, %arg3: memref<10240x128xf32, #tpu.memory_space<hbm>>, %arg4: memref<2x10240x128xf32, #tpu.memory_space<hbm>>, %arg5: memref<40x128xi32, #tpu.memory_space<vmem>>, %arg6: memref<40x128xi32, #tpu.memory_space<vmem>>, %arg7: memref<128x128xf32, #tpu.memory_space<vmem>>, %arg8: memref<128x128xf32, #tpu.memory_space<vmem>>, %arg9: memref<10240x128xf32, #tpu.memory_space<vmem_shared>>, %arg10: memref<!tpu.dma_semaphore, #tpu.memory_space<semaphore_mem>>, %arg11: memref<!tpu.dma_semaphore, #tpu.memory_space<semaphore_mem>>) attributes {dimension_semantics = [#tpu.dimension_semantics<core_parallel>, #tpu.dimension_semantics<subcore_parallel>], iteration_bounds = array<i64: 2, 16>, scalar_prefetch = 0 : i64, scratch_operands = 7 : i64, tpu.core_type = #tpu.core_type<sc_vector_subcore>, window_params = [{transform_indices = #map}, {transform_indices = #map1}, {transform_indices = #map2}]} {
    %mul3A = arith.constant 16 : i32
    %mul3A_0 = arith.muli %arg0, %mul3A : i32
    %add3A = arith.addi %mul3A_0, %arg1 : i32
    %broadcast_in_dim3A = arith.constant 0.000000e+00 : f32
    %broadcast_in_dim3A_1 = vector.broadcast %broadcast_in_dim3A : f32 to vector<16xf32>
    %scan3A = arith.constant 0 : i32
    %scan3A_2 = arith.constant 0 : i32
    %scan3A_3 = arith.constant 1024 : i32
    %scan3A_4 = arith.addi %scan3A_2, %scan3A_3 : i32
    %scan3A_5 = arith.constant 1 : i32
    %scan3A_6 = scf.for %scan3A_64 = %scan3A_2 to %scan3A_4 step %scan3A_5 iter_args(%scan3A_65 = %scan3A) -> (i32)  : i32 {
      %jit3A = arith.constant 8 : i32
      %div3A = arith.divsi %scan3A_64, %jit3A : i32
      %sign3A = arith.constant 0 : i32
      %sign3A_66 = arith.cmpi sgt, %scan3A_64, %sign3A : i32
      %sign3A_67 = arith.extui %sign3A_66 : i1 to i32
      %sign3A_68 = arith.constant 0 : i32
      %sign3A_69 = arith.cmpi slt, %scan3A_64, %sign3A_68 : i32
      %sign3A_70 = arith.extui %sign3A_69 : i1 to i32
      %sign3A_71 = arith.subi %sign3A_67, %sign3A_70 : i32
      %sign3A_72 = arith.constant 0 : i32
      %sign3A_73 = arith.cmpi sgt, %jit3A, %sign3A_72 : i32
      %sign3A_74 = arith.extui %sign3A_73 : i1 to i32
      %sign3A_75 = arith.constant 0 : i32
      %sign3A_76 = arith.cmpi slt, %jit3A, %sign3A_75 : i32
      %sign3A_77 = arith.extui %sign3A_76 : i1 to i32
      %sign3A_78 = arith.subi %sign3A_74, %sign3A_77 : i32
      %ne3A = arith.cmpi ne, %sign3A_71, %sign3A_78 : i32
      %rem3A = arith.remsi %scan3A_64, %jit3A : i32
      %ne3A_79 = arith.constant 0 : i32
      %ne3A_80 = arith.cmpi ne, %rem3A, %ne3A_79 : i32
      %and3A = arith.andi %ne3A, %ne3A_80 : i1
      %sub3A = arith.constant 1 : i32
      %sub3A_81 = arith.subi %div3A, %sub3A : i32
      %select_n3A = arith.select %and3A, %sub3A_81, %div3A : i32
      %jit3A_82 = arith.constant 8 : i32
      %eq3A = arith.constant 0 : i32
      %eq3A_83 = arith.cmpi eq, %jit3A_82, %eq3A : i32
      %jit3A_84 = arith.constant 1 : i32
      %select_n3A_85 = arith.select %eq3A_83, %jit3A_84, %jit3A_82 : i32
      %rem3A_86 = arith.remsi %scan3A_64, %select_n3A_85 : i32
      %ne3A_87 = arith.constant 0 : i32
      %ne3A_88 = arith.cmpi ne, %rem3A_86, %ne3A_87 : i32
      %lt3A = arith.constant 0 : i32
      %lt3A_89 = arith.cmpi slt, %rem3A_86, %lt3A : i32
      %lt3A_90 = arith.constant 0 : i32
      %lt3A_91 = arith.cmpi slt, %select_n3A_85, %lt3A_90 : i32
      %ne3A_92 = arith.xori %lt3A_89, %lt3A_91 : i1
      %and3A_93 = arith.andi %ne3A_92, %ne3A_88 : i1
      %add3A_94 = arith.addi %rem3A_86, %select_n3A_85 : i32
      %select_n3A_95 = arith.select %and3A_93, %add3A_94, %rem3A_86 : i32
      %mul3A_96 = arith.constant 16 : i32
      %mul3A_97 = arith.muli %select_n3A_95, %mul3A_96 : i32
      %swap3A = arith.index_cast %select_n3A : i32 to index
      %swap3A_98 = arith.index_cast %mul3A_97 : i32 to index
      %swap3A_99 = tpu.vector_load %arg7[%swap3A, %swap3A_98] {strides = array<i32>} : memref<128x128xf32, #tpu.memory_space<vmem>>, vector<1x16xf32>,
      %swap3A_100 = vector.shape_cast %swap3A_99 : vector<1x16xf32> to vector<16xf32>
      %swap3A_101 = vector.shape_cast %broadcast_in_dim3A_1 : vector<16xf32> to vector<1x16xf32>
      tpu.vector_store %arg7[%swap3A, %swap3A_98], %swap3A_101 {strides = array<i32>} : memref<128x128xf32, #tpu.memory_space<vmem>>, vector<1x16xf32>,
      %scan3A_102 = arith.constant 0 : i32
      scf.yield %scan3A_102 : i32
    }
    %scan3A_7 = arith.constant 1024 : i32
    %scan3A_8 = arith.constant 0 : i32
    %scan3A_9 = arith.constant 0 : i32
    %scan3A_10 = arith.constant 5 : i32
    %scan3A_11 = arith.addi %scan3A_9, %scan3A_10 : i32
    %scan3A_12 = arith.constant 1 : i32
    %scan3A_13 = scf.for %scan3A_64 = %scan3A_9 to %scan3A_11 step %scan3A_12 iter_args(%scan3A_65 = %scan3A_8) -> (i32)  : i32 {
      %mul3A_66 = arith.constant 640 : i32
      %mul3A_67 = arith.muli %arg1, %mul3A_66 : i32
      %mul3A_68 = arith.constant 128 : i32
      %mul3A_69 = arith.muli %scan3A_64, %mul3A_68 : i32
      %add3A_70 = arith.addi %mul3A_67, %mul3A_69 : i32
      "tpu.region"() ({
        %run_scoped3A_72 = tpu.sem_alloc : memref<!tpu.dma_semaphore, #tpu.memory_space<semaphore_mem>>
        %dma_start3A_73 = arith.constant 0 : i32
        %dma_start3A_74 = tpu.memref_slice %arg9[%add3A_70, %dma_start3A_73] : memref<10240x128xf32, #tpu.memory_space<vmem_shared>> -> memref<128x128xf32, #tpu.memory_space<vmem_shared>>
        %dma_start3A_75 = arith.constant 0 : i32
        %dma_start3A_76 = tpu.memref_slice %arg9[%add3A_70, %dma_start3A_75] : memref<10240x128xf32, #tpu.memory_space<vmem_shared>> -> memref<128x128xf32, #tpu.memory_space<vmem_shared>>
        tpu.enqueue_dma source(%arg7 : memref<128x128xf32, #tpu.memory_space<vmem>>) target(%dma_start3A_76 : memref<128x128xf32, #tpu.memory_space<vmem_shared>>) target_semaphore(%run_scoped3A_72 : memref<!tpu.dma_semaphore, #tpu.memory_space<semaphore_mem>>)
        %dma_wait3A = arith.constant 0 : i32
        %dma_wait3A_77 = tpu.memref_slice %arg9[%add3A_70, %dma_wait3A] : memref<10240x128xf32, #tpu.memory_space<vmem_shared>> -> memref<128x128xf32, #tpu.memory_space<vmem_shared>>
        %dma_wait3A_78 = arith.constant 0 : i32
        %dma_wait3A_79 = tpu.memref_slice %arg9[%add3A_70, %dma_wait3A_78] : memref<10240x128xf32, #tpu.memory_space<vmem_shared>> -> memref<128x128xf32, #tpu.memory_space<vmem_shared>>
        tpu.wait_dma2 semaphore(%run_scoped3A_72 : memref<!tpu.dma_semaphore, #tpu.memory_space<semaphore_mem>>) src(%arg7 : memref<128x128xf32, #tpu.memory_space<vmem>>) dst(%dma_wait3A_79 : memref<128x128xf32, #tpu.memory_space<vmem_shared>>)
        tpu.yield
      }) : () -> ()
      %scan3A_71 = arith.constant 0 : i32
      scf.yield %scan3A_71 : i32
    }
    %scan3A_14 = arith.constant 5 : i32
    %barrier3A = arith.constant 0 : index
    tpu.barrier barrier_id(%barrier3A)
    %run_scoped3A = arith.constant 0 : i32
    "tpu.region"() ({
      %run_scoped3A_64 = tpu.sem_alloc : memref<!tpu.dma_semaphore, #tpu.memory_space<semaphore_mem>>
      %dma_start3A_65 = arith.constant 0 : i32
      %dma_start3A_66 = arith.constant 0 : i32
      %dma_start3A_67 = tpu.memref_slice %arg2[%run_scoped3A, %add3A, %dma_start3A_65, %dma_start3A_66] : memref<2x32x80x128xi32, #tpu.memory_space<hbm>> -> memref<1x1x40x128xi32, #tpu.memory_space<hbm>>
      %dma_start3A_68 = tpu.memref_squeeze %dma_start3A_67 : memref<1x1x40x128xi32, #tpu.memory_space<hbm>> -> memref<40x128xi32, #tpu.memory_space<hbm>>
      %dma_start3A_69 = arith.constant 0 : i32
      %dma_start3A_70 = arith.constant 0 : i32
      %dma_start3A_71 = tpu.memref_slice %arg2[%run_scoped3A, %add3A, %dma_start3A_69, %dma_start3A_70] : memref<2x32x80x128xi32, #tpu.memory_space<hbm>> -> memref<1x1x40x128xi32, #tpu.memory_space<hbm>>
      %dma_start3A_72 = tpu.memref_squeeze %dma_start3A_71 : memref<1x1x40x128xi32, #tpu.memory_space<hbm>> -> memref<40x128xi32, #tpu.memory_space<hbm>>
      tpu.enqueue_dma source(%dma_start3A_72 : memref<40x128xi32, #tpu.memory_space<hbm>>) target(%arg5 : memref<40x128xi32, #tpu.memory_space<vmem>>) target_semaphore(%run_scoped3A_64 : memref<!tpu.dma_semaphore, #tpu.memory_space<semaphore_mem>>)
      %dma_wait3A = arith.constant 0 : i32
      %dma_wait3A_73 = arith.constant 0 : i32
      %dma_wait3A_74 = tpu.memref_slice %arg2[%run_scoped3A, %add3A, %dma_wait3A, %dma_wait3A_73] : memref<2x32x80x128xi32, #tpu.memory_space<hbm>> -> memref<1x1x40x128xi32, #tpu.memory_space<hbm>>
      %dma_wait3A_75 = tpu.memref_squeeze %dma_wait3A_74 : memref<1x1x40x128xi32, #tpu.memory_space<hbm>> -> memref<40x128xi32, #tpu.memory_space<hbm>>
      %dma_wait3A_76 = arith.constant 0 : i32
      %dma_wait3A_77 = arith.constant 0 : i32
      %dma_wait3A_78 = tpu.memref_slice %arg2[%run_scoped3A, %add3A, %dma_wait3A_76, %dma_wait3A_77] : memref<2x32x80x128xi32, #tpu.memory_space<hbm>> -> memref<1x1x40x128xi32, #tpu.memory_space<hbm>>
      %dma_wait3A_79 = tpu.memref_squeeze %dma_wait3A_78 : memref<1x1x40x128xi32, #tpu.memory_space<hbm>> -> memref<40x128xi32, #tpu.memory_space<hbm>>
      tpu.wait_dma2 semaphore(%run_scoped3A_64 : memref<!tpu.dma_semaphore, #tpu.memory_space<semaphore_mem>>) src(%dma_wait3A_79 : memref<40x128xi32, #tpu.memory_space<hbm>>) dst(%arg5 : memref<40x128xi32, #tpu.memory_space<vmem>>)
      tpu.yield
    }) : () -> ()
    %run_scoped3A_15 = arith.constant 1 : i32
    "tpu.region"() ({
      %run_scoped3A_64 = tpu.sem_alloc : memref<!tpu.dma_semaphore, #tpu.memory_space<semaphore_mem>>
      %dma_start3A_65 = arith.constant 0 : i32
      %dma_start3A_66 = arith.constant 0 : i32
      %dma_start3A_67 = tpu.memref_slice %arg2[%run_scoped3A_15, %add3A, %dma_start3A_65, %dma_start3A_66] : memref<2x32x80x128xi32, #tpu.memory_space<hbm>> -> memref<1x1x40x128xi32, #tpu.memory_space<hbm>>
      %dma_start3A_68 = tpu.memref_squeeze %dma_start3A_67 : memref<1x1x40x128xi32, #tpu.memory_space<hbm>> -> memref<40x128xi32, #tpu.memory_space<hbm>>
      %dma_start3A_69 = arith.constant 0 : i32
      %dma_start3A_70 = arith.constant 0 : i32
      %dma_start3A_71 = tpu.memref_slice %arg2[%run_scoped3A_15, %add3A, %dma_start3A_69, %dma_start3A_70] : memref<2x32x80x128xi32, #tpu.memory_space<hbm>> -> memref<1x1x40x128xi32, #tpu.memory_space<hbm>>
      %dma_start3A_72 = tpu.memref_squeeze %dma_start3A_71 : memref<1x1x40x128xi32, #tpu.memory_space<hbm>> -> memref<40x128xi32, #tpu.memory_space<hbm>>
      tpu.enqueue_dma source(%dma_start3A_72 : memref<40x128xi32, #tpu.memory_space<hbm>>) target(%arg6 : memref<40x128xi32, #tpu.memory_space<vmem>>) target_semaphore(%run_scoped3A_64 : memref<!tpu.dma_semaphore, #tpu.memory_space<semaphore_mem>>)
      %dma_wait3A = arith.constant 0 : i32
      %dma_wait3A_73 = arith.constant 0 : i32
      %dma_wait3A_74 = tpu.memref_slice %arg2[%run_scoped3A_15, %add3A, %dma_wait3A, %dma_wait3A_73] : memref<2x32x80x128xi32, #tpu.memory_space<hbm>> -> memref<1x1x40x128xi32, #tpu.memory_space<hbm>>
      %dma_wait3A_75 = tpu.memref_squeeze %dma_wait3A_74 : memref<1x1x40x128xi32, #tpu.memory_space<hbm>> -> memref<40x128xi32, #tpu.memory_space<hbm>>
      %dma_wait3A_76 = arith.constant 0 : i32
      %dma_wait3A_77 = arith.constant 0 : i32
      %dma_wait3A_78 = tpu.memref_slice %arg2[%run_scoped3A_15, %add3A, %dma_wait3A_76, %dma_wait3A_77] : memref<2x32x80x128xi32, #tpu.memory_space<hbm>> -> memref<1x1x40x128xi32, #tpu.memory_space<hbm>>
      %dma_wait3A_79 = tpu.memref_squeeze %dma_wait3A_78 : memref<1x1x40x128xi32, #tpu.memory_space<hbm>> -> memref<40x128xi32, #tpu.memory_space<hbm>>
      tpu.wait_dma2 semaphore(%run_scoped3A_64 : memref<!tpu.dma_semaphore, #tpu.memory_space<semaphore_mem>>) src(%dma_wait3A_79 : memref<40x128xi32, #tpu.memory_space<hbm>>) dst(%arg6 : memref<40x128xi32, #tpu.memory_space<vmem>>)
      tpu.yield
    }) : () -> ()
    %dma_start3A = arith.constant 0 : i32
    %dma_start3A_16 = arith.constant 0 : i32
    %dma_start3A_17 = tpu.memref_slice %arg5[%dma_start3A, %dma_start3A_16] : memref<40x128xi32, #tpu.memory_space<vmem>> -> memref<1x128xi32, #tpu.memory_space<vmem>>
    %dma_start3A_18 = tpu.memref_squeeze %dma_start3A_17 : memref<1x128xi32, #tpu.memory_space<vmem>> -> memref<128xi32, #tpu.memory_space<vmem>>
    %dma_start3A_19 = arith.constant 0 : i32
    %dma_start3A_20 = arith.constant 0 : i32
    %dma_start3A_21 = tpu.memref_slice %arg3[%dma_start3A_19, %dma_start3A_20] : memref<10240x128xf32, #tpu.memory_space<hbm>> -> memref<10240x128xf32, #tpu.memory_space<hbm>>
    tpu.enqueue_indirect_dma source(%dma_start3A_21 : memref<10240x128xf32, #tpu.memory_space<hbm>>) target(%arg7 : memref<128x128xf32, #tpu.memory_space<vmem>>) offsets(%dma_start3A_18 : memref<128xi32, #tpu.memory_space<vmem>>) semaphore(%arg10 : memref<!tpu.dma_semaphore, #tpu.memory_space<semaphore_mem>>)
    %dma_start3A_22 = arith.constant 1 : i32
    %dma_start3A_23 = arith.constant 0 : i32
    %dma_start3A_24 = tpu.memref_slice %arg5[%dma_start3A_22, %dma_start3A_23] : memref<40x128xi32, #tpu.memory_space<vmem>> -> memref<1x128xi32, #tpu.memory_space<vmem>>
    %dma_start3A_25 = tpu.memref_squeeze %dma_start3A_24 : memref<1x128xi32, #tpu.memory_space<vmem>> -> memref<128xi32, #tpu.memory_space<vmem>>
    %dma_start3A_26 = arith.constant 0 : i32
    %dma_start3A_27 = arith.constant 0 : i32
    %dma_start3A_28 = tpu.memref_slice %arg3[%dma_start3A_26, %dma_start3A_27] : memref<10240x128xf32, #tpu.memory_space<hbm>> -> memref<10240x128xf32, #tpu.memory_space<hbm>>
    tpu.enqueue_indirect_dma source(%dma_start3A_28 : memref<10240x128xf32, #tpu.memory_space<hbm>>) target(%arg8 : memref<128x128xf32, #tpu.memory_space<vmem>>) offsets(%dma_start3A_25 : memref<128xi32, #tpu.memory_space<vmem>>) semaphore(%arg11 : memref<!tpu.dma_semaphore, #tpu.memory_space<semaphore_mem>>)
    %scan3A_29 = arith.constant 0 : i32
    %scan3A_30 = arith.constant 0 : i32
    %scan3A_31 = arith.constant 20 : i32
    %scan3A_32 = arith.addi %scan3A_30, %scan3A_31 : i32
    %scan3A_33 = arith.constant 1 : i32
    %scan3A_34 = scf.for %scan3A_64 = %scan3A_30 to %scan3A_32 step %scan3A_33 iter_args(%scan3A_65 = %scan3A_29) -> (i32)  : i32 {
      %mul3A_66 = arith.constant 2 : i32
      %mul3A_67 = arith.muli %scan3A_64, %mul3A_66 : i32
      %add3A_68 = arith.constant 0 : i32
      %add3A_69 = arith.addi %mul3A_67, %add3A_68 : i32
      %dma_wait3A = arith.constant 0 : i32
      %dma_wait3A_70 = arith.constant 0 : i32
      %dma_wait3A_71 = tpu.memref_slice %arg5[%dma_wait3A, %dma_wait3A_70] : memref<40x128xi32, #tpu.memory_space<vmem>> -> memref<1x128xi32, #tpu.memory_space<vmem>>
      %dma_wait3A_72 = tpu.memref_squeeze %dma_wait3A_71 : memref<1x128xi32, #tpu.memory_space<vmem>> -> memref<128xi32, #tpu.memory_space<vmem>>
      %dma_wait3A_73 = arith.constant 0 : i32
      %dma_wait3A_74 = arith.constant 0 : i32
      %dma_wait3A_75 = tpu.memref_slice %arg3[%dma_wait3A_73, %dma_wait3A_74] : memref<10240x128xf32, #tpu.memory_space<hbm>> -> memref<10240x128xf32, #tpu.memory_space<hbm>>
      tpu.wait_indirect_dma semaphore(%arg10 : memref<!tpu.dma_semaphore, #tpu.memory_space<semaphore_mem>>) src(%dma_wait3A_75 : memref<10240x128xf32, #tpu.memory_space<hbm>>) dst(%arg7 : memref<128x128xf32, #tpu.memory_space<vmem>>)
      "tpu.region"() ({
        %run_scoped3A_99 = tpu.sem_alloc : memref<!tpu.dma_semaphore, #tpu.memory_space<semaphore_mem>>
        %dma_start3A_100 = arith.constant 0 : i32
        %dma_start3A_101 = tpu.memref_slice %arg6[%add3A_69, %dma_start3A_100] : memref<40x128xi32, #tpu.memory_space<vmem>> -> memref<1x128xi32, #tpu.memory_space<vmem>>
        %dma_start3A_102 = tpu.memref_squeeze %dma_start3A_101 : memref<1x128xi32, #tpu.memory_space<vmem>> -> memref<128xi32, #tpu.memory_space<vmem>>
        %dma_start3A_103 = arith.constant 0 : i32
        %dma_start3A_104 = arith.constant 0 : i32
        %dma_start3A_105 = tpu.memref_slice %arg9[%dma_start3A_103, %dma_start3A_104] : memref<10240x128xf32, #tpu.memory_space<vmem_shared>> -> memref<10240x128xf32, #tpu.memory_space<vmem_shared>>
        tpu.enqueue_indirect_dma source(%arg7 : memref<128x128xf32, #tpu.memory_space<vmem>>) target(%dma_start3A_105 : memref<10240x128xf32, #tpu.memory_space<vmem_shared>>) offsets(%dma_start3A_102 : memref<128xi32, #tpu.memory_space<vmem>>) semaphore(%run_scoped3A_99 : memref<!tpu.dma_semaphore, #tpu.memory_space<semaphore_mem>>) {add = true}
        %dma_wait3A_106 = arith.constant 0 : i32
        %dma_wait3A_107 = tpu.memref_slice %arg6[%add3A_69, %dma_wait3A_106] : memref<40x128xi32, #tpu.memory_space<vmem>> -> memref<1x128xi32, #tpu.memory_space<vmem>>
        %dma_wait3A_108 = tpu.memref_squeeze %dma_wait3A_107 : memref<1x128xi32, #tpu.memory_space<vmem>> -> memref<128xi32, #tpu.memory_space<vmem>>
        %dma_wait3A_109 = arith.constant 0 : i32
        %dma_wait3A_110 = arith.constant 0 : i32
        %dma_wait3A_111 = tpu.memref_slice %arg9[%dma_wait3A_109, %dma_wait3A_110] : memref<10240x128xf32, #tpu.memory_space<vmem_shared>> -> memref<10240x128xf32, #tpu.memory_space<vmem_shared>>
        tpu.wait_indirect_dma semaphore(%run_scoped3A_99 : memref<!tpu.dma_semaphore, #tpu.memory_space<semaphore_mem>>) src(%arg7 : memref<128x128xf32, #tpu.memory_space<vmem>>) dst(%dma_wait3A_111 : memref<10240x128xf32, #tpu.memory_space<vmem_shared>>)
        tpu.yield
      }) : () -> ()
      %add3A_76 = arith.constant 2 : i32
      %add3A_77 = arith.addi %add3A_69, %add3A_76 : i32
      %lt3A = arith.constant 40 : i32
      %lt3A_78 = arith.cmpi slt, %add3A_77, %lt3A : i32
      %convert_element_type3A = arith.extui %lt3A_78 : i1 to i32
      %cond3A = arith.constant 0 : i32
      %cond3A_79 = arith.cmpi ne, %convert_element_type3A, %cond3A : i32
      scf.if %cond3A_79 {
        %add3A_99 = arith.constant 2 : i32
        %add3A_100 = arith.addi %add3A_69, %add3A_99 : i32
        %dma_start3A_101 = arith.constant 0 : i32
        %dma_start3A_102 = tpu.memref_slice %arg5[%add3A_100, %dma_start3A_101] : memref<40x128xi32, #tpu.memory_space<vmem>> -> memref<1x128xi32, #tpu.memory_space<vmem>>
        %dma_start3A_103 = tpu.memref_squeeze %dma_start3A_102 : memref<1x128xi32, #tpu.memory_space<vmem>> -> memref<128xi32, #tpu.memory_space<vmem>>
        %dma_start3A_104 = arith.constant 0 : i32
        %dma_start3A_105 = arith.constant 0 : i32
        %dma_start3A_106 = tpu.memref_slice %arg3[%dma_start3A_104, %dma_start3A_105] : memref<10240x128xf32, #tpu.memory_space<hbm>> -> memref<10240x128xf32, #tpu.memory_space<hbm>>
        tpu.enqueue_indirect_dma source(%dma_start3A_106 : memref<10240x128xf32, #tpu.memory_space<hbm>>) target(%arg7 : memref<128x128xf32, #tpu.memory_space<vmem>>) offsets(%dma_start3A_103 : memref<128xi32, #tpu.memory_space<vmem>>) semaphore(%arg10 : memref<!tpu.dma_semaphore, #tpu.memory_space<semaphore_mem>>)
      } else {
      }
      %mul3A_80 = arith.constant 2 : i32
      %mul3A_81 = arith.muli %scan3A_64, %mul3A_80 : i32
      %add3A_82 = arith.constant 1 : i32
      %add3A_83 = arith.addi %mul3A_81, %add3A_82 : i32
      %dma_wait3A_84 = arith.constant 0 : i32
      %dma_wait3A_85 = arith.constant 0 : i32
      %dma_wait3A_86 = tpu.memref_slice %arg5[%dma_wait3A_84, %dma_wait3A_85] : memref<40x128xi32, #tpu.memory_space<vmem>> -> memref<1x128xi32, #tpu.memory_space<vmem>>
      %dma_wait3A_87 = tpu.memref_squeeze %dma_wait3A_86 : memref<1x128xi32, #tpu.memory_space<vmem>> -> memref<128xi32, #tpu.memory_space<vmem>>
      %dma_wait3A_88 = arith.constant 0 : i32
      %dma_wait3A_89 = arith.constant 0 : i32
      %dma_wait3A_90 = tpu.memref_slice %arg3[%dma_wait3A_88, %dma_wait3A_89] : memref<10240x128xf32, #tpu.memory_space<hbm>> -> memref<10240x128xf32, #tpu.memory_space<hbm>>
      tpu.wait_indirect_dma semaphore(%arg11 : memref<!tpu.dma_semaphore, #tpu.memory_space<semaphore_mem>>) src(%dma_wait3A_90 : memref<10240x128xf32, #tpu.memory_space<hbm>>) dst(%arg8 : memref<128x128xf32, #tpu.memory_space<vmem>>)
      "tpu.region"() ({
        %run_scoped3A_99 = tpu.sem_alloc : memref<!tpu.dma_semaphore, #tpu.memory_space<semaphore_mem>>
        %dma_start3A_100 = arith.constant 0 : i32
        %dma_start3A_101 = tpu.memref_slice %arg6[%add3A_83, %dma_start3A_100] : memref<40x128xi32, #tpu.memory_space<vmem>> -> memref<1x128xi32, #tpu.memory_space<vmem>>
        %dma_start3A_102 = tpu.memref_squeeze %dma_start3A_101 : memref<1x128xi32, #tpu.memory_space<vmem>> -> memref<128xi32, #tpu.memory_space<vmem>>
        %dma_start3A_103 = arith.constant 0 : i32
        %dma_start3A_104 = arith.constant 0 : i32
        %dma_start3A_105 = tpu.memref_slice %arg9[%dma_start3A_103, %dma_start3A_104] : memref<10240x128xf32, #tpu.memory_space<vmem_shared>> -> memref<10240x128xf32, #tpu.memory_space<vmem_shared>>
        tpu.enqueue_indirect_dma source(%arg8 : memref<128x128xf32, #tpu.memory_space<vmem>>) target(%dma_start3A_105 : memref<10240x128xf32, #tpu.memory_space<vmem_shared>>) offsets(%dma_start3A_102 : memref<128xi32, #tpu.memory_space<vmem>>) semaphore(%run_scoped3A_99 : memref<!tpu.dma_semaphore, #tpu.memory_space<semaphore_mem>>) {add = true}
        %dma_wait3A_106 = arith.constant 0 : i32
        %dma_wait3A_107 = tpu.memref_slice %arg6[%add3A_83, %dma_wait3A_106] : memref<40x128xi32, #tpu.memory_space<vmem>> -> memref<1x128xi32, #tpu.memory_space<vmem>>
        %dma_wait3A_108 = tpu.memref_squeeze %dma_wait3A_107 : memref<1x128xi32, #tpu.memory_space<vmem>> -> memref<128xi32, #tpu.memory_space<vmem>>
        %dma_wait3A_109 = arith.constant 0 : i32
        %dma_wait3A_110 = arith.constant 0 : i32
        %dma_wait3A_111 = tpu.memref_slice %arg9[%dma_wait3A_109, %dma_wait3A_110] : memref<10240x128xf32, #tpu.memory_space<vmem_shared>> -> memref<10240x128xf32, #tpu.memory_space<vmem_shared>>
        tpu.wait_indirect_dma semaphore(%run_scoped3A_99 : memref<!tpu.dma_semaphore, #tpu.memory_space<semaphore_mem>>) src(%arg8 : memref<128x128xf32, #tpu.memory_space<vmem>>) dst(%dma_wait3A_111 : memref<10240x128xf32, #tpu.memory_space<vmem_shared>>)
        tpu.yield
      }) : () -> ()
      %add3A_91 = arith.constant 2 : i32
      %add3A_92 = arith.addi %add3A_83, %add3A_91 : i32
      %lt3A_93 = arith.constant 40 : i32
      %lt3A_94 = arith.cmpi slt, %add3A_92, %lt3A_93 : i32
      %convert_element_type3A_95 = arith.extui %lt3A_94 : i1 to i32
      %cond3A_96 = arith.constant 0 : i32
      %cond3A_97 = arith.cmpi ne, %convert_element_type3A_95, %cond3A_96 : i32
      scf.if %cond3A_97 {
        %add3A_99 = arith.constant 2 : i32
        %add3A_100 = arith.addi %add3A_83, %add3A_99 : i32
        %dma_start3A_101 = arith.constant 0 : i32
        %dma_start3A_102 = tpu.memref_slice %arg5[%add3A_100, %dma_start3A_101] : memref<40x128xi32, #tpu.memory_space<vmem>> -> memref<1x128xi32, #tpu.memory_space<vmem>>
        %dma_start3A_103 = tpu.memref_squeeze %dma_start3A_102 : memref<1x128xi32, #tpu.memory_space<vmem>> -> memref<128xi32, #tpu.memory_space<vmem>>
        %dma_start3A_104 = arith.constant 0 : i32
        %dma_start3A_105 = arith.constant 0 : i32
        %dma_start3A_106 = tpu.memref_slice %arg3[%dma_start3A_104, %dma_start3A_105] : memref<10240x128xf32, #tpu.memory_space<hbm>> -> memref<10240x128xf32, #tpu.memory_space<hbm>>
        tpu.enqueue_indirect_dma source(%dma_start3A_106 : memref<10240x128xf32, #tpu.memory_space<hbm>>) target(%arg8 : memref<128x128xf32, #tpu.memory_space<vmem>>) offsets(%dma_start3A_103 : memref<128xi32, #tpu.memory_space<vmem>>) semaphore(%arg11 : memref<!tpu.dma_semaphore, #tpu.memory_space<semaphore_mem>>)
      } else {
      }
      %scan3A_98 = arith.constant 0 : i32
      scf.yield %scan3A_98 : i32
    }
    %scan3A_35 = arith.constant 20 : i32
    %run_scoped3A_36 = arith.constant 0 : i32
    "tpu.region"() ({
      %run_scoped3A_64 = tpu.sem_alloc : memref<!tpu.dma_semaphore, #tpu.memory_space<semaphore_mem>>
      %dma_start3A_65 = arith.constant 40 : i32
      %dma_start3A_66 = arith.constant 0 : i32
      %dma_start3A_67 = tpu.memref_slice %arg2[%run_scoped3A_36, %add3A, %dma_start3A_65, %dma_start3A_66] : memref<2x32x80x128xi32, #tpu.memory_space<hbm>> -> memref<1x1x40x128xi32, #tpu.memory_space<hbm>>
      %dma_start3A_68 = tpu.memref_squeeze %dma_start3A_67 : memref<1x1x40x128xi32, #tpu.memory_space<hbm>> -> memref<40x128xi32, #tpu.memory_space<hbm>>
      %dma_start3A_69 = arith.constant 40 : i32
      %dma_start3A_70 = arith.constant 0 : i32
      %dma_start3A_71 = tpu.memref_slice %arg2[%run_scoped3A_36, %add3A, %dma_start3A_69, %dma_start3A_70] : memref<2x32x80x128xi32, #tpu.memory_space<hbm>> -> memref<1x1x40x128xi32, #tpu.memory_space<hbm>>
      %dma_start3A_72 = tpu.memref_squeeze %dma_start3A_71 : memref<1x1x40x128xi32, #tpu.memory_space<hbm>> -> memref<40x128xi32, #tpu.memory_space<hbm>>
      tpu.enqueue_dma source(%dma_start3A_72 : memref<40x128xi32, #tpu.memory_space<hbm>>) target(%arg5 : memref<40x128xi32, #tpu.memory_space<vmem>>) target_semaphore(%run_scoped3A_64 : memref<!tpu.dma_semaphore, #tpu.memory_space<semaphore_mem>>)
      %dma_wait3A = arith.constant 40 : i32
      %dma_wait3A_73 = arith.constant 0 : i32
      %dma_wait3A_74 = tpu.memref_slice %arg2[%run_scoped3A_36, %add3A, %dma_wait3A, %dma_wait3A_73] : memref<2x32x80x128xi32, #tpu.memory_space<hbm>> -> memref<1x1x40x128xi32, #tpu.memory_space<hbm>>
      %dma_wait3A_75 = tpu.memref_squeeze %dma_wait3A_74 : memref<1x1x40x128xi32, #tpu.memory_space<hbm>> -> memref<40x128xi32, #tpu.memory_space<hbm>>
      %dma_wait3A_76 = arith.constant 40 : i32
      %dma_wait3A_77 = arith.constant 0 : i32
      %dma_wait3A_78 = tpu.memref_slice %arg2[%run_scoped3A_36, %add3A, %dma_wait3A_76, %dma_wait3A_77] : memref<2x32x80x128xi32, #tpu.memory_space<hbm>> -> memref<1x1x40x128xi32, #tpu.memory_space<hbm>>
      %dma_wait3A_79 = tpu.memref_squeeze %dma_wait3A_78 : memref<1x1x40x128xi32, #tpu.memory_space<hbm>> -> memref<40x128xi32, #tpu.memory_space<hbm>>
      tpu.wait_dma2 semaphore(%run_scoped3A_64 : memref<!tpu.dma_semaphore, #tpu.memory_space<semaphore_mem>>) src(%dma_wait3A_79 : memref<40x128xi32, #tpu.memory_space<hbm>>) dst(%arg5 : memref<40x128xi32, #tpu.memory_space<vmem>>)
      tpu.yield
    }) : () -> ()
    %run_scoped3A_37 = arith.constant 1 : i32
    "tpu.region"() ({
      %run_scoped3A_64 = tpu.sem_alloc : memref<!tpu.dma_semaphore, #tpu.memory_space<semaphore_mem>>
      %dma_start3A_65 = arith.constant 40 : i32
      %dma_start3A_66 = arith.constant 0 : i32
      %dma_start3A_67 = tpu.memref_slice %arg2[%run_scoped3A_37, %add3A, %dma_start3A_65, %dma_start3A_66] : memref<2x32x80x128xi32, #tpu.memory_space<hbm>> -> memref<1x1x40x128xi32, #tpu.memory_space<hbm>>
      %dma_start3A_68 = tpu.memref_squeeze %dma_start3A_67 : memref<1x1x40x128xi32, #tpu.memory_space<hbm>> -> memref<40x128xi32, #tpu.memory_space<hbm>>
      %dma_start3A_69 = arith.constant 40 : i32
      %dma_start3A_70 = arith.constant 0 : i32
      %dma_start3A_71 = tpu.memref_slice %arg2[%run_scoped3A_37, %add3A, %dma_start3A_69, %dma_start3A_70] : memref<2x32x80x128xi32, #tpu.memory_space<hbm>> -> memref<1x1x40x128xi32, #tpu.memory_space<hbm>>
      %dma_start3A_72 = tpu.memref_squeeze %dma_start3A_71 : memref<1x1x40x128xi32, #tpu.memory_space<hbm>> -> memref<40x128xi32, #tpu.memory_space<hbm>>
      tpu.enqueue_dma source(%dma_start3A_72 : memref<40x128xi32, #tpu.memory_space<hbm>>) target(%arg6 : memref<40x128xi32, #tpu.memory_space<vmem>>) target_semaphore(%run_scoped3A_64 : memref<!tpu.dma_semaphore, #tpu.memory_space<semaphore_mem>>)
      %dma_wait3A = arith.constant 40 : i32
      %dma_wait3A_73 = arith.constant 0 : i32
      %dma_wait3A_74 = tpu.memref_slice %arg2[%run_scoped3A_37, %add3A, %dma_wait3A, %dma_wait3A_73] : memref<2x32x80x128xi32, #tpu.memory_space<hbm>> -> memref<1x1x40x128xi32, #tpu.memory_space<hbm>>
      %dma_wait3A_75 = tpu.memref_squeeze %dma_wait3A_74 : memref<1x1x40x128xi32, #tpu.memory_space<hbm>> -> memref<40x128xi32, #tpu.memory_space<hbm>>
      %dma_wait3A_76 = arith.constant 40 : i32
      %dma_wait3A_77 = arith.constant 0 : i32
      %dma_wait3A_78 = tpu.memref_slice %arg2[%run_scoped3A_37, %add3A, %dma_wait3A_76, %dma_wait3A_77] : memref<2x32x80x128xi32, #tpu.memory_space<hbm>> -> memref<1x1x40x128xi32, #tpu.memory_space<hbm>>
      %dma_wait3A_79 = tpu.memref_squeeze %dma_wait3A_78 : memref<1x1x40x128xi32, #tpu.memory_space<hbm>> -> memref<40x128xi32, #tpu.memory_space<hbm>>
      tpu.wait_dma2 semaphore(%run_scoped3A_64 : memref<!tpu.dma_semaphore, #tpu.memory_space<semaphore_mem>>) src(%dma_wait3A_79 : memref<40x128xi32, #tpu.memory_space<hbm>>) dst(%arg6 : memref<40x128xi32, #tpu.memory_space<vmem>>)
      tpu.yield
    }) : () -> ()
    %dma_start3A_38 = arith.constant 0 : i32
    %dma_start3A_39 = arith.constant 0 : i32
    %dma_start3A_40 = tpu.memref_slice %arg5[%dma_start3A_38, %dma_start3A_39] : memref<40x128xi32, #tpu.memory_space<vmem>> -> memref<1x128xi32, #tpu.memory_space<vmem>>
    %dma_start3A_41 = tpu.memref_squeeze %dma_start3A_40 : memref<1x128xi32, #tpu.memory_space<vmem>> -> memref<128xi32, #tpu.memory_space<vmem>>
    %dma_start3A_42 = arith.constant 0 : i32
    %dma_start3A_43 = arith.constant 0 : i32
    %dma_start3A_44 = tpu.memref_slice %arg3[%dma_start3A_42, %dma_start3A_43] : memref<10240x128xf32, #tpu.memory_space<hbm>> -> memref<10240x128xf32, #tpu.memory_space<hbm>>
    tpu.enqueue_indirect_dma source(%dma_start3A_44 : memref<10240x128xf32, #tpu.memory_space<hbm>>) target(%arg7 : memref<128x128xf32, #tpu.memory_space<vmem>>) offsets(%dma_start3A_41 : memref<128xi32, #tpu.memory_space<vmem>>) semaphore(%arg10 : memref<!tpu.dma_semaphore, #tpu.memory_space<semaphore_mem>>)
    %dma_start3A_45 = arith.constant 1 : i32
    %dma_start3A_46 = arith.constant 0 : i32
    %dma_start3A_47 = tpu.memref_slice %arg5[%dma_start3A_45, %dma_start3A_46] : memref<40x128xi32, #tpu.memory_space<vmem>> -> memref<1x128xi32, #tpu.memory_space<vmem>>
    %dma_start3A_48 = tpu.memref_squeeze %dma_start3A_47 : memref<1x128xi32, #tpu.memory_space<vmem>> -> memref<128xi32, #tpu.memory_space<vmem>>
    %dma_start3A_49 = arith.constant 0 : i32
    %dma_start3A_50 = arith.constant 0 : i32
    %dma_start3A_51 = tpu.memref_slice %arg3[%dma_start3A_49, %dma_start3A_50] : memref<10240x128xf32, #tpu.memory_space<hbm>> -> memref<10240x128xf32, #tpu.memory_space<hbm>>
    tpu.enqueue_indirect_dma source(%dma_start3A_51 : memref<10240x128xf32, #tpu.memory_space<hbm>>) target(%arg8 : memref<128x128xf32, #tpu.memory_space<vmem>>) offsets(%dma_start3A_48 : memref<128xi32, #tpu.memory_space<vmem>>) semaphore(%arg11 : memref<!tpu.dma_semaphore, #tpu.memory_space<semaphore_mem>>)
    %scan3A_52 = arith.constant 0 : i32
    %scan3A_53 = arith.constant 0 : i32
    %scan3A_54 = arith.constant 20 : i32
    %scan3A_55 = arith.addi %scan3A_53, %scan3A_54 : i32
    %scan3A_56 = arith.constant 1 : i32
    %scan3A_57 = scf.for %scan3A_64 = %scan3A_53 to %scan3A_55 step %scan3A_56 iter_args(%scan3A_65 = %scan3A_52) -> (i32)  : i32 {
      %mul3A_66 = arith.constant 2 : i32
      %mul3A_67 = arith.muli %scan3A_64, %mul3A_66 : i32
      %add3A_68 = arith.constant 0 : i32
      %add3A_69 = arith.addi %mul3A_67, %add3A_68 : i32
      %dma_wait3A = arith.constant 0 : i32
      %dma_wait3A_70 = arith.constant 0 : i32
      %dma_wait3A_71 = tpu.memref_slice %arg5[%dma_wait3A, %dma_wait3A_70] : memref<40x128xi32, #tpu.memory_space<vmem>> -> memref<1x128xi32, #tpu.memory_space<vmem>>
      %dma_wait3A_72 = tpu.memref_squeeze %dma_wait3A_71 : memref<1x128xi32, #tpu.memory_space<vmem>> -> memref<128xi32, #tpu.memory_space<vmem>>
      %dma_wait3A_73 = arith.constant 0 : i32
      %dma_wait3A_74 = arith.constant 0 : i32
      %dma_wait3A_75 = tpu.memref_slice %arg3[%dma_wait3A_73, %dma_wait3A_74] : memref<10240x128xf32, #tpu.memory_space<hbm>> -> memref<10240x128xf32, #tpu.memory_space<hbm>>
      tpu.wait_indirect_dma semaphore(%arg10 : memref<!tpu.dma_semaphore, #tpu.memory_space<semaphore_mem>>) src(%dma_wait3A_75 : memref<10240x128xf32, #tpu.memory_space<hbm>>) dst(%arg7 : memref<128x128xf32, #tpu.memory_space<vmem>>)
      "tpu.region"() ({
        %run_scoped3A_99 = tpu.sem_alloc : memref<!tpu.dma_semaphore, #tpu.memory_space<semaphore_mem>>
        %dma_start3A_100 = arith.constant 0 : i32
        %dma_start3A_101 = tpu.memref_slice %arg6[%add3A_69, %dma_start3A_100] : memref<40x128xi32, #tpu.memory_space<vmem>> -> memref<1x128xi32, #tpu.memory_space<vmem>>
        %dma_start3A_102 = tpu.memref_squeeze %dma_start3A_101 : memref<1x128xi32, #tpu.memory_space<vmem>> -> memref<128xi32, #tpu.memory_space<vmem>>
        %dma_start3A_103 = arith.constant 0 : i32
        %dma_start3A_104 = arith.constant 0 : i32
        %dma_start3A_105 = tpu.memref_slice %arg9[%dma_start3A_103, %dma_start3A_104] : memref<10240x128xf32, #tpu.memory_space<vmem_shared>> -> memref<10240x128xf32, #tpu.memory_space<vmem_shared>>
        tpu.enqueue_indirect_dma source(%arg7 : memref<128x128xf32, #tpu.memory_space<vmem>>) target(%dma_start3A_105 : memref<10240x128xf32, #tpu.memory_space<vmem_shared>>) offsets(%dma_start3A_102 : memref<128xi32, #tpu.memory_space<vmem>>) semaphore(%run_scoped3A_99 : memref<!tpu.dma_semaphore, #tpu.memory_space<semaphore_mem>>) {add = true}
        %dma_wait3A_106 = arith.constant 0 : i32
        %dma_wait3A_107 = tpu.memref_slice %arg6[%add3A_69, %dma_wait3A_106] : memref<40x128xi32, #tpu.memory_space<vmem>> -> memref<1x128xi32, #tpu.memory_space<vmem>>
        %dma_wait3A_108 = tpu.memref_squeeze %dma_wait3A_107 : memref<1x128xi32, #tpu.memory_space<vmem>> -> memref<128xi32, #tpu.memory_space<vmem>>
        %dma_wait3A_109 = arith.constant 0 : i32
        %dma_wait3A_110 = arith.constant 0 : i32
        %dma_wait3A_111 = tpu.memref_slice %arg9[%dma_wait3A_109, %dma_wait3A_110] : memref<10240x128xf32, #tpu.memory_space<vmem_shared>> -> memref<10240x128xf32, #tpu.memory_space<vmem_shared>>
        tpu.wait_indirect_dma semaphore(%run_scoped3A_99 : memref<!tpu.dma_semaphore, #tpu.memory_space<semaphore_mem>>) src(%arg7 : memref<128x128xf32, #tpu.memory_space<vmem>>) dst(%dma_wait3A_111 : memref<10240x128xf32, #tpu.memory_space<vmem_shared>>)
        tpu.yield
      }) : () -> ()
      %add3A_76 = arith.constant 2 : i32
      %add3A_77 = arith.addi %add3A_69, %add3A_76 : i32
      %lt3A = arith.constant 40 : i32
      %lt3A_78 = arith.cmpi slt, %add3A_77, %lt3A : i32
      %convert_element_type3A = arith.extui %lt3A_78 : i1 to i32
      %cond3A = arith.constant 0 : i32
      %cond3A_79 = arith.cmpi ne, %convert_element_type3A, %cond3A : i32
      scf.if %cond3A_79 {
        %add3A_99 = arith.constant 2 : i32
        %add3A_100 = arith.addi %add3A_69, %add3A_99 : i32
        %dma_start3A_101 = arith.constant 0 : i32
        %dma_start3A_102 = tpu.memref_slice %arg5[%add3A_100, %dma_start3A_101] : memref<40x128xi32, #tpu.memory_space<vmem>> -> memref<1x128xi32, #tpu.memory_space<vmem>>
        %dma_start3A_103 = tpu.memref_squeeze %dma_start3A_102 : memref<1x128xi32, #tpu.memory_space<vmem>> -> memref<128xi32, #tpu.memory_space<vmem>>
        %dma_start3A_104 = arith.constant 0 : i32
        %dma_start3A_105 = arith.constant 0 : i32
        %dma_start3A_106 = tpu.memref_slice %arg3[%dma_start3A_104, %dma_start3A_105] : memref<10240x128xf32, #tpu.memory_space<hbm>> -> memref<10240x128xf32, #tpu.memory_space<hbm>>
        tpu.enqueue_indirect_dma source(%dma_start3A_106 : memref<10240x128xf32, #tpu.memory_space<hbm>>) target(%arg7 : memref<128x128xf32, #tpu.memory_space<vmem>>) offsets(%dma_start3A_103 : memref<128xi32, #tpu.memory_space<vmem>>) semaphore(%arg10 : memref<!tpu.dma_semaphore, #tpu.memory_space<semaphore_mem>>)
      } else {
      }
      %mul3A_80 = arith.constant 2 : i32
      %mul3A_81 = arith.muli %scan3A_64, %mul3A_80 : i32
      %add3A_82 = arith.constant 1 : i32
      %add3A_83 = arith.addi %mul3A_81, %add3A_82 : i32
      %dma_wait3A_84 = arith.constant 0 : i32
      %dma_wait3A_85 = arith.constant 0 : i32
      %dma_wait3A_86 = tpu.memref_slice %arg5[%dma_wait3A_84, %dma_wait3A_85] : memref<40x128xi32, #tpu.memory_space<vmem>> -> memref<1x128xi32, #tpu.memory_space<vmem>>
      %dma_wait3A_87 = tpu.memref_squeeze %dma_wait3A_86 : memref<1x128xi32, #tpu.memory_space<vmem>> -> memref<128xi32, #tpu.memory_space<vmem>>
      %dma_wait3A_88 = arith.constant 0 : i32
      %dma_wait3A_89 = arith.constant 0 : i32
      %dma_wait3A_90 = tpu.memref_slice %arg3[%dma_wait3A_88, %dma_wait3A_89] : memref<10240x128xf32, #tpu.memory_space<hbm>> -> memref<10240x128xf32, #tpu.memory_space<hbm>>
      tpu.wait_indirect_dma semaphore(%arg11 : memref<!tpu.dma_semaphore, #tpu.memory_space<semaphore_mem>>) src(%dma_wait3A_90 : memref<10240x128xf32, #tpu.memory_space<hbm>>) dst(%arg8 : memref<128x128xf32, #tpu.memory_space<vmem>>)
      "tpu.region"() ({
        %run_scoped3A_99 = tpu.sem_alloc : memref<!tpu.dma_semaphore, #tpu.memory_space<semaphore_mem>>
        %dma_start3A_100 = arith.constant 0 : i32
        %dma_start3A_101 = tpu.memref_slice %arg6[%add3A_83, %dma_start3A_100] : memref<40x128xi32, #tpu.memory_space<vmem>> -> memref<1x128xi32, #tpu.memory_space<vmem>>
        %dma_start3A_102 = tpu.memref_squeeze %dma_start3A_101 : memref<1x128xi32, #tpu.memory_space<vmem>> -> memref<128xi32, #tpu.memory_space<vmem>>
        %dma_start3A_103 = arith.constant 0 : i32
        %dma_start3A_104 = arith.constant 0 : i32
        %dma_start3A_105 = tpu.memref_slice %arg9[%dma_start3A_103, %dma_start3A_104] : memref<10240x128xf32, #tpu.memory_space<vmem_shared>> -> memref<10240x128xf32, #tpu.memory_space<vmem_shared>>
        tpu.enqueue_indirect_dma source(%arg8 : memref<128x128xf32, #tpu.memory_space<vmem>>) target(%dma_start3A_105 : memref<10240x128xf32, #tpu.memory_space<vmem_shared>>) offsets(%dma_start3A_102 : memref<128xi32, #tpu.memory_space<vmem>>) semaphore(%run_scoped3A_99 : memref<!tpu.dma_semaphore, #tpu.memory_space<semaphore_mem>>) {add = true}
        %dma_wait3A_106 = arith.constant 0 : i32
        %dma_wait3A_107 = tpu.memref_slice %arg6[%add3A_83, %dma_wait3A_106] : memref<40x128xi32, #tpu.memory_space<vmem>> -> memref<1x128xi32, #tpu.memory_space<vmem>>
        %dma_wait3A_108 = tpu.memref_squeeze %dma_wait3A_107 : memref<1x128xi32, #tpu.memory_space<vmem>> -> memref<128xi32, #tpu.memory_space<vmem>>
        %dma_wait3A_109 = arith.constant 0 : i32
        %dma_wait3A_110 = arith.constant 0 : i32
        %dma_wait3A_111 = tpu.memref_slice %arg9[%dma_wait3A_109, %dma_wait3A_110] : memref<10240x128xf32, #tpu.memory_space<vmem_shared>> -> memref<10240x128xf32, #tpu.memory_space<vmem_shared>>
        tpu.wait_indirect_dma semaphore(%run_scoped3A_99 : memref<!tpu.dma_semaphore, #tpu.memory_space<semaphore_mem>>) src(%arg8 : memref<128x128xf32, #tpu.memory_space<vmem>>) dst(%dma_wait3A_111 : memref<10240x128xf32, #tpu.memory_space<vmem_shared>>)
        tpu.yield
      }) : () -> ()
      %add3A_91 = arith.constant 2 : i32
      %add3A_92 = arith.addi %add3A_83, %add3A_91 : i32
      %lt3A_93 = arith.constant 40 : i32
      %lt3A_94 = arith.cmpi slt, %add3A_92, %lt3A_93 : i32
      %convert_element_type3A_95 = arith.extui %lt3A_94 : i1 to i32
      %cond3A_96 = arith.constant 0 : i32
      %cond3A_97 = arith.cmpi ne, %convert_element_type3A_95, %cond3A_96 : i32
      scf.if %cond3A_97 {
        %add3A_99 = arith.constant 2 : i32
        %add3A_100 = arith.addi %add3A_83, %add3A_99 : i32
        %dma_start3A_101 = arith.constant 0 : i32
        %dma_start3A_102 = tpu.memref_slice %arg5[%add3A_100, %dma_start3A_101] : memref<40x128xi32, #tpu.memory_space<vmem>> -> memref<1x128xi32, #tpu.memory_space<vmem>>
        %dma_start3A_103 = tpu.memref_squeeze %dma_start3A_102 : memref<1x128xi32, #tpu.memory_space<vmem>> -> memref<128xi32, #tpu.memory_space<vmem>>
        %dma_start3A_104 = arith.constant 0 : i32
        %dma_start3A_105 = arith.constant 0 : i32
        %dma_start3A_106 = tpu.memref_slice %arg3[%dma_start3A_104, %dma_start3A_105] : memref<10240x128xf32, #tpu.memory_space<hbm>> -> memref<10240x128xf32, #tpu.memory_space<hbm>>
        tpu.enqueue_indirect_dma source(%dma_start3A_106 : memref<10240x128xf32, #tpu.memory_space<hbm>>) target(%arg8 : memref<128x128xf32, #tpu.memory_space<vmem>>) offsets(%dma_start3A_103 : memref<128xi32, #tpu.memory_space<vmem>>) semaphore(%arg11 : memref<!tpu.dma_semaphore, #tpu.memory_space<semaphore_mem>>)
      } else {
      }
      %scan3A_98 = arith.constant 0 : i32
      scf.yield %scan3A_98 : i32
    }
    %scan3A_58 = arith.constant 20 : i32
    %barrier3A_59 = arith.constant 0 : index
    tpu.barrier barrier_id(%barrier3A_59)
    %mul3A_60 = arith.constant 640 : i32
    %mul3A_61 = arith.muli %arg1, %mul3A_60 : i32
    %mul3A_62 = arith.constant 640 : i32
    %mul3A_63 = arith.muli %arg1, %mul3A_62 : i32
    "tpu.region"() ({
      %run_scoped3A_64 = tpu.sem_alloc : memref<!tpu.dma_semaphore, #tpu.memory_space<semaphore_mem>>
      %dma_start3A_65 = arith.constant 0 : i32
      %dma_start3A_66 = tpu.memref_slice %arg4[%arg0, %mul3A_63, %dma_start3A_65] : memref<2x10240x128xf32, #tpu.memory_space<hbm>> -> memref<1x640x128xf32, #tpu.memory_space<hbm>>
      %dma_start3A_67 = tpu.memref_squeeze %dma_start3A_66 : memref<1x640x128xf32, #tpu.memory_space<hbm>> -> memref<640x128xf32, #tpu.memory_space<hbm>>
      %dma_start3A_68 = arith.constant 0 : i32
      %dma_start3A_69 = tpu.memref_slice %arg9[%mul3A_61, %dma_start3A_68] : memref<10240x128xf32, #tpu.memory_space<vmem_shared>> -> memref<640x128xf32, #tpu.memory_space<vmem_shared>>
      tpu.enqueue_dma source(%dma_start3A_69 : memref<640x128xf32, #tpu.memory_space<vmem_shared>>) target(%dma_start3A_67 : memref<640x128xf32, #tpu.memory_space<hbm>>) target_semaphore(%run_scoped3A_64 : memref<!tpu.dma_semaphore, #tpu.memory_space<semaphore_mem>>)
      %dma_wait3A = arith.constant 0 : i32
      %dma_wait3A_70 = tpu.memref_slice %arg4[%arg0, %mul3A_63, %dma_wait3A] : memref<2x10240x128xf32, #tpu.memory_space<hbm>> -> memref<1x640x128xf32, #tpu.memory_space<hbm>>
      %dma_wait3A_71 = tpu.memref_squeeze %dma_wait3A_70 : memref<1x640x128xf32, #tpu.memory_space<hbm>> -> memref<640x128xf32, #tpu.memory_space<hbm>>
      %dma_wait3A_72 = arith.constant 0 : i32
      %dma_wait3A_73 = tpu.memref_slice %arg9[%mul3A_61, %dma_wait3A_72] : memref<10240x128xf32, #tpu.memory_space<vmem_shared>> -> memref<640x128xf32, #tpu.memory_space<vmem_shared>>
      tpu.wait_dma2 semaphore(%run_scoped3A_64 : memref<!tpu.dma_semaphore, #tpu.memory_space<semaphore_mem>>) src(%dma_wait3A_73 : memref<640x128xf32, #tpu.memory_space<vmem_shared>>) dst(%dma_wait3A_71 : memref<640x128xf32, #tpu.memory_space<hbm>>)
      tpu.yield
    }) : () -> ()
    return
  }
}

#map = affine_map<(d0, d1) -> (0, 0, 0, 0)>
#map1 = affine_map<(d0, d1) -> (0, 0)>
#map2 = affine_map<(d0, d1) -> (0, 0, 0)>
module attributes {stable_mosaic.version = 14 : i64} {
  func.func @_seg128_body(%arg0: i32, %arg1: i32, %arg2: memref<2x32x80x128xi32, #tpu.memory_space<hbm>>, %arg3: memref<10240x128xf32, #tpu.memory_space<hbm>>, %arg4: memref<2x10240x128xf32, #tpu.memory_space<hbm>>, %arg5: memref<40x128xi32, #tpu.memory_space<vmem>>, %arg6: memref<40x128xi32, #tpu.memory_space<vmem>>, %arg7: memref<128x128xf32, #tpu.memory_space<vmem>>, %arg8: memref<128x128xf32, #tpu.memory_space<vmem>>, %arg9: memref<10240x128xf32, #tpu.memory_space<vmem_shared>>, %arg10: memref<!tpu.dma_semaphore, #tpu.memory_space<semaphore_mem>>, %arg11: memref<!tpu.dma_semaphore, #tpu.memory_space<semaphore_mem>>) attributes {dimension_semantics = [#tpu.dimension_semantics<core_parallel>, #tpu.dimension_semantics<subcore_parallel>], iteration_bounds = array<i64: 2, 16>, scalar_prefetch = 0 : i64, scratch_operands = 7 : i64, tpu.core_type = #tpu.core_type<sc_vector_subcore>, window_params = [{transform_indices = #map}, {transform_indices = #map1}, {transform_indices = #map2}]} {
    %mul3A = arith.constant 16 : i32
    %mul3A_0 = arith.muli %arg0, %mul3A : i32
    %add3A = arith.addi %mul3A_0, %arg1 : i32
    %broadcast_in_dim3A = arith.constant 0.000000e+00 : f32
    %broadcast_in_dim3A_1 = vector.broadcast %broadcast_in_dim3A : f32 to vector<16xf32>
    %scan3A = arith.constant 0 : i32
    %scan3A_2 = arith.constant 0 : i32
    %scan3A_3 = arith.constant 1024 : i32
    %scan3A_4 = arith.addi %scan3A_2, %scan3A_3 : i32
    %scan3A_5 = arith.constant 1 : i32
    %scan3A_6 = scf.for %scan3A_64 = %scan3A_2 to %scan3A_4 step %scan3A_5 iter_args(%scan3A_65 = %scan3A) -> (i32)  : i32 {
      %jit3A = arith.constant 8 : i32
      %div3A = arith.divsi %scan3A_64, %jit3A : i32
      %sign3A = arith.constant 0 : i32
      %sign3A_66 = arith.cmpi sgt, %scan3A_64, %sign3A : i32
      %sign3A_67 = arith.extui %sign3A_66 : i1 to i32
      %sign3A_68 = arith.constant 0 : i32
      %sign3A_69 = arith.cmpi slt, %scan3A_64, %sign3A_68 : i32
      %sign3A_70 = arith.extui %sign3A_69 : i1 to i32
      %sign3A_71 = arith.subi %sign3A_67, %sign3A_70 : i32
      %sign3A_72 = arith.constant 0 : i32
      %sign3A_73 = arith.cmpi sgt, %jit3A, %sign3A_72 : i32
      %sign3A_74 = arith.extui %sign3A_73 : i1 to i32
      %sign3A_75 = arith.constant 0 : i32
      %sign3A_76 = arith.cmpi slt, %jit3A, %sign3A_75 : i32
      %sign3A_77 = arith.extui %sign3A_76 : i1 to i32
      %sign3A_78 = arith.subi %sign3A_74, %sign3A_77 : i32
      %ne3A = arith.cmpi ne, %sign3A_71, %sign3A_78 : i32
      %rem3A = arith.remsi %scan3A_64, %jit3A : i32
      %ne3A_79 = arith.constant 0 : i32
      %ne3A_80 = arith.cmpi ne, %rem3A, %ne3A_79 : i32
      %and3A = arith.andi %ne3A, %ne3A_80 : i1
      %sub3A = arith.constant 1 : i32
      %sub3A_81 = arith.subi %div3A, %sub3A : i32
      %select_n3A = arith.select %and3A, %sub3A_81, %div3A : i32
      %jit3A_82 = arith.constant 8 : i32
      %eq3A = arith.constant 0 : i32
      %eq3A_83 = arith.cmpi eq, %jit3A_82, %eq3A : i32
      %jit3A_84 = arith.constant 1 : i32
      %select_n3A_85 = arith.select %eq3A_83, %jit3A_84, %jit3A_82 : i32
      %rem3A_86 = arith.remsi %scan3A_64, %select_n3A_85 : i32
      %ne3A_87 = arith.constant 0 : i32
      %ne3A_88 = arith.cmpi ne, %rem3A_86, %ne3A_87 : i32
      %lt3A = arith.constant 0 : i32
      %lt3A_89 = arith.cmpi slt, %rem3A_86, %lt3A : i32
      %lt3A_90 = arith.constant 0 : i32
      %lt3A_91 = arith.cmpi slt, %select_n3A_85, %lt3A_90 : i32
      %ne3A_92 = arith.xori %lt3A_89, %lt3A_91 : i1
      %and3A_93 = arith.andi %ne3A_92, %ne3A_88 : i1
      %add3A_94 = arith.addi %rem3A_86, %select_n3A_85 : i32
      %select_n3A_95 = arith.select %and3A_93, %add3A_94, %rem3A_86 : i32
      %mul3A_96 = arith.constant 16 : i32
      %mul3A_97 = arith.muli %select_n3A_95, %mul3A_96 : i32
      %swap3A = arith.index_cast %select_n3A : i32 to index
      %swap3A_98 = arith.index_cast %mul3A_97 : i32 to index
      %swap3A_99 = tpu.vector_load %arg7[%swap3A, %swap3A_98] {strides = array<i32>} : memref<128x128xf32, #tpu.memory_space<vmem>>, vector<1x16xf32>,
      %swap3A_100 = vector.shape_cast %swap3A_99 : vector<1x16xf32> to vector<16xf32>
      %swap3A_101 = vector.shape_cast %broadcast_in_dim3A_1 : vector<16xf32> to vector<1x16xf32>
      tpu.vector_store %arg7[%swap3A, %swap3A_98], %swap3A_101 {strides = array<i32>} : memref<128x128xf32, #tpu.memory_space<vmem>>, vector<1x16xf32>,
      %scan3A_102 = arith.constant 0 : i32
      scf.yield %scan3A_102 : i32
    }
    %scan3A_7 = arith.constant 1024 : i32
    %scan3A_8 = arith.constant 0 : i32
    %scan3A_9 = arith.constant 0 : i32
    %scan3A_10 = arith.constant 5 : i32
    %scan3A_11 = arith.addi %scan3A_9, %scan3A_10 : i32
    %scan3A_12 = arith.constant 1 : i32
    %scan3A_13 = scf.for %scan3A_64 = %scan3A_9 to %scan3A_11 step %scan3A_12 iter_args(%scan3A_65 = %scan3A_8) -> (i32)  : i32 {
      %mul3A_66 = arith.constant 640 : i32
      %mul3A_67 = arith.muli %arg1, %mul3A_66 : i32
      %mul3A_68 = arith.constant 128 : i32
      %mul3A_69 = arith.muli %scan3A_64, %mul3A_68 : i32
      %add3A_70 = arith.addi %mul3A_67, %mul3A_69 : i32
      "tpu.region"() ({
        %run_scoped3A_72 = tpu.sem_alloc : memref<!tpu.dma_semaphore, #tpu.memory_space<semaphore_mem>>
        %dma_start3A_73 = arith.constant 0 : i32
        %dma_start3A_74 = tpu.memref_slice %arg9[%add3A_70, %dma_start3A_73] : memref<10240x128xf32, #tpu.memory_space<vmem_shared>> -> memref<128x128xf32, #tpu.memory_space<vmem_shared>>
        %dma_start3A_75 = arith.constant 0 : i32
        %dma_start3A_76 = tpu.memref_slice %arg9[%add3A_70, %dma_start3A_75] : memref<10240x128xf32, #tpu.memory_space<vmem_shared>> -> memref<128x128xf32, #tpu.memory_space<vmem_shared>>
        tpu.enqueue_dma source(%arg7 : memref<128x128xf32, #tpu.memory_space<vmem>>) target(%dma_start3A_76 : memref<128x128xf32, #tpu.memory_space<vmem_shared>>) target_semaphore(%run_scoped3A_72 : memref<!tpu.dma_semaphore, #tpu.memory_space<semaphore_mem>>)
        %dma_wait3A = arith.constant 0 : i32
        %dma_wait3A_77 = tpu.memref_slice %arg9[%add3A_70, %dma_wait3A] : memref<10240x128xf32, #tpu.memory_space<vmem_shared>> -> memref<128x128xf32, #tpu.memory_space<vmem_shared>>
        %dma_wait3A_78 = arith.constant 0 : i32
        %dma_wait3A_79 = tpu.memref_slice %arg9[%add3A_70, %dma_wait3A_78] : memref<10240x128xf32, #tpu.memory_space<vmem_shared>> -> memref<128x128xf32, #tpu.memory_space<vmem_shared>>
        tpu.wait_dma2 semaphore(%run_scoped3A_72 : memref<!tpu.dma_semaphore, #tpu.memory_space<semaphore_mem>>) src(%arg7 : memref<128x128xf32, #tpu.memory_space<vmem>>) dst(%dma_wait3A_79 : memref<128x128xf32, #tpu.memory_space<vmem_shared>>)
        tpu.yield
      }) : () -> ()
      %scan3A_71 = arith.constant 0 : i32
      scf.yield %scan3A_71 : i32
    }
    %scan3A_14 = arith.constant 5 : i32
    %barrier3A = arith.constant 0 : index
    tpu.barrier barrier_id(%barrier3A)
    %run_scoped3A = arith.constant 0 : i32
    "tpu.region"() ({
      %run_scoped3A_64 = tpu.sem_alloc : memref<!tpu.dma_semaphore, #tpu.memory_space<semaphore_mem>>
      %dma_start3A_65 = arith.constant 0 : i32
      %dma_start3A_66 = arith.constant 0 : i32
      %dma_start3A_67 = tpu.memref_slice %arg2[%run_scoped3A, %add3A, %dma_start3A_65, %dma_start3A_66] : memref<2x32x80x128xi32, #tpu.memory_space<hbm>> -> memref<1x1x40x128xi32, #tpu.memory_space<hbm>>
      %dma_start3A_68 = tpu.memref_squeeze %dma_start3A_67 : memref<1x1x40x128xi32, #tpu.memory_space<hbm>> -> memref<40x128xi32, #tpu.memory_space<hbm>>
      %dma_start3A_69 = arith.constant 0 : i32
      %dma_start3A_70 = arith.constant 0 : i32
      %dma_start3A_71 = tpu.memref_slice %arg2[%run_scoped3A, %add3A, %dma_start3A_69, %dma_start3A_70] : memref<2x32x80x128xi32, #tpu.memory_space<hbm>> -> memref<1x1x40x128xi32, #tpu.memory_space<hbm>>
      %dma_start3A_72 = tpu.memref_squeeze %dma_start3A_71 : memref<1x1x40x128xi32, #tpu.memory_space<hbm>> -> memref<40x128xi32, #tpu.memory_space<hbm>>
      tpu.enqueue_dma source(%dma_start3A_72 : memref<40x128xi32, #tpu.memory_space<hbm>>) target(%arg5 : memref<40x128xi32, #tpu.memory_space<vmem>>) target_semaphore(%run_scoped3A_64 : memref<!tpu.dma_semaphore, #tpu.memory_space<semaphore_mem>>)
      %dma_wait3A = arith.constant 0 : i32
      %dma_wait3A_73 = arith.constant 0 : i32
      %dma_wait3A_74 = tpu.memref_slice %arg2[%run_scoped3A, %add3A, %dma_wait3A, %dma_wait3A_73] : memref<2x32x80x128xi32, #tpu.memory_space<hbm>> -> memref<1x1x40x128xi32, #tpu.memory_space<hbm>>
      %dma_wait3A_75 = tpu.memref_squeeze %dma_wait3A_74 : memref<1x1x40x128xi32, #tpu.memory_space<hbm>> -> memref<40x128xi32, #tpu.memory_space<hbm>>
      %dma_wait3A_76 = arith.constant 0 : i32
      %dma_wait3A_77 = arith.constant 0 : i32
      %dma_wait3A_78 = tpu.memref_slice %arg2[%run_scoped3A, %add3A, %dma_wait3A_76, %dma_wait3A_77] : memref<2x32x80x128xi32, #tpu.memory_space<hbm>> -> memref<1x1x40x128xi32, #tpu.memory_space<hbm>>
      %dma_wait3A_79 = tpu.memref_squeeze %dma_wait3A_78 : memref<1x1x40x128xi32, #tpu.memory_space<hbm>> -> memref<40x128xi32, #tpu.memory_space<hbm>>
      tpu.wait_dma2 semaphore(%run_scoped3A_64 : memref<!tpu.dma_semaphore, #tpu.memory_space<semaphore_mem>>) src(%dma_wait3A_79 : memref<40x128xi32, #tpu.memory_space<hbm>>) dst(%arg5 : memref<40x128xi32, #tpu.memory_space<vmem>>)
      tpu.yield
    }) : () -> ()
    %run_scoped3A_15 = arith.constant 1 : i32
    "tpu.region"() ({
      %run_scoped3A_64 = tpu.sem_alloc : memref<!tpu.dma_semaphore, #tpu.memory_space<semaphore_mem>>
      %dma_start3A_65 = arith.constant 0 : i32
      %dma_start3A_66 = arith.constant 0 : i32
      %dma_start3A_67 = tpu.memref_slice %arg2[%run_scoped3A_15, %add3A, %dma_start3A_65, %dma_start3A_66] : memref<2x32x80x128xi32, #tpu.memory_space<hbm>> -> memref<1x1x40x128xi32, #tpu.memory_space<hbm>>
      %dma_start3A_68 = tpu.memref_squeeze %dma_start3A_67 : memref<1x1x40x128xi32, #tpu.memory_space<hbm>> -> memref<40x128xi32, #tpu.memory_space<hbm>>
      %dma_start3A_69 = arith.constant 0 : i32
      %dma_start3A_70 = arith.constant 0 : i32
      %dma_start3A_71 = tpu.memref_slice %arg2[%run_scoped3A_15, %add3A, %dma_start3A_69, %dma_start3A_70] : memref<2x32x80x128xi32, #tpu.memory_space<hbm>> -> memref<1x1x40x128xi32, #tpu.memory_space<hbm>>
      %dma_start3A_72 = tpu.memref_squeeze %dma_start3A_71 : memref<1x1x40x128xi32, #tpu.memory_space<hbm>> -> memref<40x128xi32, #tpu.memory_space<hbm>>
      tpu.enqueue_dma source(%dma_start3A_72 : memref<40x128xi32, #tpu.memory_space<hbm>>) target(%arg6 : memref<40x128xi32, #tpu.memory_space<vmem>>) target_semaphore(%run_scoped3A_64 : memref<!tpu.dma_semaphore, #tpu.memory_space<semaphore_mem>>)
      %dma_wait3A = arith.constant 0 : i32
      %dma_wait3A_73 = arith.constant 0 : i32
      %dma_wait3A_74 = tpu.memref_slice %arg2[%run_scoped3A_15, %add3A, %dma_wait3A, %dma_wait3A_73] : memref<2x32x80x128xi32, #tpu.memory_space<hbm>> -> memref<1x1x40x128xi32, #tpu.memory_space<hbm>>
      %dma_wait3A_75 = tpu.memref_squeeze %dma_wait3A_74 : memref<1x1x40x128xi32, #tpu.memory_space<hbm>> -> memref<40x128xi32, #tpu.memory_space<hbm>>
      %dma_wait3A_76 = arith.constant 0 : i32
      %dma_wait3A_77 = arith.constant 0 : i32
      %dma_wait3A_78 = tpu.memref_slice %arg2[%run_scoped3A_15, %add3A, %dma_wait3A_76, %dma_wait3A_77] : memref<2x32x80x128xi32, #tpu.memory_space<hbm>> -> memref<1x1x40x128xi32, #tpu.memory_space<hbm>>
      %dma_wait3A_79 = tpu.memref_squeeze %dma_wait3A_78 : memref<1x1x40x128xi32, #tpu.memory_space<hbm>> -> memref<40x128xi32, #tpu.memory_space<hbm>>
      tpu.wait_dma2 semaphore(%run_scoped3A_64 : memref<!tpu.dma_semaphore, #tpu.memory_space<semaphore_mem>>) src(%dma_wait3A_79 : memref<40x128xi32, #tpu.memory_space<hbm>>) dst(%arg6 : memref<40x128xi32, #tpu.memory_space<vmem>>)
      tpu.yield
    }) : () -> ()
    %dma_start3A = arith.constant 0 : i32
    %dma_start3A_16 = arith.constant 0 : i32
    %dma_start3A_17 = tpu.memref_slice %arg5[%dma_start3A, %dma_start3A_16] : memref<40x128xi32, #tpu.memory_space<vmem>> -> memref<1x128xi32, #tpu.memory_space<vmem>>
    %dma_start3A_18 = tpu.memref_squeeze %dma_start3A_17 : memref<1x128xi32, #tpu.memory_space<vmem>> -> memref<128xi32, #tpu.memory_space<vmem>>
    %dma_start3A_19 = arith.constant 0 : i32
    %dma_start3A_20 = arith.constant 0 : i32
    %dma_start3A_21 = tpu.memref_slice %arg3[%dma_start3A_19, %dma_start3A_20] : memref<10240x128xf32, #tpu.memory_space<hbm>> -> memref<10240x128xf32, #tpu.memory_space<hbm>>
    tpu.enqueue_indirect_dma source(%dma_start3A_21 : memref<10240x128xf32, #tpu.memory_space<hbm>>) target(%arg7 : memref<128x128xf32, #tpu.memory_space<vmem>>) offsets(%dma_start3A_18 : memref<128xi32, #tpu.memory_space<vmem>>) semaphore(%arg10 : memref<!tpu.dma_semaphore, #tpu.memory_space<semaphore_mem>>)
    %dma_start3A_22 = arith.constant 1 : i32
    %dma_start3A_23 = arith.constant 0 : i32
    %dma_start3A_24 = tpu.memref_slice %arg5[%dma_start3A_22, %dma_start3A_23] : memref<40x128xi32, #tpu.memory_space<vmem>> -> memref<1x128xi32, #tpu.memory_space<vmem>>
    %dma_start3A_25 = tpu.memref_squeeze %dma_start3A_24 : memref<1x128xi32, #tpu.memory_space<vmem>> -> memref<128xi32, #tpu.memory_space<vmem>>
    %dma_start3A_26 = arith.constant 0 : i32
    %dma_start3A_27 = arith.constant 0 : i32
    %dma_start3A_28 = tpu.memref_slice %arg3[%dma_start3A_26, %dma_start3A_27] : memref<10240x128xf32, #tpu.memory_space<hbm>> -> memref<10240x128xf32, #tpu.memory_space<hbm>>
    tpu.enqueue_indirect_dma source(%dma_start3A_28 : memref<10240x128xf32, #tpu.memory_space<hbm>>) target(%arg8 : memref<128x128xf32, #tpu.memory_space<vmem>>) offsets(%dma_start3A_25 : memref<128xi32, #tpu.memory_space<vmem>>) semaphore(%arg11 : memref<!tpu.dma_semaphore, #tpu.memory_space<semaphore_mem>>)
    %scan3A_29 = arith.constant 0 : i32
    %scan3A_30 = arith.constant 0 : i32
    %scan3A_31 = arith.constant 20 : i32
    %scan3A_32 = arith.addi %scan3A_30, %scan3A_31 : i32
    %scan3A_33 = arith.constant 1 : i32
    %scan3A_34 = scf.for %scan3A_64 = %scan3A_30 to %scan3A_32 step %scan3A_33 iter_args(%scan3A_65 = %scan3A_29) -> (i32)  : i32 {
      %mul3A_66 = arith.constant 2 : i32
      %mul3A_67 = arith.muli %scan3A_64, %mul3A_66 : i32
      %add3A_68 = arith.constant 0 : i32
      %add3A_69 = arith.addi %mul3A_67, %add3A_68 : i32
      %dma_wait3A = arith.constant 0 : i32
      %dma_wait3A_70 = arith.constant 0 : i32
      %dma_wait3A_71 = tpu.memref_slice %arg5[%dma_wait3A, %dma_wait3A_70] : memref<40x128xi32, #tpu.memory_space<vmem>> -> memref<1x128xi32, #tpu.memory_space<vmem>>
      %dma_wait3A_72 = tpu.memref_squeeze %dma_wait3A_71 : memref<1x128xi32, #tpu.memory_space<vmem>> -> memref<128xi32, #tpu.memory_space<vmem>>
      %dma_wait3A_73 = arith.constant 0 : i32
      %dma_wait3A_74 = arith.constant 0 : i32
      %dma_wait3A_75 = tpu.memref_slice %arg3[%dma_wait3A_73, %dma_wait3A_74] : memref<10240x128xf32, #tpu.memory_space<hbm>> -> memref<10240x128xf32, #tpu.memory_space<hbm>>
      tpu.wait_indirect_dma semaphore(%arg10 : memref<!tpu.dma_semaphore, #tpu.memory_space<semaphore_mem>>) src(%dma_wait3A_75 : memref<10240x128xf32, #tpu.memory_space<hbm>>) dst(%arg7 : memref<128x128xf32, #tpu.memory_space<vmem>>)
      "tpu.region"() ({
        %run_scoped3A_99 = tpu.sem_alloc : memref<!tpu.dma_semaphore, #tpu.memory_space<semaphore_mem>>
        %dma_start3A_100 = arith.constant 0 : i32
        %dma_start3A_101 = tpu.memref_slice %arg6[%add3A_69, %dma_start3A_100] : memref<40x128xi32, #tpu.memory_space<vmem>> -> memref<1x128xi32, #tpu.memory_space<vmem>>
        %dma_start3A_102 = tpu.memref_squeeze %dma_start3A_101 : memref<1x128xi32, #tpu.memory_space<vmem>> -> memref<128xi32, #tpu.memory_space<vmem>>
        %dma_start3A_103 = arith.constant 0 : i32
        %dma_start3A_104 = arith.constant 0 : i32
        %dma_start3A_105 = tpu.memref_slice %arg9[%dma_start3A_103, %dma_start3A_104] : memref<10240x128xf32, #tpu.memory_space<vmem_shared>> -> memref<10240x128xf32, #tpu.memory_space<vmem_shared>>
        tpu.enqueue_indirect_dma source(%arg7 : memref<128x128xf32, #tpu.memory_space<vmem>>) target(%dma_start3A_105 : memref<10240x128xf32, #tpu.memory_space<vmem_shared>>) offsets(%dma_start3A_102 : memref<128xi32, #tpu.memory_space<vmem>>) semaphore(%run_scoped3A_99 : memref<!tpu.dma_semaphore, #tpu.memory_space<semaphore_mem>>) {add = true}
        %dma_wait3A_106 = arith.constant 0 : i32
        %dma_wait3A_107 = tpu.memref_slice %arg6[%add3A_69, %dma_wait3A_106] : memref<40x128xi32, #tpu.memory_space<vmem>> -> memref<1x128xi32, #tpu.memory_space<vmem>>
        %dma_wait3A_108 = tpu.memref_squeeze %dma_wait3A_107 : memref<1x128xi32, #tpu.memory_space<vmem>> -> memref<128xi32, #tpu.memory_space<vmem>>
        %dma_wait3A_109 = arith.constant 0 : i32
        %dma_wait3A_110 = arith.constant 0 : i32
        %dma_wait3A_111 = tpu.memref_slice %arg9[%dma_wait3A_109, %dma_wait3A_110] : memref<10240x128xf32, #tpu.memory_space<vmem_shared>> -> memref<10240x128xf32, #tpu.memory_space<vmem_shared>>
        tpu.wait_indirect_dma semaphore(%run_scoped3A_99 : memref<!tpu.dma_semaphore, #tpu.memory_space<semaphore_mem>>) src(%arg7 : memref<128x128xf32, #tpu.memory_space<vmem>>) dst(%dma_wait3A_111 : memref<10240x128xf32, #tpu.memory_space<vmem_shared>>)
        tpu.yield
      }) : () -> ()
      %add3A_76 = arith.constant 2 : i32
      %add3A_77 = arith.addi %add3A_69, %add3A_76 : i32
      %lt3A = arith.constant 40 : i32
      %lt3A_78 = arith.cmpi slt, %add3A_77, %lt3A : i32
      %convert_element_type3A = arith.extui %lt3A_78 : i1 to i32
      %cond3A = arith.constant 0 : i32
      %cond3A_79 = arith.cmpi ne, %convert_element_type3A, %cond3A : i32
      scf.if %cond3A_79 {
        %add3A_99 = arith.constant 2 : i32
        %add3A_100 = arith.addi %add3A_69, %add3A_99 : i32
        %dma_start3A_101 = arith.constant 0 : i32
        %dma_start3A_102 = tpu.memref_slice %arg5[%add3A_100, %dma_start3A_101] : memref<40x128xi32, #tpu.memory_space<vmem>> -> memref<1x128xi32, #tpu.memory_space<vmem>>
        %dma_start3A_103 = tpu.memref_squeeze %dma_start3A_102 : memref<1x128xi32, #tpu.memory_space<vmem>> -> memref<128xi32, #tpu.memory_space<vmem>>
        %dma_start3A_104 = arith.constant 0 : i32
        %dma_start3A_105 = arith.constant 0 : i32
        %dma_start3A_106 = tpu.memref_slice %arg3[%dma_start3A_104, %dma_start3A_105] : memref<10240x128xf32, #tpu.memory_space<hbm>> -> memref<10240x128xf32, #tpu.memory_space<hbm>>
        tpu.enqueue_indirect_dma source(%dma_start3A_106 : memref<10240x128xf32, #tpu.memory_space<hbm>>) target(%arg7 : memref<128x128xf32, #tpu.memory_space<vmem>>) offsets(%dma_start3A_103 : memref<128xi32, #tpu.memory_space<vmem>>) semaphore(%arg10 : memref<!tpu.dma_semaphore, #tpu.memory_space<semaphore_mem>>)
      } else {
      }
      %mul3A_80 = arith.constant 2 : i32
      %mul3A_81 = arith.muli %scan3A_64, %mul3A_80 : i32
      %add3A_82 = arith.constant 1 : i32
      %add3A_83 = arith.addi %mul3A_81, %add3A_82 : i32
      %dma_wait3A_84 = arith.constant 0 : i32
      %dma_wait3A_85 = arith.constant 0 : i32
      %dma_wait3A_86 = tpu.memref_slice %arg5[%dma_wait3A_84, %dma_wait3A_85] : memref<40x128xi32, #tpu.memory_space<vmem>> -> memref<1x128xi32, #tpu.memory_space<vmem>>
      %dma_wait3A_87 = tpu.memref_squeeze %dma_wait3A_86 : memref<1x128xi32, #tpu.memory_space<vmem>> -> memref<128xi32, #tpu.memory_space<vmem>>
      %dma_wait3A_88 = arith.constant 0 : i32
      %dma_wait3A_89 = arith.constant 0 : i32
      %dma_wait3A_90 = tpu.memref_slice %arg3[%dma_wait3A_88, %dma_wait3A_89] : memref<10240x128xf32, #tpu.memory_space<hbm>> -> memref<10240x128xf32, #tpu.memory_space<hbm>>
      tpu.wait_indirect_dma semaphore(%arg11 : memref<!tpu.dma_semaphore, #tpu.memory_space<semaphore_mem>>) src(%dma_wait3A_90 : memref<10240x128xf32, #tpu.memory_space<hbm>>) dst(%arg8 : memref<128x128xf32, #tpu.memory_space<vmem>>)
      "tpu.region"() ({
        %run_scoped3A_99 = tpu.sem_alloc : memref<!tpu.dma_semaphore, #tpu.memory_space<semaphore_mem>>
        %dma_start3A_100 = arith.constant 0 : i32
        %dma_start3A_101 = tpu.memref_slice %arg6[%add3A_83, %dma_start3A_100] : memref<40x128xi32, #tpu.memory_space<vmem>> -> memref<1x128xi32, #tpu.memory_space<vmem>>
        %dma_start3A_102 = tpu.memref_squeeze %dma_start3A_101 : memref<1x128xi32, #tpu.memory_space<vmem>> -> memref<128xi32, #tpu.memory_space<vmem>>
        %dma_start3A_103 = arith.constant 0 : i32
        %dma_start3A_104 = arith.constant 0 : i32
        %dma_start3A_105 = tpu.memref_slice %arg9[%dma_start3A_103, %dma_start3A_104] : memref<10240x128xf32, #tpu.memory_space<vmem_shared>> -> memref<10240x128xf32, #tpu.memory_space<vmem_shared>>
        tpu.enqueue_indirect_dma source(%arg8 : memref<128x128xf32, #tpu.memory_space<vmem>>) target(%dma_start3A_105 : memref<10240x128xf32, #tpu.memory_space<vmem_shared>>) offsets(%dma_start3A_102 : memref<128xi32, #tpu.memory_space<vmem>>) semaphore(%run_scoped3A_99 : memref<!tpu.dma_semaphore, #tpu.memory_space<semaphore_mem>>) {add = true}
        %dma_wait3A_106 = arith.constant 0 : i32
        %dma_wait3A_107 = tpu.memref_slice %arg6[%add3A_83, %dma_wait3A_106] : memref<40x128xi32, #tpu.memory_space<vmem>> -> memref<1x128xi32, #tpu.memory_space<vmem>>
        %dma_wait3A_108 = tpu.memref_squeeze %dma_wait3A_107 : memref<1x128xi32, #tpu.memory_space<vmem>> -> memref<128xi32, #tpu.memory_space<vmem>>
        %dma_wait3A_109 = arith.constant 0 : i32
        %dma_wait3A_110 = arith.constant 0 : i32
        %dma_wait3A_111 = tpu.memref_slice %arg9[%dma_wait3A_109, %dma_wait3A_110] : memref<10240x128xf32, #tpu.memory_space<vmem_shared>> -> memref<10240x128xf32, #tpu.memory_space<vmem_shared>>
        tpu.wait_indirect_dma semaphore(%run_scoped3A_99 : memref<!tpu.dma_semaphore, #tpu.memory_space<semaphore_mem>>) src(%arg8 : memref<128x128xf32, #tpu.memory_space<vmem>>) dst(%dma_wait3A_111 : memref<10240x128xf32, #tpu.memory_space<vmem_shared>>)
        tpu.yield
      }) : () -> ()
      %add3A_91 = arith.constant 2 : i32
      %add3A_92 = arith.addi %add3A_83, %add3A_91 : i32
      %lt3A_93 = arith.constant 40 : i32
      %lt3A_94 = arith.cmpi slt, %add3A_92, %lt3A_93 : i32
      %convert_element_type3A_95 = arith.extui %lt3A_94 : i1 to i32
      %cond3A_96 = arith.constant 0 : i32
      %cond3A_97 = arith.cmpi ne, %convert_element_type3A_95, %cond3A_96 : i32
      scf.if %cond3A_97 {
        %add3A_99 = arith.constant 2 : i32
        %add3A_100 = arith.addi %add3A_83, %add3A_99 : i32
        %dma_start3A_101 = arith.constant 0 : i32
        %dma_start3A_102 = tpu.memref_slice %arg5[%add3A_100, %dma_start3A_101] : memref<40x128xi32, #tpu.memory_space<vmem>> -> memref<1x128xi32, #tpu.memory_space<vmem>>
        %dma_start3A_103 = tpu.memref_squeeze %dma_start3A_102 : memref<1x128xi32, #tpu.memory_space<vmem>> -> memref<128xi32, #tpu.memory_space<vmem>>
        %dma_start3A_104 = arith.constant 0 : i32
        %dma_start3A_105 = arith.constant 0 : i32
        %dma_start3A_106 = tpu.memref_slice %arg3[%dma_start3A_104, %dma_start3A_105] : memref<10240x128xf32, #tpu.memory_space<hbm>> -> memref<10240x128xf32, #tpu.memory_space<hbm>>
        tpu.enqueue_indirect_dma source(%dma_start3A_106 : memref<10240x128xf32, #tpu.memory_space<hbm>>) target(%arg8 : memref<128x128xf32, #tpu.memory_space<vmem>>) offsets(%dma_start3A_103 : memref<128xi32, #tpu.memory_space<vmem>>) semaphore(%arg11 : memref<!tpu.dma_semaphore, #tpu.memory_space<semaphore_mem>>)
      } else {
      }
      %scan3A_98 = arith.constant 0 : i32
      scf.yield %scan3A_98 : i32
    }
    %scan3A_35 = arith.constant 20 : i32
    %run_scoped3A_36 = arith.constant 0 : i32
    "tpu.region"() ({
      %run_scoped3A_64 = tpu.sem_alloc : memref<!tpu.dma_semaphore, #tpu.memory_space<semaphore_mem>>
      %dma_start3A_65 = arith.constant 40 : i32
      %dma_start3A_66 = arith.constant 0 : i32
      %dma_start3A_67 = tpu.memref_slice %arg2[%run_scoped3A_36, %add3A, %dma_start3A_65, %dma_start3A_66] : memref<2x32x80x128xi32, #tpu.memory_space<hbm>> -> memref<1x1x40x128xi32, #tpu.memory_space<hbm>>
      %dma_start3A_68 = tpu.memref_squeeze %dma_start3A_67 : memref<1x1x40x128xi32, #tpu.memory_space<hbm>> -> memref<40x128xi32, #tpu.memory_space<hbm>>
      %dma_start3A_69 = arith.constant 40 : i32
      %dma_start3A_70 = arith.constant 0 : i32
      %dma_start3A_71 = tpu.memref_slice %arg2[%run_scoped3A_36, %add3A, %dma_start3A_69, %dma_start3A_70] : memref<2x32x80x128xi32, #tpu.memory_space<hbm>> -> memref<1x1x40x128xi32, #tpu.memory_space<hbm>>
      %dma_start3A_72 = tpu.memref_squeeze %dma_start3A_71 : memref<1x1x40x128xi32, #tpu.memory_space<hbm>> -> memref<40x128xi32, #tpu.memory_space<hbm>>
      tpu.enqueue_dma source(%dma_start3A_72 : memref<40x128xi32, #tpu.memory_space<hbm>>) target(%arg5 : memref<40x128xi32, #tpu.memory_space<vmem>>) target_semaphore(%run_scoped3A_64 : memref<!tpu.dma_semaphore, #tpu.memory_space<semaphore_mem>>)
      %dma_wait3A = arith.constant 40 : i32
      %dma_wait3A_73 = arith.constant 0 : i32
      %dma_wait3A_74 = tpu.memref_slice %arg2[%run_scoped3A_36, %add3A, %dma_wait3A, %dma_wait3A_73] : memref<2x32x80x128xi32, #tpu.memory_space<hbm>> -> memref<1x1x40x128xi32, #tpu.memory_space<hbm>>
      %dma_wait3A_75 = tpu.memref_squeeze %dma_wait3A_74 : memref<1x1x40x128xi32, #tpu.memory_space<hbm>> -> memref<40x128xi32, #tpu.memory_space<hbm>>
      %dma_wait3A_76 = arith.constant 40 : i32
      %dma_wait3A_77 = arith.constant 0 : i32
      %dma_wait3A_78 = tpu.memref_slice %arg2[%run_scoped3A_36, %add3A, %dma_wait3A_76, %dma_wait3A_77] : memref<2x32x80x128xi32, #tpu.memory_space<hbm>> -> memref<1x1x40x128xi32, #tpu.memory_space<hbm>>
      %dma_wait3A_79 = tpu.memref_squeeze %dma_wait3A_78 : memref<1x1x40x128xi32, #tpu.memory_space<hbm>> -> memref<40x128xi32, #tpu.memory_space<hbm>>
      tpu.wait_dma2 semaphore(%run_scoped3A_64 : memref<!tpu.dma_semaphore, #tpu.memory_space<semaphore_mem>>) src(%dma_wait3A_79 : memref<40x128xi32, #tpu.memory_space<hbm>>) dst(%arg5 : memref<40x128xi32, #tpu.memory_space<vmem>>)
      tpu.yield
    }) : () -> ()
    %run_scoped3A_37 = arith.constant 1 : i32
    "tpu.region"() ({
      %run_scoped3A_64 = tpu.sem_alloc : memref<!tpu.dma_semaphore, #tpu.memory_space<semaphore_mem>>
      %dma_start3A_65 = arith.constant 40 : i32
      %dma_start3A_66 = arith.constant 0 : i32
      %dma_start3A_67 = tpu.memref_slice %arg2[%run_scoped3A_37, %add3A, %dma_start3A_65, %dma_start3A_66] : memref<2x32x80x128xi32, #tpu.memory_space<hbm>> -> memref<1x1x40x128xi32, #tpu.memory_space<hbm>>
      %dma_start3A_68 = tpu.memref_squeeze %dma_start3A_67 : memref<1x1x40x128xi32, #tpu.memory_space<hbm>> -> memref<40x128xi32, #tpu.memory_space<hbm>>
      %dma_start3A_69 = arith.constant 40 : i32
      %dma_start3A_70 = arith.constant 0 : i32
      %dma_start3A_71 = tpu.memref_slice %arg2[%run_scoped3A_37, %add3A, %dma_start3A_69, %dma_start3A_70] : memref<2x32x80x128xi32, #tpu.memory_space<hbm>> -> memref<1x1x40x128xi32, #tpu.memory_space<hbm>>
      %dma_start3A_72 = tpu.memref_squeeze %dma_start3A_71 : memref<1x1x40x128xi32, #tpu.memory_space<hbm>> -> memref<40x128xi32, #tpu.memory_space<hbm>>
      tpu.enqueue_dma source(%dma_start3A_72 : memref<40x128xi32, #tpu.memory_space<hbm>>) target(%arg6 : memref<40x128xi32, #tpu.memory_space<vmem>>) target_semaphore(%run_scoped3A_64 : memref<!tpu.dma_semaphore, #tpu.memory_space<semaphore_mem>>)
      %dma_wait3A = arith.constant 40 : i32
      %dma_wait3A_73 = arith.constant 0 : i32
      %dma_wait3A_74 = tpu.memref_slice %arg2[%run_scoped3A_37, %add3A, %dma_wait3A, %dma_wait3A_73] : memref<2x32x80x128xi32, #tpu.memory_space<hbm>> -> memref<1x1x40x128xi32, #tpu.memory_space<hbm>>
      %dma_wait3A_75 = tpu.memref_squeeze %dma_wait3A_74 : memref<1x1x40x128xi32, #tpu.memory_space<hbm>> -> memref<40x128xi32, #tpu.memory_space<hbm>>
      %dma_wait3A_76 = arith.constant 40 : i32
      %dma_wait3A_77 = arith.constant 0 : i32
      %dma_wait3A_78 = tpu.memref_slice %arg2[%run_scoped3A_37, %add3A, %dma_wait3A_76, %dma_wait3A_77] : memref<2x32x80x128xi32, #tpu.memory_space<hbm>> -> memref<1x1x40x128xi32, #tpu.memory_space<hbm>>
      %dma_wait3A_79 = tpu.memref_squeeze %dma_wait3A_78 : memref<1x1x40x128xi32, #tpu.memory_space<hbm>> -> memref<40x128xi32, #tpu.memory_space<hbm>>
      tpu.wait_dma2 semaphore(%run_scoped3A_64 : memref<!tpu.dma_semaphore, #tpu.memory_space<semaphore_mem>>) src(%dma_wait3A_79 : memref<40x128xi32, #tpu.memory_space<hbm>>) dst(%arg6 : memref<40x128xi32, #tpu.memory_space<vmem>>)
      tpu.yield
    }) : () -> ()
    %dma_start3A_38 = arith.constant 0 : i32
    %dma_start3A_39 = arith.constant 0 : i32
    %dma_start3A_40 = tpu.memref_slice %arg5[%dma_start3A_38, %dma_start3A_39] : memref<40x128xi32, #tpu.memory_space<vmem>> -> memref<1x128xi32, #tpu.memory_space<vmem>>
    %dma_start3A_41 = tpu.memref_squeeze %dma_start3A_40 : memref<1x128xi32, #tpu.memory_space<vmem>> -> memref<128xi32, #tpu.memory_space<vmem>>
    %dma_start3A_42 = arith.constant 0 : i32
    %dma_start3A_43 = arith.constant 0 : i32
    %dma_start3A_44 = tpu.memref_slice %arg3[%dma_start3A_42, %dma_start3A_43] : memref<10240x128xf32, #tpu.memory_space<hbm>> -> memref<10240x128xf32, #tpu.memory_space<hbm>>
    tpu.enqueue_indirect_dma source(%dma_start3A_44 : memref<10240x128xf32, #tpu.memory_space<hbm>>) target(%arg7 : memref<128x128xf32, #tpu.memory_space<vmem>>) offsets(%dma_start3A_41 : memref<128xi32, #tpu.memory_space<vmem>>) semaphore(%arg10 : memref<!tpu.dma_semaphore, #tpu.memory_space<semaphore_mem>>)
    %dma_start3A_45 = arith.constant 1 : i32
    %dma_start3A_46 = arith.constant 0 : i32
    %dma_start3A_47 = tpu.memref_slice %arg5[%dma_start3A_45, %dma_start3A_46] : memref<40x128xi32, #tpu.memory_space<vmem>> -> memref<1x128xi32, #tpu.memory_space<vmem>>
    %dma_start3A_48 = tpu.memref_squeeze %dma_start3A_47 : memref<1x128xi32, #tpu.memory_space<vmem>> -> memref<128xi32, #tpu.memory_space<vmem>>
    %dma_start3A_49 = arith.constant 0 : i32
    %dma_start3A_50 = arith.constant 0 : i32
    %dma_start3A_51 = tpu.memref_slice %arg3[%dma_start3A_49, %dma_start3A_50] : memref<10240x128xf32, #tpu.memory_space<hbm>> -> memref<10240x128xf32, #tpu.memory_space<hbm>>
    tpu.enqueue_indirect_dma source(%dma_start3A_51 : memref<10240x128xf32, #tpu.memory_space<hbm>>) target(%arg8 : memref<128x128xf32, #tpu.memory_space<vmem>>) offsets(%dma_start3A_48 : memref<128xi32, #tpu.memory_space<vmem>>) semaphore(%arg11 : memref<!tpu.dma_semaphore, #tpu.memory_space<semaphore_mem>>)
    %scan3A_52 = arith.constant 0 : i32
    %scan3A_53 = arith.constant 0 : i32
    %scan3A_54 = arith.constant 20 : i32
    %scan3A_55 = arith.addi %scan3A_53, %scan3A_54 : i32
    %scan3A_56 = arith.constant 1 : i32
    %scan3A_57 = scf.for %scan3A_64 = %scan3A_53 to %scan3A_55 step %scan3A_56 iter_args(%scan3A_65 = %scan3A_52) -> (i32)  : i32 {
      %mul3A_66 = arith.constant 2 : i32
      %mul3A_67 = arith.muli %scan3A_64, %mul3A_66 : i32
      %add3A_68 = arith.constant 0 : i32
      %add3A_69 = arith.addi %mul3A_67, %add3A_68 : i32
      %dma_wait3A = arith.constant 0 : i32
      %dma_wait3A_70 = arith.constant 0 : i32
      %dma_wait3A_71 = tpu.memref_slice %arg5[%dma_wait3A, %dma_wait3A_70] : memref<40x128xi32, #tpu.memory_space<vmem>> -> memref<1x128xi32, #tpu.memory_space<vmem>>
      %dma_wait3A_72 = tpu.memref_squeeze %dma_wait3A_71 : memref<1x128xi32, #tpu.memory_space<vmem>> -> memref<128xi32, #tpu.memory_space<vmem>>
      %dma_wait3A_73 = arith.constant 0 : i32
      %dma_wait3A_74 = arith.constant 0 : i32
      %dma_wait3A_75 = tpu.memref_slice %arg3[%dma_wait3A_73, %dma_wait3A_74] : memref<10240x128xf32, #tpu.memory_space<hbm>> -> memref<10240x128xf32, #tpu.memory_space<hbm>>
      tpu.wait_indirect_dma semaphore(%arg10 : memref<!tpu.dma_semaphore, #tpu.memory_space<semaphore_mem>>) src(%dma_wait3A_75 : memref<10240x128xf32, #tpu.memory_space<hbm>>) dst(%arg7 : memref<128x128xf32, #tpu.memory_space<vmem>>)
      "tpu.region"() ({
        %run_scoped3A_99 = tpu.sem_alloc : memref<!tpu.dma_semaphore, #tpu.memory_space<semaphore_mem>>
        %dma_start3A_100 = arith.constant 0 : i32
        %dma_start3A_101 = tpu.memref_slice %arg6[%add3A_69, %dma_start3A_100] : memref<40x128xi32, #tpu.memory_space<vmem>> -> memref<1x128xi32, #tpu.memory_space<vmem>>
        %dma_start3A_102 = tpu.memref_squeeze %dma_start3A_101 : memref<1x128xi32, #tpu.memory_space<vmem>> -> memref<128xi32, #tpu.memory_space<vmem>>
        %dma_start3A_103 = arith.constant 0 : i32
        %dma_start3A_104 = arith.constant 0 : i32
        %dma_start3A_105 = tpu.memref_slice %arg9[%dma_start3A_103, %dma_start3A_104] : memref<10240x128xf32, #tpu.memory_space<vmem_shared>> -> memref<10240x128xf32, #tpu.memory_space<vmem_shared>>
        tpu.enqueue_indirect_dma source(%arg7 : memref<128x128xf32, #tpu.memory_space<vmem>>) target(%dma_start3A_105 : memref<10240x128xf32, #tpu.memory_space<vmem_shared>>) offsets(%dma_start3A_102 : memref<128xi32, #tpu.memory_space<vmem>>) semaphore(%run_scoped3A_99 : memref<!tpu.dma_semaphore, #tpu.memory_space<semaphore_mem>>) {add = true}
        %dma_wait3A_106 = arith.constant 0 : i32
        %dma_wait3A_107 = tpu.memref_slice %arg6[%add3A_69, %dma_wait3A_106] : memref<40x128xi32, #tpu.memory_space<vmem>> -> memref<1x128xi32, #tpu.memory_space<vmem>>
        %dma_wait3A_108 = tpu.memref_squeeze %dma_wait3A_107 : memref<1x128xi32, #tpu.memory_space<vmem>> -> memref<128xi32, #tpu.memory_space<vmem>>
        %dma_wait3A_109 = arith.constant 0 : i32
        %dma_wait3A_110 = arith.constant 0 : i32
        %dma_wait3A_111 = tpu.memref_slice %arg9[%dma_wait3A_109, %dma_wait3A_110] : memref<10240x128xf32, #tpu.memory_space<vmem_shared>> -> memref<10240x128xf32, #tpu.memory_space<vmem_shared>>
        tpu.wait_indirect_dma semaphore(%run_scoped3A_99 : memref<!tpu.dma_semaphore, #tpu.memory_space<semaphore_mem>>) src(%arg7 : memref<128x128xf32, #tpu.memory_space<vmem>>) dst(%dma_wait3A_111 : memref<10240x128xf32, #tpu.memory_space<vmem_shared>>)
        tpu.yield
      }) : () -> ()
      %add3A_76 = arith.constant 2 : i32
      %add3A_77 = arith.addi %add3A_69, %add3A_76 : i32
      %lt3A = arith.constant 40 : i32
      %lt3A_78 = arith.cmpi slt, %add3A_77, %lt3A : i32
      %convert_element_type3A = arith.extui %lt3A_78 : i1 to i32
      %cond3A = arith.constant 0 : i32
      %cond3A_79 = arith.cmpi ne, %convert_element_type3A, %cond3A : i32
      scf.if %cond3A_79 {
        %add3A_99 = arith.constant 2 : i32
        %add3A_100 = arith.addi %add3A_69, %add3A_99 : i32
        %dma_start3A_101 = arith.constant 0 : i32
        %dma_start3A_102 = tpu.memref_slice %arg5[%add3A_100, %dma_start3A_101] : memref<40x128xi32, #tpu.memory_space<vmem>> -> memref<1x128xi32, #tpu.memory_space<vmem>>
        %dma_start3A_103 = tpu.memref_squeeze %dma_start3A_102 : memref<1x128xi32, #tpu.memory_space<vmem>> -> memref<128xi32, #tpu.memory_space<vmem>>
        %dma_start3A_104 = arith.constant 0 : i32
        %dma_start3A_105 = arith.constant 0 : i32
        %dma_start3A_106 = tpu.memref_slice %arg3[%dma_start3A_104, %dma_start3A_105] : memref<10240x128xf32, #tpu.memory_space<hbm>> -> memref<10240x128xf32, #tpu.memory_space<hbm>>
        tpu.enqueue_indirect_dma source(%dma_start3A_106 : memref<10240x128xf32, #tpu.memory_space<hbm>>) target(%arg7 : memref<128x128xf32, #tpu.memory_space<vmem>>) offsets(%dma_start3A_103 : memref<128xi32, #tpu.memory_space<vmem>>) semaphore(%arg10 : memref<!tpu.dma_semaphore, #tpu.memory_space<semaphore_mem>>)
      } else {
      }
      %mul3A_80 = arith.constant 2 : i32
      %mul3A_81 = arith.muli %scan3A_64, %mul3A_80 : i32
      %add3A_82 = arith.constant 1 : i32
      %add3A_83 = arith.addi %mul3A_81, %add3A_82 : i32
      %dma_wait3A_84 = arith.constant 0 : i32
      %dma_wait3A_85 = arith.constant 0 : i32
      %dma_wait3A_86 = tpu.memref_slice %arg5[%dma_wait3A_84, %dma_wait3A_85] : memref<40x128xi32, #tpu.memory_space<vmem>> -> memref<1x128xi32, #tpu.memory_space<vmem>>
      %dma_wait3A_87 = tpu.memref_squeeze %dma_wait3A_86 : memref<1x128xi32, #tpu.memory_space<vmem>> -> memref<128xi32, #tpu.memory_space<vmem>>
      %dma_wait3A_88 = arith.constant 0 : i32
      %dma_wait3A_89 = arith.constant 0 : i32
      %dma_wait3A_90 = tpu.memref_slice %arg3[%dma_wait3A_88, %dma_wait3A_89] : memref<10240x128xf32, #tpu.memory_space<hbm>> -> memref<10240x128xf32, #tpu.memory_space<hbm>>
      tpu.wait_indirect_dma semaphore(%arg11 : memref<!tpu.dma_semaphore, #tpu.memory_space<semaphore_mem>>) src(%dma_wait3A_90 : memref<10240x128xf32, #tpu.memory_space<hbm>>) dst(%arg8 : memref<128x128xf32, #tpu.memory_space<vmem>>)
      "tpu.region"() ({
        %run_scoped3A_99 = tpu.sem_alloc : memref<!tpu.dma_semaphore, #tpu.memory_space<semaphore_mem>>
        %dma_start3A_100 = arith.constant 0 : i32
        %dma_start3A_101 = tpu.memref_slice %arg6[%add3A_83, %dma_start3A_100] : memref<40x128xi32, #tpu.memory_space<vmem>> -> memref<1x128xi32, #tpu.memory_space<vmem>>
        %dma_start3A_102 = tpu.memref_squeeze %dma_start3A_101 : memref<1x128xi32, #tpu.memory_space<vmem>> -> memref<128xi32, #tpu.memory_space<vmem>>
        %dma_start3A_103 = arith.constant 0 : i32
        %dma_start3A_104 = arith.constant 0 : i32
        %dma_start3A_105 = tpu.memref_slice %arg9[%dma_start3A_103, %dma_start3A_104] : memref<10240x128xf32, #tpu.memory_space<vmem_shared>> -> memref<10240x128xf32, #tpu.memory_space<vmem_shared>>
        tpu.enqueue_indirect_dma source(%arg8 : memref<128x128xf32, #tpu.memory_space<vmem>>) target(%dma_start3A_105 : memref<10240x128xf32, #tpu.memory_space<vmem_shared>>) offsets(%dma_start3A_102 : memref<128xi32, #tpu.memory_space<vmem>>) semaphore(%run_scoped3A_99 : memref<!tpu.dma_semaphore, #tpu.memory_space<semaphore_mem>>) {add = true}
        %dma_wait3A_106 = arith.constant 0 : i32
        %dma_wait3A_107 = tpu.memref_slice %arg6[%add3A_83, %dma_wait3A_106] : memref<40x128xi32, #tpu.memory_space<vmem>> -> memref<1x128xi32, #tpu.memory_space<vmem>>
        %dma_wait3A_108 = tpu.memref_squeeze %dma_wait3A_107 : memref<1x128xi32, #tpu.memory_space<vmem>> -> memref<128xi32, #tpu.memory_space<vmem>>
        %dma_wait3A_109 = arith.constant 0 : i32
        %dma_wait3A_110 = arith.constant 0 : i32
        %dma_wait3A_111 = tpu.memref_slice %arg9[%dma_wait3A_109, %dma_wait3A_110] : memref<10240x128xf32, #tpu.memory_space<vmem_shared>> -> memref<10240x128xf32, #tpu.memory_space<vmem_shared>>
        tpu.wait_indirect_dma semaphore(%run_scoped3A_99 : memref<!tpu.dma_semaphore, #tpu.memory_space<semaphore_mem>>) src(%arg8 : memref<128x128xf32, #tpu.memory_space<vmem>>) dst(%dma_wait3A_111 : memref<10240x128xf32, #tpu.memory_space<vmem_shared>>)
        tpu.yield
      }) : () -> ()
      %add3A_91 = arith.constant 2 : i32
      %add3A_92 = arith.addi %add3A_83, %add3A_91 : i32
      %lt3A_93 = arith.constant 40 : i32
      %lt3A_94 = arith.cmpi slt, %add3A_92, %lt3A_93 : i32
      %convert_element_type3A_95 = arith.extui %lt3A_94 : i1 to i32
      %cond3A_96 = arith.constant 0 : i32
      %cond3A_97 = arith.cmpi ne, %convert_element_type3A_95, %cond3A_96 : i32
      scf.if %cond3A_97 {
        %add3A_99 = arith.constant 2 : i32
        %add3A_100 = arith.addi %add3A_83, %add3A_99 : i32
        %dma_start3A_101 = arith.constant 0 : i32
        %dma_start3A_102 = tpu.memref_slice %arg5[%add3A_100, %dma_start3A_101] : memref<40x128xi32, #tpu.memory_space<vmem>> -> memref<1x128xi32, #tpu.memory_space<vmem>>
        %dma_start3A_103 = tpu.memref_squeeze %dma_start3A_102 : memref<1x128xi32, #tpu.memory_space<vmem>> -> memref<128xi32, #tpu.memory_space<vmem>>
        %dma_start3A_104 = arith.constant 0 : i32
        %dma_start3A_105 = arith.constant 0 : i32
        %dma_start3A_106 = tpu.memref_slice %arg3[%dma_start3A_104, %dma_start3A_105] : memref<10240x128xf32, #tpu.memory_space<hbm>> -> memref<10240x128xf32, #tpu.memory_space<hbm>>
        tpu.enqueue_indirect_dma source(%dma_start3A_106 : memref<10240x128xf32, #tpu.memory_space<hbm>>) target(%arg8 : memref<128x128xf32, #tpu.memory_space<vmem>>) offsets(%dma_start3A_103 : memref<128xi32, #tpu.memory_space<vmem>>) semaphore(%arg11 : memref<!tpu.dma_semaphore, #tpu.memory_space<semaphore_mem>>)
      } else {
      }
      %scan3A_98 = arith.constant 0 : i32
      scf.yield %scan3A_98 : i32
    }
    %scan3A_58 = arith.constant 20 : i32
    %barrier3A_59 = arith.constant 0 : index
    tpu.barrier barrier_id(%barrier3A_59)
    %mul3A_60 = arith.constant 640 : i32
    %mul3A_61 = arith.muli %arg1, %mul3A_60 : i32
    %mul3A_62 = arith.constant 640 : i32
    %mul3A_63 = arith.muli %arg1, %mul3A_62 : i32
    "tpu.region"() ({
      %run_scoped3A_64 = tpu.sem_alloc : memref<!tpu.dma_semaphore, #tpu.memory_space<semaphore_mem>>
      %dma_start3A_65 = arith.constant 0 : i32
      %dma_start3A_66 = tpu.memref_slice %arg4[%arg0, %mul3A_63, %dma_start3A_65] : memref<2x10240x128xf32, #tpu.memory_space<hbm>> -> memref<1x640x128xf32, #tpu.memory_space<hbm>>
      %dma_start3A_67 = tpu.memref_squeeze %dma_start3A_66 : memref<1x640x128xf32, #tpu.memory_space<hbm>> -> memref<640x128xf32, #tpu.memory_space<hbm>>
      %dma_start3A_68 = arith.constant 0 : i32
      %dma_start3A_69 = tpu.memref_slice %arg9[%mul3A_61, %dma_start3A_68] : memref<10240x128xf32, #tpu.memory_space<vmem_shared>> -> memref<640x128xf32, #tpu.memory_space<vmem_shared>>
      tpu.enqueue_dma source(%dma_start3A_69 : memref<640x128xf32, #tpu.memory_space<vmem_shared>>) target(%dma_start3A_67 : memref<640x128xf32, #tpu.memory_space<hbm>>) target_semaphore(%run_scoped3A_64 : memref<!tpu.dma_semaphore, #tpu.memory_space<semaphore_mem>>)
      %dma_wait3A = arith.constant 0 : i32
      %dma_wait3A_70 = tpu.memref_slice %arg4[%arg0, %mul3A_63, %dma_wait3A] : memref<2x10240x128xf32, #tpu.memory_space<hbm>> -> memref<1x640x128xf32, #tpu.memory_space<hbm>>
      %dma_wait3A_71 = tpu.memref_squeeze %dma_wait3A_70 : memref<1x640x128xf32, #tpu.memory_space<hbm>> -> memref<640x128xf32, #tpu.memory_space<hbm>>
      %dma_wait3A_72 = arith.constant 0 : i32
      %dma_wait3A_73 = tpu.memref_slice %arg9[%mul3A_61, %dma_wait3A_72] : memref<10240x128xf32, #tpu.memory_space<vmem_shared>> -> memref<640x128xf32, #tpu.memory_space<vmem_shared>>
      tpu.wait_dma2 semaphore(%run_scoped3A_64 : memref<!tpu.dma_semaphore, #tpu.memory_space<semaphore_mem>>) src(%dma_wait3A_73 : memref<640x128xf32, #tpu.memory_space<vmem_shared>>) dst(%dma_wait3A_71 : memref<640x128xf32, #tpu.memory_space<hbm>>)
      tpu.yield
    }) : () -> ()
    return
  }
}

module attributes {stable_mosaic.version = 14 : i64} {
  func.func @_pre_body(%arg0: memref<10000x128xf32, #tpu.memory_space<vmem>>, %arg1: memref<128x128xf32, #tpu.memory_space<vmem>>, %arg2: memref<1x128xf32, #tpu.memory_space<vmem>>, %arg3: memref<128x128xf32, #tpu.memory_space<vmem>>, %arg4: memref<10240x1xf32, #tpu.memory_space<vmem>>, %arg5: memref<10240x128xf32, #tpu.memory_space<vmem>>) attributes {dimension_semantics = [], scalar_prefetch = 0 : i64, scratch_operands = 0 : i64, tpu.core_type = #tpu.core_type<tc>} {
    %get3A = arith.constant 0 : index
    %get3A_0 = arith.constant 0 : index
    %get3A_1 = vector.load %arg0[%get3A, %get3A_0] : memref<10000x128xf32, #tpu.memory_space<vmem>>, vector<10000x128xf32>
    %get3A_2 = arith.constant 0 : index
    %get3A_3 = arith.constant 0 : index
    %get3A_4 = vector.load %arg1[%get3A_2, %get3A_3] : memref<128x128xf32, #tpu.memory_space<vmem>>, vector<128x128xf32>
    %convert_element_type3A = arith.truncf %get3A_1 : vector<10000x128xf32> to vector<10000x128xbf16>
    %convert_element_type3A_5 = arith.truncf %get3A_4 : vector<128x128xf32> to vector<128x128xbf16>
    %dot_general3A = arith.constant dense<0.000000e+00> : vector<10000x128xf32>
    %dot_general3A_6 = tpu.matmul %convert_element_type3A, %convert_element_type3A_5, %dot_general3A {dimension_numbers = #tpu.dot_dimension_numbers<[1], [0], [0], [1], [0, 0, 1, 1], [], []>, transpose_lhs_hint = false} : vector<10000x128xbf16>, vector<128x128xbf16>, vector<10000x128xf32> -> vector<10000x128xf32>
    %get3A_7 = arith.constant 0 : index
    %get3A_8 = arith.constant 0 : index
    %get3A_9 = vector.load %arg2[%get3A_7, %get3A_8] : memref<1x128xf32, #tpu.memory_space<vmem>>, vector<1x128xf32>
    %add3A = vector.broadcast %get3A_9 : vector<1x128xf32> to vector<10000x128xf32>
    %add3A_10 = arith.addf %dot_general3A_6, %add3A : vector<10000x128xf32>
    %get3A_11 = arith.constant 0 : index
    %get3A_12 = arith.constant 0 : index
    %get3A_13 = vector.load %arg3[%get3A_11, %get3A_12] : memref<128x128xf32, #tpu.memory_space<vmem>>, vector<128x128xf32>
    %convert_element_type3A_14 = arith.truncf %add3A_10 : vector<10000x128xf32> to vector<10000x128xbf16>
    %convert_element_type3A_15 = arith.truncf %get3A_13 : vector<128x128xf32> to vector<128x128xbf16>
    %dot_general3A_16 = arith.constant dense<0.000000e+00> : vector<10000x128xf32>
    %dot_general3A_17 = tpu.matmul %convert_element_type3A_14, %convert_element_type3A_15, %dot_general3A_16 {dimension_numbers = #tpu.dot_dimension_numbers<[1], [0], [0], [1], [0, 0, 1, 1], [], []>, transpose_lhs_hint = false} : vector<10000x128xbf16>, vector<128x128xbf16>, vector<10000x128xf32> -> vector<10000x128xf32>
    %get3A_18 = arith.constant 0 : index
    %get3A_19 = arith.constant 0 : index
    %get3A_20 = vector.load %arg4[%get3A_18, %get3A_19] : memref<10240x1xf32, #tpu.memory_space<vmem>>, vector<10000x1xf32>
    %mul3A = vector.broadcast %get3A_20 : vector<10000x1xf32> to vector<10000x128xf32>
    %mul3A_21 = arith.mulf %mul3A, %dot_general3A_17 : vector<10000x128xf32>
    %swap3A = arith.constant 0 : index
    %swap3A_22 = arith.constant 0 : index
    %swap3A_23 = vector.load %arg5[%swap3A, %swap3A_22] : memref<10240x128xf32, #tpu.memory_space<vmem>>, vector<10000x128xf32>
    tpu.vector_store %arg5[%swap3A, %swap3A_22], %mul3A_21 {strides = array<i32>} : memref<10240x128xf32, #tpu.memory_space<vmem>>, vector<10000x128xf32>,
    %broadcast_in_dim3A = arith.constant 0.000000e+00 : f32
    %broadcast_in_dim3A_24 = vector.broadcast %broadcast_in_dim3A : f32 to vector<240x128xf32>
    %swap3A_25 = arith.constant 10000 : index
    %swap3A_26 = arith.constant 0 : index
    %swap3A_27 = vector.load %arg5[%swap3A_25, %swap3A_26] : memref<10240x128xf32, #tpu.memory_space<vmem>>, vector<240x128xf32>
    tpu.vector_store %arg5[%swap3A_25, %swap3A_26], %broadcast_in_dim3A_24 {strides = array<i32>} : memref<10240x128xf32, #tpu.memory_space<vmem>>, vector<240x128xf32>,
    return
  }
}

module attributes {stable_mosaic.version = 14 : i64} {
  func.func @_layer_body(%arg0: memref<2x10240x128xf32, #tpu.memory_space<vmem>>, %arg1: memref<10240x128xf32, #tpu.memory_space<vmem>>, %arg2: memref<10240x1xf32, #tpu.memory_space<vmem>>, %arg3: memref<1x128xf32, #tpu.memory_space<vmem>>, %arg4: memref<1x128xf32, #tpu.memory_space<vmem>>, %arg5: memref<1x128xf32, #tpu.memory_space<vmem>>, %arg6: memref<128x128xf32, #tpu.memory_space<vmem>>, %arg7: memref<10240x128xf32, #tpu.memory_space<vmem>>) attributes {dimension_semantics = [], scalar_prefetch = 0 : i64, scratch_operands = 0 : i64, tpu.core_type = #tpu.core_type<tc>} {
    %get3A = arith.constant 0 : index
    %get3A_0 = arith.constant 0 : index
    %get3A_1 = vector.load %arg2[%get3A, %get3A_0] : memref<10240x1xf32, #tpu.memory_space<vmem>>, vector<10240x1xf32>
    %get3A_2 = arith.constant 0 : index
    %get3A_3 = arith.constant 0 : index
    %get3A_4 = arith.constant 0 : index
    %get3A_5 = vector.load %arg0[%get3A_2, %get3A_3, %get3A_4] : memref<2x10240x128xf32, #tpu.memory_space<vmem>>, vector<1x10240x128xf32>
    %get3A_6 = vector.shape_cast %get3A_5 : vector<1x10240x128xf32> to vector<10240x128xf32>
    %get3A_7 = arith.constant 1 : index
    %get3A_8 = arith.constant 0 : index
    %get3A_9 = arith.constant 0 : index
    %get3A_10 = vector.load %arg0[%get3A_7, %get3A_8, %get3A_9] : memref<2x10240x128xf32, #tpu.memory_space<vmem>>, vector<1x10240x128xf32>
    %get3A_11 = vector.shape_cast %get3A_10 : vector<1x10240x128xf32> to vector<10240x128xf32>
    %add3A = arith.addf %get3A_6, %get3A_11 : vector<10240x128xf32>
    %get3A_12 = arith.constant 0 : index
    %get3A_13 = arith.constant 0 : index
    %get3A_14 = vector.load %arg1[%get3A_12, %get3A_13] : memref<10240x128xf32, #tpu.memory_space<vmem>>, vector<10240x128xf32>
    %add3A_15 = arith.addf %add3A, %get3A_14 : vector<10240x128xf32>
    %mul3A = vector.broadcast %get3A_1 : vector<10240x1xf32> to vector<10240x128xf32>
    %mul3A_16 = arith.mulf %mul3A, %add3A_15 : vector<10240x128xf32>
    %get3A_17 = arith.constant 0 : index
    %get3A_18 = arith.constant 0 : index
    %get3A_19 = vector.load %arg3[%get3A_17, %get3A_18] : memref<1x128xf32, #tpu.memory_space<vmem>>, vector<1x128xf32>
    %add3A_20 = vector.broadcast %get3A_19 : vector<1x128xf32> to vector<10240x128xf32>
    %add3A_21 = arith.addf %mul3A_16, %add3A_20 : vector<10240x128xf32>
    %iota3A = tpu.iota {dimensions = array<i32: 0>} : vector<10240x1xi32>
    %lt3A = arith.constant 10000 : i32
    %lt3A_22 = vector.broadcast %lt3A : i32 to vector<10240x1xi32>
    %lt3A_23 = arith.cmpi slt, %iota3A, %lt3A_22 : vector<10240x1xi32>
    %jit3A = arith.constant 0.000000e+00 : f32
    %broadcast_in_dim3A = vector.shape_cast %lt3A_23 : vector<10240x1xi1> to vector<10240x1xi1>
    %broadcast_in_dim3A_24 = vector.broadcast %broadcast_in_dim3A : vector<10240x1xi1> to vector<10240x128xi1>
    %broadcast_in_dim3A_25 = vector.broadcast %jit3A : f32 to vector<10240x128xf32>
    %select_n3A = arith.select %broadcast_in_dim3A_24, %add3A_21, %broadcast_in_dim3A_25 : vector<10240x128xi1>, vector<10240x128xf32>
    %reduce_sum3A = arith.constant dense<0.000000e+00> : vector<128xf32>
    %reduce_sum3A_26 = vector.multi_reduction <add>, %select_n3A, %reduce_sum3A [0] : vector<10240x128xf32> to vector<128xf32>
    %broadcast_in_dim3A_27 = vector.shape_cast %reduce_sum3A_26 : vector<128xf32> to vector<1x128xf32>
    %div3A = arith.constant 1.000000e+04 : f32
    %div3A_28 = vector.broadcast %div3A : f32 to vector<1x128xf32>
    %div3A_29 = arith.divf %broadcast_in_dim3A_27, %div3A_28 : vector<1x128xf32>
    %sub3A = vector.broadcast %div3A_29 : vector<1x128xf32> to vector<10240x128xf32>
    %sub3A_30 = arith.subf %add3A_21, %sub3A : vector<10240x128xf32>
    %jit3A_31 = arith.constant 0.000000e+00 : f32
    %broadcast_in_dim3A_32 = vector.shape_cast %lt3A_23 : vector<10240x1xi1> to vector<10240x1xi1>
    %broadcast_in_dim3A_33 = vector.broadcast %broadcast_in_dim3A_32 : vector<10240x1xi1> to vector<10240x128xi1>
    %broadcast_in_dim3A_34 = vector.broadcast %jit3A_31 : f32 to vector<10240x128xf32>
    %select_n3A_35 = arith.select %broadcast_in_dim3A_33, %sub3A_30, %broadcast_in_dim3A_34 : vector<10240x128xi1>, vector<10240x128xf32>
    %mul3A_36 = arith.mulf %select_n3A_35, %select_n3A_35 : vector<10240x128xf32>
    %reduce_sum3A_37 = arith.constant dense<0.000000e+00> : vector<128xf32>
    %reduce_sum3A_38 = vector.multi_reduction <add>, %mul3A_36, %reduce_sum3A_37 [0] : vector<10240x128xf32> to vector<128xf32>
    %broadcast_in_dim3A_39 = vector.shape_cast %reduce_sum3A_38 : vector<128xf32> to vector<1x128xf32>
    %div3A_40 = arith.constant 1.000000e+04 : f32
    %div3A_41 = vector.broadcast %div3A_40 : f32 to vector<1x128xf32>
    %div3A_42 = arith.divf %broadcast_in_dim3A_39, %div3A_41 : vector<1x128xf32>
    %get3A_43 = arith.constant 0 : index
    %get3A_44 = arith.constant 0 : index
    %get3A_45 = vector.load %arg4[%get3A_43, %get3A_44] : memref<1x128xf32, #tpu.memory_space<vmem>>, vector<1x128xf32>
    %sub3A_46 = vector.broadcast %div3A_29 : vector<1x128xf32> to vector<10240x128xf32>
    %sub3A_47 = arith.subf %add3A_21, %sub3A_46 : vector<10240x128xf32>
    %mul3A_48 = vector.broadcast %get3A_45 : vector<1x128xf32> to vector<10240x128xf32>
    %mul3A_49 = arith.mulf %mul3A_48, %sub3A_47 : vector<10240x128xf32>
    %add3A_50 = arith.constant 9.99999974E-6 : f32
    %add3A_51 = vector.broadcast %add3A_50 : f32 to vector<1x128xf32>
    %add3A_52 = arith.addf %div3A_42, %add3A_51 : vector<1x128xf32>
    %sqrt3A = math.sqrt %add3A_52 : vector<1x128xf32>
    %div3A_53 = vector.broadcast %sqrt3A : vector<1x128xf32> to vector<10240x128xf32>
    %div3A_54 = arith.divf %mul3A_49, %div3A_53 : vector<10240x128xf32>
    %get3A_55 = arith.constant 0 : index
    %get3A_56 = arith.constant 0 : index
    %get3A_57 = vector.load %arg5[%get3A_55, %get3A_56] : memref<1x128xf32, #tpu.memory_space<vmem>>, vector<1x128xf32>
    %add3A_58 = vector.broadcast %get3A_57 : vector<1x128xf32> to vector<10240x128xf32>
    %add3A_59 = arith.addf %div3A_54, %add3A_58 : vector<10240x128xf32>
    %ge3A = arith.constant 0.000000e+00 : f32
    %ge3A_60 = vector.broadcast %ge3A : f32 to vector<10240x128xf32>
    %ge3A_61 = arith.cmpf oge, %add3A_59, %ge3A_60 : vector<10240x128xf32>
    %mul3A_62 = arith.constant 0.00999999977 : f32
    %mul3A_63 = vector.broadcast %mul3A_62 : f32 to vector<10240x128xf32>
    %mul3A_64 = arith.mulf %mul3A_63, %add3A_59 : vector<10240x128xf32>
    %select_n3A_65 = arith.select %ge3A_61, %add3A_59, %mul3A_64 : vector<10240x128xi1>, vector<10240x128xf32>
    %get3A_66 = arith.constant 0 : index
    %get3A_67 = arith.constant 0 : index
    %get3A_68 = vector.load %arg2[%get3A_66, %get3A_67] : memref<10240x1xf32, #tpu.memory_space<vmem>>, vector<10240x1xf32>
    %get3A_69 = arith.constant 0 : index
    %get3A_70 = arith.constant 0 : index
    %get3A_71 = vector.load %arg6[%get3A_69, %get3A_70] : memref<128x128xf32, #tpu.memory_space<vmem>>, vector<128x128xf32>
    %convert_element_type3A = arith.truncf %select_n3A_65 : vector<10240x128xf32> to vector<10240x128xbf16>
    %convert_element_type3A_72 = arith.truncf %get3A_71 : vector<128x128xf32> to vector<128x128xbf16>
    %dot_general3A = arith.constant dense<0.000000e+00> : vector<10240x128xf32>
    %dot_general3A_73 = tpu.matmul %convert_element_type3A, %convert_element_type3A_72, %dot_general3A {dimension_numbers = #tpu.dot_dimension_numbers<[1], [0], [0], [1], [0, 0, 1, 1], [], []>, transpose_lhs_hint = false} : vector<10240x128xbf16>, vector<128x128xbf16>, vector<10240x128xf32> -> vector<10240x128xf32>
    %mul3A_74 = vector.broadcast %get3A_68 : vector<10240x1xf32> to vector<10240x128xf32>
    %mul3A_75 = arith.mulf %mul3A_74, %dot_general3A_73 : vector<10240x128xf32>
    %swap3A = arith.constant 0 : index
    %swap3A_76 = arith.constant 0 : index
    %swap3A_77 = vector.load %arg7[%swap3A, %swap3A_76] : memref<10240x128xf32, #tpu.memory_space<vmem>>, vector<10240x128xf32>
    tpu.vector_store %arg7[%swap3A, %swap3A_76], %mul3A_75 {strides = array<i32>} : memref<10240x128xf32, #tpu.memory_space<vmem>>, vector<10240x128xf32>,
    return
  }
}

module attributes {stable_mosaic.version = 14 : i64} {
  func.func @_layer_body(%arg0: memref<2x10240x128xf32, #tpu.memory_space<vmem>>, %arg1: memref<10240x128xf32, #tpu.memory_space<vmem>>, %arg2: memref<10240x1xf32, #tpu.memory_space<vmem>>, %arg3: memref<1x128xf32, #tpu.memory_space<vmem>>, %arg4: memref<1x128xf32, #tpu.memory_space<vmem>>, %arg5: memref<1x128xf32, #tpu.memory_space<vmem>>, %arg6: memref<10240x128xf32, #tpu.memory_space<vmem>>) attributes {dimension_semantics = [], scalar_prefetch = 0 : i64, scratch_operands = 0 : i64, tpu.core_type = #tpu.core_type<tc>} {
    %get3A = arith.constant 0 : index
    %get3A_0 = arith.constant 0 : index
    %get3A_1 = vector.load %arg2[%get3A, %get3A_0] : memref<10240x1xf32, #tpu.memory_space<vmem>>, vector<10240x1xf32>
    %get3A_2 = arith.constant 0 : index
    %get3A_3 = arith.constant 0 : index
    %get3A_4 = arith.constant 0 : index
    %get3A_5 = vector.load %arg0[%get3A_2, %get3A_3, %get3A_4] : memref<2x10240x128xf32, #tpu.memory_space<vmem>>, vector<1x10240x128xf32>
    %get3A_6 = vector.shape_cast %get3A_5 : vector<1x10240x128xf32> to vector<10240x128xf32>
    %get3A_7 = arith.constant 1 : index
    %get3A_8 = arith.constant 0 : index
    %get3A_9 = arith.constant 0 : index
    %get3A_10 = vector.load %arg0[%get3A_7, %get3A_8, %get3A_9] : memref<2x10240x128xf32, #tpu.memory_space<vmem>>, vector<1x10240x128xf32>
    %get3A_11 = vector.shape_cast %get3A_10 : vector<1x10240x128xf32> to vector<10240x128xf32>
    %add3A = arith.addf %get3A_6, %get3A_11 : vector<10240x128xf32>
    %get3A_12 = arith.constant 0 : index
    %get3A_13 = arith.constant 0 : index
    %get3A_14 = vector.load %arg1[%get3A_12, %get3A_13] : memref<10240x128xf32, #tpu.memory_space<vmem>>, vector<10240x128xf32>
    %add3A_15 = arith.addf %add3A, %get3A_14 : vector<10240x128xf32>
    %mul3A = vector.broadcast %get3A_1 : vector<10240x1xf32> to vector<10240x128xf32>
    %mul3A_16 = arith.mulf %mul3A, %add3A_15 : vector<10240x128xf32>
    %get3A_17 = arith.constant 0 : index
    %get3A_18 = arith.constant 0 : index
    %get3A_19 = vector.load %arg3[%get3A_17, %get3A_18] : memref<1x128xf32, #tpu.memory_space<vmem>>, vector<1x128xf32>
    %add3A_20 = vector.broadcast %get3A_19 : vector<1x128xf32> to vector<10240x128xf32>
    %add3A_21 = arith.addf %mul3A_16, %add3A_20 : vector<10240x128xf32>
    %iota3A = tpu.iota {dimensions = array<i32: 0>} : vector<10240x1xi32>
    %lt3A = arith.constant 10000 : i32
    %lt3A_22 = vector.broadcast %lt3A : i32 to vector<10240x1xi32>
    %lt3A_23 = arith.cmpi slt, %iota3A, %lt3A_22 : vector<10240x1xi32>
    %jit3A = arith.constant 0.000000e+00 : f32
    %broadcast_in_dim3A = vector.shape_cast %lt3A_23 : vector<10240x1xi1> to vector<10240x1xi1>
    %broadcast_in_dim3A_24 = vector.broadcast %broadcast_in_dim3A : vector<10240x1xi1> to vector<10240x128xi1>
    %broadcast_in_dim3A_25 = vector.broadcast %jit3A : f32 to vector<10240x128xf32>
    %select_n3A = arith.select %broadcast_in_dim3A_24, %add3A_21, %broadcast_in_dim3A_25 : vector<10240x128xi1>, vector<10240x128xf32>
    %reduce_sum3A = arith.constant dense<0.000000e+00> : vector<128xf32>
    %reduce_sum3A_26 = vector.multi_reduction <add>, %select_n3A, %reduce_sum3A [0] : vector<10240x128xf32> to vector<128xf32>
    %broadcast_in_dim3A_27 = vector.shape_cast %reduce_sum3A_26 : vector<128xf32> to vector<1x128xf32>
    %div3A = arith.constant 1.000000e+04 : f32
    %div3A_28 = vector.broadcast %div3A : f32 to vector<1x128xf32>
    %div3A_29 = arith.divf %broadcast_in_dim3A_27, %div3A_28 : vector<1x128xf32>
    %sub3A = vector.broadcast %div3A_29 : vector<1x128xf32> to vector<10240x128xf32>
    %sub3A_30 = arith.subf %add3A_21, %sub3A : vector<10240x128xf32>
    %jit3A_31 = arith.constant 0.000000e+00 : f32
    %broadcast_in_dim3A_32 = vector.shape_cast %lt3A_23 : vector<10240x1xi1> to vector<10240x1xi1>
    %broadcast_in_dim3A_33 = vector.broadcast %broadcast_in_dim3A_32 : vector<10240x1xi1> to vector<10240x128xi1>
    %broadcast_in_dim3A_34 = vector.broadcast %jit3A_31 : f32 to vector<10240x128xf32>
    %select_n3A_35 = arith.select %broadcast_in_dim3A_33, %sub3A_30, %broadcast_in_dim3A_34 : vector<10240x128xi1>, vector<10240x128xf32>
    %mul3A_36 = arith.mulf %select_n3A_35, %select_n3A_35 : vector<10240x128xf32>
    %reduce_sum3A_37 = arith.constant dense<0.000000e+00> : vector<128xf32>
    %reduce_sum3A_38 = vector.multi_reduction <add>, %mul3A_36, %reduce_sum3A_37 [0] : vector<10240x128xf32> to vector<128xf32>
    %broadcast_in_dim3A_39 = vector.shape_cast %reduce_sum3A_38 : vector<128xf32> to vector<1x128xf32>
    %div3A_40 = arith.constant 1.000000e+04 : f32
    %div3A_41 = vector.broadcast %div3A_40 : f32 to vector<1x128xf32>
    %div3A_42 = arith.divf %broadcast_in_dim3A_39, %div3A_41 : vector<1x128xf32>
    %get3A_43 = arith.constant 0 : index
    %get3A_44 = arith.constant 0 : index
    %get3A_45 = vector.load %arg4[%get3A_43, %get3A_44] : memref<1x128xf32, #tpu.memory_space<vmem>>, vector<1x128xf32>
    %sub3A_46 = vector.broadcast %div3A_29 : vector<1x128xf32> to vector<10240x128xf32>
    %sub3A_47 = arith.subf %add3A_21, %sub3A_46 : vector<10240x128xf32>
    %mul3A_48 = vector.broadcast %get3A_45 : vector<1x128xf32> to vector<10240x128xf32>
    %mul3A_49 = arith.mulf %mul3A_48, %sub3A_47 : vector<10240x128xf32>
    %add3A_50 = arith.constant 9.99999974E-6 : f32
    %add3A_51 = vector.broadcast %add3A_50 : f32 to vector<1x128xf32>
    %add3A_52 = arith.addf %div3A_42, %add3A_51 : vector<1x128xf32>
    %sqrt3A = math.sqrt %add3A_52 : vector<1x128xf32>
    %div3A_53 = vector.broadcast %sqrt3A : vector<1x128xf32> to vector<10240x128xf32>
    %div3A_54 = arith.divf %mul3A_49, %div3A_53 : vector<10240x128xf32>
    %get3A_55 = arith.constant 0 : index
    %get3A_56 = arith.constant 0 : index
    %get3A_57 = vector.load %arg5[%get3A_55, %get3A_56] : memref<1x128xf32, #tpu.memory_space<vmem>>, vector<1x128xf32>
    %add3A_58 = vector.broadcast %get3A_57 : vector<1x128xf32> to vector<10240x128xf32>
    %add3A_59 = arith.addf %div3A_54, %add3A_58 : vector<10240x128xf32>
    %ge3A = arith.constant 0.000000e+00 : f32
    %ge3A_60 = vector.broadcast %ge3A : f32 to vector<10240x128xf32>
    %ge3A_61 = arith.cmpf oge, %add3A_59, %ge3A_60 : vector<10240x128xf32>
    %mul3A_62 = arith.constant 0.00999999977 : f32
    %mul3A_63 = vector.broadcast %mul3A_62 : f32 to vector<10240x128xf32>
    %mul3A_64 = arith.mulf %mul3A_63, %add3A_59 : vector<10240x128xf32>
    %select_n3A_65 = arith.select %ge3A_61, %add3A_59, %mul3A_64 : vector<10240x128xi1>, vector<10240x128xf32>
    %swap3A = arith.constant 0 : index
    %swap3A_66 = arith.constant 0 : index
    %swap3A_67 = vector.load %arg6[%swap3A, %swap3A_66] : memref<10240x128xf32, #tpu.memory_space<vmem>>, vector<10240x128xf32>
    tpu.vector_store %arg6[%swap3A, %swap3A_66], %select_n3A_65 {strides = array<i32>} : memref<10240x128xf32, #tpu.memory_space<vmem>>, vector<10240x128xf32>,
    return
  }
}

module attributes {stable_mosaic.version = 14 : i64} {
  func.func @_score_body(%arg0: memref<2x10240x128xf32, #tpu.memory_space<vmem>>, %arg1: memref<10240x128xf32, #tpu.memory_space<vmem>>, %arg2: memref<128x1xf32, #tpu.memory_space<vmem>>, %arg3: memref<128x1xf32, #tpu.memory_space<vmem>>, %arg4: memref<1x1xf32, #tpu.memory_space<vmem>>, %arg5: memref<10240x1xf32, #tpu.memory_space<vmem>>) attributes {dimension_semantics = [], scalar_prefetch = 0 : i64, scratch_operands = 0 : i64, tpu.core_type = #tpu.core_type<tc>} {
    %get3A = arith.constant 0 : index
    %get3A_0 = arith.constant 0 : index
    %get3A_1 = arith.constant 0 : index
    %get3A_2 = vector.load %arg0[%get3A, %get3A_0, %get3A_1] : memref<2x10240x128xf32, #tpu.memory_space<vmem>>, vector<1x10240x128xf32>
    %get3A_3 = vector.shape_cast %get3A_2 : vector<1x10240x128xf32> to vector<10240x128xf32>
    %get3A_4 = arith.constant 1 : index
    %get3A_5 = arith.constant 0 : index
    %get3A_6 = arith.constant 0 : index
    %get3A_7 = vector.load %arg0[%get3A_4, %get3A_5, %get3A_6] : memref<2x10240x128xf32, #tpu.memory_space<vmem>>, vector<1x10240x128xf32>
    %get3A_8 = vector.shape_cast %get3A_7 : vector<1x10240x128xf32> to vector<10240x128xf32>
    %add3A = arith.addf %get3A_3, %get3A_8 : vector<10240x128xf32>
    %get3A_9 = arith.constant 0 : index
    %get3A_10 = arith.constant 0 : index
    %get3A_11 = vector.load %arg2[%get3A_9, %get3A_10] : memref<128x1xf32, #tpu.memory_space<vmem>>, vector<128x1xf32>
    %convert_element_type3A = arith.truncf %add3A : vector<10240x128xf32> to vector<10240x128xbf16>
    %convert_element_type3A_12 = arith.truncf %get3A_11 : vector<128x1xf32> to vector<128x1xbf16>
    %dot_general3A = arith.constant dense<0.000000e+00> : vector<10240x1xf32>
    %dot_general3A_13 = tpu.matmul %convert_element_type3A, %convert_element_type3A_12, %dot_general3A {dimension_numbers = #tpu.dot_dimension_numbers<[1], [0], [0], [1], [0, 0, 1, 1], [], []>, transpose_lhs_hint = false} : vector<10240x128xbf16>, vector<128x1xbf16>, vector<10240x1xf32> -> vector<10240x1xf32>
    %get3A_14 = arith.constant 0 : index
    %get3A_15 = arith.constant 0 : index
    %get3A_16 = vector.load %arg4[%get3A_14, %get3A_15] : memref<1x1xf32, #tpu.memory_space<vmem>>, vector<1x1xf32>
    %add3A_17 = vector.broadcast %get3A_16 : vector<1x1xf32> to vector<10240x1xf32>
    %add3A_18 = arith.addf %dot_general3A_13, %add3A_17 : vector<10240x1xf32>
    %get3A_19 = arith.constant 0 : index
    %get3A_20 = arith.constant 0 : index
    %get3A_21 = vector.load %arg1[%get3A_19, %get3A_20] : memref<10240x128xf32, #tpu.memory_space<vmem>>, vector<10240x128xf32>
    %get3A_22 = arith.constant 0 : index
    %get3A_23 = arith.constant 0 : index
    %get3A_24 = vector.load %arg3[%get3A_22, %get3A_23] : memref<128x1xf32, #tpu.memory_space<vmem>>, vector<128x1xf32>
    %convert_element_type3A_25 = arith.truncf %get3A_21 : vector<10240x128xf32> to vector<10240x128xbf16>
    %convert_element_type3A_26 = arith.truncf %get3A_24 : vector<128x1xf32> to vector<128x1xbf16>
    %dot_general3A_27 = arith.constant dense<0.000000e+00> : vector<10240x1xf32>
    %dot_general3A_28 = tpu.matmul %convert_element_type3A_25, %convert_element_type3A_26, %dot_general3A_27 {dimension_numbers = #tpu.dot_dimension_numbers<[1], [0], [0], [1], [0, 0, 1, 1], [], []>, transpose_lhs_hint = false} : vector<10240x128xbf16>, vector<128x1xbf16>, vector<10240x1xf32> -> vector<10240x1xf32>
    %add3A_29 = arith.addf %add3A_18, %dot_general3A_28 : vector<10240x1xf32>
    %swap3A = arith.constant 0 : index
    %swap3A_30 = arith.constant 0 : index
    %swap3A_31 = vector.load %arg5[%swap3A, %swap3A_30] : memref<10240x1xf32, #tpu.memory_space<vmem>>, vector<10240x1xf32>
    tpu.vector_store %arg5[%swap3A, %swap3A_30], %add3A_29 {strides = array<i32>} : memref<10240x1xf32, #tpu.memory_space<vmem>>, vector<10240x1xf32>,
    return
  }
}

module attributes {stable_mosaic.version = 14 : i64} {
  func.func @_final_body(%arg0: memref<80x128xf32, #tpu.memory_space<vmem>>, %arg1: memref<10240x128xf32, #tpu.memory_space<vmem>>, %arg2: memref<128x64xf32, #tpu.memory_space<vmem>>, %arg3: memref<1x64xf32, #tpu.memory_space<vmem>>, %arg4: memref<64x1xf32, #tpu.memory_space<vmem>>, %arg5: memref<1x1xf32, #tpu.memory_space<vmem>>, %arg6: memref<1x1xf32, #tpu.memory_space<vmem>>, %arg7: memref<80x128xf32, #tpu.memory_space<vmem>>) attributes {dimension_semantics = [], scalar_prefetch = 0 : i64, scratch_operands = 1 : i64, tpu.core_type = #tpu.core_type<tc>} {
    %get3A = arith.constant 0 : index
    %get3A_0 = arith.constant 0 : index
    %get3A_1 = vector.load %arg0[%get3A, %get3A_0] : memref<80x128xf32, #tpu.memory_space<vmem>>, vector<80x128xf32>
    %iota3A = tpu.iota {dimensions = array<i32: 0>} : vector<80x128xi32>
    %mul3A = arith.constant 128 : i32
    %mul3A_2 = vector.broadcast %mul3A : i32 to vector<80x128xi32>
    %mul3A_3 = arith.muli %iota3A, %mul3A_2 : vector<80x128xi32>
    %iota3A_4 = tpu.iota {dimensions = array<i32: 1>} : vector<80x128xi32>
    %add3A = arith.addi %mul3A_3, %iota3A_4 : vector<80x128xi32>
    %lt3A = arith.constant 10000 : i32
    %lt3A_5 = vector.broadcast %lt3A : i32 to vector<80x128xi32>
    %lt3A_6 = arith.cmpi slt, %add3A, %lt3A_5 : vector<80x128xi32>
    %bitcast_convert_type3A = tpu.bitcast %get3A_1 : vector<80x128xf32> -> vector<80x128xi32>
    %ge3A = arith.constant 0 : i32
    %ge3A_7 = vector.broadcast %ge3A : i32 to vector<80x128xi32>
    %ge3A_8 = arith.cmpi sge, %bitcast_convert_type3A, %ge3A_7 : vector<80x128xi32>
    %not3A = arith.constant dense<-1> : vector<80x128xi32>
    %not3A_9 = arith.xori %bitcast_convert_type3A, %not3A : vector<80x128xi32>
    %xor3A = arith.constant -2147483648 : i32
    %xor3A_10 = vector.broadcast %xor3A : i32 to vector<80x128xi32>
    %xor3A_11 = arith.xori %not3A_9, %xor3A_10 : vector<80x128xi32>
    %select_n3A = arith.select %ge3A_8, %bitcast_convert_type3A, %xor3A_11 : vector<80x128xi1>, vector<80x128xi32>
    %jit3A = arith.constant -2147483648 : i32
    %broadcast_in_dim3A = vector.broadcast %jit3A : i32 to vector<80x128xi32>
    %select_n3A_12 = arith.select %lt3A_6, %select_n3A, %broadcast_in_dim3A : vector<80x128xi1>, vector<80x128xi32>
    %scan3A = arith.constant 0 : i32
    %scan3A_13 = arith.constant 0 : i32
    %scan3A_14 = arith.constant 32 : i32
    %scan3A_15 = arith.addi %scan3A_13, %scan3A_14 : i32
    %scan3A_16 = arith.constant 1 : i32
    %scan3A_17 = scf.for %scan3A_80 = %scan3A_13 to %scan3A_15 step %scan3A_16 iter_args(%scan3A_81 = %scan3A) -> (i32)  : i32 {
      %sub3A_82 = arith.constant 31 : i32
      %sub3A_83 = arith.subi %sub3A_82, %scan3A_80 : i32
      %shift_left3A = arith.constant 1 : i32
      %shift_left3A_84 = arith.shli %shift_left3A, %sub3A_83 : i32
      %or3A_85 = arith.ori %scan3A_81, %shift_left3A_84 : i32
      %xor3A_86 = arith.constant -2147483648 : i32
      %xor3A_87 = arith.xori %or3A_85, %xor3A_86 : i32
      %ge3A_88 = vector.broadcast %xor3A_87 : i32 to vector<80x128xi32>
      %ge3A_89 = arith.cmpi sge, %select_n3A_12, %ge3A_88 : vector<80x128xi32>
      %convert_element_type3A_90 = arith.extui %ge3A_89 : vector<80x128xi1> to vector<80x128xi32>
      %reduce_sum3A_91 = vector.shape_cast %convert_element_type3A_90 : vector<80x128xi32> to vector<1x80x128xi32>
      %reduce_sum3A_92 = arith.constant dense<0> : vector<1xi32>
      %reduce_sum3A_93 = vector.multi_reduction <add>, %reduce_sum3A_91, %reduce_sum3A_92 [1, 2] : vector<1x80x128xi32> to vector<1xi32>
      %reduce_sum3A_94 = vector.shape_cast %reduce_sum3A_93 : vector<1xi32> to vector<1x1x1xi32>
      %reduce_sum3A_95 = vector.extract %reduce_sum3A_94[0, 0, 0] : i32 from vector<1x1x1xi32>
      %ge3A_96 = arith.constant 5000 : i32
      %ge3A_97 = arith.cmpi sge, %reduce_sum3A_95, %ge3A_96 : i32
      %select_n3A_98 = arith.select %ge3A_97, %or3A_85, %scan3A_81 : i32
      scf.yield %select_n3A_98 : i32
    }
    %scan3A_18 = arith.constant 32 : i32
    %xor3A_19 = arith.constant -2147483648 : i32
    %xor3A_20 = arith.xori %scan3A_17, %xor3A_19 : i32
    %gt3A = vector.broadcast %xor3A_20 : i32 to vector<80x128xi32>
    %gt3A_21 = arith.cmpi sgt, %select_n3A_12, %gt3A : vector<80x128xi32>
    %eq3A = vector.broadcast %xor3A_20 : i32 to vector<80x128xi32>
    %eq3A_22 = arith.cmpi eq, %select_n3A_12, %eq3A : vector<80x128xi32>
    %convert_element_type3A = arith.extui %gt3A_21 : vector<80x128xi1> to vector<80x128xi32>
    %reduce_sum3A = vector.shape_cast %convert_element_type3A : vector<80x128xi32> to vector<1x80x128xi32>
    %reduce_sum3A_23 = arith.constant dense<0> : vector<1xi32>
    %reduce_sum3A_24 = vector.multi_reduction <add>, %reduce_sum3A, %reduce_sum3A_23 [1, 2] : vector<1x80x128xi32> to vector<1xi32>
    %reduce_sum3A_25 = vector.shape_cast %reduce_sum3A_24 : vector<1xi32> to vector<1x1x1xi32>
    %reduce_sum3A_26 = vector.extract %reduce_sum3A_25[0, 0, 0] : i32 from vector<1x1x1xi32>
    %sub3A = arith.constant 5000 : i32
    %sub3A_27 = arith.subi %sub3A, %reduce_sum3A_26 : i32
    %scan3A_28 = arith.constant 0 : i32
    %scan3A_29 = arith.constant 10239 : i32
    %scan3A_30 = arith.constant 0 : i32
    %scan3A_31 = arith.constant 14 : i32
    %scan3A_32 = arith.addi %scan3A_30, %scan3A_31 : i32
    %scan3A_33 = arith.constant 1 : i32
    %scan3A_34:2 = scf.for %scan3A_80 = %scan3A_30 to %scan3A_32 step %scan3A_33 iter_args(%scan3A_81 = %scan3A_28, %scan3A_82 = %scan3A_29) -> (i32, i32)  : i32 {
      %add3A_83 = arith.addi %scan3A_81, %scan3A_82 : i32
      %jit3A_84 = arith.constant 2 : i32
      %div3A = arith.divsi %add3A_83, %jit3A_84 : i32
      %sign3A = arith.constant 0 : i32
      %sign3A_85 = arith.cmpi sgt, %add3A_83, %sign3A : i32
      %sign3A_86 = arith.extui %sign3A_85 : i1 to i32
      %sign3A_87 = arith.constant 0 : i32
      %sign3A_88 = arith.cmpi slt, %add3A_83, %sign3A_87 : i32
      %sign3A_89 = arith.extui %sign3A_88 : i1 to i32
      %sign3A_90 = arith.subi %sign3A_86, %sign3A_89 : i32
      %sign3A_91 = arith.constant 0 : i32
      %sign3A_92 = arith.cmpi sgt, %jit3A_84, %sign3A_91 : i32
      %sign3A_93 = arith.extui %sign3A_92 : i1 to i32
      %sign3A_94 = arith.constant 0 : i32
      %sign3A_95 = arith.cmpi slt, %jit3A_84, %sign3A_94 : i32
      %sign3A_96 = arith.extui %sign3A_95 : i1 to i32
      %sign3A_97 = arith.subi %sign3A_93, %sign3A_96 : i32
      %ne3A = arith.cmpi ne, %sign3A_90, %sign3A_97 : i32
      %rem3A = arith.remsi %add3A_83, %jit3A_84 : i32
      %ne3A_98 = arith.constant 0 : i32
      %ne3A_99 = arith.cmpi ne, %rem3A, %ne3A_98 : i32
      %and3A_100 = arith.andi %ne3A, %ne3A_99 : i1
      %sub3A_101 = arith.constant 1 : i32
      %sub3A_102 = arith.subi %div3A, %sub3A_101 : i32
      %select_n3A_103 = arith.select %and3A_100, %sub3A_102, %div3A : i32
      %le3A_104 = vector.broadcast %select_n3A_103 : i32 to vector<80x128xi32>
      %le3A_105 = arith.cmpi sle, %add3A, %le3A_104 : vector<80x128xi32>
      %and3A_106 = arith.andi %eq3A_22, %le3A_105 : vector<80x128xi1>
      %convert_element_type3A_107 = arith.extui %and3A_106 : vector<80x128xi1> to vector<80x128xi32>
      %reduce_sum3A_108 = vector.shape_cast %convert_element_type3A_107 : vector<80x128xi32> to vector<1x80x128xi32>
      %reduce_sum3A_109 = arith.constant dense<0> : vector<1xi32>
      %reduce_sum3A_110 = vector.multi_reduction <add>, %reduce_sum3A_108, %reduce_sum3A_109 [1, 2] : vector<1x80x128xi32> to vector<1xi32>
      %reduce_sum3A_111 = vector.shape_cast %reduce_sum3A_110 : vector<1xi32> to vector<1x1x1xi32>
      %reduce_sum3A_112 = vector.extract %reduce_sum3A_111[0, 0, 0] : i32 from vector<1x1x1xi32>
      %ge3A_113 = arith.cmpi sge, %reduce_sum3A_112, %sub3A_27 : i32
      %add3A_114 = arith.constant 1 : i32
      %add3A_115 = arith.addi %select_n3A_103, %add3A_114 : i32
      %select_n3A_116 = arith.select %ge3A_113, %scan3A_81, %add3A_115 : i32
      %select_n3A_117 = arith.select %ge3A_113, %select_n3A_103, %scan3A_82 : i32
      scf.yield %select_n3A_116, %select_n3A_117 : i32, i32
    }
    %le3A = vector.broadcast %scan3A_34#1 : i32 to vector<80x128xi32>
    %le3A_35 = arith.cmpi sle, %add3A, %le3A : vector<80x128xi32>
    %and3A = arith.andi %eq3A_22, %le3A_35 : vector<80x128xi1>
    %or3A = arith.ori %gt3A_21, %and3A : vector<80x128xi1>
    %jit3A_36 = arith.constant 0.000000e+00 : f32
    %broadcast_in_dim3A_37 = vector.broadcast %jit3A_36 : f32 to vector<80x128xf32>
    %select_n3A_38 = arith.select %or3A, %get3A_1, %broadcast_in_dim3A_37 : vector<80x128xi1>, vector<80x128xf32>
    %swap3A = arith.constant 0 : index
    %swap3A_39 = arith.constant 0 : index
    %swap3A_40 = vector.load %arg7[%swap3A, %swap3A_39] : memref<80x128xf32, #tpu.memory_space<vmem>>, vector<80x128xf32>
    tpu.vector_store %arg7[%swap3A, %swap3A_39], %select_n3A_38 {strides = array<i32>} : memref<80x128xf32, #tpu.memory_space<vmem>>, vector<80x128xf32>,
    %broadcast_in_dim3A_41 = arith.constant 0.000000e+00 : f32
    %broadcast_in_dim3A_42 = vector.broadcast %broadcast_in_dim3A_41 : f32 to vector<1x128xf32>
    %scan3A_43 = arith.constant 0 : i32
    %scan3A_44 = arith.constant 80 : i32
    %scan3A_45 = arith.addi %scan3A_43, %scan3A_44 : i32
    %scan3A_46 = arith.constant 1 : i32
    %scan3A_47 = scf.for %scan3A_80 = %scan3A_43 to %scan3A_45 step %scan3A_46 iter_args(%scan3A_81 = %broadcast_in_dim3A_42) -> (vector<1x128xf32>)  : i32 {
      %get3A_82 = arith.index_cast %scan3A_80 : i32 to index
      %get3A_83 = arith.constant 0 : index
      %get3A_84 = vector.load %arg7[%get3A_82, %get3A_83] : memref<80x128xf32, #tpu.memory_space<vmem>>, vector<1x128xf32>
      %mul3A_85 = arith.constant 128 : i32
      %mul3A_86 = arith.muli %scan3A_80, %mul3A_85 : i32
      %get3A_87 = arith.index_cast %mul3A_86 : i32 to index
      %get3A_88 = arith.constant 0 : index
      %get3A_89 = vector.load %arg1[%get3A_87, %get3A_88] : memref<10240x128xf32, #tpu.memory_space<vmem>>, vector<128x128xf32>
      %dot_general3A_90 = arith.constant dense<0.000000e+00> : vector<1x128xf32>
      %dot_general3A_91 = tpu.matmul %get3A_84, %get3A_89, %dot_general3A_90 {dimension_numbers = #tpu.dot_dimension_numbers<[1], [0], [0], [1], [0, 0, 1, 1], [], []>, precision = #tpu.contract_precision<fp32>, transpose_lhs_hint = false} : vector<1x128xf32>, vector<128x128xf32>, vector<1x128xf32> -> vector<1x128xf32>
      %add3A_92 = arith.addf %scan3A_81, %dot_general3A_91 : vector<1x128xf32>
      scf.yield %add3A_92 : vector<1x128xf32>
    }
    %scan3A_48 = arith.constant 80 : i32
    %get3A_49 = arith.constant 0 : index
    %get3A_50 = arith.constant 0 : index
    %get3A_51 = vector.load %arg2[%get3A_49, %get3A_50] : memref<128x64xf32, #tpu.memory_space<vmem>>, vector<128x64xf32>
    %convert_element_type3A_52 = arith.truncf %scan3A_47 : vector<1x128xf32> to vector<1x128xbf16>
    %convert_element_type3A_53 = arith.truncf %get3A_51 : vector<128x64xf32> to vector<128x64xbf16>
    %dot_general3A = arith.constant dense<0.000000e+00> : vector<1x64xf32>
    %dot_general3A_54 = tpu.matmul %convert_element_type3A_52, %convert_element_type3A_53, %dot_general3A {dimension_numbers = #tpu.dot_dimension_numbers<[1], [0], [0], [1], [0, 0, 1, 1], [], []>, transpose_lhs_hint = false} : vector<1x128xbf16>, vector<128x64xbf16>, vector<1x64xf32> -> vector<1x64xf32>
    %get3A_55 = arith.constant 0 : index
    %get3A_56 = arith.constant 0 : index
    %get3A_57 = vector.load %arg3[%get3A_55, %get3A_56] : memref<1x64xf32, #tpu.memory_space<vmem>>, vector<1x64xf32>
    %add3A_58 = arith.addf %dot_general3A_54, %get3A_57 : vector<1x64xf32>
    %ge3A_59 = arith.constant 0.000000e+00 : f32
    %ge3A_60 = vector.broadcast %ge3A_59 : f32 to vector<1x64xf32>
    %ge3A_61 = arith.cmpf oge, %add3A_58, %ge3A_60 : vector<1x64xf32>
    %mul3A_62 = arith.constant 0.00999999977 : f32
    %mul3A_63 = vector.broadcast %mul3A_62 : f32 to vector<1x64xf32>
    %mul3A_64 = arith.mulf %mul3A_63, %add3A_58 : vector<1x64xf32>
    %select_n3A_65 = arith.select %ge3A_61, %add3A_58, %mul3A_64 : vector<1x64xi1>, vector<1x64xf32>
    %get3A_66 = arith.constant 0 : index
    %get3A_67 = arith.constant 0 : index
    %get3A_68 = vector.load %arg4[%get3A_66, %get3A_67] : memref<64x1xf32, #tpu.memory_space<vmem>>, vector<64x1xf32>
    %convert_element_type3A_69 = arith.truncf %select_n3A_65 : vector<1x64xf32> to vector<1x64xbf16>
    %convert_element_type3A_70 = arith.truncf %get3A_68 : vector<64x1xf32> to vector<64x1xbf16>
    %dot_general3A_71 = arith.constant dense<0.000000e+00> : vector<1x1xf32>
    %dot_general3A_72 = tpu.matmul %convert_element_type3A_69, %convert_element_type3A_70, %dot_general3A_71 {dimension_numbers = #tpu.dot_dimension_numbers<[1], [0], [0], [1], [0, 0, 1, 1], [], []>, transpose_lhs_hint = false} : vector<1x64xbf16>, vector<64x1xbf16>, vector<1x1xf32> -> vector<1x1xf32>
    %get3A_73 = arith.constant 0 : index
    %get3A_74 = arith.constant 0 : index
    %get3A_75 = vector.load %arg5[%get3A_73, %get3A_74] : memref<1x1xf32, #tpu.memory_space<vmem>>, vector<1x1xf32>
    %add3A_76 = arith.addf %dot_general3A_72, %get3A_75 : vector<1x1xf32>
    %swap3A_77 = arith.constant 0 : index
    %swap3A_78 = arith.constant 0 : index
    %swap3A_79 = vector.load %arg6[%swap3A_77, %swap3A_78] : memref<1x1xf32, #tpu.memory_space<vmem>>, vector<1x1xf32>
    tpu.vector_store %arg6[%swap3A_77, %swap3A_78], %add3A_76 {strides = array<i32>} : memref<1x1xf32, #tpu.memory_space<vmem>>, vector<1x1xf32>,
    return
  }
}

</mosaic_0001>

<sc_bundles>
// kernel: kernel.13.cloned.1.call-start
scs
__scs_entry_jumppad:
0x0: {  	(pc) =	sbr.rel $0x88, $3  }
0x1: {  	(tag) =	ssettag $0x0;
	lr =	simm.s32 $0x1  }
0x2: {  	[smem:$0x3F92] =	sst lr;
	_ =	strace $0xD0000000  }
0x3: {  	_ = 	snop  }
0x4: {  	_ = 	snop  }
0x5: {  	_ = 	snop  }
0x6: {  	_ = 	snop  }
0x7: {  	_ = 	snop  }
__scs_overlays_trampoline_lowered:
0x8: {  	[smem:$0x3FA1] =	sst s0  }
0x9: {  	[smem:$0x3FA2] =	sst s1  }
0xa: {  	[smem:$0x3FA3] =	sst s2  }
0xb: {  	[smem:$0x3FA4] =	sst s3  }
0xc: {  	[smem:$0x3FA5] =	sst s4  }
0xd: {  	[smem:$0x3FA6] =	sst s5  }
0xe: {  	[smem:$0x3FA7] =	sst s6  }
0xf: {  	[smem:$0x3FA8] =	sst s7  }
0x10: {  	[smem:$0x3FA9] =	sst s8  }
0x11: {  	[smem:$0x3FAA] =	sst s9;
	s0 =	simm.s32 @!p0 $0x0  }
0x12: {  	s1 =	sld [smem:$0x3F90];
	s0 =	simm.s32 @p0 $0x1  }
0x13: {  	[smem:$0x3FAB] =	sst s0;
	s0 =	simm.s32 @!p1 $0x0  }
0x14: {  	s2 =	sld [smem:$0x3F8F];
	s0 =	simm.s32 @p1 $0x1  }
0x15: {  	[smem:$0x3FAC] =	sst s0;
	s0 =	simm.s32 @!p2 $0x0  }
0x16: {  	s3 =	sld [smem:$0x3FDB];
	s0 =	simm.s32 @p2 $0x1  }
0x17: {  	s4 =	simm.s32 $0x1BF5;
	[smem:$0x3FAE] =	sst s0  }
0x18: {  	s0 =	sld [smem:$0x3F91];
	_ =	swait.ge [sflag:s4], $0x0  }
0x19: {  	s7 =	sld [smem:$0x3F92]  }
0x1a: {  	s8 =	sadd.s32 $0xFFFFE003, lr  }
0x1b: {  	s9 =	sadd.s32 $0xFFFFFEF7, lr;
	s5 =	simm.s32 $0xFFFFFFFF;
	p2 =	slt.u32 s8, $0xFFFFF086  }
0x1c: {  	p1 =	slt.u32 s9, $0xF7A;
	s5 =	simm.s32 @!p2 $0x0  }
0x1d: {  	s5 =	simm.s32 @p1 $0x1;
	p0 =	seq.s32 s7, s2  }
0x1e: {  	s7 =	smul.u32 @!p0 $0xF7A, s2;
	p2 =	seq.s32 @!p0 s5, $0x0  }
0x1f: {  	s9 =	smul.u32 $0xF7A, s1;
	s8 =	simm.s32 @!p0 $0x1BF5;
	p2 =	por !p2, p0  }
0x20: {  	[sflag:s8] =	ssyncset.s32 @!p0 $0xFFFFF086;
	s6 =	sadd.s32 @!p0 s3, s7;
	s7 =	simm.s32 @!p0 $0x108  }
0x21: {  	s3 =	sadd.s32 s3, s9;
	s6 =	sadd.s32 @!p0 $0x88, s6;
	s7 =	simm.s32 @p2 $0x1082  }
0x22: {  	[simem:s7], [sflag:s8] =	dma.local @!p0 [hbm:s6], $0xF7A  }
0x23: {  	s9 =	sor.u32 $0xD0000000, s2;
	s6 =	simm.s32 $0x108;
	_ =	swait.ge @!p0 [sflag:s8], $0x0  }
0x24: {  	s3 =	sadd.s32 $0x88, s3;
	s6 =	simm.s32 @!p1 $0x1082;
	[sflag:s4] =	ssyncset.s32 $0xFFFFF086  }
0x25: {  	[simem:s6], [sflag:s4] =	dma.local [hbm:s3], $0xF7A  }
0x26: {  	[smem:$0x3F92] =	sst s1;
	(tag) =	ssettag s2;
	_ =	strace s9  }
0x27: {  	s1 =	sld [smem:$0x3FA2]  }
0x28: {  	s2 =	sld [smem:$0x3FA3]  }
0x29: {  	s4 =	sld [smem:$0x3FA5]  }
0x2a: {  	p0 =	seq.s32 s5, $0x0;
	s5 =	sld [smem:$0x3FA6]  }
0x2b: {  	s6 =	sld [smem:$0x3FA7]  }
0x2c: {  	s7 =	sld [smem:$0x3FA8]  }
0x2d: {  	s3 =	simm.s32 $0x108;
	s8 =	sld [smem:$0x3FA9]  }
0x2e: {  	s3 =	simm.s32 @!p0 $0x1082;
	s9 =	sld [smem:$0x3FAA]  }
0x2f: {  	lr =	sadd.s32 s0, s3;
	s0 =	sld [smem:$0x3FA1]  }
0x30: {  	s3 =	sld [smem:$0x3FA4]  }
0x31: {  	[smem:$0x3FAD] =	sst s10  }
0x32: {  	s10 =	sld [smem:$0x3FAB];
	_ =	sdelay $0x3  }
0x33: {  	p0 =	seq.s32 s10, $0x1;
	s10 =	sld [smem:$0x3FAD];
	_ =	sdelay $0x3  }
0x34: {  	[smem:$0x3FAD] =	sst s10  }
0x35: {  	s10 =	sld [smem:$0x3FAC];
	_ =	sdelay $0x3  }
0x36: {  	p1 =	seq.s32 s10, $0x1;
	s10 =	sld [smem:$0x3FAD];
	_ =	sdelay $0x3  }
0x37: {  	[smem:$0x3FAD] =	sst s10  }
0x38: {  	s10 =	sld [smem:$0x3FAE]  }
0x39: {  	_ = 	snop;
	(pc) =	sbr.ind lr, $3  }
0x3a: {  	_ = 	snop  }
0x3b: {  	_ = 	snop  }
0x3c: {  	p2 =	seq.s32 s10, $0x1;
	s10 =	sld [smem:$0x3FAD]  }
0x3d: {  	_ =	shalt  }
0x3e: {  	_ =	shalt  }
0x3f: {  	_ =	shalt  }
0x40: {  	_ =	shalt  }
0x41: {  	_ =	shalt  }
0x42: {  	_ =	shalt  }
0x43: {  	_ =	shalt  }
0x44: {  	_ =	shalt  }
0x45: {  	_ =	shalt  }
0x46: {  	_ =	shalt  }
0x47: {  	_ =	shalt  }
0x48: {  	_ =	shalt  }
0x49: {  	_ =	shalt  }
0x4a: {  	_ =	shalt  }
0x4b: {  	_ =	shalt  }
0x4c: {  	_ =	shalt  }
0x4d: {  	_ =	shalt  }
0x4e: {  	_ =	shalt  }
0x4f: {  	_ =	shalt  }
0x50: {  	_ =	shalt  }
0x51: {  	_ =	shalt  }
0x52: {  	_ =	shalt  }
0x53: {  	_ =	shalt  }
0x54: {  	_ =	shalt  }
0x55: {  	_ =	shalt  }
0x56: {  	_ =	shalt  }
0x57: {  	_ =	shalt  }
0x58: {  	_ =	shalt  }
0x59: {  	_ =	shalt  }
0x5a: {  	_ =	shalt  }
0x5b: {  	_ =	shalt  }
0x5c: {  	_ =	shalt  }
0x5d: {  	_ =	shalt  }
0x5e: {  	_ =	shalt  }
0x5f: {  	_ =	shalt  }
0x60: {  	_ =	shalt  }
0x61: {  	_ =	shalt  }
0x62: {  	_ =	shalt  }
0x63: {  	_ =	shalt  }
0x64: {  	_ =	shalt  }
0x65: {  	_ =	shalt  }
0x66: {  	_ =	shalt  }
0x67: {  	_ =	shalt  }
0x68: {  	_ =	shalt  }
0x69: {  	_ =	shalt  }
0x6a: {  	_ =	shalt  }
0x6b: {  	_ =	shalt  }
0x6c: {  	_ =	shalt  }
0x6d: {  	_ =	shalt  }
0x6e: {  	_ =	shalt  }
0x6f: {  	_ =	shalt  }
0x70: {  	_ =	shalt  }
0x71: {  	_ =	shalt  }
0x72: {  	_ =	shalt  }
0x73: {  	_ =	shalt  }
0x74: {  	_ =	shalt  }
0x75: {  	_ =	shalt  }
0x76: {  	_ =	shalt  }
0x77: {  	_ =	shalt  }
0x78: {  	_ =	shalt  }
0x79: {  	_ =	shalt  }
0x7a: {  	_ =	shalt  }
0x7b: {  	_ =	shalt  }
0x7c: {  	_ =	shalt  }
0x7d: {  	_ =	shalt  }
0x7e: {  	_ =	shalt  }
0x7f: {  	_ =	shalt  }
0x80: {  	_ =	shalt  }
0x81: {  	_ =	shalt  }
0x82: {  	_ =	shalt  }
0x83: {  	_ =	shalt  }
0x84: {  	_ =	shalt  }
0x85: {  	_ =	shalt  }
0x86: {  	_ =	shalt  }
0x87: {  	_ =	shalt  }
.Lfunc_end0:
.L_simem_size_0:
called_computation_lowered:
.L_overlay_start_0:
0x88: {  	s2 =	sld [smem:$0x3FD9]  }
0x89: {  	s3 =	sld [smem:$0x3FFE];
	_ =	sdelay $0x1  }
0x8a: {  	s1 =	srdreg.scid  }
0x8b: {  	s0 =	sand.u32 $0x1, s1  }
0x8c: {  	s16 =	sshll.u32 s0, $0xA;
	s2 =	sadd.s32 s3, s2  }
0x8d: {  	s2 =	sadd.s32 s2, s16  }
0x8e: {  	[smem:$0x3FB9] =	sst s2  }
0x8f: {  	_ = 	snop  }
0x90: {  	(tm) =	ssettm $0x1  }
0x91: {  	s17 =	sld [smem:$0x3FFB];
	_ =	sdelay $0x3  }
0x92: {  	_ =	strace s17  }
0x93: {  	s2 =	sld [smem:$0x3FFC];
	_ =	sdelay $0x3  }
0x94: {  	_ =	strace s2  }
0x95: {  	s2 =	sld [smem:$0x3FFD];
	_ =	sdelay $0x3  }
0x96: {  	_ =	strace s2  }
0x97: {  	_ =	strace $0x8FFFFFFF  }
0x98: {  	s18 =	sld [smem:$0x3FDB];
	_ =	sdelay $0x1  }
0x99: {  	s19 =	simm.s32 $_scs_section_size  }
0x9a: {  	s4 =	simm.s32 $_size__tile_overlayer_lowered;
	s5 =	simm.s32 $_tile_overlayer_lowered  }
0x9b: {  	s22 =	simm.s32 $0x1BFF;
	s21 =	sshll.u32 s5, $0x1;
	s2 =	sadd.s32 s19, s18  }
0x9c: {  	s6 =	simm.s32 $0x0;
	s20 =	sshll.u32 s4, $0x1;
	s4 =	sadd.s32 s21, s2  }
0x9d: {  	[timem:s6], [sflag:s22] =	dma.local [hbm:s4], s20  }
0x9e: {  	_ =	swait.ge [sflag:s22], s20  }
0x9f: {  	s3 =	ssub.s32 $0x0, s20;
	[sflag:s22] =	ssyncset.done $0x0  }
0xa0: {  	[sflag:s22] =	ssyncadd.s32 s3;
	_ =	sdelay $0x1  }
0xa1: {  	s23 =	simm.s32 $0x1B8B  }
0xa2: {  	_ =	swait.ge [sflag:s23], $0x1  }
0xa3: {  	[sflag:s23] =	ssyncset.done $0x0  }
0xa4: {  	s25 =	simm.s32 $0x1B8E;
	s24 =	sld [smem:$0x3FFE];
	[sflag:s23] =	ssyncadd.s32 $0xFFFFFFFF  }
0xa5: {  	s26 =	simm.s32 $execute0_lowered;
	[smem:$0x3FD2] =	sst s25  }
0xa6: {  	s4 =	sshll.u32 s26, $0x1;
	_ =	strace $0x80000046;
	[dreg:$0x1] =	wrdreg $0xFFFFFFFF  }
0xa7: {  	s28 =	simm.s32 $_size_execute0_lowered;
	s2 =	sadd.s32 s2, s4;
	[dreg:$0x0] =	wrdreg $0x0  }
0xa8: {  	s4 =	sshll.u32 s28, $0x1;
	[dreg:$0x2] =	wrdreg s2  }
0xa9: {  	[dreg:$0x3] =	wrdreg s4  }
0xaa: {  	[dreg:$0x4] =	wrdreg $0xC0  }
0xab: {  	_ =	task [dreg:s6], $0x5FFFF  }
0xac: {  	[dreg:$0x1] =	wrdreg $0xFFFFFFFF  }
0xad: {  	[dreg:$0x0] =	wrdreg $0x60  }
0xae: {  	[dreg:$0x2] =	wrdreg s24  }
0xaf: {  	[dreg:$0x3] =	wrdreg $0x2E800  }
0xb0: {  	[dreg:$0x4] =	wrdreg $0x9  }
0xb1: {  	_ =	task.clear_ibuf [dreg:s6], $0x5FFFF;
	_ =	strace $0x90000046  }
0xb2: {  	s29 =	simm.s32 $0x9;
	_ =	strace $0x80000048  }
0xb3: {  	_ =	swait.ge [sflag:s29], $0x1  }
0xb4: {  	[sflag:s29] =	ssyncadd.s32 $0xFFFFFFFF  }
0xb5: {  	_ =	strace $0x90000048  }
0xb6: {  	_ =	sfence  }
0xb7: {  	s30 =	sld [smem:$0x0];
	_ =	sdelay $0x2  }
0xb8: {  	s31 =	sshll.u32 s1, $0xD;
	s1 =	sshrl.u32 s1, $0x2  }
0xb9: {  	s3 =	sand.u32 $0x4000, s31;
	s1 =	sadd.s32 s1, s30  }
0xba: {  	s0 =	sor.u32 s3, s0;
	s1 =	sshll.u32 s1, $0x11  }
0xbb: {  	s0 =	sor.u32 s1, s0  }
0xbc: {  	s0 =	sadd.s32 $0x8F2B, s0  }
0xbd: {  	[sflag:s0] =	ssyncadd.remote.s32 $0x1  }
0xbe: {  	_ =	sfence.sel $0xFFFF  }
0xbf: {  	[dreg:$0x0] =	wrdreg $0xFFFFFFFF;
	(pc) =	sbr.abs _section_cstart, $3  }
0xc0: {  	[dreg:$0x1] =	wrdreg $0xFFFFFFFF  }
0xc1: {  	_ =	task.clear_ibuf [dreg:s6], $0x2FFFF;
	_ =	strace $0x9FFFFFFF  }
0xc2: {  	(tm) =	ssettm $0x7FFFFFFF  }
0xc3: {  	_ =	shalt  }
tec
execute0_lowered:
.L_overlay_start_1:
0x0: {  	(tag) =	ssettag $0x1  }
0x1: {  	s0 =	rddreg [dreg:$0x0];
	s1 =	srdreg.scid  }
0x2: {  	s2 =	rddreg [dreg:$0x1];
	s7 =	stileid.u32  }
0x3: {  	s3 =	simm.s32 $0x0;
	s8 =	simm.s32 $0x9;
	s10 =	simm.s32 $0x80  }
0x4: {  	s11 =	simm.s32 $0x2800;
	s12 =	simm.s32 $0x2880;
	s14 =	simm.s32 $0x2900  }
0x5: {  	s16 =	simm.s32 $0x2980;
	s18 =	simm.s32 $0x2A00;
	s20 =	simm.s32 $0x2A80  }
0x6: {  	s22 =	simm.s32 $0x2B00;
	s28 =	simm.s32 $0x3;
	s29 =	simm.s32 $0x4  }
0x7: {  	s30 =	simm.s32 $0x5;
	s31 =	simm.s32 $0x6;
	s9 =	simm.s32 $0x8  }
0x8: {  	s13 =	simm.s32 $0x20;
	s15 =	simm.s32 $0x10;
	s17 =	simm.s32 $0x0  }
0x9: {  	s1 =	sand.u32 $0x1, s1;
	s4 =	smul.u32 $0x500, s7;
	[smem:$0x7FF] =	sst s3  }
0xa: {  	s23 =	smul.u32 $0xA00, s7;
	s5 =	sshll.u32 s1, $0x4;
	s6 =	sshll.u32 s1, $0x7  }
0xb: {  	_ =	strace $0x80000047;
	s1 =	ssub.s32 $0x2, s1;
	s5 =	sor.u32 s7, s5  }
0xc: {  	s4 =	sor.u32 s6, s4;
	s26 =	sshrl.u32 s1, $0x1;
	s6 =	sshrl.u32 s23, $0x2  }
0xd: {  	s23 =	simm.s32 $0x380;
	s5 =	smul.u32 $0x2800, s5;
	s4 =	sshrl.u32 s4, $0x3  }
0xe: {  	s1 =	ssub.s32 s1, s26;
	s26 =	simm.s32 $0x2;
	s24 =	sadd.s32 s4, s0  }
0xf: {  	s7 =	smax.u32 s1, $0x1;
	s25 =	sshrl.u32 s5, $0x3;
	s5 =	sadd.s32 s6, s2  }
0x10: {  	s6 =	sadd.s32 $0x18C00, s24;
	s24 =	simm.s32 $0x2B80;
	s0 =	sadd.s32 s0, s25  }
0x11: {  	v0 =	vimm.f32 $0.0e+00;
	v1 =	vimm.f32 $1.000000000e+00;
	s25 =	simm.s32 $0x1;
	s4 =	sadd.s32 $0xE600, s0;
	s0 =	simm.s32 $0x7  }
.LBB2_1:
0x12: {  	[tilespmem:s3], [sflag:$0x9] =	stream.linear.gather [hbm4b:s4+s3], $0x2800, $0x38;
	[tilespmem:$0x3100] =	vst v63  }
0x13: {  	_ =	swait.ge [sflag:s8], $0x2800  }
0x14: {  	[sflag:s8] =	ssyncset.done $0x0  }
0x15: {  	[sflag:s8] =	ssyncadd.s32 $0xFFFFD800  }
0x16: {  	[tilespmem:$0x2C00] =	vst v0  }
0x17: {  	[tilespmem:$0x2C10] =	vst v0  }
0x18: {  	[tilespmem:$0x2C20] =	vst v0  }
0x19: {  	[tilespmem:$0x2C30] =	vst v0  }
0x1a: {  	[tilespmem:$0x2C40] =	vst v0  }
0x1b: {  	[tilespmem:$0x2C50] =	vst v0  }
0x1c: {  	[tilespmem:$0x2C60] =	vst v0  }
0x1d: {  	[tilespmem:$0x2C70] =	vst v0  }
0x1e: {  	[tilespmem:$0x2C80] =	vst v0  }
0x1f: {  	[tilespmem:$0x2C90] =	vst v0  }
0x20: {  	[tilespmem:$0x2CA0] =	vst v0  }
0x21: {  	[tilespmem:$0x2CB0] =	vst v0  }
0x22: {  	[tilespmem:$0x2CC0] =	vst v0  }
0x23: {  	[tilespmem:$0x2CD0] =	vst v0  }
0x24: {  	[tilespmem:$0x2CE0] =	vst v0  }
0x25: {  	[tilespmem:$0x2CF0] =	vst v0  }
0x26: {  	[tilespmem:$0x2D00] =	vst v0  }
0x27: {  	[tilespmem:$0x2D10] =	vst v0  }
0x28: {  	[tilespmem:$0x2D20] =	vst v0  }
0x29: {  	[tilespmem:$0x2D30] =	vst v0  }
0x2a: {  	[tilespmem:$0x2D40] =	vst v0  }
0x2b: {  	[tilespmem:$0x2D50] =	vst v0  }
0x2c: {  	[tilespmem:$0x2D60] =	vst v0  }
0x2d: {  	[tilespmem:$0x2D70] =	vst v0  }
0x2e: {  	[tilespmem:$0x2D80] =	vst v0  }
0x2f: {  	[tilespmem:$0x2D90] =	vst v0  }
0x30: {  	[tilespmem:$0x2DA0] =	vst v0  }
0x31: {  	[tilespmem:$0x2DB0] =	vst v0  }
0x32: {  	[tilespmem:$0x2DC0] =	vst v0  }
0x33: {  	[tilespmem:$0x2DD0] =	vst v0  }
0x34: {  	[tilespmem:$0x2DE0] =	vst v0  }
0x35: {  	[tilespmem:$0x2DF0] =	vst v0  }
0x36: {  	[tilespmem:$0x2E00] =	vst v0  }
0x37: {  	[tilespmem:$0x2E10] =	vst v0  }
0x38: {  	[tilespmem:$0x2E20] =	vst v0  }
0x39: {  	[tilespmem:$0x2E30] =	vst v0  }
0x3a: {  	[tilespmem:$0x2E40] =	vst v0  }
0x3b: {  	[tilespmem:$0x2E50] =	vst v0  }
0x3c: {  	[tilespmem:$0x2E60] =	vst v0  }
0x3d: {  	[tilespmem:$0x2E70] =	vst v0  }
0x3e: {  	[tilespmem:$0x2800] =	vst v1  }
0x3f: {  	[tilespmem:$0x2810] =	vst v1  }
0x40: {  	[tilespmem:$0x2820] =	vst v1  }
0x41: {  	[tilespmem:$0x2830] =	vst v1  }
0x42: {  	[tilespmem:$0x2840] =	vst v1  }
0x43: {  	[tilespmem:$0x2850] =	vst v1  }
0x44: {  	[tilespmem:$0x2860] =	vst v1  }
0x45: {  	[tilespmem:$0x2870] =	vst v1  }
0x46: {  	[tilespmem:$0x2880] =	vst v1  }
0x47: {  	[tilespmem:$0x2890] =	vst v1  }
0x48: {  	[tilespmem:$0x28A0] =	vst v1  }
0x49: {  	[tilespmem:$0x28B0] =	vst v1  }
0x4a: {  	[tilespmem:$0x28C0] =	vst v1  }
0x4b: {  	[tilespmem:$0x28D0] =	vst v1  }
0x4c: {  	[tilespmem:$0x28E0] =	vst v1  }
0x4d: {  	[tilespmem:$0x28F0] =	vst v1  }
0x4e: {  	[tilespmem:$0x2900] =	vst v1  }
0x4f: {  	[tilespmem:$0x2910] =	vst v1  }
0x50: {  	[tilespmem:$0x2920] =	vst v1  }
0x51: {  	[tilespmem:$0x2930] =	vst v1  }
0x52: {  	[tilespmem:$0x2940] =	vst v1  }
0x53: {  	[tilespmem:$0x2950] =	vst v1  }
0x54: {  	[tilespmem:$0x2960] =	vst v1  }
0x55: {  	[tilespmem:$0x2970] =	vst v1  }
0x56: {  	[tilespmem:$0x2980] =	vst v1  }
0x57: {  	[tilespmem:$0x2990] =	vst v1  }
0x58: {  	[tilespmem:$0x29A0] =	vst v1  }
0x59: {  	[tilespmem:$0x29B0] =	vst v1  }
0x5a: {  	[tilespmem:$0x29C0] =	vst v1  }
0x5b: {  	[tilespmem:$0x29D0] =	vst v1  }
0x5c: {  	[tilespmem:$0x29E0] =	vst v1  }
0x5d: {  	[tilespmem:$0x29F0] =	vst v1  }
0x5e: {  	[tilespmem:$0x2A00] =	vst v1  }
0x5f: {  	[tilespmem:$0x2A10] =	vst v1  }
0x60: {  	[tilespmem:$0x2A20] =	vst v1  }
0x61: {  	[tilespmem:$0x2A30] =	vst v1  }
0x62: {  	[tilespmem:$0x2A40] =	vst v1  }
0x63: {  	[tilespmem:$0x2A50] =	vst v1  }
0x64: {  	[tilespmem:$0x2A60] =	vst v1  }
0x65: {  	[tilespmem:$0x2A70] =	vst v1  }
0x66: {  	[tilespmem:$0x2A80] =	vst v1  }
0x67: {  	[tilespmem:$0x2A90] =	vst v1  }
0x68: {  	[tilespmem:$0x2AA0] =	vst v1  }
0x69: {  	[tilespmem:$0x2AB0] =	vst v1  }
0x6a: {  	[tilespmem:$0x2AC0] =	vst v1  }
0x6b: {  	[tilespmem:$0x2AD0] =	vst v1  }
0x6c: {  	[tilespmem:$0x2AE0] =	vst v1  }
0x6d: {  	[tilespmem:$0x2AF0] =	vst v1  }
0x6e: {  	[tilespmem:$0x2B00] =	vst v1  }
0x6f: {  	[tilespmem:$0x2B10] =	vst v1  }
0x70: {  	[tilespmem:$0x2B20] =	vst v1  }
0x71: {  	[tilespmem:$0x2B30] =	vst v1  }
0x72: {  	[tilespmem:$0x2B40] =	vst v1  }
0x73: {  	[tilespmem:$0x2B50] =	vst v1  }
0x74: {  	[tilespmem:$0x2B60] =	vst v1  }
0x75: {  	[tilespmem:$0x2B70] =	vst v1  }
0x76: {  	[tilespmem:$0x2B80] =	vst v1  }
0x77: {  	[tilespmem:$0x2B90] =	vst v1  }
0x78: {  	[tilespmem:$0x2BA0] =	vst v1  }
0x79: {  	[tilespmem:$0x2BB0] =	vst v1  }
0x7a: {  	[tilespmem:$0x2BC0] =	vst v1  }
0x7b: {  	[tilespmem:$0x2BD0] =	vst v1  }
0x7c: {  	[tilespmem:$0x2BE0] =	vst v1  }
0x7d: {  	s1 =	simm.s32 $0x2C00;
	[tilespmem:$0x2BF0] =	vst v1  }
0x7e: {  	[spmem:s5] =	stream.linear.scatter [tilespmem:s1], [sflag:$0x9], $0x280, $0x38;
	[tilespmem:$0x3100] =	vst v63  }
0x7f: {  	_ =	swait.ge [sflag:s8], $0x280  }
0x80: {  	[sflag:s8] =	ssyncset.done $0x0  }
0x81: {  	[sflag:s8] =	ssyncadd.s32 $0xFFFFFD80  }
0x82: {  	[bflag:$0x0] =	sbarrier.arrive $0xFFFF  }
0x83: {  	[spmem:s2] =	stream.indirect.scatter.add.f32 [tilespmem:s11], [sflag:$0x1], $0x1, s3, s10, $0xb8;
	[tilespmem:$0x3100] =	vst v63  }
0x84: {  	_ = 	snop  }
0x85: {  	[spmem:s2] =	stream.indirect.scatter.add.f32 [tilespmem:s12], [sflag:$0x2], $0x1, s10, s10, $0xb8;
	[tilespmem:$0x3100] =	vst v63  }
0x86: {  	s19 =	simm.s32 $0x100  }
0x87: {  	[spmem:s2] =	stream.indirect.scatter.add.f32 [tilespmem:s14], [sflag:$0x3], $0x1, s19, s10, $0xb8;
	[tilespmem:$0x3100] =	vst v63  }
0x88: {  	s21 =	simm.s32 $0x180  }
0x89: {  	[spmem:s2] =	stream.indirect.scatter.add.f32 [tilespmem:s16], [sflag:$0x4], $0x1, s21, s10, $0xb8;
	[tilespmem:$0x3100] =	vst v63  }
0x8a: {  	s19 =	simm.s32 $0x200  }
0x8b: {  	[spmem:s2] =	stream.indirect.scatter.add.f32 [tilespmem:s18], [sflag:$0x5], $0x1, s19, s10, $0xb8;
	[tilespmem:$0x3100] =	vst v63  }
0x8c: {  	s21 =	simm.s32 $0x280  }
0x8d: {  	[spmem:s2] =	stream.indirect.scatter.add.f32 [tilespmem:s20], [sflag:$0x6], $0x1, s21, s10, $0xb8;
	[tilespmem:$0x3100] =	vst v63  }
0x8e: {  	s19 =	simm.s32 $0x300  }
0x8f: {  	[spmem:s2] =	stream.indirect.scatter.add.f32 [tilespmem:s22], [sflag:$0x7], $0x1, s19, s10, $0xb8;
	[tilespmem:$0x3100] =	vst v63  }
0x90: {  	_ = 	snop  }
0x91: {  	[spmem:s2] =	stream.indirect.scatter.add.f32 [tilespmem:s24], [sflag:$0x8], $0x1, s23, s10, $0xb8;
	[tilespmem:$0x3100] =	vst v63  }
0x92: {  	_ =	swait.ge [sflag:s25], $0x80  }
0x93: {  	[sflag:s25] =	ssyncset.done $0x0  }
0x94: {  	s21 =	simm.s32 $0x400;
	[sflag:s25] =	ssyncadd.s32 $0xFFFFFF80  }
0x95: {  	[spmem:s2] =	stream.indirect.scatter.add.f32 [tilespmem:s11], [sflag:$0x1], $0x1, s21, s10, $0xb8;
	[tilespmem:$0x3100] =	vst v63  }
0x96: {  	_ =	swait.ge [sflag:s26], $0x80  }
0x97: {  	[sflag:s26] =	ssyncset.done $0x0  }
0x98: {  	s19 =	simm.s32 $0x480;
	[sflag:s26] =	ssyncadd.s32 $0xFFFFFF80  }
0x99: {  	[spmem:s2] =	stream.indirect.scatter.add.f32 [tilespmem:s12], [sflag:$0x2], $0x1, s19, s10, $0xb8;
	[tilespmem:$0x3100] =	vst v63  }
0x9a: {  	_ =	swait.ge [sflag:s28], $0x80  }
0x9b: {  	[sflag:s28] =	ssyncset.done $0x0  }
0x9c: {  	s21 =	simm.s32 $0x500;
	[sflag:s28] =	ssyncadd.s32 $0xFFFFFF80  }
0x9d: {  	[spmem:s2] =	stream.indirect.scatter.add.f32 [tilespmem:s14], [sflag:$0x3], $0x1, s21, s10, $0xb8;
	[tilespmem:$0x3100] =	vst v63  }
0x9e: {  	_ =	swait.ge [sflag:s29], $0x80  }
0x9f: {  	[sflag:s29] =	ssyncset.done $0x0  }
0xa0: {  	s19 =	simm.s32 $0x580;
	[sflag:s29] =	ssyncadd.s32 $0xFFFFFF80  }
0xa1: {  	[spmem:s2] =	stream.indirect.scatter.add.f32 [tilespmem:s16], [sflag:$0x4], $0x1, s19, s10, $0xb8;
	[tilespmem:$0x3100] =	vst v63  }
0xa2: {  	_ =	swait.ge [sflag:s30], $0x80  }
0xa3: {  	[sflag:s30] =	ssyncset.done $0x0  }
0xa4: {  	s21 =	simm.s32 $0x600;
	[sflag:s30] =	ssyncadd.s32 $0xFFFFFF80  }
0xa5: {  	[spmem:s2] =	stream.indirect.scatter.add.f32 [tilespmem:s18], [sflag:$0x5], $0x1, s21, s10, $0xb8;
	[tilespmem:$0x3100] =	vst v63  }
0xa6: {  	_ =	swait.ge [sflag:s31], $0x80  }
0xa7: {  	[sflag:s31] =	ssyncset.done $0x0  }
0xa8: {  	s19 =	simm.s32 $0x680;
	[sflag:s31] =	ssyncadd.s32 $0xFFFFFF80  }
0xa9: {  	[spmem:s2] =	stream.indirect.scatter.add.f32 [tilespmem:s20], [sflag:$0x6], $0x1, s19, s10, $0xb8;
	[tilespmem:$0x3100] =	vst v63  }
0xaa: {  	_ =	swait.ge [sflag:s0], $0x80  }
0xab: {  	[sflag:s0] =	ssyncset.done $0x0  }
0xac: {  	s21 =	simm.s32 $0x700;
	[sflag:s0] =	ssyncadd.s32 $0xFFFFFF80  }
0xad: {  	[spmem:s2] =	stream.indirect.scatter.add.f32 [tilespmem:s22], [sflag:$0x7], $0x1, s21, s10, $0xb8;
	[tilespmem:$0x3100] =	vst v63  }
0xae: {  	_ =	swait.ge [sflag:s9], $0x80  }
0xaf: {  	[sflag:s9] =	ssyncset.done $0x0  }
0xb0: {  	s1 =	simm.s32 $0x1000;
	s19 =	simm.s32 $0x780;
	[sflag:s9] =	ssyncadd.s32 $0xFFFFFF80  }
.LBB2_2:
0xb1: {  	[spmem:s2] =	stream.indirect.scatter.add.f32 [tilespmem:s24], [sflag:$0x8], $0x1, s19, s10, $0xb8;
	[tilespmem:$0x3100] =	vst v63  }
0xb2: {  	s19 =	smov.u32 s1  }
0xb3: {  	p0 =	sne.s32 s1, $0x8000;
	s1 =	sadd.s32 $0x1000, s1;
	_ =	swait.ge [sflag:s25], $0x80  }
0xb4: {  	s19 =	sshra.s32 s19, $0x2;
	[sflag:s25] =	ssyncset.done $0x0  }
0xb5: {  	s21 =	sadd.s32 $0x400, s19;
	[sflag:s25] =	ssyncadd.s32 $0xFFFFFF80  }
0xb6: {  	[spmem:s2] =	stream.indirect.scatter.add.f32 [tilespmem:s11], [sflag:$0x1], $0x1, s21, s10, $0xb8;
	[tilespmem:$0x3100] =	vst v63  }
0xb7: {  	_ =	swait.ge [sflag:s26], $0x80  }
0xb8: {  	[sflag:s26] =	ssyncset.done $0x0  }
0xb9: {  	s21 =	sadd.s32 $0x480, s19;
	[sflag:s26] =	ssyncadd.s32 $0xFFFFFF80  }
0xba: {  	[spmem:s2] =	stream.indirect.scatter.add.f32 [tilespmem:s12], [sflag:$0x2], $0x1, s21, s10, $0xb8;
	[tilespmem:$0x3100] =	vst v63  }
0xbb: {  	_ =	swait.ge [sflag:s28], $0x80  }
0xbc: {  	[sflag:s28] =	ssyncset.done $0x0  }
0xbd: {  	s21 =	sadd.s32 $0x500, s19;
	[sflag:s28] =	ssyncadd.s32 $0xFFFFFF80  }
0xbe: {  	[spmem:s2] =	stream.indirect.scatter.add.f32 [tilespmem:s14], [sflag:$0x3], $0x1, s21, s10, $0xb8;
	[tilespmem:$0x3100] =	vst v63  }
0xbf: {  	_ =	swait.ge [sflag:s29], $0x80  }
0xc0: {  	[sflag:s29] =	ssyncset.done $0x0  }
0xc1: {  	s21 =	sadd.s32 $0x580, s19;
	[sflag:s29] =	ssyncadd.s32 $0xFFFFFF80  }
0xc2: {  	[spmem:s2] =	stream.indirect.scatter.add.f32 [tilespmem:s16], [sflag:$0x4], $0x1, s21, s10, $0xb8;
	[tilespmem:$0x3100] =	vst v63  }
0xc3: {  	_ =	swait.ge [sflag:s30], $0x80  }
0xc4: {  	[sflag:s30] =	ssyncset.done $0x0  }
0xc5: {  	s21 =	sadd.s32 $0x600, s19;
	[sflag:s30] =	ssyncadd.s32 $0xFFFFFF80  }
0xc6: {  	[spmem:s2] =	stream.indirect.scatter.add.f32 [tilespmem:s18], [sflag:$0x5], $0x1, s21, s10, $0xb8;
	[tilespmem:$0x3100] =	vst v63  }
0xc7: {  	_ =	swait.ge [sflag:s31], $0x80  }
0xc8: {  	[sflag:s31] =	ssyncset.done $0x0  }
0xc9: {  	s21 =	sadd.s32 $0x680, s19;
	[sflag:s31] =	ssyncadd.s32 $0xFFFFFF80  }
0xca: {  	[spmem:s2] =	stream.indirect.scatter.add.f32 [tilespmem:s20], [sflag:$0x6], $0x1, s21, s10, $0xb8;
	[tilespmem:$0x3100] =	vst v63  }
0xcb: {  	_ =	swait.ge [sflag:s0], $0x80  }
0xcc: {  	[sflag:s0] =	ssyncset.done $0x0  }
.Ltmp0:
0xcd: {  	s21 =	sadd.s32 $0x700, s19;
	[sflag:s0] =	ssyncadd.s32 $0xFFFFFF80;
	(pc) =	sbr.rel @p0 .LBB2_2-.Ltmp0, $4  }
0xce: {  	[spmem:s2] =	stream.indirect.scatter.add.f32 [tilespmem:s22], [sflag:$0x7], $0x1, s21, s10, $0xb8;
	[tilespmem:$0x3100] =	vst v63  }
0xcf: {  	_ =	swait.ge [sflag:s9], $0x80  }
0xd0: {  	[sflag:s9] =	ssyncset.done $0x0  }
0xd1: {  	s19 =	sadd.s32 $0x780, s19;
	[sflag:s9] =	ssyncadd.s32 $0xFFFFFF80  }
0xd2: {  	[spmem:s2] =	stream.indirect.scatter.add.f32 [tilespmem:s24], [sflag:$0x8], $0x1, s19, s10, $0xb8;
	[tilespmem:$0x3100] =	vst v63  }
0xd3: {  	_ =	swait.ge [sflag:s25], $0x80  }
0xd4: {  	[sflag:s25] =	ssyncset.done $0x0  }
0xd5: {  	[sflag:s25] =	ssyncadd.s32 $0xFFFFFF80  }
0xd6: {  	_ =	swait.ge [sflag:s26], $0x80  }
0xd7: {  	[sflag:s26] =	ssyncset.done $0x0  }
0xd8: {  	[sflag:s26] =	ssyncadd.s32 $0xFFFFFF80  }
0xd9: {  	_ =	swait.ge [sflag:s28], $0x80  }
0xda: {  	[sflag:s28] =	ssyncset.done $0x0  }
0xdb: {  	[sflag:s28] =	ssyncadd.s32 $0xFFFFFF80  }
0xdc: {  	_ =	swait.ge [sflag:s29], $0x80  }
0xdd: {  	[sflag:s29] =	ssyncset.done $0x0  }
0xde: {  	[sflag:s29] =	ssyncadd.s32 $0xFFFFFF80  }
0xdf: {  	_ =	swait.ge [sflag:s30], $0x80  }
0xe0: {  	[sflag:s30] =	ssyncset.done $0x0  }
0xe1: {  	[sflag:s30] =	ssyncadd.s32 $0xFFFFFF80  }
0xe2: {  	_ =	swait.ge [sflag:s31], $0x80  }
0xe3: {  	[sflag:s31] =	ssyncset.done $0x0  }
0xe4: {  	[sflag:s31] =	ssyncadd.s32 $0xFFFFFF80  }
0xe5: {  	_ =	swait.ge [sflag:s0], $0x80  }
0xe6: {  	[sflag:s0] =	ssyncset.done $0x0  }
0xe7: {  	[sflag:s0] =	ssyncadd.s32 $0xFFFFFF80  }
0xe8: {  	s1 =	stileid.u32;
	_ =	swait.ge [sflag:s9], $0x80  }
0xe9: {  	s21 =	sshrl.u32 s5, $0x3;
	s17 =	sadd.s32 $0x1, s17;
	[sflag:s9] =	ssyncset.done $0x0  }
0xea: {  	s1 =	sshll.u32 s1, $0x6;
	p0 =	sne.s32 s17, s7;
	[sflag:s9] =	ssyncadd.s32 $0xFFFFFF80  }
.Ltmp1:
0xeb: {  	s1 =	sor.u32 $0x1C09, s1;
	[bflag:$0x0] =	sbarrier.arrive $0xFFFF;
	(pc) =	sbr.rel @p0 .LBB2_1-.Ltmp1, $4  }
0xec: {  	[hbm:s6@s13], [sflag:s1] =	dma.strided [spmem:s21@s15], $0x50, s25, $0x10   }
0xed: {  	_ =	swait.ge [sflag:s8], $0x50  }
0xee: {  	[sflag:s8] =	ssyncset.done $0x0  }
0xef: {  	[sflag:s8] =	ssyncadd.s32 $0xFFFFFFB0  }
0xf0: {  	_ =	sfence.sel $0x180000  }
0xf1: {  	[bflag:$0x0] =	sbarrier.arrive $0xFFFF  }
0xf2: {  	_ =	strace $0x90000047  }
0xf3: {  	s0 =	stileid.u32;
	[bflag:$0x2] =	sbarrier.arrive $0xFFFF  }
0xf4: {  	p0 =	sne.s32 s0, $0x0;
	s0 =	rddreg [dreg:$0x2]  }
0xf5: {  	s0 =	sadd.s32 @!p0 $0x100000, s0  }
0xf6: {  	[sflag:s0] =	ssyncadd.tile.s32 @!p0 $0x1;
	_ =	shalt  }
.Lfunc_end2:
_tile_overlayer_lowered:
.L_overlay_start_2:
0xf7: {  	(tag) =	ssettag $0x2  }
0xf8: {  	s0 =	rddreg [dreg:$0x0];
	s2 =	stileid.u32  }
0xf9: {  	s1 =	rddreg [dreg:$0x1];
	p0 =	sne.s32 s2, $0x0  }
0xfa: {  	s3 =	rddreg [dreg:$0x2];
	[bflag:$0x3] =	sbarrier.arrive $0xFFFF;
	s2 =	simm.s32 @!p0 $0x1C09  }
0xfb: {  	[timem:s3], [sflag:s2] =	dma.local @!p0 [hbm:s0], s1  }
0xfc: {  	s0 =	simm.s32 @!p0 $0x9  }
0xfd: {  	_ =	swait.ge @!p0 [sflag:s0], s1  }
0xfe: {  	s1 =	ssub.s32 @!p0 $0x0, s1;
	[sflag:s0] =	ssyncset.done @!p0 $0x0  }
0xff: {  	[sflag:s0] =	ssyncadd.s32 @!p0 s1  }
0x100: {  	[bflag:$0x3] =	sbarrier.arrive $0xFFFF  }
0x101: {  	_ =	shalt  }

// kernel: kernel.16.cloned.1.call-start
scs
__scs_entry_jumppad:
0x0: {  	(pc) =	sbr.rel $0x88, $3  }
0x1: {  	(tag) =	ssettag $0x0;
	lr =	simm.s32 $0x1  }
0x2: {  	[smem:$0x3F92] =	sst lr;
	_ =	strace $0xD0000000  }
0x3: {  	_ = 	snop  }
0x4: {  	_ = 	snop  }
0x5: {  	_ = 	snop  }
0x6: {  	_ = 	snop  }
0x7: {  	_ = 	snop  }
__scs_overlays_trampoline_lowered:
0x8: {  	[smem:$0x3FA1] =	sst s0  }
0x9: {  	[smem:$0x3FA2] =	sst s1  }
0xa: {  	[smem:$0x3FA3] =	sst s2  }
0xb: {  	[smem:$0x3FA4] =	sst s3  }
0xc: {  	[smem:$0x3FA5] =	sst s4  }
0xd: {  	[smem:$0x3FA6] =	sst s5  }
0xe: {  	[smem:$0x3FA7] =	sst s6  }
0xf: {  	[smem:$0x3FA8] =	sst s7  }
0x10: {  	[smem:$0x3FA9] =	sst s8  }
0x11: {  	[smem:$0x3FAA] =	sst s9;
	s0 =	simm.s32 @!p0 $0x0  }
0x12: {  	s1 =	sld [smem:$0x3F90];
	s0 =	simm.s32 @p0 $0x1  }
0x13: {  	[smem:$0x3FAB] =	sst s0;
	s0 =	simm.s32 @!p1 $0x0  }
0x14: {  	s2 =	sld [smem:$0x3F8F];
	s0 =	simm.s32 @p1 $0x1  }
0x15: {  	[smem:$0x3FAC] =	sst s0;
	s0 =	simm.s32 @!p2 $0x0  }
0x16: {  	s3 =	sld [smem:$0x3FDB];
	s0 =	simm.s32 @p2 $0x1  }
0x17: {  	s4 =	simm.s32 $0x1BF5;
	[smem:$0x3FAE] =	sst s0  }
0x18: {  	s0 =	sld [smem:$0x3F91];
	_ =	swait.ge [sflag:s4], $0x0  }
0x19: {  	s7 =	sld [smem:$0x3F92]  }
0x1a: {  	s8 =	sadd.s32 $0xFFFFE003, lr  }
0x1b: {  	s9 =	sadd.s32 $0xFFFFFEF7, lr;
	s5 =	simm.s32 $0xFFFFFFFF;
	p2 =	slt.u32 s8, $0xFFFFF086  }
0x1c: {  	p1 =	slt.u32 s9, $0xF7A;
	s5 =	simm.s32 @!p2 $0x0  }
0x1d: {  	s5 =	simm.s32 @p1 $0x1;
	p0 =	seq.s32 s7, s2  }
0x1e: {  	s7 =	smul.u32 @!p0 $0xF7A, s2;
	p2 =	seq.s32 @!p0 s5, $0x0  }
0x1f: {  	s9 =	smul.u32 $0xF7A, s1;
	s8 =	simm.s32 @!p0 $0x1BF5;
	p2 =	por !p2, p0  }
0x20: {  	[sflag:s8] =	ssyncset.s32 @!p0 $0xFFFFF086;
	s6 =	sadd.s32 @!p0 s3, s7;
	s7 =	simm.s32 @!p0 $0x108  }
0x21: {  	s3 =	sadd.s32 s3, s9;
	s6 =	sadd.s32 @!p0 $0x88, s6;
	s7 =	simm.s32 @p2 $0x1082  }
0x22: {  	[simem:s7], [sflag:s8] =	dma.local @!p0 [hbm:s6], $0xF7A  }
0x23: {  	s9 =	sor.u32 $0xD0000000, s2;
	s6 =	simm.s32 $0x108;
	_ =	swait.ge @!p0 [sflag:s8], $0x0  }
0x24: {  	s3 =	sadd.s32 $0x88, s3;
	s6 =	simm.s32 @!p1 $0x1082;
	[sflag:s4] =	ssyncset.s32 $0xFFFFF086  }
0x25: {  	[simem:s6], [sflag:s4] =	dma.local [hbm:s3], $0xF7A  }
0x26: {  	[smem:$0x3F92] =	sst s1;
	(tag) =	ssettag s2;
	_ =	strace s9  }
0x27: {  	s1 =	sld [smem:$0x3FA2]  }
0x28: {  	s2 =	sld [smem:$0x3FA3]  }
0x29: {  	s4 =	sld [smem:$0x3FA5]  }
0x2a: {  	p0 =	seq.s32 s5, $0x0;
	s5 =	sld [smem:$0x3FA6]  }
0x2b: {  	s6 =	sld [smem:$0x3FA7]  }
0x2c: {  	s7 =	sld [smem:$0x3FA8]  }
0x2d: {  	s3 =	simm.s32 $0x108;
	s8 =	sld [smem:$0x3FA9]  }
0x2e: {  	s3 =	simm.s32 @!p0 $0x1082;
	s9 =	sld [smem:$0x3FAA]  }
0x2f: {  	lr =	sadd.s32 s0, s3;
	s0 =	sld [smem:$0x3FA1]  }
0x30: {  	s3 =	sld [smem:$0x3FA4]  }
0x31: {  	[smem:$0x3FAD] =	sst s10  }
0x32: {  	s10 =	sld [smem:$0x3FAB];
	_ =	sdelay $0x3  }
0x33: {  	p0 =	seq.s32 s10, $0x1;
	s10 =	sld [smem:$0x3FAD];
	_ =	sdelay $0x3  }
0x34: {  	[smem:$0x3FAD] =	sst s10  }
0x35: {  	s10 =	sld [smem:$0x3FAC];
	_ =	sdelay $0x3  }
0x36: {  	p1 =	seq.s32 s10, $0x1;
	s10 =	sld [smem:$0x3FAD];
	_ =	sdelay $0x3  }
0x37: {  	[smem:$0x3FAD] =	sst s10  }
0x38: {  	s10 =	sld [smem:$0x3FAE]  }
0x39: {  	_ = 	snop;
	(pc) =	sbr.ind lr, $3  }
0x3a: {  	_ = 	snop  }
0x3b: {  	_ = 	snop  }
0x3c: {  	p2 =	seq.s32 s10, $0x1;
	s10 =	sld [smem:$0x3FAD]  }
0x3d: {  	_ =	shalt  }
0x3e: {  	_ =	shalt  }
0x3f: {  	_ =	shalt  }
0x40: {  	_ =	shalt  }
0x41: {  	_ =	shalt  }
0x42: {  	_ =	shalt  }
0x43: {  	_ =	shalt  }
0x44: {  	_ =	shalt  }
0x45: {  	_ =	shalt  }
0x46: {  	_ =	shalt  }
0x47: {  	_ =	shalt  }
0x48: {  	_ =	shalt  }
0x49: {  	_ =	shalt  }
0x4a: {  	_ =	shalt  }
0x4b: {  	_ =	shalt  }
0x4c: {  	_ =	shalt  }
0x4d: {  	_ =	shalt  }
0x4e: {  	_ =	shalt  }
0x4f: {  	_ =	shalt  }
0x50: {  	_ =	shalt  }
0x51: {  	_ =	shalt  }
0x52: {  	_ =	shalt  }
0x53: {  	_ =	shalt  }
0x54: {  	_ =	shalt  }
0x55: {  	_ =	shalt  }
0x56: {  	_ =	shalt  }
0x57: {  	_ =	shalt  }
0x58: {  	_ =	shalt  }
0x59: {  	_ =	shalt  }
0x5a: {  	_ =	shalt  }
0x5b: {  	_ =	shalt  }
0x5c: {  	_ =	shalt  }
0x5d: {  	_ =	shalt  }
0x5e: {  	_ =	shalt  }
0x5f: {  	_ =	shalt  }
0x60: {  	_ =	shalt  }
0x61: {  	_ =	shalt  }
0x62: {  	_ =	shalt  }
0x63: {  	_ =	shalt  }
0x64: {  	_ =	shalt  }
0x65: {  	_ =	shalt  }
0x66: {  	_ =	shalt  }
0x67: {  	_ =	shalt  }
0x68: {  	_ =	shalt  }
0x69: {  	_ =	shalt  }
0x6a: {  	_ =	shalt  }
0x6b: {  	_ =	shalt  }
0x6c: {  	_ =	shalt  }
0x6d: {  	_ =	shalt  }
0x6e: {  	_ =	shalt  }
0x6f: {  	_ =	shalt  }
0x70: {  	_ =	shalt  }
0x71: {  	_ =	shalt  }
0x72: {  	_ =	shalt  }
0x73: {  	_ =	shalt  }
0x74: {  	_ =	shalt  }
0x75: {  	_ =	shalt  }
0x76: {  	_ =	shalt  }
0x77: {  	_ =	shalt  }
0x78: {  	_ =	shalt  }
0x79: {  	_ =	shalt  }
0x7a: {  	_ =	shalt  }
0x7b: {  	_ =	shalt  }
0x7c: {  	_ =	shalt  }
0x7d: {  	_ =	shalt  }
0x7e: {  	_ =	shalt  }
0x7f: {  	_ =	shalt  }
0x80: {  	_ =	shalt  }
0x81: {  	_ =	shalt  }
0x82: {  	_ =	shalt  }
0x83: {  	_ =	shalt  }
0x84: {  	_ =	shalt  }
0x85: {  	_ =	shalt  }
0x86: {  	_ =	shalt  }
0x87: {  	_ =	shalt  }
.Lfunc_end0:
.L_simem_size_0:
called_computation.1_lowered:
.L_overlay_start_0:
0x88: {  	s2 =	sld [smem:$0x3FD9]  }
0x89: {  	s3 =	sld [smem:$0x3FFE];
	_ =	sdelay $0x1  }
0x8a: {  	s1 =	srdreg.scid  }
0x8b: {  	s0 =	sand.u32 $0x1, s1  }
0x8c: {  	s16 =	sshll.u32 s0, $0xA;
	s2 =	sadd.s32 s3, s2  }
0x8d: {  	s2 =	sadd.s32 s2, s16  }
0x8e: {  	[smem:$0x3FB9] =	sst s2  }
0x8f: {  	_ = 	snop  }
0x90: {  	(tm) =	ssettm $0x1  }
0x91: {  	s17 =	sld [smem:$0x3FFB];
	_ =	sdelay $0x3  }
0x92: {  	_ =	strace s17  }
0x93: {  	s2 =	sld [smem:$0x3FFC];
	_ =	sdelay $0x3  }
0x94: {  	_ =	strace s2  }
0x95: {  	s2 =	sld [smem:$0x3FFD];
	_ =	sdelay $0x3  }
0x96: {  	_ =	strace s2  }
0x97: {  	_ =	strace $0x8FFFFFFF  }
0x98: {  	s18 =	sld [smem:$0x3FDB];
	_ =	sdelay $0x1  }
0x99: {  	s19 =	simm.s32 $_scs_section_size  }
0x9a: {  	s4 =	simm.s32 $_size__tile_overlayer_lowered;
	s5 =	simm.s32 $_tile_overlayer_lowered  }
0x9b: {  	s22 =	simm.s32 $0x1BFF;
	s21 =	sshll.u32 s5, $0x1;
	s2 =	sadd.s32 s19, s18  }
0x9c: {  	s6 =	simm.s32 $0x0;
	s20 =	sshll.u32 s4, $0x1;
	s4 =	sadd.s32 s21, s2  }
0x9d: {  	[timem:s6], [sflag:s22] =	dma.local [hbm:s4], s20  }
0x9e: {  	_ =	swait.ge [sflag:s22], s20  }
0x9f: {  	s3 =	ssub.s32 $0x0, s20;
	[sflag:s22] =	ssyncset.done $0x0  }
0xa0: {  	[sflag:s22] =	ssyncadd.s32 s3;
	_ =	sdelay $0x1  }
0xa1: {  	s23 =	simm.s32 $0x1B8B  }
0xa2: {  	_ =	swait.ge [sflag:s23], $0x1  }
0xa3: {  	[sflag:s23] =	ssyncset.done $0x0  }
0xa4: {  	s25 =	simm.s32 $0x1B8E;
	s24 =	sld [smem:$0x3FFE];
	[sflag:s23] =	ssyncadd.s32 $0xFFFFFFFF  }
0xa5: {  	s26 =	simm.s32 $execute0_lowered;
	[smem:$0x3FD2] =	sst s25  }
0xa6: {  	s4 =	sshll.u32 s26, $0x1;
	_ =	strace $0x80000049;
	[dreg:$0x1] =	wrdreg $0xFFFFFFFF  }
0xa7: {  	s28 =	simm.s32 $_size_execute0_lowered;
	s2 =	sadd.s32 s2, s4;
	[dreg:$0x0] =	wrdreg $0x0  }
0xa8: {  	s4 =	sshll.u32 s28, $0x1;
	[dreg:$0x2] =	wrdreg s2  }
0xa9: {  	[dreg:$0x3] =	wrdreg s4  }
0xaa: {  	[dreg:$0x4] =	wrdreg $0xC0  }
0xab: {  	_ =	task [dreg:s6], $0x5FFFF  }
0xac: {  	[dreg:$0x1] =	wrdreg $0xFFFFFFFF  }
0xad: {  	[dreg:$0x0] =	wrdreg $0x60  }
0xae: {  	[dreg:$0x2] =	wrdreg s24  }
0xaf: {  	[dreg:$0x3] =	wrdreg $0xA8000  }
0xb0: {  	[dreg:$0x4] =	wrdreg $0x9  }
0xb1: {  	_ =	task.clear_ibuf [dreg:s6], $0x5FFFF;
	_ =	strace $0x90000049  }
0xb2: {  	s29 =	simm.s32 $0x9;
	_ =	strace $0x8000004B  }
0xb3: {  	_ =	swait.ge [sflag:s29], $0x1  }
0xb4: {  	[sflag:s29] =	ssyncadd.s32 $0xFFFFFFFF  }
0xb5: {  	_ =	strace $0x9000004B  }
0xb6: {  	_ =	sfence  }
0xb7: {  	s30 =	sld [smem:$0x0];
	_ =	sdelay $0x2  }
0xb8: {  	s31 =	sshll.u32 s1, $0xD;
	s1 =	sshrl.u32 s1, $0x2  }
0xb9: {  	s3 =	sand.u32 $0x4000, s31;
	s1 =	sadd.s32 s1, s30  }
0xba: {  	s0 =	sor.u32 s3, s0;
	s1 =	sshll.u32 s1, $0x11  }
0xbb: {  	s0 =	sor.u32 s1, s0  }
0xbc: {  	s0 =	sadd.s32 $0x8F2B, s0  }
0xbd: {  	[sflag:s0] =	ssyncadd.remote.s32 $0x1  }
0xbe: {  	_ =	sfence.sel $0xFFFF  }
0xbf: {  	[dreg:$0x0] =	wrdreg $0xFFFFFFFF;
	(pc) =	sbr.abs _section_cstart, $3  }
0xc0: {  	[dreg:$0x1] =	wrdreg $0xFFFFFFFF  }
0xc1: {  	_ =	task.clear_ibuf [dreg:s6], $0x2FFFF;
	_ =	strace $0x9FFFFFFF  }
0xc2: {  	(tm) =	ssettm $0x7FFFFFFF  }
0xc3: {  	_ =	shalt  }
tec
execute0_lowered:
.L_overlay_start_1:
0x0: {  	(tag) =	ssettag $0x1  }
0x1: {  	s5 =	rddreg [dreg:$0x0]  }
0x2: {  	s0 =	srdreg.scid;
	s2 =	rddreg [dreg:$0x1];
	s3 =	simm.s32 $0x0  }
0x3: {  	s16 =	simm.s32 $0x2800;
	s17 =	simm.s32 $0x3;
	s18 =	simm.s32 $0x1400  }
0x4: {  	s19 =	simm.s32 $0x80;
	s20 =	simm.s32 $0x6800;
	s21 =	simm.s32 $0x1  }
0x5: {  	s22 =	simm.s32 $0x2;
	s23 =	simm.s32 $0x2700;
	s4 =	sand.u32 $0x1, s0  }
0x6: {  	s24 =	simm.s32 $0x2780;
	s0 =	stileid.u32;
	s7 =	smul.u32 $0x140000, s4  }
0x7: {  	s25 =	simm.s32 $0x0;
	s1 =	sshll.u32 s4, $0x4;
	s8 =	smul.u32 $0x14000, s0  }
0x8: {  	[smem:$0x7FF] =	sst s3;
	s30 =	smul.u32 $0x50000, s0;
	s1 =	sor.u32 s0, s1  }
0x9: {  	s29 =	ssub.s32 $0x2, s4;
	s4 =	sadd.s32 $0x18600, s5;
	s6 =	smul.u32 $0x2800, s1  }
0xa: {  	s10 =	sshrl.u32 s29, $0x1;
	s1 =	rddreg [dreg:$0x2];
	_ =	strace $0x8000004A  }
0xb: {  	s28 =	sadd.s32 s8, s7;
	s12 =	ssub.s32 s29, s10;
	s6 =	sshrl.u32 s6, $0x3  }
0xc: {  	s31 =	sshrl.u32 s30, $0x2;
	s9 =	sadd.s32 s6, s5;
	s6 =	sshrl.u32 s28, $0x3  }
0xd: {  	s11 =	sadd.s32 s6, s5;
	s5 =	sadd.s32 s31, s2;
	s6 =	sadd.s32 $0x4600, s9  }
0xe: {  	s7 =	sadd.s32 $0xE600, s9;
	s8 =	sadd.s32 $0x4880, s9;
	s9 =	sadd.s32 $0xE880, s9  }
0xf: {  	s10 =	sadd.s32 $0x40600, s11;
	s11 =	smax.u32 s12, $0x1;
	s12 =	sadd.s32 $0x4000, s5  }
0x10: {  	v0 =	vimm.f32 $0.0e+00;
	s13 =	sadd.s32 $0x8000, s5;
	s14 =	sadd.s32 $0xC000, s5;
	s15 =	sadd.s32 $0x10000, s5  }
.LBB2_1:
0x11: {  	s26 =	sand.u32 $0xFE00, s3  }
0x12: {  	s28 =	sand.u32 $0x70, s3;
	s29 =	sshrl.u32 s26, $0x2  }
0x13: {  	s26 =	simm.s32 $0x40;
	s29 =	sor.u32 s28, s29;
	s28 =	simm.s32 $0x0  }
.LBB2_2:
0x14: {  	p0 =	sne.s32 s26, $0xFFC0  }
0x15: {  	[tilespmem:s29+$0x2800] =	vst v0;
	s28 =	sadd.s32 $0x10, s28;
	s29 =	smov.u32 s26;
	s26 =	sadd.s32 $0x40, s26  }
.Ltmp0:
0x16: {  	(pc) =	sbr.rel @p0 .LBB2_2-.Ltmp0, $4  }
0x17: {  	_ = 	snop  }
0x18: {  	s29 =	sand.u32 $0xFE00, s29  }
0x19: {  	s30 =	sand.u32 $0x70, s28;
	s29 =	sshrl.u32 s29, $0x2  }
0x1a: {  	s29 =	sor.u32 s30, s29  }
0x1b: {  	[tilespmem:s29+$0x2800] =	vst v0  }
0x1c: {  	[spmem:s5] =	stream.linear.scatter [tilespmem:s16], [sflag:$0x3], $0x4000, $0x38;
	[tilespmem:$0x1E800] =	vst v63  }
0x1d: {  	_ =	swait.ge [sflag:s17], $0x4000  }
0x1e: {  	[sflag:s17] =	ssyncset.done $0x0  }
0x1f: {  	[sflag:s17] =	ssyncadd.s32 $0xFFFFC000  }
0x20: {  	[spmem:s12] =	stream.linear.scatter [tilespmem:s16], [sflag:$0x3], $0x4000, $0x38;
	[tilespmem:$0x1E800] =	vst v63  }
0x21: {  	_ =	swait.ge [sflag:s17], $0x4000  }
0x22: {  	[sflag:s17] =	ssyncset.done $0x0  }
0x23: {  	[sflag:s17] =	ssyncadd.s32 $0xFFFFC000  }
0x24: {  	[spmem:s13] =	stream.linear.scatter [tilespmem:s16], [sflag:$0x3], $0x4000, $0x38;
	[tilespmem:$0x1E800] =	vst v63  }
0x25: {  	_ =	swait.ge [sflag:s17], $0x4000  }
0x26: {  	[sflag:s17] =	ssyncset.done $0x0  }
0x27: {  	[sflag:s17] =	ssyncadd.s32 $0xFFFFC000  }
0x28: {  	[spmem:s14] =	stream.linear.scatter [tilespmem:s16], [sflag:$0x3], $0x4000, $0x38;
	[tilespmem:$0x1E800] =	vst v63  }
0x29: {  	_ =	swait.ge [sflag:s17], $0x4000  }
0x2a: {  	[sflag:s17] =	ssyncset.done $0x0  }
0x2b: {  	[sflag:s17] =	ssyncadd.s32 $0xFFFFC000  }
0x2c: {  	[spmem:s15] =	stream.linear.scatter [tilespmem:s16], [sflag:$0x3], $0x4000, $0x38;
	[tilespmem:$0x1E800] =	vst v63  }
0x2d: {  	_ =	swait.ge [sflag:s17], $0x4000  }
0x2e: {  	[sflag:s17] =	ssyncset.done $0x0  }
0x2f: {  	[sflag:s17] =	ssyncadd.s32 $0xFFFFC000  }
0x30: {  	s26 =	simm.s32 $0x0;
	[bflag:$0x0] =	sbarrier.arrive $0xFFFF  }
0x31: {  	[tilespmem:s26], [sflag:$0x3] =	stream.linear.gather [hbm4b:s6+s26], $0x1400, $0x38;
	[tilespmem:$0x1E800] =	vst v63  }
0x32: {  	_ =	swait.ge [sflag:s17], $0x1400  }
0x33: {  	[sflag:s17] =	ssyncset.done $0x0  }
0x34: {  	[sflag:s17] =	ssyncadd.s32 $0xFFFFEC00  }
0x35: {  	[tilespmem:s18], [sflag:$0x3] =	stream.linear.gather [hbm4b:s7+s26], $0x1400, $0x38;
	[tilespmem:$0x1E800] =	vst v63  }
0x36: {  	_ =	swait.ge [sflag:s17], $0x1400  }
0x37: {  	[sflag:s17] =	ssyncset.done $0x0  }
0x38: {  	[sflag:s17] =	ssyncadd.s32 $0xFFFFEC00  }
0x39: {  	[tilespmem:s16], [sflag:$0x1] =	stream.indirect.gather [hbm4b:s4+s19], $0x80, s26, s19, $0xb8;
	[tilespmem:$0x1E800] =	vst v63  }
0x3a: {  	_ = 	snop  }
0x3b: {  	[tilespmem:s20], [sflag:$0x2] =	stream.indirect.gather [hbm4b:s4+s19], $0x80, s19, s19, $0xb8;
	[tilespmem:$0x1E800] =	vst v63  }
0x3c: {  	_ =	swait.ge [sflag:s21], $0x4000  }
0x3d: {  	[sflag:s21] =	ssyncset.done $0x0  }
0x3e: {  	s29 =	simm.s32 $0x1400;
	[sflag:s21] =	ssyncadd.s32 $0xFFFFC000  }
0x3f: {  	[spmem:s2] =	stream.indirect.scatter.add.f32 [tilespmem:s16], [sflag:$0x3], $0x80, s29, s19, $0xb8;
	[tilespmem:$0x1E800] =	vst v63  }
0x40: {  	_ =	swait.ge [sflag:s17], $0x4000  }
0x41: {  	[sflag:s17] =	ssyncset.done $0x0  }
0x42: {  	s30 =	simm.s32 $0x100;
	[sflag:s17] =	ssyncadd.s32 $0xFFFFC000  }
0x43: {  	[tilespmem:s16], [sflag:$0x1] =	stream.indirect.gather [hbm4b:s4+s19], $0x80, s30, s19, $0xb8;
	[tilespmem:$0x1E800] =	vst v63  }
0x44: {  	_ =	swait.ge [sflag:s22], $0x4000  }
0x45: {  	[sflag:s22] =	ssyncset.done $0x0  }
0x46: {  	s31 =	simm.s32 $0x1480;
	[sflag:s22] =	ssyncadd.s32 $0xFFFFC000  }
0x47: {  	[spmem:s2] =	stream.indirect.scatter.add.f32 [tilespmem:s20], [sflag:$0x3], $0x80, s31, s19, $0xb8;
	[tilespmem:$0x1E800] =	vst v63  }
0x48: {  	_ =	swait.ge [sflag:s17], $0x4000  }
0x49: {  	[sflag:s17] =	ssyncset.done $0x0  }
0x4a: {  	s28 =	simm.s32 $0x180;
	s26 =	simm.s32 $0x400;
	[sflag:s17] =	ssyncadd.s32 $0xFFFFC000  }
.LBB2_4:
0x4b: {  	[tilespmem:s20], [sflag:$0x2] =	stream.indirect.gather [hbm4b:s4+s19], $0x80, s28, s19, $0xb8;
	[tilespmem:$0x1E800] =	vst v63  }
0x4c: {  	s28 =	smov.u32 s26  }
0x4d: {  	p0 =	sne.s32 s26, $0x4800;
	s26 =	sadd.s32 $0x400, s26;
	_ =	swait.ge [sflag:s21], $0x4000  }
0x4e: {  	s28 =	sshra.s32 s28, $0x2;
	[sflag:s21] =	ssyncset.done $0x0  }
0x4f: {  	s29 =	sadd.s32 $0x1400, s28;
	[sflag:s21] =	ssyncadd.s32 $0xFFFFC000  }
0x50: {  	[spmem:s2] =	stream.indirect.scatter.add.f32 [tilespmem:s16], [sflag:$0x3], $0x80, s29, s19, $0xb8;
	[tilespmem:$0x1E800] =	vst v63  }
0x51: {  	_ =	swait.ge [sflag:s17], $0x4000  }
0x52: {  	[sflag:s17] =	ssyncset.done $0x0  }
0x53: {  	s29 =	sadd.s32 $0x100, s28;
	[sflag:s17] =	ssyncadd.s32 $0xFFFFC000  }
0x54: {  	[tilespmem:s16], [sflag:$0x1] =	stream.indirect.gather [hbm4b:s4+s19], $0x80, s29, s19, $0xb8;
	[tilespmem:$0x1E800] =	vst v63  }
0x55: {  	_ =	swait.ge [sflag:s22], $0x4000  }
0x56: {  	[sflag:s22] =	ssyncset.done $0x0  }
.Ltmp1:
0x57: {  	s29 =	sadd.s32 $0x1480, s28;
	[sflag:s22] =	ssyncadd.s32 $0xFFFFC000;
	(pc) =	sbr.rel @p0 .LBB2_4-.Ltmp1, $4  }
0x58: {  	[spmem:s2] =	stream.indirect.scatter.add.f32 [tilespmem:s20], [sflag:$0x3], $0x80, s29, s19, $0xb8;
	[tilespmem:$0x1E800] =	vst v63  }
0x59: {  	_ =	swait.ge [sflag:s17], $0x4000  }
0x5a: {  	[sflag:s17] =	ssyncset.done $0x0  }
0x5b: {  	s28 =	sadd.s32 $0x180, s28;
	[sflag:s17] =	ssyncadd.s32 $0xFFFFC000  }
0x5c: {  	[tilespmem:s20], [sflag:$0x2] =	stream.indirect.gather [hbm4b:s4+s19], $0x80, s28, s19, $0xb8;
	[tilespmem:$0x1E800] =	vst v63  }
0x5d: {  	_ =	swait.ge [sflag:s21], $0x4000  }
0x5e: {  	[sflag:s21] =	ssyncset.done $0x0  }
0x5f: {  	[sflag:s21] =	ssyncadd.s32 $0xFFFFC000  }
0x60: {  	[spmem:s2] =	stream.indirect.scatter.add.f32 [tilespmem:s16], [sflag:$0x3], $0x80, s23, s19, $0xb8;
	[tilespmem:$0x1E800] =	vst v63  }
0x61: {  	_ =	swait.ge [sflag:s17], $0x4000  }
0x62: {  	[sflag:s17] =	ssyncset.done $0x0  }
0x63: {  	[sflag:s17] =	ssyncadd.s32 $0xFFFFC000  }
0x64: {  	_ =	swait.ge [sflag:s22], $0x4000  }
0x65: {  	[sflag:s22] =	ssyncset.done $0x0  }
0x66: {  	[sflag:s22] =	ssyncadd.s32 $0xFFFFC000  }
0x67: {  	[spmem:s2] =	stream.indirect.scatter.add.f32 [tilespmem:s20], [sflag:$0x3], $0x80, s24, s19, $0xb8;
	[tilespmem:$0x1E800] =	vst v63  }
0x68: {  	_ =	swait.ge [sflag:s17], $0x4000  }
0x69: {  	[sflag:s17] =	ssyncset.done $0x0  }
0x6a: {  	s26 =	simm.s32 $0x0;
	[sflag:s17] =	ssyncadd.s32 $0xFFFFC000  }
0x6b: {  	[tilespmem:s26], [sflag:$0x3] =	stream.linear.gather [hbm4b:s8+s26], $0x1400, $0x38;
	[tilespmem:$0x1E800] =	vst v63  }
0x6c: {  	_ =	swait.ge [sflag:s17], $0x1400  }
0x6d: {  	[sflag:s17] =	ssyncset.done $0x0  }
0x6e: {  	[sflag:s17] =	ssyncadd.s32 $0xFFFFEC00  }
0x6f: {  	[tilespmem:s18], [sflag:$0x3] =	stream.linear.gather [hbm4b:s9+s26], $0x1400, $0x38;
	[tilespmem:$0x1E800] =	vst v63  }
0x70: {  	_ =	swait.ge [sflag:s17], $0x1400  }
0x71: {  	[sflag:s17] =	ssyncset.done $0x0  }
0x72: {  	[sflag:s17] =	ssyncadd.s32 $0xFFFFEC00  }
0x73: {  	[tilespmem:s16], [sflag:$0x1] =	stream.indirect.gather [hbm4b:s4+s19], $0x80, s26, s19, $0xb8;
	[tilespmem:$0x1E800] =	vst v63  }
0x74: {  	_ = 	snop  }
0x75: {  	[tilespmem:s20], [sflag:$0x2] =	stream.indirect.gather [hbm4b:s4+s19], $0x80, s19, s19, $0xb8;
	[tilespmem:$0x1E800] =	vst v63  }
0x76: {  	_ =	swait.ge [sflag:s21], $0x4000  }
0x77: {  	[sflag:s21] =	ssyncset.done $0x0  }
0x78: {  	s29 =	simm.s32 $0x1400;
	[sflag:s21] =	ssyncadd.s32 $0xFFFFC000  }
0x79: {  	[spmem:s2] =	stream.indirect.scatter.add.f32 [tilespmem:s16], [sflag:$0x3], $0x80, s29, s19, $0xb8;
	[tilespmem:$0x1E800] =	vst v63  }
0x7a: {  	_ =	swait.ge [sflag:s17], $0x4000  }
0x7b: {  	[sflag:s17] =	ssyncset.done $0x0  }
0x7c: {  	s30 =	simm.s32 $0x100;
	[sflag:s17] =	ssyncadd.s32 $0xFFFFC000  }
0x7d: {  	[tilespmem:s16], [sflag:$0x1] =	stream.indirect.gather [hbm4b:s4+s19], $0x80, s30, s19, $0xb8;
	[tilespmem:$0x1E800] =	vst v63  }
0x7e: {  	_ =	swait.ge [sflag:s22], $0x4000  }
0x7f: {  	[sflag:s22] =	ssyncset.done $0x0  }
0x80: {  	s31 =	simm.s32 $0x1480;
	[sflag:s22] =	ssyncadd.s32 $0xFFFFC000  }
0x81: {  	[spmem:s2] =	stream.indirect.scatter.add.f32 [tilespmem:s20], [sflag:$0x3], $0x80, s31, s19, $0xb8;
	[tilespmem:$0x1E800] =	vst v63  }
0x82: {  	_ =	swait.ge [sflag:s17], $0x4000  }
0x83: {  	[sflag:s17] =	ssyncset.done $0x0  }
0x84: {  	s28 =	simm.s32 $0x180;
	s26 =	simm.s32 $0x400;
	[sflag:s17] =	ssyncadd.s32 $0xFFFFC000  }
.LBB2_6:
0x85: {  	[tilespmem:s20], [sflag:$0x2] =	stream.indirect.gather [hbm4b:s4+s19], $0x80, s28, s19, $0xb8;
	[tilespmem:$0x1E800] =	vst v63  }
0x86: {  	s28 =	smov.u32 s26  }
0x87: {  	p0 =	sne.s32 s26, $0x4800;
	s26 =	sadd.s32 $0x400, s26;
	_ =	swait.ge [sflag:s21], $0x4000  }
0x88: {  	s28 =	sshra.s32 s28, $0x2;
	[sflag:s21] =	ssyncset.done $0x0  }
0x89: {  	s29 =	sadd.s32 $0x1400, s28;
	[sflag:s21] =	ssyncadd.s32 $0xFFFFC000  }
0x8a: {  	[spmem:s2] =	stream.indirect.scatter.add.f32 [tilespmem:s16], [sflag:$0x3], $0x80, s29, s19, $0xb8;
	[tilespmem:$0x1E800] =	vst v63  }
0x8b: {  	_ =	swait.ge [sflag:s17], $0x4000  }
0x8c: {  	[sflag:s17] =	ssyncset.done $0x0  }
0x8d: {  	s29 =	sadd.s32 $0x100, s28;
	[sflag:s17] =	ssyncadd.s32 $0xFFFFC000  }
0x8e: {  	[tilespmem:s16], [sflag:$0x1] =	stream.indirect.gather [hbm4b:s4+s19], $0x80, s29, s19, $0xb8;
	[tilespmem:$0x1E800] =	vst v63  }
0x8f: {  	_ =	swait.ge [sflag:s22], $0x4000  }
0x90: {  	[sflag:s22] =	ssyncset.done $0x0  }
.Ltmp2:
0x91: {  	s29 =	sadd.s32 $0x1480, s28;
	[sflag:s22] =	ssyncadd.s32 $0xFFFFC000;
	(pc) =	sbr.rel @p0 .LBB2_6-.Ltmp2, $4  }
0x92: {  	[spmem:s2] =	stream.indirect.scatter.add.f32 [tilespmem:s20], [sflag:$0x3], $0x80, s29, s19, $0xb8;
	[tilespmem:$0x1E800] =	vst v63  }
0x93: {  	_ =	swait.ge [sflag:s17], $0x4000  }
0x94: {  	[sflag:s17] =	ssyncset.done $0x0  }
0x95: {  	s28 =	sadd.s32 $0x180, s28;
	[sflag:s17] =	ssyncadd.s32 $0xFFFFC000  }
0x96: {  	[tilespmem:s20], [sflag:$0x2] =	stream.indirect.gather [hbm4b:s4+s19], $0x80, s28, s19, $0xb8;
	[tilespmem:$0x1E800] =	vst v63  }
0x97: {  	_ =	swait.ge [sflag:s21], $0x4000  }
0x98: {  	[sflag:s21] =	ssyncset.done $0x0  }
0x99: {  	[sflag:s21] =	ssyncadd.s32 $0xFFFFC000  }
0x9a: {  	[spmem:s2] =	stream.indirect.scatter.add.f32 [tilespmem:s16], [sflag:$0x3], $0x80, s23, s19, $0xb8;
	[tilespmem:$0x1E800] =	vst v63  }
0x9b: {  	_ =	swait.ge [sflag:s17], $0x4000  }
0x9c: {  	[sflag:s17] =	ssyncset.done $0x0  }
0x9d: {  	[sflag:s17] =	ssyncadd.s32 $0xFFFFC000  }
0x9e: {  	_ =	swait.ge [sflag:s22], $0x4000  }
0x9f: {  	[sflag:s22] =	ssyncset.done $0x0  }
0xa0: {  	[sflag:s22] =	ssyncadd.s32 $0xFFFFC000  }
0xa1: {  	[spmem:s2] =	stream.indirect.scatter.add.f32 [tilespmem:s20], [sflag:$0x3], $0x80, s24, s19, $0xb8;
	[tilespmem:$0x1E800] =	vst v63  }
0xa2: {  	_ =	swait.ge [sflag:s17], $0x4000  }
0xa3: {  	s26 =	sshll.u32 s0, $0x6;
	s25 =	sadd.s32 $0x1, s25;
	[sflag:s17] =	ssyncset.done $0x0  }
0xa4: {  	s31 =	sshrl.u32 s5, $0x3;
	p0 =	sne.s32 s25, s11;
	[sflag:s17] =	ssyncadd.s32 $0xFFFFC000  }
.Ltmp3:
0xa5: {  	s26 =	sor.u32 $0x1C03, s26;
	[bflag:$0x0] =	sbarrier.arrive $0xFFFF;
	(pc) =	sbr.rel @p0 .LBB2_1-.Ltmp3, $4  }
0xa6: {  	[hbm:s10], [sflag:s26] =	dma.local [spmem:s31], $0x2800  }
0xa7: {  	_ =	swait.ge [sflag:s17], $0x2800  }
0xa8: {  	[sflag:s17] =	ssyncset.done $0x0  }
0xa9: {  	[sflag:s17] =	ssyncadd.s32 $0xFFFFD800  }
0xaa: {  	_ =	sfence.sel $0x180000  }
0xab: {  	[bflag:$0x0] =	sbarrier.arrive $0xFFFF  }
0xac: {  	p0 =	sne.s32 s0, $0x0;
	_ =	strace $0x9000004A  }
0xad: {  	s0 =	sadd.s32 @!p0 $0x100000, s1;
	[bflag:$0x2] =	sbarrier.arrive $0xFFFF  }
0xae: {  	[sflag:s0] =	ssyncadd.tile.s32 @!p0 $0x1;
	_ =	shalt  }
.Lfunc_end2:
_tile_overlayer_lowered:
.L_overlay_start_2:
0xaf: {  	(tag) =	ssettag $0x2  }
0xb0: {  	s0 =	rddreg [dreg:$0x0];
	s2 =	stileid.u32  }
0xb1: {  	s1 =	rddreg [dreg:$0x1];
	p0 =	sne.s32 s2, $0x0  }
0xb2: {  	s3 =	rddreg [dreg:$0x2];
	[bflag:$0x3] =	sbarrier.arrive $0xFFFF;
	s2 =	simm.s32 @!p0 $0x1C03  }
0xb3: {  	[timem:s3], [sflag:s2] =	dma.local @!p0 [hbm:s0], s1  }
0xb4: {  	s0 =	simm.s32 @!p0 $0x3  }
0xb5: {  	_ =	swait.ge @!p0 [sflag:s0], s1  }
0xb6: {  	s1 =	ssub.s32 @!p0 $0x0, s1;
	[sflag:s0] =	ssyncset.done @!p0 $0x0  }
0xb7: {  	[sflag:s0] =	ssyncadd.s32 @!p0 s1  }
0xb8: {  	[bflag:$0x3] =	sbarrier.arrive $0xFFFF  }
0xb9: {  	_ =	shalt  }

// kernel: kernel.19.cloned.1.call-start
scs
__scs_entry_jumppad:
0x0: {  	(pc) =	sbr.rel $0x88, $3  }
0x1: {  	(tag) =	ssettag $0x0;
	lr =	simm.s32 $0x1  }
0x2: {  	[smem:$0x3F92] =	sst lr;
	_ =	strace $0xD0000000  }
0x3: {  	_ = 	snop  }
0x4: {  	_ = 	snop  }
0x5: {  	_ = 	snop  }
0x6: {  	_ = 	snop  }
0x7: {  	_ = 	snop  }
__scs_overlays_trampoline_lowered:
0x8: {  	[smem:$0x3FA1] =	sst s0  }
0x9: {  	[smem:$0x3FA2] =	sst s1  }
0xa: {  	[smem:$0x3FA3] =	sst s2  }
0xb: {  	[smem:$0x3FA4] =	sst s3  }
0xc: {  	[smem:$0x3FA5] =	sst s4  }
0xd: {  	[smem:$0x3FA6] =	sst s5  }
0xe: {  	[smem:$0x3FA7] =	sst s6  }
0xf: {  	[smem:$0x3FA8] =	sst s7  }
0x10: {  	[smem:$0x3FA9] =	sst s8  }
0x11: {  	[smem:$0x3FAA] =	sst s9;
	s0 =	simm.s32 @!p0 $0x0  }
0x12: {  	s1 =	sld [smem:$0x3F90];
	s0 =	simm.s32 @p0 $0x1  }
0x13: {  	[smem:$0x3FAB] =	sst s0;
	s0 =	simm.s32 @!p1 $0x0  }
0x14: {  	s2 =	sld [smem:$0x3F8F];
	s0 =	simm.s32 @p1 $0x1  }
0x15: {  	[smem:$0x3FAC] =	sst s0;
	s0 =	simm.s32 @!p2 $0x0  }
0x16: {  	s3 =	sld [smem:$0x3FDB];
	s0 =	simm.s32 @p2 $0x1  }
0x17: {  	s4 =	simm.s32 $0x1BF5;
	[smem:$0x3FAE] =	sst s0  }
0x18: {  	s0 =	sld [smem:$0x3F91];
	_ =	swait.ge [sflag:s4], $0x0  }
0x19: {  	s7 =	sld [smem:$0x3F92]  }
0x1a: {  	s8 =	sadd.s32 $0xFFFFE003, lr  }
0x1b: {  	s9 =	sadd.s32 $0xFFFFFEF7, lr;
	s5 =	simm.s32 $0xFFFFFFFF;
	p2 =	slt.u32 s8, $0xFFFFF086  }
0x1c: {  	p1 =	slt.u32 s9, $0xF7A;
	s5 =	simm.s32 @!p2 $0x0  }
0x1d: {  	s5 =	simm.s32 @p1 $0x1;
	p0 =	seq.s32 s7, s2  }
0x1e: {  	s7 =	smul.u32 @!p0 $0xF7A, s2;
	p2 =	seq.s32 @!p0 s5, $0x0  }
0x1f: {  	s9 =	smul.u32 $0xF7A, s1;
	s8 =	simm.s32 @!p0 $0x1BF5;
	p2 =	por !p2, p0  }
0x20: {  	[sflag:s8] =	ssyncset.s32 @!p0 $0xFFFFF086;
	s6 =	sadd.s32 @!p0 s3, s7;
	s7 =	simm.s32 @!p0 $0x108  }
0x21: {  	s3 =	sadd.s32 s3, s9;
	s6 =	sadd.s32 @!p0 $0x88, s6;
	s7 =	simm.s32 @p2 $0x1082  }
0x22: {  	[simem:s7], [sflag:s8] =	dma.local @!p0 [hbm:s6], $0xF7A  }
0x23: {  	s9 =	sor.u32 $0xD0000000, s2;
	s6 =	simm.s32 $0x108;
	_ =	swait.ge @!p0 [sflag:s8], $0x0  }
0x24: {  	s3 =	sadd.s32 $0x88, s3;
	s6 =	simm.s32 @!p1 $0x1082;
	[sflag:s4] =	ssyncset.s32 $0xFFFFF086  }
0x25: {  	[simem:s6], [sflag:s4] =	dma.local [hbm:s3], $0xF7A  }
0x26: {  	[smem:$0x3F92] =	sst s1;
	(tag) =	ssettag s2;
	_ =	strace s9  }
0x27: {  	s1 =	sld [smem:$0x3FA2]  }
0x28: {  	s2 =	sld [smem:$0x3FA3]  }
0x29: {  	s4 =	sld [smem:$0x3FA5]  }
0x2a: {  	p0 =	seq.s32 s5, $0x0;
	s5 =	sld [smem:$0x3FA6]  }
0x2b: {  	s6 =	sld [smem:$0x3FA7]  }
0x2c: {  	s7 =	sld [smem:$0x3FA8]  }
0x2d: {  	s3 =	simm.s32 $0x108;
	s8 =	sld [smem:$0x3FA9]  }
0x2e: {  	s3 =	simm.s32 @!p0 $0x1082;
	s9 =	sld [smem:$0x3FAA]  }
0x2f: {  	lr =	sadd.s32 s0, s3;
	s0 =	sld [smem:$0x3FA1]  }
0x30: {  	s3 =	sld [smem:$0x3FA4]  }
0x31: {  	[smem:$0x3FAD] =	sst s10  }
0x32: {  	s10 =	sld [smem:$0x3FAB];
	_ =	sdelay $0x3  }
0x33: {  	p0 =	seq.s32 s10, $0x1;
	s10 =	sld [smem:$0x3FAD];
	_ =	sdelay $0x3  }
0x34: {  	[smem:$0x3FAD] =	sst s10  }
0x35: {  	s10 =	sld [smem:$0x3FAC];
	_ =	sdelay $0x3  }
0x36: {  	p1 =	seq.s32 s10, $0x1;
	s10 =	sld [smem:$0x3FAD];
	_ =	sdelay $0x3  }
0x37: {  	[smem:$0x3FAD] =	sst s10  }
0x38: {  	s10 =	sld [smem:$0x3FAE]  }
0x39: {  	_ = 	snop;
	(pc) =	sbr.ind lr, $3  }
0x3a: {  	_ = 	snop  }
0x3b: {  	_ = 	snop  }
0x3c: {  	p2 =	seq.s32 s10, $0x1;
	s10 =	sld [smem:$0x3FAD]  }
0x3d: {  	_ =	shalt  }
0x3e: {  	_ =	shalt  }
0x3f: {  	_ =	shalt  }
0x40: {  	_ =	shalt  }
0x41: {  	_ =	shalt  }
0x42: {  	_ =	shalt  }
0x43: {  	_ =	shalt  }
0x44: {  	_ =	shalt  }
0x45: {  	_ =	shalt  }
0x46: {  	_ =	shalt  }
0x47: {  	_ =	shalt  }
0x48: {  	_ =	shalt  }
0x49: {  	_ =	shalt  }
0x4a: {  	_ =	shalt  }
0x4b: {  	_ =	shalt  }
0x4c: {  	_ =	shalt  }
0x4d: {  	_ =	shalt  }
0x4e: {  	_ =	shalt  }
0x4f: {  	_ =	shalt  }
0x50: {  	_ =	shalt  }
0x51: {  	_ =	shalt  }
0x52: {  	_ =	shalt  }
0x53: {  	_ =	shalt  }
0x54: {  	_ =	shalt  }
0x55: {  	_ =	shalt  }
0x56: {  	_ =	shalt  }
0x57: {  	_ =	shalt  }
0x58: {  	_ =	shalt  }
0x59: {  	_ =	shalt  }
0x5a: {  	_ =	shalt  }
0x5b: {  	_ =	shalt  }
0x5c: {  	_ =	shalt  }
0x5d: {  	_ =	shalt  }
0x5e: {  	_ =	shalt  }
0x5f: {  	_ =	shalt  }
0x60: {  	_ =	shalt  }
0x61: {  	_ =	shalt  }
0x62: {  	_ =	shalt  }
0x63: {  	_ =	shalt  }
0x64: {  	_ =	shalt  }
0x65: {  	_ =	shalt  }
0x66: {  	_ =	shalt  }
0x67: {  	_ =	shalt  }
0x68: {  	_ =	shalt  }
0x69: {  	_ =	shalt  }
0x6a: {  	_ =	shalt  }
0x6b: {  	_ =	shalt  }
0x6c: {  	_ =	shalt  }
0x6d: {  	_ =	shalt  }
0x6e: {  	_ =	shalt  }
0x6f: {  	_ =	shalt  }
0x70: {  	_ =	shalt  }
0x71: {  	_ =	shalt  }
0x72: {  	_ =	shalt  }
0x73: {  	_ =	shalt  }
0x74: {  	_ =	shalt  }
0x75: {  	_ =	shalt  }
0x76: {  	_ =	shalt  }
0x77: {  	_ =	shalt  }
0x78: {  	_ =	shalt  }
0x79: {  	_ =	shalt  }
0x7a: {  	_ =	shalt  }
0x7b: {  	_ =	shalt  }
0x7c: {  	_ =	shalt  }
0x7d: {  	_ =	shalt  }
0x7e: {  	_ =	shalt  }
0x7f: {  	_ =	shalt  }
0x80: {  	_ =	shalt  }
0x81: {  	_ =	shalt  }
0x82: {  	_ =	shalt  }
0x83: {  	_ =	shalt  }
0x84: {  	_ =	shalt  }
0x85: {  	_ =	shalt  }
0x86: {  	_ =	shalt  }
0x87: {  	_ =	shalt  }
.Lfunc_end0:
.L_simem_size_0:
called_computation.2_lowered:
.L_overlay_start_0:
0x88: {  	s2 =	sld [smem:$0x3FD9]  }
0x89: {  	s3 =	sld [smem:$0x3FFE];
	_ =	sdelay $0x1  }
0x8a: {  	s1 =	srdreg.scid  }
0x8b: {  	s0 =	sand.u32 $0x1, s1  }
0x8c: {  	s16 =	sshll.u32 s0, $0xA;
	s2 =	sadd.s32 s3, s2  }
0x8d: {  	s2 =	sadd.s32 s2, s16  }
0x8e: {  	[smem:$0x3FB9] =	sst s2  }
0x8f: {  	_ = 	snop  }
0x90: {  	(tm) =	ssettm $0x1  }
0x91: {  	s17 =	sld [smem:$0x3FFB];
	_ =	sdelay $0x3  }
0x92: {  	_ =	strace s17  }
0x93: {  	s2 =	sld [smem:$0x3FFC];
	_ =	sdelay $0x3  }
0x94: {  	_ =	strace s2  }
0x95: {  	s2 =	sld [smem:$0x3FFD];
	_ =	sdelay $0x3  }
0x96: {  	_ =	strace s2  }
0x97: {  	_ =	strace $0x8FFFFFFF  }
0x98: {  	s18 =	sld [smem:$0x3FDB];
	_ =	sdelay $0x1  }
0x99: {  	s19 =	simm.s32 $_scs_section_size  }
0x9a: {  	s4 =	simm.s32 $_size__tile_overlayer_lowered;
	s5 =	simm.s32 $_tile_overlayer_lowered  }
0x9b: {  	s22 =	simm.s32 $0x1BFF;
	s21 =	sshll.u32 s5, $0x1;
	s2 =	sadd.s32 s19, s18  }
0x9c: {  	s6 =	simm.s32 $0x0;
	s20 =	sshll.u32 s4, $0x1;
	s4 =	sadd.s32 s21, s2  }
0x9d: {  	[timem:s6], [sflag:s22] =	dma.local [hbm:s4], s20  }
0x9e: {  	_ =	swait.ge [sflag:s22], s20  }
0x9f: {  	s3 =	ssub.s32 $0x0, s20;
	[sflag:s22] =	ssyncset.done $0x0  }
0xa0: {  	[sflag:s22] =	ssyncadd.s32 s3;
	_ =	sdelay $0x1  }
0xa1: {  	s23 =	simm.s32 $0x1B8B  }
0xa2: {  	_ =	swait.ge [sflag:s23], $0x1  }
0xa3: {  	[sflag:s23] =	ssyncset.done $0x0  }
0xa4: {  	s25 =	simm.s32 $0x1B8E;
	s24 =	sld [smem:$0x3FFE];
	[sflag:s23] =	ssyncadd.s32 $0xFFFFFFFF  }
0xa5: {  	s26 =	simm.s32 $execute0_lowered;
	[smem:$0x3FD2] =	sst s25  }
0xa6: {  	s4 =	sshll.u32 s26, $0x1;
	_ =	strace $0x8000004C;
	[dreg:$0x1] =	wrdreg $0xFFFFFFFF  }
0xa7: {  	s28 =	simm.s32 $_size_execute0_lowered;
	s2 =	sadd.s32 s2, s4;
	[dreg:$0x0] =	wrdreg $0x0  }
0xa8: {  	s4 =	sshll.u32 s28, $0x1;
	[dreg:$0x2] =	wrdreg s2  }
0xa9: {  	[dreg:$0x3] =	wrdreg s4  }
0xaa: {  	[dreg:$0x4] =	wrdreg $0xC0  }
0xab: {  	_ =	task [dreg:s6], $0x5FFFF  }
0xac: {  	[dreg:$0x1] =	wrdreg $0xFFFFFFFF  }
0xad: {  	[dreg:$0x0] =	wrdreg $0x60  }
0xae: {  	[dreg:$0x2] =	wrdreg s24  }
0xaf: {  	[dreg:$0x3] =	wrdreg $0xA8000  }
0xb0: {  	[dreg:$0x4] =	wrdreg $0x9  }
0xb1: {  	_ =	task.clear_ibuf [dreg:s6], $0x5FFFF;
	_ =	strace $0x9000004C  }
0xb2: {  	s29 =	simm.s32 $0x9;
	_ =	strace $0x8000004E  }
0xb3: {  	_ =	swait.ge [sflag:s29], $0x1  }
0xb4: {  	[sflag:s29] =	ssyncadd.s32 $0xFFFFFFFF  }
0xb5: {  	_ =	strace $0x9000004E  }
0xb6: {  	_ =	sfence  }
0xb7: {  	s30 =	sld [smem:$0x0];
	_ =	sdelay $0x2  }
0xb8: {  	s31 =	sshll.u32 s1, $0xD;
	s1 =	sshrl.u32 s1, $0x2  }
0xb9: {  	s3 =	sand.u32 $0x4000, s31;
	s1 =	sadd.s32 s1, s30  }
0xba: {  	s0 =	sor.u32 s3, s0;
	s1 =	sshll.u32 s1, $0x11  }
0xbb: {  	s0 =	sor.u32 s1, s0  }
0xbc: {  	s0 =	sadd.s32 $0x8F2B, s0  }
0xbd: {  	[sflag:s0] =	ssyncadd.remote.s32 $0x1  }
0xbe: {  	_ =	sfence.sel $0xFFFF  }
0xbf: {  	[dreg:$0x0] =	wrdreg $0xFFFFFFFF;
	(pc) =	sbr.abs _section_cstart, $3  }
0xc0: {  	[dreg:$0x1] =	wrdreg $0xFFFFFFFF  }
0xc1: {  	_ =	task.clear_ibuf [dreg:s6], $0x2FFFF;
	_ =	strace $0x9FFFFFFF  }
0xc2: {  	(tm) =	ssettm $0x7FFFFFFF  }
0xc3: {  	_ =	shalt  }
tec
execute0_lowered:
.L_overlay_start_1:
0x0: {  	(tag) =	ssettag $0x1  }
0x1: {  	s5 =	rddreg [dreg:$0x0]  }
0x2: {  	s0 =	srdreg.scid;
	s2 =	rddreg [dreg:$0x1];
	s3 =	simm.s32 $0x0  }
0x3: {  	s16 =	simm.s32 $0x2800;
	s17 =	simm.s32 $0x3;
	s18 =	simm.s32 $0x1400  }
0x4: {  	s19 =	simm.s32 $0x80;
	s20 =	simm.s32 $0x6800;
	s21 =	simm.s32 $0x1  }
0x5: {  	s22 =	simm.s32 $0x2;
	s23 =	simm.s32 $0x2700;
	s4 =	sand.u32 $0x1, s0  }
0x6: {  	s24 =	simm.s32 $0x2780;
	s0 =	stileid.u32;
	s7 =	smul.u32 $0x140000, s4  }
0x7: {  	s25 =	simm.s32 $0x0;
	s1 =	sshll.u32 s4, $0x4;
	s8 =	smul.u32 $0x14000, s0  }
0x8: {  	[smem:$0x7FF] =	sst s3;
	s30 =	smul.u32 $0x50000, s0;
	s1 =	sor.u32 s0, s1  }
0x9: {  	s29 =	ssub.s32 $0x2, s4;
	s4 =	sadd.s32 $0x18600, s5;
	s6 =	smul.u32 $0x2800, s1  }
0xa: {  	s10 =	sshrl.u32 s29, $0x1;
	s1 =	rddreg [dreg:$0x2];
	_ =	strace $0x8000004D  }
0xb: {  	s28 =	sadd.s32 s8, s7;
	s12 =	ssub.s32 s29, s10;
	s6 =	sshrl.u32 s6, $0x3  }
0xc: {  	s31 =	sshrl.u32 s30, $0x2;
	s9 =	sadd.s32 s6, s5;
	s6 =	sshrl.u32 s28, $0x3  }
0xd: {  	s11 =	sadd.s32 s6, s5;
	s5 =	sadd.s32 s31, s2;
	s6 =	sadd.s32 $0x4600, s9  }
0xe: {  	s7 =	sadd.s32 $0xE600, s9;
	s8 =	sadd.s32 $0x4880, s9;
	s9 =	sadd.s32 $0xE880, s9  }
0xf: {  	s10 =	sadd.s32 $0x40600, s11;
	s11 =	smax.u32 s12, $0x1;
	s12 =	sadd.s32 $0x4000, s5  }
0x10: {  	v0 =	vimm.f32 $0.0e+00;
	s13 =	sadd.s32 $0x8000, s5;
	s14 =	sadd.s32 $0xC000, s5;
	s15 =	sadd.s32 $0x10000, s5  }
.LBB2_1:
0x11: {  	s26 =	sand.u32 $0xFE00, s3  }
0x12: {  	s28 =	sand.u32 $0x70, s3;
	s29 =	sshrl.u32 s26, $0x2  }
0x13: {  	s26 =	simm.s32 $0x40;
	s29 =	sor.u32 s28, s29;
	s28 =	simm.s32 $0x0  }
.LBB2_2:
0x14: {  	p0 =	sne.s32 s26, $0xFFC0  }
0x15: {  	[tilespmem:s29+$0x2800] =	vst v0;
	s28 =	sadd.s32 $0x10, s28;
	s29 =	smov.u32 s26;
	s26 =	sadd.s32 $0x40, s26  }
.Ltmp0:
0x16: {  	(pc) =	sbr.rel @p0 .LBB2_2-.Ltmp0, $4  }
0x17: {  	_ = 	snop  }
0x18: {  	s29 =	sand.u32 $0xFE00, s29  }
0x19: {  	s30 =	sand.u32 $0x70, s28;
	s29 =	sshrl.u32 s29, $0x2  }
0x1a: {  	s29 =	sor.u32 s30, s29  }
0x1b: {  	[tilespmem:s29+$0x2800] =	vst v0  }
0x1c: {  	[spmem:s5] =	stream.linear.scatter [tilespmem:s16], [sflag:$0x3], $0x4000, $0x38;
	[tilespmem:$0x1E800] =	vst v63  }
0x1d: {  	_ =	swait.ge [sflag:s17], $0x4000  }
0x1e: {  	[sflag:s17] =	ssyncset.done $0x0  }
0x1f: {  	[sflag:s17] =	ssyncadd.s32 $0xFFFFC000  }
0x20: {  	[spmem:s12] =	stream.linear.scatter [tilespmem:s16], [sflag:$0x3], $0x4000, $0x38;
	[tilespmem:$0x1E800] =	vst v63  }
0x21: {  	_ =	swait.ge [sflag:s17], $0x4000  }
0x22: {  	[sflag:s17] =	ssyncset.done $0x0  }
0x23: {  	[sflag:s17] =	ssyncadd.s32 $0xFFFFC000  }
0x24: {  	[spmem:s13] =	stream.linear.scatter [tilespmem:s16], [sflag:$0x3], $0x4000, $0x38;
	[tilespmem:$0x1E800] =	vst v63  }
0x25: {  	_ =	swait.ge [sflag:s17], $0x4000  }
0x26: {  	[sflag:s17] =	ssyncset.done $0x0  }
0x27: {  	[sflag:s17] =	ssyncadd.s32 $0xFFFFC000  }
0x28: {  	[spmem:s14] =	stream.linear.scatter [tilespmem:s16], [sflag:$0x3], $0x4000, $0x38;
	[tilespmem:$0x1E800] =	vst v63  }
0x29: {  	_ =	swait.ge [sflag:s17], $0x4000  }
0x2a: {  	[sflag:s17] =	ssyncset.done $0x0  }
0x2b: {  	[sflag:s17] =	ssyncadd.s32 $0xFFFFC000  }
0x2c: {  	[spmem:s15] =	stream.linear.scatter [tilespmem:s16], [sflag:$0x3], $0x4000, $0x38;
	[tilespmem:$0x1E800] =	vst v63  }
0x2d: {  	_ =	swait.ge [sflag:s17], $0x4000  }
0x2e: {  	[sflag:s17] =	ssyncset.done $0x0  }
0x2f: {  	[sflag:s17] =	ssyncadd.s32 $0xFFFFC000  }
0x30: {  	s26 =	simm.s32 $0x0;
	[bflag:$0x0] =	sbarrier.arrive $0xFFFF  }
0x31: {  	[tilespmem:s26], [sflag:$0x3] =	stream.linear.gather [hbm4b:s6+s26], $0x1400, $0x38;
	[tilespmem:$0x1E800] =	vst v63  }
0x32: {  	_ =	swait.ge [sflag:s17], $0x1400  }
0x33: {  	[sflag:s17] =	ssyncset.done $0x0  }
0x34: {  	[sflag:s17] =	ssyncadd.s32 $0xFFFFEC00  }
0x35: {  	[tilespmem:s18], [sflag:$0x3] =	stream.linear.gather [hbm4b:s7+s26], $0x1400, $0x38;
	[tilespmem:$0x1E800] =	vst v63  }
0x36: {  	_ =	swait.ge [sflag:s17], $0x1400  }
0x37: {  	[sflag:s17] =	ssyncset.done $0x0  }
0x38: {  	[sflag:s17] =	ssyncadd.s32 $0xFFFFEC00  }
0x39: {  	[tilespmem:s16], [sflag:$0x1] =	stream.indirect.gather [hbm4b:s4+s19], $0x80, s26, s19, $0xb8;
	[tilespmem:$0x1E800] =	vst v63  }
0x3a: {  	_ = 	snop  }
0x3b: {  	[tilespmem:s20], [sflag:$0x2] =	stream.indirect.gather [hbm4b:s4+s19], $0x80, s19, s19, $0xb8;
	[tilespmem:$0x1E800] =	vst v63  }
0x3c: {  	_ =	swait.ge [sflag:s21], $0x4000  }
0x3d: {  	[sflag:s21] =	ssyncset.done $0x0  }
0x3e: {  	s29 =	simm.s32 $0x1400;
	[sflag:s21] =	ssyncadd.s32 $0xFFFFC000  }
0x3f: {  	[spmem:s2] =	stream.indirect.scatter.add.f32 [tilespmem:s16], [sflag:$0x3], $0x80, s29, s19, $0xb8;
	[tilespmem:$0x1E800] =	vst v63  }
0x40: {  	_ =	swait.ge [sflag:s17], $0x4000  }
0x41: {  	[sflag:s17] =	ssyncset.done $0x0  }
0x42: {  	s30 =	simm.s32 $0x100;
	[sflag:s17] =	ssyncadd.s32 $0xFFFFC000  }
0x43: {  	[tilespmem:s16], [sflag:$0x1] =	stream.indirect.gather [hbm4b:s4+s19], $0x80, s30, s19, $0xb8;
	[tilespmem:$0x1E800] =	vst v63  }
0x44: {  	_ =	swait.ge [sflag:s22], $0x4000  }
0x45: {  	[sflag:s22] =	ssyncset.done $0x0  }
0x46: {  	s31 =	simm.s32 $0x1480;
	[sflag:s22] =	ssyncadd.s32 $0xFFFFC000  }
0x47: {  	[spmem:s2] =	stream.indirect.scatter.add.f32 [tilespmem:s20], [sflag:$0x3], $0x80, s31, s19, $0xb8;
	[tilespmem:$0x1E800] =	vst v63  }
0x48: {  	_ =	swait.ge [sflag:s17], $0x4000  }
0x49: {  	[sflag:s17] =	ssyncset.done $0x0  }
0x4a: {  	s28 =	simm.s32 $0x180;
	s26 =	simm.s32 $0x400;
	[sflag:s17] =	ssyncadd.s32 $0xFFFFC000  }
.LBB2_4:
0x4b: {  	[tilespmem:s20], [sflag:$0x2] =	stream.indirect.gather [hbm4b:s4+s19], $0x80, s28, s19, $0xb8;
	[tilespmem:$0x1E800] =	vst v63  }
0x4c: {  	s28 =	smov.u32 s26  }
0x4d: {  	p0 =	sne.s32 s26, $0x4800;
	s26 =	sadd.s32 $0x400, s26;
	_ =	swait.ge [sflag:s21], $0x4000  }
0x4e: {  	s28 =	sshra.s32 s28, $0x2;
	[sflag:s21] =	ssyncset.done $0x0  }
0x4f: {  	s29 =	sadd.s32 $0x1400, s28;
	[sflag:s21] =	ssyncadd.s32 $0xFFFFC000  }
0x50: {  	[spmem:s2] =	stream.indirect.scatter.add.f32 [tilespmem:s16], [sflag:$0x3], $0x80, s29, s19, $0xb8;
	[tilespmem:$0x1E800] =	vst v63  }
0x51: {  	_ =	swait.ge [sflag:s17], $0x4000  }
0x52: {  	[sflag:s17] =	ssyncset.done $0x0  }
0x53: {  	s29 =	sadd.s32 $0x100, s28;
	[sflag:s17] =	ssyncadd.s32 $0xFFFFC000  }
0x54: {  	[tilespmem:s16], [sflag:$0x1] =	stream.indirect.gather [hbm4b:s4+s19], $0x80, s29, s19, $0xb8;
	[tilespmem:$0x1E800] =	vst v63  }
0x55: {  	_ =	swait.ge [sflag:s22], $0x4000  }
0x56: {  	[sflag:s22] =	ssyncset.done $0x0  }
.Ltmp1:
0x57: {  	s29 =	sadd.s32 $0x1480, s28;
	[sflag:s22] =	ssyncadd.s32 $0xFFFFC000;
	(pc) =	sbr.rel @p0 .LBB2_4-.Ltmp1, $4  }
0x58: {  	[spmem:s2] =	stream.indirect.scatter.add.f32 [tilespmem:s20], [sflag:$0x3], $0x80, s29, s19, $0xb8;
	[tilespmem:$0x1E800] =	vst v63  }
0x59: {  	_ =	swait.ge [sflag:s17], $0x4000  }
0x5a: {  	[sflag:s17] =	ssyncset.done $0x0  }
0x5b: {  	s28 =	sadd.s32 $0x180, s28;
	[sflag:s17] =	ssyncadd.s32 $0xFFFFC000  }
0x5c: {  	[tilespmem:s20], [sflag:$0x2] =	stream.indirect.gather [hbm4b:s4+s19], $0x80, s28, s19, $0xb8;
	[tilespmem:$0x1E800] =	vst v63  }
0x5d: {  	_ =	swait.ge [sflag:s21], $0x4000  }
0x5e: {  	[sflag:s21] =	ssyncset.done $0x0  }
0x5f: {  	[sflag:s21] =	ssyncadd.s32 $0xFFFFC000  }
0x60: {  	[spmem:s2] =	stream.indirect.scatter.add.f32 [tilespmem:s16], [sflag:$0x3], $0x80, s23, s19, $0xb8;
	[tilespmem:$0x1E800] =	vst v63  }
0x61: {  	_ =	swait.ge [sflag:s17], $0x4000  }
0x62: {  	[sflag:s17] =	ssyncset.done $0x0  }
0x63: {  	[sflag:s17] =	ssyncadd.s32 $0xFFFFC000  }
0x64: {  	_ =	swait.ge [sflag:s22], $0x4000  }
0x65: {  	[sflag:s22] =	ssyncset.done $0x0  }
0x66: {  	[sflag:s22] =	ssyncadd.s32 $0xFFFFC000  }
0x67: {  	[spmem:s2] =	stream.indirect.scatter.add.f32 [tilespmem:s20], [sflag:$0x3], $0x80, s24, s19, $0xb8;
	[tilespmem:$0x1E800] =	vst v63  }
0x68: {  	_ =	swait.ge [sflag:s17], $0x4000  }
0x69: {  	[sflag:s17] =	ssyncset.done $0x0  }
0x6a: {  	s26 =	simm.s32 $0x0;
	[sflag:s17] =	ssyncadd.s32 $0xFFFFC000  }
0x6b: {  	[tilespmem:s26], [sflag:$0x3] =	stream.linear.gather [hbm4b:s8+s26], $0x1400, $0x38;
	[tilespmem:$0x1E800] =	vst v63  }
0x6c: {  	_ =	swait.ge [sflag:s17], $0x1400  }
0x6d: {  	[sflag:s17] =	ssyncset.done $0x0  }
0x6e: {  	[sflag:s17] =	ssyncadd.s32 $0xFFFFEC00  }
0x6f: {  	[tilespmem:s18], [sflag:$0x3] =	stream.linear.gather [hbm4b:s9+s26], $0x1400, $0x38;
	[tilespmem:$0x1E800] =	vst v63  }
0x70: {  	_ =	swait.ge [sflag:s17], $0x1400  }
0x71: {  	[sflag:s17] =	ssyncset.done $0x0  }
0x72: {  	[sflag:s17] =	ssyncadd.s32 $0xFFFFEC00  }
0x73: {  	[tilespmem:s16], [sflag:$0x1] =	stream.indirect.gather [hbm4b:s4+s19], $0x80, s26, s19, $0xb8;
	[tilespmem:$0x1E800] =	vst v63  }
0x74: {  	_ = 	snop  }
0x75: {  	[tilespmem:s20], [sflag:$0x2] =	stream.indirect.gather [hbm4b:s4+s19], $0x80, s19, s19, $0xb8;
	[tilespmem:$0x1E800] =	vst v63  }
0x76: {  	_ =	swait.ge [sflag:s21], $0x4000  }
0x77: {  	[sflag:s21] =	ssyncset.done $0x0  }
0x78: {  	s29 =	simm.s32 $0x1400;
	[sflag:s21] =	ssyncadd.s32 $0xFFFFC000  }
0x79: {  	[spmem:s2] =	stream.indirect.scatter.add.f32 [tilespmem:s16], [sflag:$0x3], $0x80, s29, s19, $0xb8;
	[tilespmem:$0x1E800] =	vst v63  }
0x7a: {  	_ =	swait.ge [sflag:s17], $0x4000  }
0x7b: {  	[sflag:s17] =	ssyncset.done $0x0  }
0x7c: {  	s30 =	simm.s32 $0x100;
	[sflag:s17] =	ssyncadd.s32 $0xFFFFC000  }
0x7d: {  	[tilespmem:s16], [sflag:$0x1] =	stream.indirect.gather [hbm4b:s4+s19], $0x80, s30, s19, $0xb8;
	[tilespmem:$0x1E800] =	vst v63  }
0x7e: {  	_ =	swait.ge [sflag:s22], $0x4000  }
0x7f: {  	[sflag:s22] =	ssyncset.done $0x0  }
0x80: {  	s31 =	simm.s32 $0x1480;
	[sflag:s22] =	ssyncadd.s32 $0xFFFFC000  }
0x81: {  	[spmem:s2] =	stream.indirect.scatter.add.f32 [tilespmem:s20], [sflag:$0x3], $0x80, s31, s19, $0xb8;
	[tilespmem:$0x1E800] =	vst v63  }
0x82: {  	_ =	swait.ge [sflag:s17], $0x4000  }
0x83: {  	[sflag:s17] =	ssyncset.done $0x0  }
0x84: {  	s28 =	simm.s32 $0x180;
	s26 =	simm.s32 $0x400;
	[sflag:s17] =	ssyncadd.s32 $0xFFFFC000  }
.LBB2_6:
0x85: {  	[tilespmem:s20], [sflag:$0x2] =	stream.indirect.gather [hbm4b:s4+s19], $0x80, s28, s19, $0xb8;
	[tilespmem:$0x1E800] =	vst v63  }
0x86: {  	s28 =	smov.u32 s26  }
0x87: {  	p0 =	sne.s32 s26, $0x4800;
	s26 =	sadd.s32 $0x400, s26;
	_ =	swait.ge [sflag:s21], $0x4000  }
0x88: {  	s28 =	sshra.s32 s28, $0x2;
	[sflag:s21] =	ssyncset.done $0x0  }
0x89: {  	s29 =	sadd.s32 $0x1400, s28;
	[sflag:s21] =	ssyncadd.s32 $0xFFFFC000  }
0x8a: {  	[spmem:s2] =	stream.indirect.scatter.add.f32 [tilespmem:s16], [sflag:$0x3], $0x80, s29, s19, $0xb8;
	[tilespmem:$0x1E800] =	vst v63  }
0x8b: {  	_ =	swait.ge [sflag:s17], $0x4000  }
0x8c: {  	[sflag:s17] =	ssyncset.done $0x0  }
0x8d: {  	s29 =	sadd.s32 $0x100, s28;
	[sflag:s17] =	ssyncadd.s32 $0xFFFFC000  }
0x8e: {  	[tilespmem:s16], [sflag:$0x1] =	stream.indirect.gather [hbm4b:s4+s19], $0x80, s29, s19, $0xb8;
	[tilespmem:$0x1E800] =	vst v63  }
0x8f: {  	_ =	swait.ge [sflag:s22], $0x4000  }
0x90: {  	[sflag:s22] =	ssyncset.done $0x0  }
.Ltmp2:
0x91: {  	s29 =	sadd.s32 $0x1480, s28;
	[sflag:s22] =	ssyncadd.s32 $0xFFFFC000;
	(pc) =	sbr.rel @p0 .LBB2_6-.Ltmp2, $4  }
0x92: {  	[spmem:s2] =	stream.indirect.scatter.add.f32 [tilespmem:s20], [sflag:$0x3], $0x80, s29, s19, $0xb8;
	[tilespmem:$0x1E800] =	vst v63  }
0x93: {  	_ =	swait.ge [sflag:s17], $0x4000  }
0x94: {  	[sflag:s17] =	ssyncset.done $0x0  }
0x95: {  	s28 =	sadd.s32 $0x180, s28;
	[sflag:s17] =	ssyncadd.s32 $0xFFFFC000  }
0x96: {  	[tilespmem:s20], [sflag:$0x2] =	stream.indirect.gather [hbm4b:s4+s19], $0x80, s28, s19, $0xb8;
	[tilespmem:$0x1E800] =	vst v63  }
0x97: {  	_ =	swait.ge [sflag:s21], $0x4000  }
0x98: {  	[sflag:s21] =	ssyncset.done $0x0  }
0x99: {  	[sflag:s21] =	ssyncadd.s32 $0xFFFFC000  }
0x9a: {  	[spmem:s2] =	stream.indirect.scatter.add.f32 [tilespmem:s16], [sflag:$0x3], $0x80, s23, s19, $0xb8;
	[tilespmem:$0x1E800] =	vst v63  }
0x9b: {  	_ =	swait.ge [sflag:s17], $0x4000  }
0x9c: {  	[sflag:s17] =	ssyncset.done $0x0  }
0x9d: {  	[sflag:s17] =	ssyncadd.s32 $0xFFFFC000  }
0x9e: {  	_ =	swait.ge [sflag:s22], $0x4000  }
0x9f: {  	[sflag:s22] =	ssyncset.done $0x0  }
0xa0: {  	[sflag:s22] =	ssyncadd.s32 $0xFFFFC000  }
0xa1: {  	[spmem:s2] =	stream.indirect.scatter.add.f32 [tilespmem:s20], [sflag:$0x3], $0x80, s24, s19, $0xb8;
	[tilespmem:$0x1E800] =	vst v63  }
0xa2: {  	_ =	swait.ge [sflag:s17], $0x4000  }
0xa3: {  	s26 =	sshll.u32 s0, $0x6;
	s25 =	sadd.s32 $0x1, s25;
	[sflag:s17] =	ssyncset.done $0x0  }
0xa4: {  	s31 =	sshrl.u32 s5, $0x3;
	p0 =	sne.s32 s25, s11;
	[sflag:s17] =	ssyncadd.s32 $0xFFFFC000  }
.Ltmp3:
0xa5: {  	s26 =	sor.u32 $0x1C03, s26;
	[bflag:$0x0] =	sbarrier.arrive $0xFFFF;
	(pc) =	sbr.rel @p0 .LBB2_1-.Ltmp3, $4  }
0xa6: {  	[hbm:s10], [sflag:s26] =	dma.local [spmem:s31], $0x2800  }
0xa7: {  	_ =	swait.ge [sflag:s17], $0x2800  }
0xa8: {  	[sflag:s17] =	ssyncset.done $0x0  }
0xa9: {  	[sflag:s17] =	ssyncadd.s32 $0xFFFFD800  }
0xaa: {  	_ =	sfence.sel $0x180000  }
0xab: {  	[bflag:$0x0] =	sbarrier.arrive $0xFFFF  }
0xac: {  	p0 =	sne.s32 s0, $0x0;
	_ =	strace $0x9000004D  }
0xad: {  	s0 =	sadd.s32 @!p0 $0x100000, s1;
	[bflag:$0x2] =	sbarrier.arrive $0xFFFF  }
0xae: {  	[sflag:s0] =	ssyncadd.tile.s32 @!p0 $0x1;
	_ =	shalt  }
.Lfunc_end2:
_tile_overlayer_lowered:
.L_overlay_start_2:
0xaf: {  	(tag) =	ssettag $0x2  }
0xb0: {  	s0 =	rddreg [dreg:$0x0];
	s2 =	stileid.u32  }
0xb1: {  	s1 =	rddreg [dreg:$0x1];
	p0 =	sne.s32 s2, $0x0  }
0xb2: {  	s3 =	rddreg [dreg:$0x2];
	[bflag:$0x3] =	sbarrier.arrive $0xFFFF;
	s2 =	simm.s32 @!p0 $0x1C03  }
0xb3: {  	[timem:s3], [sflag:s2] =	dma.local @!p0 [hbm:s0], s1  }
0xb4: {  	s0 =	simm.s32 @!p0 $0x3  }
0xb5: {  	_ =	swait.ge @!p0 [sflag:s0], s1  }
0xb6: {  	s1 =	ssub.s32 @!p0 $0x0, s1;
	[sflag:s0] =	ssyncset.done @!p0 $0x0  }
0xb7: {  	[sflag:s0] =	ssyncadd.s32 @!p0 s1  }
0xb8: {  	[bflag:$0x3] =	sbarrier.arrive $0xFFFF  }
0xb9: {  	_ =	shalt  }

// kernel: kernel.22.cloned.1.call-start
scs
__scs_entry_jumppad:
0x0: {  	(pc) =	sbr.rel $0x88, $3  }
0x1: {  	(tag) =	ssettag $0x0;
	lr =	simm.s32 $0x1  }
0x2: {  	[smem:$0x3F92] =	sst lr;
	_ =	strace $0xD0000000  }
0x3: {  	_ = 	snop  }
0x4: {  	_ = 	snop  }
0x5: {  	_ = 	snop  }
0x6: {  	_ = 	snop  }
0x7: {  	_ = 	snop  }
__scs_overlays_trampoline_lowered:
0x8: {  	[smem:$0x3FA1] =	sst s0  }
0x9: {  	[smem:$0x3FA2] =	sst s1  }
0xa: {  	[smem:$0x3FA3] =	sst s2  }
0xb: {  	[smem:$0x3FA4] =	sst s3  }
0xc: {  	[smem:$0x3FA5] =	sst s4  }
0xd: {  	[smem:$0x3FA6] =	sst s5  }
0xe: {  	[smem:$0x3FA7] =	sst s6  }
0xf: {  	[smem:$0x3FA8] =	sst s7  }
0x10: {  	[smem:$0x3FA9] =	sst s8  }
0x11: {  	[smem:$0x3FAA] =	sst s9;
	s0 =	simm.s32 @!p0 $0x0  }
0x12: {  	s1 =	sld [smem:$0x3F90];
	s0 =	simm.s32 @p0 $0x1  }
0x13: {  	[smem:$0x3FAB] =	sst s0;
	s0 =	simm.s32 @!p1 $0x0  }
0x14: {  	s2 =	sld [smem:$0x3F8F];
	s0 =	simm.s32 @p1 $0x1  }
0x15: {  	[smem:$0x3FAC] =	sst s0;
	s0 =	simm.s32 @!p2 $0x0  }
0x16: {  	s3 =	sld [smem:$0x3FDB];
	s0 =	simm.s32 @p2 $0x1  }
0x17: {  	s4 =	simm.s32 $0x1BF5;
	[smem:$0x3FAE] =	sst s0  }
0x18: {  	s0 =	sld [smem:$0x3F91];
	_ =	swait.ge [sflag:s4], $0x0  }
0x19: {  	s7 =	sld [smem:$0x3F92]  }
0x1a: {  	s8 =	sadd.s32 $0xFFFFE003, lr  }
0x1b: {  	s9 =	sadd.s32 $0xFFFFFEF7, lr;
	s5 =	simm.s32 $0xFFFFFFFF;
	p2 =	slt.u32 s8, $0xFFFFF086  }
0x1c: {  	p1 =	slt.u32 s9, $0xF7A;
	s5 =	simm.s32 @!p2 $0x0  }
0x1d: {  	s5 =	simm.s32 @p1 $0x1;
	p0 =	seq.s32 s7, s2  }
0x1e: {  	s7 =	smul.u32 @!p0 $0xF7A, s2;
	p2 =	seq.s32 @!p0 s5, $0x0  }
0x1f: {  	s9 =	smul.u32 $0xF7A, s1;
	s8 =	simm.s32 @!p0 $0x1BF5;
	p2 =	por !p2, p0  }
0x20: {  	[sflag:s8] =	ssyncset.s32 @!p0 $0xFFFFF086;
	s6 =	sadd.s32 @!p0 s3, s7;
	s7 =	simm.s32 @!p0 $0x108  }
0x21: {  	s3 =	sadd.s32 s3, s9;
	s6 =	sadd.s32 @!p0 $0x88, s6;
	s7 =	simm.s32 @p2 $0x1082  }
0x22: {  	[simem:s7], [sflag:s8] =	dma.local @!p0 [hbm:s6], $0xF7A  }
0x23: {  	s9 =	sor.u32 $0xD0000000, s2;
	s6 =	simm.s32 $0x108;
	_ =	swait.ge @!p0 [sflag:s8], $0x0  }
0x24: {  	s3 =	sadd.s32 $0x88, s3;
	s6 =	simm.s32 @!p1 $0x1082;
	[sflag:s4] =	ssyncset.s32 $0xFFFFF086  }
0x25: {  	[simem:s6], [sflag:s4] =	dma.local [hbm:s3], $0xF7A  }
0x26: {  	[smem:$0x3F92] =	sst s1;
	(tag) =	ssettag s2;
	_ =	strace s9  }
0x27: {  	s1 =	sld [smem:$0x3FA2]  }
0x28: {  	s2 =	sld [smem:$0x3FA3]  }
0x29: {  	s4 =	sld [smem:$0x3FA5]  }
0x2a: {  	p0 =	seq.s32 s5, $0x0;
	s5 =	sld [smem:$0x3FA6]  }
0x2b: {  	s6 =	sld [smem:$0x3FA7]  }
0x2c: {  	s7 =	sld [smem:$0x3FA8]  }
0x2d: {  	s3 =	simm.s32 $0x108;
	s8 =	sld [smem:$0x3FA9]  }
0x2e: {  	s3 =	simm.s32 @!p0 $0x1082;
	s9 =	sld [smem:$0x3FAA]  }
0x2f: {  	lr =	sadd.s32 s0, s3;
	s0 =	sld [smem:$0x3FA1]  }
0x30: {  	s3 =	sld [smem:$0x3FA4]  }
0x31: {  	[smem:$0x3FAD] =	sst s10  }
0x32: {  	s10 =	sld [smem:$0x3FAB];
	_ =	sdelay $0x3  }
0x33: {  	p0 =	seq.s32 s10, $0x1;
	s10 =	sld [smem:$0x3FAD];
	_ =	sdelay $0x3  }
0x34: {  	[smem:$0x3FAD] =	sst s10  }
0x35: {  	s10 =	sld [smem:$0x3FAC];
	_ =	sdelay $0x3  }
0x36: {  	p1 =	seq.s32 s10, $0x1;
	s10 =	sld [smem:$0x3FAD];
	_ =	sdelay $0x3  }
0x37: {  	[smem:$0x3FAD] =	sst s10  }
0x38: {  	s10 =	sld [smem:$0x3FAE]  }
0x39: {  	_ = 	snop;
	(pc) =	sbr.ind lr, $3  }
0x3a: {  	_ = 	snop  }
0x3b: {  	_ = 	snop  }
0x3c: {  	p2 =	seq.s32 s10, $0x1;
	s10 =	sld [smem:$0x3FAD]  }
0x3d: {  	_ =	shalt  }
0x3e: {  	_ =	shalt  }
0x3f: {  	_ =	shalt  }
0x40: {  	_ =	shalt  }
0x41: {  	_ =	shalt  }
0x42: {  	_ =	shalt  }
0x43: {  	_ =	shalt  }
0x44: {  	_ =	shalt  }
0x45: {  	_ =	shalt  }
0x46: {  	_ =	shalt  }
0x47: {  	_ =	shalt  }
0x48: {  	_ =	shalt  }
0x49: {  	_ =	shalt  }
0x4a: {  	_ =	shalt  }
0x4b: {  	_ =	shalt  }
0x4c: {  	_ =	shalt  }
0x4d: {  	_ =	shalt  }
0x4e: {  	_ =	shalt  }
0x4f: {  	_ =	shalt  }
0x50: {  	_ =	shalt  }
0x51: {  	_ =	shalt  }
0x52: {  	_ =	shalt  }
0x53: {  	_ =	shalt  }
0x54: {  	_ =	shalt  }
0x55: {  	_ =	shalt  }
0x56: {  	_ =	shalt  }
0x57: {  	_ =	shalt  }
0x58: {  	_ =	shalt  }
0x59: {  	_ =	shalt  }
0x5a: {  	_ =	shalt  }
0x5b: {  	_ =	shalt  }
0x5c: {  	_ =	shalt  }
0x5d: {  	_ =	shalt  }
0x5e: {  	_ =	shalt  }
0x5f: {  	_ =	shalt  }
0x60: {  	_ =	shalt  }
0x61: {  	_ =	shalt  }
0x62: {  	_ =	shalt  }
0x63: {  	_ =	shalt  }
0x64: {  	_ =	shalt  }
0x65: {  	_ =	shalt  }
0x66: {  	_ =	shalt  }
0x67: {  	_ =	shalt  }
0x68: {  	_ =	shalt  }
0x69: {  	_ =	shalt  }
0x6a: {  	_ =	shalt  }
0x6b: {  	_ =	shalt  }
0x6c: {  	_ =	shalt  }
0x6d: {  	_ =	shalt  }
0x6e: {  	_ =	shalt  }
0x6f: {  	_ =	shalt  }
0x70: {  	_ =	shalt  }
0x71: {  	_ =	shalt  }
0x72: {  	_ =	shalt  }
0x73: {  	_ =	shalt  }
0x74: {  	_ =	shalt  }
0x75: {  	_ =	shalt  }
0x76: {  	_ =	shalt  }
0x77: {  	_ =	shalt  }
0x78: {  	_ =	shalt  }
0x79: {  	_ =	shalt  }
0x7a: {  	_ =	shalt  }
0x7b: {  	_ =	shalt  }
0x7c: {  	_ =	shalt  }
0x7d: {  	_ =	shalt  }
0x7e: {  	_ =	shalt  }
0x7f: {  	_ =	shalt  }
0x80: {  	_ =	shalt  }
0x81: {  	_ =	shalt  }
0x82: {  	_ =	shalt  }
0x83: {  	_ =	shalt  }
0x84: {  	_ =	shalt  }
0x85: {  	_ =	shalt  }
0x86: {  	_ =	shalt  }
0x87: {  	_ =	shalt  }
.Lfunc_end0:
.L_simem_size_0:
called_computation.3_lowered:
.L_overlay_start_0:
0x88: {  	s2 =	sld [smem:$0x3FD9]  }
0x89: {  	s3 =	sld [smem:$0x3FFE];
	_ =	sdelay $0x1  }
0x8a: {  	s1 =	srdreg.scid  }
0x8b: {  	s0 =	sand.u32 $0x1, s1  }
0x8c: {  	s16 =	sshll.u32 s0, $0xA;
	s2 =	sadd.s32 s3, s2  }
0x8d: {  	s2 =	sadd.s32 s2, s16  }
0x8e: {  	[smem:$0x3FB9] =	sst s2  }
0x8f: {  	_ = 	snop  }
0x90: {  	(tm) =	ssettm $0x1  }
0x91: {  	s17 =	sld [smem:$0x3FFB];
	_ =	sdelay $0x3  }
0x92: {  	_ =	strace s17  }
0x93: {  	s2 =	sld [smem:$0x3FFC];
	_ =	sdelay $0x3  }
0x94: {  	_ =	strace s2  }
0x95: {  	s2 =	sld [smem:$0x3FFD];
	_ =	sdelay $0x3  }
0x96: {  	_ =	strace s2  }
0x97: {  	_ =	strace $0x8FFFFFFF  }
0x98: {  	s18 =	sld [smem:$0x3FDB];
	_ =	sdelay $0x1  }
0x99: {  	s19 =	simm.s32 $_scs_section_size  }
0x9a: {  	s4 =	simm.s32 $_size__tile_overlayer_lowered;
	s5 =	simm.s32 $_tile_overlayer_lowered  }
0x9b: {  	s22 =	simm.s32 $0x1BFF;
	s21 =	sshll.u32 s5, $0x1;
	s2 =	sadd.s32 s19, s18  }
0x9c: {  	s6 =	simm.s32 $0x0;
	s20 =	sshll.u32 s4, $0x1;
	s4 =	sadd.s32 s21, s2  }
0x9d: {  	[timem:s6], [sflag:s22] =	dma.local [hbm:s4], s20  }
0x9e: {  	_ =	swait.ge [sflag:s22], s20  }
0x9f: {  	s3 =	ssub.s32 $0x0, s20;
	[sflag:s22] =	ssyncset.done $0x0  }
0xa0: {  	[sflag:s22] =	ssyncadd.s32 s3;
	_ =	sdelay $0x1  }
0xa1: {  	s23 =	simm.s32 $0x1B8B  }
0xa2: {  	_ =	swait.ge [sflag:s23], $0x1  }
0xa3: {  	[sflag:s23] =	ssyncset.done $0x0  }
0xa4: {  	s25 =	simm.s32 $0x1B8E;
	s24 =	sld [smem:$0x3FFE];
	[sflag:s23] =	ssyncadd.s32 $0xFFFFFFFF  }
0xa5: {  	s26 =	simm.s32 $execute0_lowered;
	[smem:$0x3FD2] =	sst s25  }
0xa6: {  	s4 =	sshll.u32 s26, $0x1;
	_ =	strace $0x8000004F;
	[dreg:$0x1] =	wrdreg $0xFFFFFFFF  }
0xa7: {  	s28 =	simm.s32 $_size_execute0_lowered;
	s2 =	sadd.s32 s2, s4;
	[dreg:$0x0] =	wrdreg $0x0  }
0xa8: {  	s4 =	sshll.u32 s28, $0x1;
	[dreg:$0x2] =	wrdreg s2  }
0xa9: {  	[dreg:$0x3] =	wrdreg s4  }
0xaa: {  	[dreg:$0x4] =	wrdreg $0xC0  }
0xab: {  	_ =	task [dreg:s6], $0x5FFFF  }
0xac: {  	[dreg:$0x1] =	wrdreg $0xFFFFFFFF  }
0xad: {  	[dreg:$0x0] =	wrdreg $0x60  }
0xae: {  	[dreg:$0x2] =	wrdreg s24  }
0xaf: {  	[dreg:$0x3] =	wrdreg $0xA8000  }
0xb0: {  	[dreg:$0x4] =	wrdreg $0x9  }
0xb1: {  	_ =	task.clear_ibuf [dreg:s6], $0x5FFFF;
	_ =	strace $0x9000004F  }
0xb2: {  	s29 =	simm.s32 $0x9;
	_ =	strace $0x80000051  }
0xb3: {  	_ =	swait.ge [sflag:s29], $0x1  }
0xb4: {  	[sflag:s29] =	ssyncadd.s32 $0xFFFFFFFF  }
0xb5: {  	_ =	strace $0x90000051  }
0xb6: {  	_ =	sfence  }
0xb7: {  	s30 =	sld [smem:$0x0];
	_ =	sdelay $0x2  }
0xb8: {  	s31 =	sshll.u32 s1, $0xD;
	s1 =	sshrl.u32 s1, $0x2  }
0xb9: {  	s3 =	sand.u32 $0x4000, s31;
	s1 =	sadd.s32 s1, s30  }
0xba: {  	s0 =	sor.u32 s3, s0;
	s1 =	sshll.u32 s1, $0x11  }
0xbb: {  	s0 =	sor.u32 s1, s0  }
0xbc: {  	s0 =	sadd.s32 $0x8F2B, s0  }
0xbd: {  	[sflag:s0] =	ssyncadd.remote.s32 $0x1  }
0xbe: {  	_ =	sfence.sel $0xFFFF  }
0xbf: {  	[dreg:$0x0] =	wrdreg $0xFFFFFFFF;
	(pc) =	sbr.abs _section_cstart, $3  }
0xc0: {  	[dreg:$0x1] =	wrdreg $0xFFFFFFFF  }
0xc1: {  	_ =	task.clear_ibuf [dreg:s6], $0x2FFFF;
	_ =	strace $0x9FFFFFFF  }
0xc2: {  	(tm) =	ssettm $0x7FFFFFFF  }
0xc3: {  	_ =	shalt  }
tec
execute0_lowered:
.L_overlay_start_1:
0x0: {  	(tag) =	ssettag $0x1  }
0x1: {  	s5 =	rddreg [dreg:$0x0]  }
0x2: {  	s0 =	srdreg.scid;
	s2 =	rddreg [dreg:$0x1];
	s3 =	simm.s32 $0x0  }
0x3: {  	s16 =	simm.s32 $0x2800;
	s17 =	simm.s32 $0x3;
	s18 =	simm.s32 $0x1400  }
0x4: {  	s19 =	simm.s32 $0x80;
	s20 =	simm.s32 $0x6800;
	s21 =	simm.s32 $0x1  }
0x5: {  	s22 =	simm.s32 $0x2;
	s23 =	simm.s32 $0x2700;
	s4 =	sand.u32 $0x1, s0  }
0x6: {  	s24 =	simm.s32 $0x2780;
	s0 =	stileid.u32;
	s7 =	smul.u32 $0x140000, s4  }
0x7: {  	s25 =	simm.s32 $0x0;
	s1 =	sshll.u32 s4, $0x4;
	s8 =	smul.u32 $0x14000, s0  }
0x8: {  	[smem:$0x7FF] =	sst s3;
	s30 =	smul.u32 $0x50000, s0;
	s1 =	sor.u32 s0, s1  }
0x9: {  	s29 =	ssub.s32 $0x2, s4;
	s4 =	sadd.s32 $0x18600, s5;
	s6 =	smul.u32 $0x2800, s1  }
0xa: {  	s10 =	sshrl.u32 s29, $0x1;
	s1 =	rddreg [dreg:$0x2];
	_ =	strace $0x80000050  }
0xb: {  	s28 =	sadd.s32 s8, s7;
	s12 =	ssub.s32 s29, s10;
	s6 =	sshrl.u32 s6, $0x3  }
0xc: {  	s31 =	sshrl.u32 s30, $0x2;
	s9 =	sadd.s32 s6, s5;
	s6 =	sshrl.u32 s28, $0x3  }
0xd: {  	s11 =	sadd.s32 s6, s5;
	s5 =	sadd.s32 s31, s2;
	s6 =	sadd.s32 $0x4600, s9  }
0xe: {  	s7 =	sadd.s32 $0xE600, s9;
	s8 =	sadd.s32 $0x4880, s9;
	s9 =	sadd.s32 $0xE880, s9  }
0xf: {  	s10 =	sadd.s32 $0x40600, s11;
	s11 =	smax.u32 s12, $0x1;
	s12 =	sadd.s32 $0x4000, s5  }
0x10: {  	v0 =	vimm.f32 $0.0e+00;
	s13 =	sadd.s32 $0x8000, s5;
	s14 =	sadd.s32 $0xC000, s5;
	s15 =	sadd.s32 $0x10000, s5  }
.LBB2_1:
0x11: {  	s26 =	sand.u32 $0xFE00, s3  }
0x12: {  	s28 =	sand.u32 $0x70, s3;
	s29 =	sshrl.u32 s26, $0x2  }
0x13: {  	s26 =	simm.s32 $0x40;
	s29 =	sor.u32 s28, s29;
	s28 =	simm.s32 $0x0  }
.LBB2_2:
0x14: {  	p0 =	sne.s32 s26, $0xFFC0  }
0x15: {  	[tilespmem:s29+$0x2800] =	vst v0;
	s28 =	sadd.s32 $0x10, s28;
	s29 =	smov.u32 s26;
	s26 =	sadd.s32 $0x40, s26  }
.Ltmp0:
0x16: {  	(pc) =	sbr.rel @p0 .LBB2_2-.Ltmp0, $4  }
0x17: {  	_ = 	snop  }
0x18: {  	s29 =	sand.u32 $0xFE00, s29  }
0x19: {  	s30 =	sand.u32 $0x70, s28;
	s29 =	sshrl.u32 s29, $0x2  }
0x1a: {  	s29 =	sor.u32 s30, s29  }
0x1b: {  	[tilespmem:s29+$0x2800] =	vst v0  }
0x1c: {  	[spmem:s5] =	stream.linear.scatter [tilespmem:s16], [sflag:$0x3], $0x4000, $0x38;
	[tilespmem:$0x1E800] =	vst v63  }
0x1d: {  	_ =	swait.ge [sflag:s17], $0x4000  }
0x1e: {  	[sflag:s17] =	ssyncset.done $0x0  }
0x1f: {  	[sflag:s17] =	ssyncadd.s32 $0xFFFFC000  }
0x20: {  	[spmem:s12] =	stream.linear.scatter [tilespmem:s16], [sflag:$0x3], $0x4000, $0x38;
	[tilespmem:$0x1E800] =	vst v63  }
0x21: {  	_ =	swait.ge [sflag:s17], $0x4000  }
0x22: {  	[sflag:s17] =	ssyncset.done $0x0  }
0x23: {  	[sflag:s17] =	ssyncadd.s32 $0xFFFFC000  }
0x24: {  	[spmem:s13] =	stream.linear.scatter [tilespmem:s16], [sflag:$0x3], $0x4000, $0x38;
	[tilespmem:$0x1E800] =	vst v63  }
0x25: {  	_ =	swait.ge [sflag:s17], $0x4000  }
0x26: {  	[sflag:s17] =	ssyncset.done $0x0  }
0x27: {  	[sflag:s17] =	ssyncadd.s32 $0xFFFFC000  }
0x28: {  	[spmem:s14] =	stream.linear.scatter [tilespmem:s16], [sflag:$0x3], $0x4000, $0x38;
	[tilespmem:$0x1E800] =	vst v63  }
0x29: {  	_ =	swait.ge [sflag:s17], $0x4000  }
0x2a: {  	[sflag:s17] =	ssyncset.done $0x0  }
0x2b: {  	[sflag:s17] =	ssyncadd.s32 $0xFFFFC000  }
0x2c: {  	[spmem:s15] =	stream.linear.scatter [tilespmem:s16], [sflag:$0x3], $0x4000, $0x38;
	[tilespmem:$0x1E800] =	vst v63  }
0x2d: {  	_ =	swait.ge [sflag:s17], $0x4000  }
0x2e: {  	[sflag:s17] =	ssyncset.done $0x0  }
0x2f: {  	[sflag:s17] =	ssyncadd.s32 $0xFFFFC000  }
0x30: {  	s26 =	simm.s32 $0x0;
	[bflag:$0x0] =	sbarrier.arrive $0xFFFF  }
0x31: {  	[tilespmem:s26], [sflag:$0x3] =	stream.linear.gather [hbm4b:s6+s26], $0x1400, $0x38;
	[tilespmem:$0x1E800] =	vst v63  }
0x32: {  	_ =	swait.ge [sflag:s17], $0x1400  }
0x33: {  	[sflag:s17] =	ssyncset.done $0x0  }
0x34: {  	[sflag:s17] =	ssyncadd.s32 $0xFFFFEC00  }
0x35: {  	[tilespmem:s18], [sflag:$0x3] =	stream.linear.gather [hbm4b:s7+s26], $0x1400, $0x38;
	[tilespmem:$0x1E800] =	vst v63  }
0x36: {  	_ =	swait.ge [sflag:s17], $0x1400  }
0x37: {  	[sflag:s17] =	ssyncset.done $0x0  }
0x38: {  	[sflag:s17] =	ssyncadd.s32 $0xFFFFEC00  }
0x39: {  	[tilespmem:s16], [sflag:$0x1] =	stream.indirect.gather [hbm4b:s4+s19], $0x80, s26, s19, $0xb8;
	[tilespmem:$0x1E800] =	vst v63  }
0x3a: {  	_ = 	snop  }
0x3b: {  	[tilespmem:s20], [sflag:$0x2] =	stream.indirect.gather [hbm4b:s4+s19], $0x80, s19, s19, $0xb8;
	[tilespmem:$0x1E800] =	vst v63  }
0x3c: {  	_ =	swait.ge [sflag:s21], $0x4000  }
0x3d: {  	[sflag:s21] =	ssyncset.done $0x0  }
0x3e: {  	s29 =	simm.s32 $0x1400;
	[sflag:s21] =	ssyncadd.s32 $0xFFFFC000  }
0x3f: {  	[spmem:s2] =	stream.indirect.scatter.add.f32 [tilespmem:s16], [sflag:$0x3], $0x80, s29, s19, $0xb8;
	[tilespmem:$0x1E800] =	vst v63  }
0x40: {  	_ =	swait.ge [sflag:s17], $0x4000  }
0x41: {  	[sflag:s17] =	ssyncset.done $0x0  }
0x42: {  	s30 =	simm.s32 $0x100;
	[sflag:s17] =	ssyncadd.s32 $0xFFFFC000  }
0x43: {  	[tilespmem:s16], [sflag:$0x1] =	stream.indirect.gather [hbm4b:s4+s19], $0x80, s30, s19, $0xb8;
	[tilespmem:$0x1E800] =	vst v63  }
0x44: {  	_ =	swait.ge [sflag:s22], $0x4000  }
0x45: {  	[sflag:s22] =	ssyncset.done $0x0  }
0x46: {  	s31 =	simm.s32 $0x1480;
	[sflag:s22] =	ssyncadd.s32 $0xFFFFC000  }
0x47: {  	[spmem:s2] =	stream.indirect.scatter.add.f32 [tilespmem:s20], [sflag:$0x3], $0x80, s31, s19, $0xb8;
	[tilespmem:$0x1E800] =	vst v63  }
0x48: {  	_ =	swait.ge [sflag:s17], $0x4000  }
0x49: {  	[sflag:s17] =	ssyncset.done $0x0  }
0x4a: {  	s28 =	simm.s32 $0x180;
	s26 =	simm.s32 $0x400;
	[sflag:s17] =	ssyncadd.s32 $0xFFFFC000  }
.LBB2_4:
0x4b: {  	[tilespmem:s20], [sflag:$0x2] =	stream.indirect.gather [hbm4b:s4+s19], $0x80, s28, s19, $0xb8;
	[tilespmem:$0x1E800] =	vst v63  }
0x4c: {  	s28 =	smov.u32 s26  }
0x4d: {  	p0 =	sne.s32 s26, $0x4800;
	s26 =	sadd.s32 $0x400, s26;
	_ =	swait.ge [sflag:s21], $0x4000  }
0x4e: {  	s28 =	sshra.s32 s28, $0x2;
	[sflag:s21] =	ssyncset.done $0x0  }
0x4f: {  	s29 =	sadd.s32 $0x1400, s28;
	[sflag:s21] =	ssyncadd.s32 $0xFFFFC000  }
0x50: {  	[spmem:s2] =	stream.indirect.scatter.add.f32 [tilespmem:s16], [sflag:$0x3], $0x80, s29, s19, $0xb8;
	[tilespmem:$0x1E800] =	vst v63  }
0x51: {  	_ =	swait.ge [sflag:s17], $0x4000  }
0x52: {  	[sflag:s17] =	ssyncset.done $0x0  }
0x53: {  	s29 =	sadd.s32 $0x100, s28;
	[sflag:s17] =	ssyncadd.s32 $0xFFFFC000  }
0x54: {  	[tilespmem:s16], [sflag:$0x1] =	stream.indirect.gather [hbm4b:s4+s19], $0x80, s29, s19, $0xb8;
	[tilespmem:$0x1E800] =	vst v63  }
0x55: {  	_ =	swait.ge [sflag:s22], $0x4000  }
0x56: {  	[sflag:s22] =	ssyncset.done $0x0  }
.Ltmp1:
0x57: {  	s29 =	sadd.s32 $0x1480, s28;
	[sflag:s22] =	ssyncadd.s32 $0xFFFFC000;
	(pc) =	sbr.rel @p0 .LBB2_4-.Ltmp1, $4  }
0x58: {  	[spmem:s2] =	stream.indirect.scatter.add.f32 [tilespmem:s20], [sflag:$0x3], $0x80, s29, s19, $0xb8;
	[tilespmem:$0x1E800] =	vst v63  }
0x59: {  	_ =	swait.ge [sflag:s17], $0x4000  }
0x5a: {  	[sflag:s17] =	ssyncset.done $0x0  }
0x5b: {  	s28 =	sadd.s32 $0x180, s28;
	[sflag:s17] =	ssyncadd.s32 $0xFFFFC000  }
0x5c: {  	[tilespmem:s20], [sflag:$0x2] =	stream.indirect.gather [hbm4b:s4+s19], $0x80, s28, s19, $0xb8;
	[tilespmem:$0x1E800] =	vst v63  }
0x5d: {  	_ =	swait.ge [sflag:s21], $0x4000  }
0x5e: {  	[sflag:s21] =	ssyncset.done $0x0  }
0x5f: {  	[sflag:s21] =	ssyncadd.s32 $0xFFFFC000  }
0x60: {  	[spmem:s2] =	stream.indirect.scatter.add.f32 [tilespmem:s16], [sflag:$0x3], $0x80, s23, s19, $0xb8;
	[tilespmem:$0x1E800] =	vst v63  }
0x61: {  	_ =	swait.ge [sflag:s17], $0x4000  }
0x62: {  	[sflag:s17] =	ssyncset.done $0x0  }
0x63: {  	[sflag:s17] =	ssyncadd.s32 $0xFFFFC000  }
0x64: {  	_ =	swait.ge [sflag:s22], $0x4000  }
0x65: {  	[sflag:s22] =	ssyncset.done $0x0  }
0x66: {  	[sflag:s22] =	ssyncadd.s32 $0xFFFFC000  }
0x67: {  	[spmem:s2] =	stream.indirect.scatter.add.f32 [tilespmem:s20], [sflag:$0x3], $0x80, s24, s19, $0xb8;
	[tilespmem:$0x1E800] =	vst v63  }
0x68: {  	_ =	swait.ge [sflag:s17], $0x4000  }
0x69: {  	[sflag:s17] =	ssyncset.done $0x0  }
0x6a: {  	s26 =	simm.s32 $0x0;
	[sflag:s17] =	ssyncadd.s32 $0xFFFFC000  }
0x6b: {  	[tilespmem:s26], [sflag:$0x3] =	stream.linear.gather [hbm4b:s8+s26], $0x1400, $0x38;
	[tilespmem:$0x1E800] =	vst v63  }
0x6c: {  	_ =	swait.ge [sflag:s17], $0x1400  }
0x6d: {  	[sflag:s17] =	ssyncset.done $0x0  }
0x6e: {  	[sflag:s17] =	ssyncadd.s32 $0xFFFFEC00  }
0x6f: {  	[tilespmem:s18], [sflag:$0x3] =	stream.linear.gather [hbm4b:s9+s26], $0x1400, $0x38;
	[tilespmem:$0x1E800] =	vst v63  }
0x70: {  	_ =	swait.ge [sflag:s17], $0x1400  }
0x71: {  	[sflag:s17] =	ssyncset.done $0x0  }
0x72: {  	[sflag:s17] =	ssyncadd.s32 $0xFFFFEC00  }
0x73: {  	[tilespmem:s16], [sflag:$0x1] =	stream.indirect.gather [hbm4b:s4+s19], $0x80, s26, s19, $0xb8;
	[tilespmem:$0x1E800] =	vst v63  }
0x74: {  	_ = 	snop  }
0x75: {  	[tilespmem:s20], [sflag:$0x2] =	stream.indirect.gather [hbm4b:s4+s19], $0x80, s19, s19, $0xb8;
	[tilespmem:$0x1E800] =	vst v63  }
0x76: {  	_ =	swait.ge [sflag:s21], $0x4000  }
0x77: {  	[sflag:s21] =	ssyncset.done $0x0  }
0x78: {  	s29 =	simm.s32 $0x1400;
	[sflag:s21] =	ssyncadd.s32 $0xFFFFC000  }
0x79: {  	[spmem:s2] =	stream.indirect.scatter.add.f32 [tilespmem:s16], [sflag:$0x3], $0x80, s29, s19, $0xb8;
	[tilespmem:$0x1E800] =	vst v63  }
0x7a: {  	_ =	swait.ge [sflag:s17], $0x4000  }
0x7b: {  	[sflag:s17] =	ssyncset.done $0x0  }
0x7c: {  	s30 =	simm.s32 $0x100;
	[sflag:s17] =	ssyncadd.s32 $0xFFFFC000  }
0x7d: {  	[tilespmem:s16], [sflag:$0x1] =	stream.indirect.gather [hbm4b:s4+s19], $0x80, s30, s19, $0xb8;
	[tilespmem:$0x1E800] =	vst v63  }
0x7e: {  	_ =	swait.ge [sflag:s22], $0x4000  }
0x7f: {  	[sflag:s22] =	ssyncset.done $0x0  }
0x80: {  	s31 =	simm.s32 $0x1480;
	[sflag:s22] =	ssyncadd.s32 $0xFFFFC000  }
0x81: {  	[spmem:s2] =	stream.indirect.scatter.add.f32 [tilespmem:s20], [sflag:$0x3], $0x80, s31, s19, $0xb8;
	[tilespmem:$0x1E800] =	vst v63  }
0x82: {  	_ =	swait.ge [sflag:s17], $0x4000  }
0x83: {  	[sflag:s17] =	ssyncset.done $0x0  }
0x84: {  	s28 =	simm.s32 $0x180;
	s26 =	simm.s32 $0x400;
	[sflag:s17] =	ssyncadd.s32 $0xFFFFC000  }
.LBB2_6:
0x85: {  	[tilespmem:s20], [sflag:$0x2] =	stream.indirect.gather [hbm4b:s4+s19], $0x80, s28, s19, $0xb8;
	[tilespmem:$0x1E800] =	vst v63  }
0x86: {  	s28 =	smov.u32 s26  }
0x87: {  	p0 =	sne.s32 s26, $0x4800;
	s26 =	sadd.s32 $0x400, s26;
	_ =	swait.ge [sflag:s21], $0x4000  }
0x88: {  	s28 =	sshra.s32 s28, $0x2;
	[sflag:s21] =	ssyncset.done $0x0  }
0x89: {  	s29 =	sadd.s32 $0x1400, s28;
	[sflag:s21] =	ssyncadd.s32 $0xFFFFC000  }
0x8a: {  	[spmem:s2] =	stream.indirect.scatter.add.f32 [tilespmem:s16], [sflag:$0x3], $0x80, s29, s19, $0xb8;
	[tilespmem:$0x1E800] =	vst v63  }
0x8b: {  	_ =	swait.ge [sflag:s17], $0x4000  }
0x8c: {  	[sflag:s17] =	ssyncset.done $0x0  }
0x8d: {  	s29 =	sadd.s32 $0x100, s28;
	[sflag:s17] =	ssyncadd.s32 $0xFFFFC000  }
0x8e: {  	[tilespmem:s16], [sflag:$0x1] =	stream.indirect.gather [hbm4b:s4+s19], $0x80, s29, s19, $0xb8;
	[tilespmem:$0x1E800] =	vst v63  }
0x8f: {  	_ =	swait.ge [sflag:s22], $0x4000  }
0x90: {  	[sflag:s22] =	ssyncset.done $0x0  }
.Ltmp2:
0x91: {  	s29 =	sadd.s32 $0x1480, s28;
	[sflag:s22] =	ssyncadd.s32 $0xFFFFC000;
	(pc) =	sbr.rel @p0 .LBB2_6-.Ltmp2, $4  }
0x92: {  	[spmem:s2] =	stream.indirect.scatter.add.f32 [tilespmem:s20], [sflag:$0x3], $0x80, s29, s19, $0xb8;
	[tilespmem:$0x1E800] =	vst v63  }
0x93: {  	_ =	swait.ge [sflag:s17], $0x4000  }
0x94: {  	[sflag:s17] =	ssyncset.done $0x0  }
0x95: {  	s28 =	sadd.s32 $0x180, s28;
	[sflag:s17] =	ssyncadd.s32 $0xFFFFC000  }
0x96: {  	[tilespmem:s20], [sflag:$0x2] =	stream.indirect.gather [hbm4b:s4+s19], $0x80, s28, s19, $0xb8;
	[tilespmem:$0x1E800] =	vst v63  }
0x97: {  	_ =	swait.ge [sflag:s21], $0x4000  }
0x98: {  	[sflag:s21] =	ssyncset.done $0x0  }
0x99: {  	[sflag:s21] =	ssyncadd.s32 $0xFFFFC000  }
0x9a: {  	[spmem:s2] =	stream.indirect.scatter.add.f32 [tilespmem:s16], [sflag:$0x3], $0x80, s23, s19, $0xb8;
	[tilespmem:$0x1E800] =	vst v63  }
0x9b: {  	_ =	swait.ge [sflag:s17], $0x4000  }
0x9c: {  	[sflag:s17] =	ssyncset.done $0x0  }
0x9d: {  	[sflag:s17] =	ssyncadd.s32 $0xFFFFC000  }
0x9e: {  	_ =	swait.ge [sflag:s22], $0x4000  }
0x9f: {  	[sflag:s22] =	ssyncset.done $0x0  }
0xa0: {  	[sflag:s22] =	ssyncadd.s32 $0xFFFFC000  }
0xa1: {  	[spmem:s2] =	stream.indirect.scatter.add.f32 [tilespmem:s20], [sflag:$0x3], $0x80, s24, s19, $0xb8;
	[tilespmem:$0x1E800] =	vst v63  }
0xa2: {  	_ =	swait.ge [sflag:s17], $0x4000  }
0xa3: {  	s26 =	sshll.u32 s0, $0x6;
	s25 =	sadd.s32 $0x1, s25;
	[sflag:s17] =	ssyncset.done $0x0  }
0xa4: {  	s31 =	sshrl.u32 s5, $0x3;
	p0 =	sne.s32 s25, s11;
	[sflag:s17] =	ssyncadd.s32 $0xFFFFC000  }
.Ltmp3:
0xa5: {  	s26 =	sor.u32 $0x1C03, s26;
	[bflag:$0x0] =	sbarrier.arrive $0xFFFF;
	(pc) =	sbr.rel @p0 .LBB2_1-.Ltmp3, $4  }
0xa6: {  	[hbm:s10], [sflag:s26] =	dma.local [spmem:s31], $0x2800  }
0xa7: {  	_ =	swait.ge [sflag:s17], $0x2800  }
0xa8: {  	[sflag:s17] =	ssyncset.done $0x0  }
0xa9: {  	[sflag:s17] =	ssyncadd.s32 $0xFFFFD800  }
0xaa: {  	_ =	sfence.sel $0x180000  }
0xab: {  	[bflag:$0x0] =	sbarrier.arrive $0xFFFF  }
0xac: {  	p0 =	sne.s32 s0, $0x0;
	_ =	strace $0x90000050  }
0xad: {  	s0 =	sadd.s32 @!p0 $0x100000, s1;
	[bflag:$0x2] =	sbarrier.arrive $0xFFFF  }
0xae: {  	[sflag:s0] =	ssyncadd.tile.s32 @!p0 $0x1;
	_ =	shalt  }
.Lfunc_end2:
_tile_overlayer_lowered:
.L_overlay_start_2:
0xaf: {  	(tag) =	ssettag $0x2  }
0xb0: {  	s0 =	rddreg [dreg:$0x0];
	s2 =	stileid.u32  }
0xb1: {  	s1 =	rddreg [dreg:$0x1];
	p0 =	sne.s32 s2, $0x0  }
0xb2: {  	s3 =	rddreg [dreg:$0x2];
	[bflag:$0x3] =	sbarrier.arrive $0xFFFF;
	s2 =	simm.s32 @!p0 $0x1C03  }
0xb3: {  	[timem:s3], [sflag:s2] =	dma.local @!p0 [hbm:s0], s1  }
0xb4: {  	s0 =	simm.s32 @!p0 $0x3  }
0xb5: {  	_ =	swait.ge @!p0 [sflag:s0], s1  }
0xb6: {  	s1 =	ssub.s32 @!p0 $0x0, s1;
	[sflag:s0] =	ssyncset.done @!p0 $0x0  }
0xb7: {  	[sflag:s0] =	ssyncadd.s32 @!p0 s1  }
0xb8: {  	[bflag:$0x3] =	sbarrier.arrive $0xFFFF  }
0xb9: {  	_ =	shalt  }

// kernel: kernel.25.cloned.1.call-start
scs
__scs_entry_jumppad:
0x0: {  	(pc) =	sbr.rel $0x88, $3  }
0x1: {  	(tag) =	ssettag $0x0;
	lr =	simm.s32 $0x1  }
0x2: {  	[smem:$0x3F92] =	sst lr;
	_ =	strace $0xD0000000  }
0x3: {  	_ = 	snop  }
0x4: {  	_ = 	snop  }
0x5: {  	_ = 	snop  }
0x6: {  	_ = 	snop  }
0x7: {  	_ = 	snop  }
__scs_overlays_trampoline_lowered:
0x8: {  	[smem:$0x3FA1] =	sst s0  }
0x9: {  	[smem:$0x3FA2] =	sst s1  }
0xa: {  	[smem:$0x3FA3] =	sst s2  }
0xb: {  	[smem:$0x3FA4] =	sst s3  }
0xc: {  	[smem:$0x3FA5] =	sst s4  }
0xd: {  	[smem:$0x3FA6] =	sst s5  }
0xe: {  	[smem:$0x3FA7] =	sst s6  }
0xf: {  	[smem:$0x3FA8] =	sst s7  }
0x10: {  	[smem:$0x3FA9] =	sst s8  }
0x11: {  	[smem:$0x3FAA] =	sst s9;
	s0 =	simm.s32 @!p0 $0x0  }
0x12: {  	s1 =	sld [smem:$0x3F90];
	s0 =	simm.s32 @p0 $0x1  }
0x13: {  	[smem:$0x3FAB] =	sst s0;
	s0 =	simm.s32 @!p1 $0x0  }
0x14: {  	s2 =	sld [smem:$0x3F8F];
	s0 =	simm.s32 @p1 $0x1  }
0x15: {  	[smem:$0x3FAC] =	sst s0;
	s0 =	simm.s32 @!p2 $0x0  }
0x16: {  	s3 =	sld [smem:$0x3FDB];
	s0 =	simm.s32 @p2 $0x1  }
0x17: {  	s4 =	simm.s32 $0x1BF5;
	[smem:$0x3FAE] =	sst s0  }
0x18: {  	s0 =	sld [smem:$0x3F91];
	_ =	swait.ge [sflag:s4], $0x0  }
0x19: {  	s7 =	sld [smem:$0x3F92]  }
0x1a: {  	s8 =	sadd.s32 $0xFFFFE003, lr  }
0x1b: {  	s9 =	sadd.s32 $0xFFFFFEF7, lr;
	s5 =	simm.s32 $0xFFFFFFFF;
	p2 =	slt.u32 s8, $0xFFFFF086  }
0x1c: {  	p1 =	slt.u32 s9, $0xF7A;
	s5 =	simm.s32 @!p2 $0x0  }
0x1d: {  	s5 =	simm.s32 @p1 $0x1;
	p0 =	seq.s32 s7, s2  }
0x1e: {  	s7 =	smul.u32 @!p0 $0xF7A, s2;
	p2 =	seq.s32 @!p0 s5, $0x0  }
0x1f: {  	s9 =	smul.u32 $0xF7A, s1;
	s8 =	simm.s32 @!p0 $0x1BF5;
	p2 =	por !p2, p0  }
0x20: {  	[sflag:s8] =	ssyncset.s32 @!p0 $0xFFFFF086;
	s6 =	sadd.s32 @!p0 s3, s7;
	s7 =	simm.s32 @!p0 $0x108  }
0x21: {  	s3 =	sadd.s32 s3, s9;
	s6 =	sadd.s32 @!p0 $0x88, s6;
	s7 =	simm.s32 @p2 $0x1082  }
0x22: {  	[simem:s7], [sflag:s8] =	dma.local @!p0 [hbm:s6], $0xF7A  }
0x23: {  	s9 =	sor.u32 $0xD0000000, s2;
	s6 =	simm.s32 $0x108;
	_ =	swait.ge @!p0 [sflag:s8], $0x0  }
0x24: {  	s3 =	sadd.s32 $0x88, s3;
	s6 =	simm.s32 @!p1 $0x1082;
	[sflag:s4] =	ssyncset.s32 $0xFFFFF086  }
0x25: {  	[simem:s6], [sflag:s4] =	dma.local [hbm:s3], $0xF7A  }
0x26: {  	[smem:$0x3F92] =	sst s1;
	(tag) =	ssettag s2;
	_ =	strace s9  }
0x27: {  	s1 =	sld [smem:$0x3FA2]  }
0x28: {  	s2 =	sld [smem:$0x3FA3]  }
0x29: {  	s4 =	sld [smem:$0x3FA5]  }
0x2a: {  	p0 =	seq.s32 s5, $0x0;
	s5 =	sld [smem:$0x3FA6]  }
0x2b: {  	s6 =	sld [smem:$0x3FA7]  }
0x2c: {  	s7 =	sld [smem:$0x3FA8]  }
0x2d: {  	s3 =	simm.s32 $0x108;
	s8 =	sld [smem:$0x3FA9]  }
0x2e: {  	s3 =	simm.s32 @!p0 $0x1082;
	s9 =	sld [smem:$0x3FAA]  }
0x2f: {  	lr =	sadd.s32 s0, s3;
	s0 =	sld [smem:$0x3FA1]  }
0x30: {  	s3 =	sld [smem:$0x3FA4]  }
0x31: {  	[smem:$0x3FAD] =	sst s10  }
0x32: {  	s10 =	sld [smem:$0x3FAB];
	_ =	sdelay $0x3  }
0x33: {  	p0 =	seq.s32 s10, $0x1;
	s10 =	sld [smem:$0x3FAD];
	_ =	sdelay $0x3  }
0x34: {  	[smem:$0x3FAD] =	sst s10  }
0x35: {  	s10 =	sld [smem:$0x3FAC];
	_ =	sdelay $0x3  }
0x36: {  	p1 =	seq.s32 s10, $0x1;
	s10 =	sld [smem:$0x3FAD];
	_ =	sdelay $0x3  }
0x37: {  	[smem:$0x3FAD] =	sst s10  }
0x38: {  	s10 =	sld [smem:$0x3FAE]  }
0x39: {  	_ = 	snop;
	(pc) =	sbr.ind lr, $3  }
0x3a: {  	_ = 	snop  }
0x3b: {  	_ = 	snop  }
0x3c: {  	p2 =	seq.s32 s10, $0x1;
	s10 =	sld [smem:$0x3FAD]  }
0x3d: {  	_ =	shalt  }
0x3e: {  	_ =	shalt  }
0x3f: {  	_ =	shalt  }
0x40: {  	_ =	shalt  }
0x41: {  	_ =	shalt  }
0x42: {  	_ =	shalt  }
0x43: {  	_ =	shalt  }
0x44: {  	_ =	shalt  }
0x45: {  	_ =	shalt  }
0x46: {  	_ =	shalt  }
0x47: {  	_ =	shalt  }
0x48: {  	_ =	shalt  }
0x49: {  	_ =	shalt  }
0x4a: {  	_ =	shalt  }
0x4b: {  	_ =	shalt  }
0x4c: {  	_ =	shalt  }
0x4d: {  	_ =	shalt  }
0x4e: {  	_ =	shalt  }
0x4f: {  	_ =	shalt  }
0x50: {  	_ =	shalt  }
0x51: {  	_ =	shalt  }
0x52: {  	_ =	shalt  }
0x53: {  	_ =	shalt  }
0x54: {  	_ =	shalt  }
0x55: {  	_ =	shalt  }
0x56: {  	_ =	shalt  }
0x57: {  	_ =	shalt  }
0x58: {  	_ =	shalt  }
0x59: {  	_ =	shalt  }
0x5a: {  	_ =	shalt  }
0x5b: {  	_ =	shalt  }
0x5c: {  	_ =	shalt  }
0x5d: {  	_ =	shalt  }
0x5e: {  	_ =	shalt  }
0x5f: {  	_ =	shalt  }
0x60: {  	_ =	shalt  }
0x61: {  	_ =	shalt  }
0x62: {  	_ =	shalt  }
0x63: {  	_ =	shalt  }
0x64: {  	_ =	shalt  }
0x65: {  	_ =	shalt  }
0x66: {  	_ =	shalt  }
0x67: {  	_ =	shalt  }
0x68: {  	_ =	shalt  }
0x69: {  	_ =	shalt  }
0x6a: {  	_ =	shalt  }
0x6b: {  	_ =	shalt  }
0x6c: {  	_ =	shalt  }
0x6d: {  	_ =	shalt  }
0x6e: {  	_ =	shalt  }
0x6f: {  	_ =	shalt  }
0x70: {  	_ =	shalt  }
0x71: {  	_ =	shalt  }
0x72: {  	_ =	shalt  }
0x73: {  	_ =	shalt  }
0x74: {  	_ =	shalt  }
0x75: {  	_ =	shalt  }
0x76: {  	_ =	shalt  }
0x77: {  	_ =	shalt  }
0x78: {  	_ =	shalt  }
0x79: {  	_ =	shalt  }
0x7a: {  	_ =	shalt  }
0x7b: {  	_ =	shalt  }
0x7c: {  	_ =	shalt  }
0x7d: {  	_ =	shalt  }
0x7e: {  	_ =	shalt  }
0x7f: {  	_ =	shalt  }
0x80: {  	_ =	shalt  }
0x81: {  	_ =	shalt  }
0x82: {  	_ =	shalt  }
0x83: {  	_ =	shalt  }
0x84: {  	_ =	shalt  }
0x85: {  	_ =	shalt  }
0x86: {  	_ =	shalt  }
0x87: {  	_ =	shalt  }
.Lfunc_end0:
.L_simem_size_0:
called_computation.4_lowered:
.L_overlay_start_0:
0x88: {  	s2 =	sld [smem:$0x3FD9]  }
0x89: {  	s3 =	sld [smem:$0x3FFE];
	_ =	sdelay $0x1  }
0x8a: {  	s1 =	srdreg.scid  }
0x8b: {  	s0 =	sand.u32 $0x1, s1  }
0x8c: {  	s16 =	sshll.u32 s0, $0xA;
	s2 =	sadd.s32 s3, s2  }
0x8d: {  	s2 =	sadd.s32 s2, s16  }
0x8e: {  	[smem:$0x3FB9] =	sst s2  }
0x8f: {  	_ = 	snop  }
0x90: {  	(tm) =	ssettm $0x1  }
0x91: {  	s17 =	sld [smem:$0x3FFB];
	_ =	sdelay $0x3  }
0x92: {  	_ =	strace s17  }
0x93: {  	s2 =	sld [smem:$0x3FFC];
	_ =	sdelay $0x3  }
0x94: {  	_ =	strace s2  }
0x95: {  	s2 =	sld [smem:$0x3FFD];
	_ =	sdelay $0x3  }
0x96: {  	_ =	strace s2  }
0x97: {  	_ =	strace $0x8FFFFFFF  }
0x98: {  	s18 =	sld [smem:$0x3FDB];
	_ =	sdelay $0x1  }
0x99: {  	s19 =	simm.s32 $_scs_section_size  }
0x9a: {  	s4 =	simm.s32 $_size__tile_overlayer_lowered;
	s5 =	simm.s32 $_tile_overlayer_lowered  }
0x9b: {  	s22 =	simm.s32 $0x1BFF;
	s21 =	sshll.u32 s5, $0x1;
	s2 =	sadd.s32 s19, s18  }
0x9c: {  	s6 =	simm.s32 $0x0;
	s20 =	sshll.u32 s4, $0x1;
	s4 =	sadd.s32 s21, s2  }
0x9d: {  	[timem:s6], [sflag:s22] =	dma.local [hbm:s4], s20  }
0x9e: {  	_ =	swait.ge [sflag:s22], s20  }
0x9f: {  	s3 =	ssub.s32 $0x0, s20;
	[sflag:s22] =	ssyncset.done $0x0  }
0xa0: {  	[sflag:s22] =	ssyncadd.s32 s3;
	_ =	sdelay $0x1  }
0xa1: {  	s23 =	simm.s32 $0x1B8B  }
0xa2: {  	_ =	swait.ge [sflag:s23], $0x1  }
0xa3: {  	[sflag:s23] =	ssyncset.done $0x0  }
0xa4: {  	s25 =	simm.s32 $0x1B8E;
	s24 =	sld [smem:$0x3FFE];
	[sflag:s23] =	ssyncadd.s32 $0xFFFFFFFF  }
0xa5: {  	s26 =	simm.s32 $execute0_lowered;
	[smem:$0x3FD2] =	sst s25  }
0xa6: {  	s4 =	sshll.u32 s26, $0x1;
	_ =	strace $0x80000052;
	[dreg:$0x1] =	wrdreg $0xFFFFFFFF  }
0xa7: {  	s28 =	simm.s32 $_size_execute0_lowered;
	s2 =	sadd.s32 s2, s4;
	[dreg:$0x0] =	wrdreg $0x0  }
0xa8: {  	s4 =	sshll.u32 s28, $0x1;
	[dreg:$0x2] =	wrdreg s2  }
0xa9: {  	[dreg:$0x3] =	wrdreg s4  }
0xaa: {  	[dreg:$0x4] =	wrdreg $0xC0  }
0xab: {  	_ =	task [dreg:s6], $0x5FFFF  }
0xac: {  	[dreg:$0x1] =	wrdreg $0xFFFFFFFF  }
0xad: {  	[dreg:$0x0] =	wrdreg $0x60  }
0xae: {  	[dreg:$0x2] =	wrdreg s24  }
0xaf: {  	[dreg:$0x3] =	wrdreg $0xA8000  }
0xb0: {  	[dreg:$0x4] =	wrdreg $0x9  }
0xb1: {  	_ =	task.clear_ibuf [dreg:s6], $0x5FFFF;
	_ =	strace $0x90000052  }
0xb2: {  	s29 =	simm.s32 $0x9;
	_ =	strace $0x80000054  }
0xb3: {  	_ =	swait.ge [sflag:s29], $0x1  }
0xb4: {  	[sflag:s29] =	ssyncadd.s32 $0xFFFFFFFF  }
0xb5: {  	_ =	strace $0x90000054  }
0xb6: {  	_ =	sfence  }
0xb7: {  	s30 =	sld [smem:$0x0];
	_ =	sdelay $0x2  }
0xb8: {  	s31 =	sshll.u32 s1, $0xD;
	s1 =	sshrl.u32 s1, $0x2  }
0xb9: {  	s3 =	sand.u32 $0x4000, s31;
	s1 =	sadd.s32 s1, s30  }
0xba: {  	s0 =	sor.u32 s3, s0;
	s1 =	sshll.u32 s1, $0x11  }
0xbb: {  	s0 =	sor.u32 s1, s0  }
0xbc: {  	s0 =	sadd.s32 $0x8F2B, s0  }
0xbd: {  	[sflag:s0] =	ssyncadd.remote.s32 $0x1  }
0xbe: {  	_ =	sfence.sel $0xFFFF  }
0xbf: {  	[dreg:$0x0] =	wrdreg $0xFFFFFFFF;
	(pc) =	sbr.abs _section_cstart, $3  }
0xc0: {  	[dreg:$0x1] =	wrdreg $0xFFFFFFFF  }
0xc1: {  	_ =	task.clear_ibuf [dreg:s6], $0x2FFFF;
	_ =	strace $0x9FFFFFFF  }
0xc2: {  	(tm) =	ssettm $0x7FFFFFFF  }
0xc3: {  	_ =	shalt  }
tec
execute0_lowered:
.L_overlay_start_1:
0x0: {  	(tag) =	ssettag $0x1  }
0x1: {  	s5 =	rddreg [dreg:$0x0]  }
0x2: {  	s0 =	srdreg.scid;
	s2 =	rddreg [dreg:$0x1];
	s3 =	simm.s32 $0x0  }
0x3: {  	s16 =	simm.s32 $0x2800;
	s17 =	simm.s32 $0x3;
	s18 =	simm.s32 $0x1400  }
0x4: {  	s19 =	simm.s32 $0x80;
	s20 =	simm.s32 $0x6800;
	s21 =	simm.s32 $0x1  }
0x5: {  	s22 =	simm.s32 $0x2;
	s23 =	simm.s32 $0x2700;
	s4 =	sand.u32 $0x1, s0  }
0x6: {  	s24 =	simm.s32 $0x2780;
	s0 =	stileid.u32;
	s7 =	smul.u32 $0x140000, s4  }
0x7: {  	s25 =	simm.s32 $0x0;
	s1 =	sshll.u32 s4, $0x4;
	s8 =	smul.u32 $0x14000, s0  }
0x8: {  	[smem:$0x7FF] =	sst s3;
	s30 =	smul.u32 $0x50000, s0;
	s1 =	sor.u32 s0, s1  }
0x9: {  	s29 =	ssub.s32 $0x2, s4;
	s4 =	sadd.s32 $0x18600, s5;
	s6 =	smul.u32 $0x2800, s1  }
0xa: {  	s10 =	sshrl.u32 s29, $0x1;
	s1 =	rddreg [dreg:$0x2];
	_ =	strace $0x80000053  }
0xb: {  	s28 =	sadd.s32 s8, s7;
	s12 =	ssub.s32 s29, s10;
	s6 =	sshrl.u32 s6, $0x3  }
0xc: {  	s31 =	sshrl.u32 s30, $0x2;
	s9 =	sadd.s32 s6, s5;
	s6 =	sshrl.u32 s28, $0x3  }
0xd: {  	s11 =	sadd.s32 s6, s5;
	s5 =	sadd.s32 s31, s2;
	s6 =	sadd.s32 $0x4600, s9  }
0xe: {  	s7 =	sadd.s32 $0xE600, s9;
	s8 =	sadd.s32 $0x4880, s9;
	s9 =	sadd.s32 $0xE880, s9  }
0xf: {  	s10 =	sadd.s32 $0x40600, s11;
	s11 =	smax.u32 s12, $0x1;
	s12 =	sadd.s32 $0x4000, s5  }
0x10: {  	v0 =	vimm.f32 $0.0e+00;
	s13 =	sadd.s32 $0x8000, s5;
	s14 =	sadd.s32 $0xC000, s5;
	s15 =	sadd.s32 $0x10000, s5  }
.LBB2_1:
0x11: {  	s26 =	sand.u32 $0xFE00, s3  }
0x12: {  	s28 =	sand.u32 $0x70, s3;
	s29 =	sshrl.u32 s26, $0x2  }
0x13: {  	s26 =	simm.s32 $0x40;
	s29 =	sor.u32 s28, s29;
	s28 =	simm.s32 $0x0  }
.LBB2_2:
0x14: {  	p0 =	sne.s32 s26, $0xFFC0  }
0x15: {  	[tilespmem:s29+$0x2800] =	vst v0;
	s28 =	sadd.s32 $0x10, s28;
	s29 =	smov.u32 s26;
	s26 =	sadd.s32 $0x40, s26  }
.Ltmp0:
0x16: {  	(pc) =	sbr.rel @p0 .LBB2_2-.Ltmp0, $4  }
0x17: {  	_ = 	snop  }
0x18: {  	s29 =	sand.u32 $0xFE00, s29  }
0x19: {  	s30 =	sand.u32 $0x70, s28;
	s29 =	sshrl.u32 s29, $0x2  }
0x1a: {  	s29 =	sor.u32 s30, s29  }
0x1b: {  	[tilespmem:s29+$0x2800] =	vst v0  }
0x1c: {  	[spmem:s5] =	stream.linear.scatter [tilespmem:s16], [sflag:$0x3], $0x4000, $0x38;
	[tilespmem:$0x1E800] =	vst v63  }
0x1d: {  	_ =	swait.ge [sflag:s17], $0x4000  }
0x1e: {  	[sflag:s17] =	ssyncset.done $0x0  }
0x1f: {  	[sflag:s17] =	ssyncadd.s32 $0xFFFFC000  }
0x20: {  	[spmem:s12] =	stream.linear.scatter [tilespmem:s16], [sflag:$0x3], $0x4000, $0x38;
	[tilespmem:$0x1E800] =	vst v63  }
0x21: {  	_ =	swait.ge [sflag:s17], $0x4000  }
0x22: {  	[sflag:s17] =	ssyncset.done $0x0  }
0x23: {  	[sflag:s17] =	ssyncadd.s32 $0xFFFFC000  }
0x24: {  	[spmem:s13] =	stream.linear.scatter [tilespmem:s16], [sflag:$0x3], $0x4000, $0x38;
	[tilespmem:$0x1E800] =	vst v63  }
0x25: {  	_ =	swait.ge [sflag:s17], $0x4000  }
0x26: {  	[sflag:s17] =	ssyncset.done $0x0  }
0x27: {  	[sflag:s17] =	ssyncadd.s32 $0xFFFFC000  }
0x28: {  	[spmem:s14] =	stream.linear.scatter [tilespmem:s16], [sflag:$0x3], $0x4000, $0x38;
	[tilespmem:$0x1E800] =	vst v63  }
0x29: {  	_ =	swait.ge [sflag:s17], $0x4000  }
0x2a: {  	[sflag:s17] =	ssyncset.done $0x0  }
0x2b: {  	[sflag:s17] =	ssyncadd.s32 $0xFFFFC000  }
0x2c: {  	[spmem:s15] =	stream.linear.scatter [tilespmem:s16], [sflag:$0x3], $0x4000, $0x38;
	[tilespmem:$0x1E800] =	vst v63  }
0x2d: {  	_ =	swait.ge [sflag:s17], $0x4000  }
0x2e: {  	[sflag:s17] =	ssyncset.done $0x0  }
0x2f: {  	[sflag:s17] =	ssyncadd.s32 $0xFFFFC000  }
0x30: {  	s26 =	simm.s32 $0x0;
	[bflag:$0x0] =	sbarrier.arrive $0xFFFF  }
0x31: {  	[tilespmem:s26], [sflag:$0x3] =	stream.linear.gather [hbm4b:s6+s26], $0x1400, $0x38;
	[tilespmem:$0x1E800] =	vst v63  }
0x32: {  	_ =	swait.ge [sflag:s17], $0x1400  }
0x33: {  	[sflag:s17] =	ssyncset.done $0x0  }
0x34: {  	[sflag:s17] =	ssyncadd.s32 $0xFFFFEC00  }
0x35: {  	[tilespmem:s18], [sflag:$0x3] =	stream.linear.gather [hbm4b:s7+s26], $0x1400, $0x38;
	[tilespmem:$0x1E800] =	vst v63  }
0x36: {  	_ =	swait.ge [sflag:s17], $0x1400  }
0x37: {  	[sflag:s17] =	ssyncset.done $0x0  }
0x38: {  	[sflag:s17] =	ssyncadd.s32 $0xFFFFEC00  }
0x39: {  	[tilespmem:s16], [sflag:$0x1] =	stream.indirect.gather [hbm4b:s4+s19], $0x80, s26, s19, $0xb8;
	[tilespmem:$0x1E800] =	vst v63  }
0x3a: {  	_ = 	snop  }
0x3b: {  	[tilespmem:s20], [sflag:$0x2] =	stream.indirect.gather [hbm4b:s4+s19], $0x80, s19, s19, $0xb8;
	[tilespmem:$0x1E800] =	vst v63  }
0x3c: {  	_ =	swait.ge [sflag:s21], $0x4000  }
0x3d: {  	[sflag:s21] =	ssyncset.done $0x0  }
0x3e: {  	s29 =	simm.s32 $0x1400;
	[sflag:s21] =	ssyncadd.s32 $0xFFFFC000  }
0x3f: {  	[spmem:s2] =	stream.indirect.scatter.add.f32 [tilespmem:s16], [sflag:$0x3], $0x80, s29, s19, $0xb8;
	[tilespmem:$0x1E800] =	vst v63  }
0x40: {  	_ =	swait.ge [sflag:s17], $0x4000  }
0x41: {  	[sflag:s17] =	ssyncset.done $0x0  }
0x42: {  	s30 =	simm.s32 $0x100;
	[sflag:s17] =	ssyncadd.s32 $0xFFFFC000  }
0x43: {  	[tilespmem:s16], [sflag:$0x1] =	stream.indirect.gather [hbm4b:s4+s19], $0x80, s30, s19, $0xb8;
	[tilespmem:$0x1E800] =	vst v63  }
0x44: {  	_ =	swait.ge [sflag:s22], $0x4000  }
0x45: {  	[sflag:s22] =	ssyncset.done $0x0  }
0x46: {  	s31 =	simm.s32 $0x1480;
	[sflag:s22] =	ssyncadd.s32 $0xFFFFC000  }
0x47: {  	[spmem:s2] =	stream.indirect.scatter.add.f32 [tilespmem:s20], [sflag:$0x3], $0x80, s31, s19, $0xb8;
	[tilespmem:$0x1E800] =	vst v63  }
0x48: {  	_ =	swait.ge [sflag:s17], $0x4000  }
0x49: {  	[sflag:s17] =	ssyncset.done $0x0  }
0x4a: {  	s28 =	simm.s32 $0x180;
	s26 =	simm.s32 $0x400;
	[sflag:s17] =	ssyncadd.s32 $0xFFFFC000  }
.LBB2_4:
0x4b: {  	[tilespmem:s20], [sflag:$0x2] =	stream.indirect.gather [hbm4b:s4+s19], $0x80, s28, s19, $0xb8;
	[tilespmem:$0x1E800] =	vst v63  }
0x4c: {  	s28 =	smov.u32 s26  }
0x4d: {  	p0 =	sne.s32 s26, $0x4800;
	s26 =	sadd.s32 $0x400, s26;
	_ =	swait.ge [sflag:s21], $0x4000  }
0x4e: {  	s28 =	sshra.s32 s28, $0x2;
	[sflag:s21] =	ssyncset.done $0x0  }
0x4f: {  	s29 =	sadd.s32 $0x1400, s28;
	[sflag:s21] =	ssyncadd.s32 $0xFFFFC000  }
0x50: {  	[spmem:s2] =	stream.indirect.scatter.add.f32 [tilespmem:s16], [sflag:$0x3], $0x80, s29, s19, $0xb8;
	[tilespmem:$0x1E800] =	vst v63  }
0x51: {  	_ =	swait.ge [sflag:s17], $0x4000  }
0x52: {  	[sflag:s17] =	ssyncset.done $0x0  }
0x53: {  	s29 =	sadd.s32 $0x100, s28;
	[sflag:s17] =	ssyncadd.s32 $0xFFFFC000  }
0x54: {  	[tilespmem:s16], [sflag:$0x1] =	stream.indirect.gather [hbm4b:s4+s19], $0x80, s29, s19, $0xb8;
	[tilespmem:$0x1E800] =	vst v63  }
0x55: {  	_ =	swait.ge [sflag:s22], $0x4000  }
0x56: {  	[sflag:s22] =	ssyncset.done $0x0  }
.Ltmp1:
0x57: {  	s29 =	sadd.s32 $0x1480, s28;
	[sflag:s22] =	ssyncadd.s32 $0xFFFFC000;
	(pc) =	sbr.rel @p0 .LBB2_4-.Ltmp1, $4  }
0x58: {  	[spmem:s2] =	stream.indirect.scatter.add.f32 [tilespmem:s20], [sflag:$0x3], $0x80, s29, s19, $0xb8;
	[tilespmem:$0x1E800] =	vst v63  }
0x59: {  	_ =	swait.ge [sflag:s17], $0x4000  }
0x5a: {  	[sflag:s17] =	ssyncset.done $0x0  }
0x5b: {  	s28 =	sadd.s32 $0x180, s28;
	[sflag:s17] =	ssyncadd.s32 $0xFFFFC000  }
0x5c: {  	[tilespmem:s20], [sflag:$0x2] =	stream.indirect.gather [hbm4b:s4+s19], $0x80, s28, s19, $0xb8;
	[tilespmem:$0x1E800] =	vst v63  }
0x5d: {  	_ =	swait.ge [sflag:s21], $0x4000  }
0x5e: {  	[sflag:s21] =	ssyncset.done $0x0  }
0x5f: {  	[sflag:s21] =	ssyncadd.s32 $0xFFFFC000  }
0x60: {  	[spmem:s2] =	stream.indirect.scatter.add.f32 [tilespmem:s16], [sflag:$0x3], $0x80, s23, s19, $0xb8;
	[tilespmem:$0x1E800] =	vst v63  }
0x61: {  	_ =	swait.ge [sflag:s17], $0x4000  }
0x62: {  	[sflag:s17] =	ssyncset.done $0x0  }
0x63: {  	[sflag:s17] =	ssyncadd.s32 $0xFFFFC000  }
0x64: {  	_ =	swait.ge [sflag:s22], $0x4000  }
0x65: {  	[sflag:s22] =	ssyncset.done $0x0  }
0x66: {  	[sflag:s22] =	ssyncadd.s32 $0xFFFFC000  }
0x67: {  	[spmem:s2] =	stream.indirect.scatter.add.f32 [tilespmem:s20], [sflag:$0x3], $0x80, s24, s19, $0xb8;
	[tilespmem:$0x1E800] =	vst v63  }
0x68: {  	_ =	swait.ge [sflag:s17], $0x4000  }
0x69: {  	[sflag:s17] =	ssyncset.done $0x0  }
0x6a: {  	s26 =	simm.s32 $0x0;
	[sflag:s17] =	ssyncadd.s32 $0xFFFFC000  }
0x6b: {  	[tilespmem:s26], [sflag:$0x3] =	stream.linear.gather [hbm4b:s8+s26], $0x1400, $0x38;
	[tilespmem:$0x1E800] =	vst v63  }
0x6c: {  	_ =	swait.ge [sflag:s17], $0x1400  }
0x6d: {  	[sflag:s17] =	ssyncset.done $0x0  }
0x6e: {  	[sflag:s17] =	ssyncadd.s32 $0xFFFFEC00  }
0x6f: {  	[tilespmem:s18], [sflag:$0x3] =	stream.linear.gather [hbm4b:s9+s26], $0x1400, $0x38;
	[tilespmem:$0x1E800] =	vst v63  }
0x70: {  	_ =	swait.ge [sflag:s17], $0x1400  }
0x71: {  	[sflag:s17] =	ssyncset.done $0x0  }
0x72: {  	[sflag:s17] =	ssyncadd.s32 $0xFFFFEC00  }
0x73: {  	[tilespmem:s16], [sflag:$0x1] =	stream.indirect.gather [hbm4b:s4+s19], $0x80, s26, s19, $0xb8;
	[tilespmem:$0x1E800] =	vst v63  }
0x74: {  	_ = 	snop  }
0x75: {  	[tilespmem:s20], [sflag:$0x2] =	stream.indirect.gather [hbm4b:s4+s19], $0x80, s19, s19, $0xb8;
	[tilespmem:$0x1E800] =	vst v63  }
0x76: {  	_ =	swait.ge [sflag:s21], $0x4000  }
0x77: {  	[sflag:s21] =	ssyncset.done $0x0  }
0x78: {  	s29 =	simm.s32 $0x1400;
	[sflag:s21] =	ssyncadd.s32 $0xFFFFC000  }
0x79: {  	[spmem:s2] =	stream.indirect.scatter.add.f32 [tilespmem:s16], [sflag:$0x3], $0x80, s29, s19, $0xb8;
	[tilespmem:$0x1E800] =	vst v63  }
0x7a: {  	_ =	swait.ge [sflag:s17], $0x4000  }
0x7b: {  	[sflag:s17] =	ssyncset.done $0x0  }
0x7c: {  	s30 =	simm.s32 $0x100;
	[sflag:s17] =	ssyncadd.s32 $0xFFFFC000  }
0x7d: {  	[tilespmem:s16], [sflag:$0x1] =	stream.indirect.gather [hbm4b:s4+s19], $0x80, s30, s19, $0xb8;
	[tilespmem:$0x1E800] =	vst v63  }
0x7e: {  	_ =	swait.ge [sflag:s22], $0x4000  }
0x7f: {  	[sflag:s22] =	ssyncset.done $0x0  }
0x80: {  	s31 =	simm.s32 $0x1480;
	[sflag:s22] =	ssyncadd.s32 $0xFFFFC000  }
0x81: {  	[spmem:s2] =	stream.indirect.scatter.add.f32 [tilespmem:s20], [sflag:$0x3], $0x80, s31, s19, $0xb8;
	[tilespmem:$0x1E800] =	vst v63  }
0x82: {  	_ =	swait.ge [sflag:s17], $0x4000  }
0x83: {  	[sflag:s17] =	ssyncset.done $0x0  }
0x84: {  	s28 =	simm.s32 $0x180;
	s26 =	simm.s32 $0x400;
	[sflag:s17] =	ssyncadd.s32 $0xFFFFC000  }
.LBB2_6:
0x85: {  	[tilespmem:s20], [sflag:$0x2] =	stream.indirect.gather [hbm4b:s4+s19], $0x80, s28, s19, $0xb8;
	[tilespmem:$0x1E800] =	vst v63  }
0x86: {  	s28 =	smov.u32 s26  }
0x87: {  	p0 =	sne.s32 s26, $0x4800;
	s26 =	sadd.s32 $0x400, s26;
	_ =	swait.ge [sflag:s21], $0x4000  }
0x88: {  	s28 =	sshra.s32 s28, $0x2;
	[sflag:s21] =	ssyncset.done $0x0  }
0x89: {  	s29 =	sadd.s32 $0x1400, s28;
	[sflag:s21] =	ssyncadd.s32 $0xFFFFC000  }
0x8a: {  	[spmem:s2] =	stream.indirect.scatter.add.f32 [tilespmem:s16], [sflag:$0x3], $0x80, s29, s19, $0xb8;
	[tilespmem:$0x1E800] =	vst v63  }
0x8b: {  	_ =	swait.ge [sflag:s17], $0x4000  }
0x8c: {  	[sflag:s17] =	ssyncset.done $0x0  }
0x8d: {  	s29 =	sadd.s32 $0x100, s28;
	[sflag:s17] =	ssyncadd.s32 $0xFFFFC000  }
0x8e: {  	[tilespmem:s16], [sflag:$0x1] =	stream.indirect.gather [hbm4b:s4+s19], $0x80, s29, s19, $0xb8;
	[tilespmem:$0x1E800] =	vst v63  }
0x8f: {  	_ =	swait.ge [sflag:s22], $0x4000  }
0x90: {  	[sflag:s22] =	ssyncset.done $0x0  }
.Ltmp2:
0x91: {  	s29 =	sadd.s32 $0x1480, s28;
	[sflag:s22] =	ssyncadd.s32 $0xFFFFC000;
	(pc) =	sbr.rel @p0 .LBB2_6-.Ltmp2, $4  }
0x92: {  	[spmem:s2] =	stream.indirect.scatter.add.f32 [tilespmem:s20], [sflag:$0x3], $0x80, s29, s19, $0xb8;
	[tilespmem:$0x1E800] =	vst v63  }
0x93: {  	_ =	swait.ge [sflag:s17], $0x4000  }
0x94: {  	[sflag:s17] =	ssyncset.done $0x0  }
0x95: {  	s28 =	sadd.s32 $0x180, s28;
	[sflag:s17] =	ssyncadd.s32 $0xFFFFC000  }
0x96: {  	[tilespmem:s20], [sflag:$0x2] =	stream.indirect.gather [hbm4b:s4+s19], $0x80, s28, s19, $0xb8;
	[tilespmem:$0x1E800] =	vst v63  }
0x97: {  	_ =	swait.ge [sflag:s21], $0x4000  }
0x98: {  	[sflag:s21] =	ssyncset.done $0x0  }
0x99: {  	[sflag:s21] =	ssyncadd.s32 $0xFFFFC000  }
0x9a: {  	[spmem:s2] =	stream.indirect.scatter.add.f32 [tilespmem:s16], [sflag:$0x3], $0x80, s23, s19, $0xb8;
	[tilespmem:$0x1E800] =	vst v63  }
0x9b: {  	_ =	swait.ge [sflag:s17], $0x4000  }
0x9c: {  	[sflag:s17] =	ssyncset.done $0x0  }
0x9d: {  	[sflag:s17] =	ssyncadd.s32 $0xFFFFC000  }
0x9e: {  	_ =	swait.ge [sflag:s22], $0x4000  }
0x9f: {  	[sflag:s22] =	ssyncset.done $0x0  }
0xa0: {  	[sflag:s22] =	ssyncadd.s32 $0xFFFFC000  }
0xa1: {  	[spmem:s2] =	stream.indirect.scatter.add.f32 [tilespmem:s20], [sflag:$0x3], $0x80, s24, s19, $0xb8;
	[tilespmem:$0x1E800] =	vst v63  }
0xa2: {  	_ =	swait.ge [sflag:s17], $0x4000  }
0xa3: {  	s26 =	sshll.u32 s0, $0x6;
	s25 =	sadd.s32 $0x1, s25;
	[sflag:s17] =	ssyncset.done $0x0  }
0xa4: {  	s31 =	sshrl.u32 s5, $0x3;
	p0 =	sne.s32 s25, s11;
	[sflag:s17] =	ssyncadd.s32 $0xFFFFC000  }
.Ltmp3:
0xa5: {  	s26 =	sor.u32 $0x1C03, s26;
	[bflag:$0x0] =	sbarrier.arrive $0xFFFF;
	(pc) =	sbr.rel @p0 .LBB2_1-.Ltmp3, $4  }
0xa6: {  	[hbm:s10], [sflag:s26] =	dma.local [spmem:s31], $0x2800  }
0xa7: {  	_ =	swait.ge [sflag:s17], $0x2800  }
0xa8: {  	[sflag:s17] =	ssyncset.done $0x0  }
0xa9: {  	[sflag:s17] =	ssyncadd.s32 $0xFFFFD800  }
0xaa: {  	_ =	sfence.sel $0x180000  }
0xab: {  	[bflag:$0x0] =	sbarrier.arrive $0xFFFF  }
0xac: {  	p0 =	sne.s32 s0, $0x0;
	_ =	strace $0x90000053  }
0xad: {  	s0 =	sadd.s32 @!p0 $0x100000, s1;
	[bflag:$0x2] =	sbarrier.arrive $0xFFFF  }
0xae: {  	[sflag:s0] =	ssyncadd.tile.s32 @!p0 $0x1;
	_ =	shalt  }
.Lfunc_end2:
_tile_overlayer_lowered:
.L_overlay_start_2:
0xaf: {  	(tag) =	ssettag $0x2  }
0xb0: {  	s0 =	rddreg [dreg:$0x0];
	s2 =	stileid.u32  }
0xb1: {  	s1 =	rddreg [dreg:$0x1];
	p0 =	sne.s32 s2, $0x0  }
0xb2: {  	s3 =	rddreg [dreg:$0x2];
	[bflag:$0x3] =	sbarrier.arrive $0xFFFF;
	s2 =	simm.s32 @!p0 $0x1C03  }
0xb3: {  	[timem:s3], [sflag:s2] =	dma.local @!p0 [hbm:s0], s1  }
0xb4: {  	s0 =	simm.s32 @!p0 $0x3  }
0xb5: {  	_ =	swait.ge @!p0 [sflag:s0], s1  }
0xb6: {  	s1 =	ssub.s32 @!p0 $0x0, s1;
	[sflag:s0] =	ssyncset.done @!p0 $0x0  }
0xb7: {  	[sflag:s0] =	ssyncadd.s32 @!p0 s1  }
0xb8: {  	[bflag:$0x3] =	sbarrier.arrive $0xFFFF  }
0xb9: {  	_ =	shalt  }

</sc_bundles>
